<compile_context>
chip_gen: v7x
topology: tpu7x:2x2x1
jax: 0.10.2.dev20260603
libtpu: 0.0.44.dev20260713+nightly
codegen_flags: <defaults>
</compile_context>

<pallas_src>
import functools

import jax
import jax.numpy as jnp
from jax import lax
from jax.experimental import pallas as pl
from jax.experimental.pallas import tpu as pltpu
from jax.experimental.pallas import tpu_sc as plsc

N = 10000
E = 320000
D = 128
DH = D // 2
G = 32
T = 4
H_OUT = 64
CUTOFF = 8.0

NC = 2
NS = 16
NW = NC * NS
CH = 80
EPW = E // NW
EPT = E // NS
NCH = EPT // CH
NPAD = 10240
RPW = NPAD // NW
ECH = 80
NECH = RPW // ECH

_mesh = plsc.VectorSubcoreMesh(
    core_axis_name="c", subcore_axis_name="s", num_cores=NC, num_subcores=NS)



@functools.partial(
    pl.kernel,
    out_type=(
        jax.ShapeDtypeStruct((NPAD, D), jnp.float32),
        jax.ShapeDtypeStruct((E,), jnp.float32),
    ),
    mesh=_mesh,
    scratch_types=[
        pltpu.VMEM((RPW,), jnp.int32),
        pltpu.VMEM((ECH, D), jnp.float32),
        pltpu.VMEM((N,), jnp.float32),
        pltpu.VMEM((N,), jnp.float32),
        pltpu.VMEM((N,), jnp.float32),
        pltpu.VMEM((EPW,), jnp.int32),
        pltpu.VMEM((EPW,), jnp.int32),
        pltpu.VMEM((EPW,), jnp.float32),
        pltpu.SemaphoreType.DMA,
    ],
    compiler_params=pltpu.CompilerParams(needs_layout_passes=False),
)
def _sc_pre(z_hbm, xc_hbm, yc_hbm, zc_hbm, src_hbm, dst_hbm, embed_hbm,
            x0_hbm, s_hbm,
            zv, rows, xv, yv, zzv, siv, div, sv, sem):
    w = lax.axis_index("s") * NC + lax.axis_index("c")
    pltpu.sync_copy(z_hbm.at[pl.ds(w * RPW, RPW)], zv)
    for c in range(NECH):
        pltpu.async_copy(embed_hbm.at[zv.at[pl.ds(c * ECH, ECH)]], rows, sem).wait()
        pltpu.sync_copy(rows, x0_hbm.at[pl.ds(w * RPW + c * ECH, ECH)])
    pltpu.sync_copy(xc_hbm, xv)
    pltpu.sync_copy(yc_hbm, yv)
    pltpu.sync_copy(zc_hbm, zzv)
    base = w * EPW
    pltpu.sync_copy(src_hbm.at[pl.ds(base, EPW)], siv)
    pltpu.sync_copy(dst_hbm.at[pl.ds(base, EPW)], div)

    def body(g, _):
        sl = pl.ds(g * 16, 16)
        si = siv[sl]
        di = div[sl]
        dx = plsc.load_gather(xv, [di]) - plsc.load_gather(xv, [si])
        dy = plsc.load_gather(yv, [di]) - plsc.load_gather(yv, [si])
        dz = plsc.load_gather(zzv, [di]) - plsc.load_gather(zzv, [si])
        sv[sl] = dx * dx + dy * dy + dz * dz
        return 0

    lax.fori_loop(0, EPW // 16, body, 0)
    pltpu.sync_copy(sv, s_hbm.at[pl.ds(base, EPW)])



_BE = 2560

_DNT = (((0,), (0,)), ((), ()))


def _filter_body(srow_ref, wfalo_ref, wfahi_ref, wr1_ref, wr2lo_ref,
                 wr2hi_ref, br1c_ref, out_ref):
    width = CUTOFF / (G - 1)
    rrow = jnp.sqrt(srow_ref[...] + 1e-8)
    offs = lax.broadcasted_iota(jnp.int32, (G, _BE), 0).astype(jnp.float32)
    diff = (rrow - offs * width) * (1.0 / width)
    _L2E = 1.4426950408889634
    fijT = jnp.exp2((-0.5 * _L2E) * diff * diff)
    cutrow = 0.5 * (jnp.cos(rrow * (jnp.pi / CUTOFF)) + 1.0)
    cutrow = cutrow * (rrow < CUTOFF).astype(jnp.float32)
    preT = lax.dot_general(wr1_ref[...], fijT, _DNT,
                           preferred_element_type=jnp.float32) + br1c_ref[...]
    ex = jnp.exp2(jnp.minimum(preT * _L2E, 120.0))
    actT = (preT * cutrow) * (ex / (1.0 + ex))
    fija = jnp.concatenate([fijT * cutrow, cutrow], axis=0)
    wlo = (lax.dot_general(fija, wfalo_ref[...], _DNT,
                           preferred_element_type=jnp.float32)
           + lax.dot_general(actT, wr2lo_ref[...], _DNT,
                             preferred_element_type=jnp.float32))
    whi = (lax.dot_general(fija, wfahi_ref[...], _DNT,
                           preferred_element_type=jnp.float32)
           + lax.dot_general(actT, wr2hi_ref[...], _DNT,
                             preferred_element_type=jnp.float32))
    out_ref[...] = jnp.concatenate([wlo, whi], axis=1)


def _make_filter_call():
    full = lambda i: (0, 0)
    row = lambda i: (i, 0)
    return pl.pallas_call(
        _filter_body,
        grid=(E // _BE,),
        in_specs=[
            pl.BlockSpec((1, _BE), lambda i: (0, i)),
            pl.BlockSpec((G + 1, DH), full),
            pl.BlockSpec((G + 1, DH), full),
            pl.BlockSpec((G, D), full),
            pl.BlockSpec((D, DH), full),
            pl.BlockSpec((D, DH), full),
            pl.BlockSpec((D, 1), full),
        ],
        out_specs=pl.BlockSpec((_BE, D), row),
        out_shape=jax.ShapeDtypeStruct((E, D), jnp.float32),
    )



_BN = 1000


def _h_body(x_ref, te_ref, win_ref, bin_ref, h_ref):
    h_ref[...] = (jnp.dot(x_ref[...] + te_ref[...], win_ref[...],
                          preferred_element_type=jnp.float32) + bin_ref[...])


def _make_h_call():
    full = lambda i: (0, 0)
    row = lambda i: (i, 0)
    return pl.pallas_call(
        _h_body,
        grid=(N // _BN,),
        in_specs=[
            pl.BlockSpec((_BN, D), row),
            pl.BlockSpec((1, D), full),
            pl.BlockSpec((D, D), full),
            pl.BlockSpec((1, D), full),
        ],
        out_specs=pl.BlockSpec((_BN, D), row),
        out_shape=jax.ShapeDtypeStruct((N, D), jnp.float32),
    )


def _upd_body(x_ref, alo_ref, ahi_ref, wolo_ref, wohi_ref, bout_ref, te_ref,
              win_ref, bin_ref, xn_ref, h_ref):
    xn = (x_ref[...]
          + jnp.dot(alo_ref[...], wolo_ref[...], preferred_element_type=jnp.float32)
          + jnp.dot(ahi_ref[...], wohi_ref[...], preferred_element_type=jnp.float32)
          + bout_ref[...])
    xn_ref[...] = xn
    h_ref[...] = (jnp.dot(xn + te_ref[...], win_ref[...],
                          preferred_element_type=jnp.float32) + bin_ref[...])


def _make_upd_call():
    full = lambda i: (0, 0)
    row = lambda i: (i, 0)
    return pl.pallas_call(
        _upd_body,
        grid=(N // _BN,),
        in_specs=[
            pl.BlockSpec((_BN, D), row),
            pl.BlockSpec((_BN, DH), row),
            pl.BlockSpec((_BN, DH), row),
            pl.BlockSpec((DH, D), full),
            pl.BlockSpec((DH, D), full),
            pl.BlockSpec((1, D), full),
            pl.BlockSpec((1, D), full),
            pl.BlockSpec((D, D), full),
            pl.BlockSpec((1, D), full),
        ],
        out_specs=(pl.BlockSpec((_BN, D), row), pl.BlockSpec((_BN, D), row)),
        out_shape=(jax.ShapeDtypeStruct((N, D), jnp.float32),
                   jax.ShapeDtypeStruct((N, D), jnp.float32)),
    )


def _readout_body(x_ref, wo1_ref, bo1_ref, wo2_ref, out_ref):
    i = pl.program_id(0)
    t1 = jnp.dot(x_ref[...], wo1_ref[...],
                 preferred_element_type=jnp.float32) + bo1_ref[...]
    ex = jnp.exp2(jnp.minimum(t1 * 1.4426950408889634, 120.0))
    t1 = t1 * (ex / (1.0 + ex))
    ps = jnp.sum(t1 * wo2_ref[...], axis=(0, 1), keepdims=True)

    @pl.when(i == 0)
    def _():
        out_ref[...] = ps

    @pl.when(i > 0)
    def _():
        out_ref[...] += ps


def _make_readout_call():
    full = lambda i: (0, 0)
    return pl.pallas_call(
        _readout_body,
        grid=(N // _BN,),
        in_specs=[
            pl.BlockSpec((_BN, D), lambda i: (i, 0)),
            pl.BlockSpec((D, H_OUT), full),
            pl.BlockSpec((1, H_OUT), full),
            pl.BlockSpec((1, H_OUT), full),
        ],
        out_specs=pl.BlockSpec((1, 1), full),
        out_shape=jax.ShapeDtypeStruct((1, 1), jnp.float32),
    )



@functools.partial(
    pl.kernel,
    out_type=(
        jax.ShapeDtypeStruct((NPAD, DH), jnp.float32),
        jax.ShapeDtypeStruct((NPAD, DH), jnp.float32),
    ),
    mesh=_mesh,
    scratch_types=[
        pltpu.VMEM((NCH, CH), jnp.int32),
        pltpu.VMEM((NCH, CH), jnp.int32),
        pltpu.VMEM((CH, DH), jnp.float32),
        pltpu.VMEM((CH, DH), jnp.float32),
        pltpu.VMEM((CH, DH), jnp.float32),
        pltpu.VMEM((CH, DH), jnp.float32),
        pltpu.VMEM((128, DH), jnp.float32),
        pltpu.VMEM_SHARED((NPAD, DH), jnp.float32),
        pltpu.SemaphoreType.DMA,
        pltpu.SemaphoreType.DMA,
        pltpu.SemaphoreType.DMA,
        pltpu.SemaphoreType.DMA,
        pltpu.SemaphoreType.DMA,
        pltpu.SemaphoreType.DMA,
    ],
    compiler_params=pltpu.CompilerParams(needs_layout_passes=False,
                                         use_tc_tiling_on_sc=False),
)
def _sc_step(h2_hbm, w_hbm, src3_hbm, dst3_hbm,
             alo_hbm, ahi_hbm,
             siv, div, ra, rb, wa, wb, zb, agg, sga, sgb, swa, swb, ssa, ssb):
    cid = lax.axis_index("c")
    sid = lax.axis_index("s")
    ebase = sid * EPT
    csl = pl.ds(cid * DH, DH)

    pltpu.sync_copy(src3_hbm.at[sid], siv)
    pltpu.sync_copy(dst3_hbm.at[sid], div)

    def sxf(c, _):
        for g in range(CH // 16):
            sl = pl.ds(g * 16, 16)
            siv[c, sl] = siv[c, sl] * 2 + cid
        return 0

    lax.fori_loop(0, NCH, sxf, 0)

    def start(c, rbuf, gsem, wbuf, wsem):
        pltpu.async_copy(h2_hbm.at[siv.at[c]], rbuf, gsem)
        pltpu.async_copy(w_hbm.at[pl.ds(ebase + c * CH, CH), csl], wbuf, wsem)

    def wait(c, rbuf, gsem, wbuf, wsem):
        pltpu.make_async_copy(h2_hbm.at[siv.at[c]], rbuf, gsem).wait()
        pltpu.make_async_copy(w_hbm.at[pl.ds(ebase + c * CH, CH), csl], wbuf,
                              wsem).wait()

    def mulc(rbuf, wbuf):
        def _mul(e, _):
            for k in range(DH // 16):
                sl = pl.ds(k * 16, 16)
                rbuf[e, sl] = rbuf[e, sl] * wbuf[e, sl]
            return 0

        lax.fori_loop(0, CH, _mul, 0)

    def scat_start(c, rbuf, ssem):
        pltpu.async_copy(rbuf, agg.at[div.at[c]], ssem, add=True)

    def scat_wait(c, rbuf, ssem):
        pltpu.make_async_copy(rbuf, agg.at[div.at[c]], ssem).wait()

    start(0, ra, sga, wa, swa)

    def zrow(i, _):
        for k in range(DH // 16):
            zb[i, pl.ds(k * 16, 16)] = jnp.zeros((16,), jnp.float32)
        return 0

    lax.fori_loop(0, 128, zrow, 0)
    for q in range(5):
        pltpu.sync_copy(zb, agg.at[pl.ds(sid * 640 + q * 128, 128)])
    plsc.subcore_barrier()

    def pair(jj, _):
        c0 = jj * 2
        c1 = c0 + 1
        start(c1, rb, sgb, wb, swb)
        wait(c0, ra, sga, wa, swa)
        mulc(ra, wa)
        pltpu.sync_copy(ra, agg.at[div.at[c0]], add=True)

        @pl.when(c0 + 2 < NCH)
        def _():
            start(c0 + 2, ra, sga, wa, swa)

        wait(c1, rb, sgb, wb, swb)
        mulc(rb, wb)
        pltpu.sync_copy(rb, agg.at[div.at[c1]], add=True)
        return 0

    lax.fori_loop(0, NCH // 2, pair, 0)

    plsc.subcore_barrier()
    sl640 = pl.ds(sid * 640, 640)

    @pl.when(cid == 0)
    def _():
        pltpu.sync_copy(agg.at[sl640], alo_hbm.at[sl640])

    @pl.when(cid == 1)
    def _():
        pltpu.sync_copy(agg.at[sl640], ahi_hbm.at[sl640])



def kernel(z, xyz, edge_index, embed, Wf, bf, Wr1, br1, Wr2, br2,
           Win, b_in, Wout, b_out, time_emb, Wo1, bo1, Wo2, bo2):
    src = edge_index[0]
    dst = edge_index[1]
    z_pad = jnp.concatenate([z.astype(jnp.int32),
                             jnp.zeros((NPAD - N,), jnp.int32)])
    xc = xyz[:, 0]
    yc = xyz[:, 1]
    zc = xyz[:, 2]

    x0_pad, s = _sc_pre(z_pad, xc, yc, zc, src, dst, embed)
    x = x0_pad[:N]

    r1 = lambda a: a.reshape(1, -1)
    bfr2 = bf + br2
    wfa = jnp.concatenate([Wf, bfr2.reshape(1, D)], axis=0)
    W = _make_filter_call()(
        s.reshape(1, E), wfa[:, :DH], wfa[:, DH:], Wr1,
        Wr2[:, :DH], Wr2[:, DH:], br1.reshape(D, 1))

    src3 = src.reshape(NS, NCH, CH)
    dst3 = dst.reshape(NS, NCH, CH)

    h_call = _make_h_call()
    upd_call = _make_upd_call()

    h = h_call(x, r1(time_emb[0]), Win, r1(b_in))
    for t in range(T):
        alo, ahi = _sc_step(h.reshape(2 * N, DH), W, src3, dst3)
        te_next = time_emb[t + 1] if t + 1 < T else jnp.zeros((D,), jnp.float32)
        x, h = upd_call(x, alo, ahi, Wout[:DH], Wout[DH:],
                        r1(b_out), r1(te_next), Win, r1(b_in))

    out = _make_readout_call()(x, Wo1, r1(bo1), Wo2.T)
    energy = out[0, 0] + jnp.float32(N) * bo2[0]
    return energy

# --- scband reference (transcript-rebuilt; emitter-appended) ---
"""Pipeline reference for scband-tdtnet-9216999817556 (READ-ONLY COPY).

The authoritative reference and input builder live on the scoring server;
editing this copy changes nothing except your own understanding.
"""

import jax, jax.numpy as jnp
import numpy as np

N = 10000
E = 320000
D = 128
G = 32
T = 4
H_OUT = 64
CUTOFF = 8.0
MAX_Z = 100


def swish(x):
    return x * jax.nn.sigmoid(x)


def setup_inputs(seed: int = 0) -> dict:
    key = jax.random.key(seed)
    ks = jax.random.split(key, 20)
    z = jax.random.randint(ks[0], (N,), 0, MAX_Z)
    xyz = jax.random.normal(ks[1], (N, 3), dtype=jnp.float32) * 5.0
    edge_index = jax.random.randint(ks[2], (2, E), 0, N)
    embed = jax.random.normal(ks[3], (MAX_Z, D), dtype=jnp.float32) * 0.1
    embed = embed.at[0].set(0.0)  # padding_idx=0
    Wf = jax.random.normal(ks[4], (G, D), dtype=jnp.float32) * 0.1
    bf = jnp.zeros((D,), dtype=jnp.float32)
    Wr1 = jax.random.normal(ks[5], (G, D), dtype=jnp.float32) * 0.1
    br1 = jnp.zeros((D,), dtype=jnp.float32)
    Wr2 = jax.random.normal(ks[6], (D, D), dtype=jnp.float32) * 0.05
    br2 = jnp.zeros((D,), dtype=jnp.float32)
    Win = jax.random.normal(ks[7], (D, D), dtype=jnp.float32) * 0.05
    b_in = jnp.zeros((D,), dtype=jnp.float32)
    Wout = jax.random.normal(ks[8], (D, D), dtype=jnp.float32) * 0.05
    b_out = jnp.zeros((D,), dtype=jnp.float32)
    time_emb = jax.random.normal(ks[9], (T, D), dtype=jnp.float32) * 0.1
    Wo1 = jax.random.normal(ks[10], (D, H_OUT), dtype=jnp.float32) * 0.1
    bo1 = jnp.zeros((H_OUT,), dtype=jnp.float32)
    Wo2 = jax.random.normal(ks[11], (H_OUT, 1), dtype=jnp.float32) * 0.1
    bo2 = jnp.zeros((1,), dtype=jnp.float32)
    return dict(z=z, xyz=xyz, edge_index=edge_index, embed=embed,
                Wf=Wf, bf=bf, Wr1=Wr1, br1=br1, Wr2=Wr2, br2=br2,
                Win=Win, b_in=b_in, Wout=Wout, b_out=b_out,
                time_emb=time_emb, Wo1=Wo1, bo1=bo1, Wo2=Wo2, bo2=bo2)


def reference(z, xyz, edge_index, embed, Wf, bf, Wr1, br1, Wr2, br2,
              Win, b_in, Wout, b_out, time_emb, Wo1, bo1, Wo2, bo2):
    src = edge_index[0]
    dst = edge_index[1]
    # atom embedding lookup (nn.Embedding, padding_idx=0)
    x = jnp.take(embed, z, axis=0)
    # interatomic distances
    d = xyz[dst] - xyz[src]
    r = jnp.sqrt(jnp.sum(d * d, axis=-1) + 1e-8)
    # gaussian distance expansion
    offsets = jnp.linspace(0.0, CUTOFF, G)
    width = offsets[1] - offsets[0]
    fij = jnp.exp(-0.5 * ((r[:, None] - offsets[None, :]) / width) ** 2)
    # filter network: linear branch + resnet branch
    W_lin = fij @ Wf + bf
    W_res = swish(fij @ Wr1 + br1) @ Wr2 + br2
    W = W_lin + W_res
    # cosine cutoff
    C = 0.5 * (jnp.cos(r * jnp.pi / CUTOFF) + 1.0) * (r < CUTOFF).astype(jnp.float32)
    W = W * C[:, None]
    # n_interactions continuous-filter message-passing steps with time signal
    for t in range(T):
        h = (x + time_emb[t]) @ Win + b_in
        m = h[src] * W                      # per-edge gather + filter
        agg = jax.ops.segment_sum(m, dst, num_segments=N)  # scatter-add
        v = agg @ Wout + b_out
        x = x + v                            # residual update
    # atom-wise readout MLP + sum pooling -> energy
    y = swish(x @ Wo1 + bo1) @ Wo2 + bo2
    energy = jnp.sum(y)
    return energy

if __name__ == "__main__":
    import jax
    _d = setup_inputs()
    print(jax.jit(kernel)(*tuple(_d.values())))

</pallas_src>

<mosaic_0001>
#map = affine_map<(d0, d1) -> (0, 0)>
#map1 = affine_map<(d0, d1) -> (0, 0, 0)>
module attributes {stable_mosaic.version = 14 : i64} {
  func.func @_sc_step(%arg0: i32, %arg1: i32, %arg2: memref<20000x64xf32, #tpu.memory_space<hbm>>, %arg3: memref<320000x128xf32, #tpu.memory_space<hbm>>, %arg4: memref<16x250x80xi32, #tpu.memory_space<hbm>>, %arg5: memref<16x250x80xi32, #tpu.memory_space<hbm>>, %arg6: memref<10240x64xf32, #tpu.memory_space<hbm>>, %arg7: memref<10240x64xf32, #tpu.memory_space<hbm>>, %arg8: memref<250x80xi32, #tpu.memory_space<vmem>>, %arg9: memref<250x80xi32, #tpu.memory_space<vmem>>, %arg10: memref<80x64xf32, #tpu.memory_space<vmem>>, %arg11: memref<80x64xf32, #tpu.memory_space<vmem>>, %arg12: memref<80x64xf32, #tpu.memory_space<vmem>>, %arg13: memref<80x64xf32, #tpu.memory_space<vmem>>, %arg14: memref<128x64xf32, #tpu.memory_space<vmem>>, %arg15: memref<10240x64xf32, #tpu.memory_space<vmem_shared>>, %arg16: memref<!tpu.dma_semaphore, #tpu.memory_space<semaphore_mem>>, %arg17: memref<!tpu.dma_semaphore, #tpu.memory_space<semaphore_mem>>, %arg18: memref<!tpu.dma_semaphore, #tpu.memory_space<semaphore_mem>>, %arg19: memref<!tpu.dma_semaphore, #tpu.memory_space<semaphore_mem>>, %arg20: memref<!tpu.dma_semaphore, #tpu.memory_space<semaphore_mem>>, %arg21: memref<!tpu.dma_semaphore, #tpu.memory_space<semaphore_mem>>) attributes {dimension_semantics = [#tpu.dimension_semantics<core_parallel>, #tpu.dimension_semantics<subcore_parallel>], iteration_bounds = array<i64: 2, 16>, scalar_prefetch = 0 : i64, scratch_operands = 14 : i64, tpu.core_type = #tpu.core_type<sc_vector_subcore>, window_params = [{transform_indices = #map}, {transform_indices = #map}, {transform_indices = #map1}, {transform_indices = #map1}, {transform_indices = #map}, {transform_indices = #map}]} {
    %mul3A = arith.constant 20000 : i32
    %mul3A_0 = arith.muli %arg1, %mul3A : i32
    %mul3A_1 = arith.constant 64 : i32
    %mul3A_2 = arith.muli %arg0, %mul3A_1 : i32
    "tpu.region"() ({
      %run_scoped3A = tpu.sem_alloc : memref<!tpu.dma_semaphore, #tpu.memory_space<semaphore_mem>>
      %dma_start3A_62 = arith.constant 0 : i32
      %dma_start3A_63 = arith.constant 0 : i32
      %dma_start3A_64 = tpu.memref_slice %arg4[%arg1, %dma_start3A_62, %dma_start3A_63] : memref<16x250x80xi32, #tpu.memory_space<hbm>> -> memref<1x250x80xi32, #tpu.memory_space<hbm>>
      %dma_start3A_65 = tpu.memref_squeeze %dma_start3A_64 : memref<1x250x80xi32, #tpu.memory_space<hbm>> -> memref<250x80xi32, #tpu.memory_space<hbm>>
      %dma_start3A_66 = arith.constant 0 : i32
      %dma_start3A_67 = arith.constant 0 : i32
      %dma_start3A_68 = tpu.memref_slice %arg4[%arg1, %dma_start3A_66, %dma_start3A_67] : memref<16x250x80xi32, #tpu.memory_space<hbm>> -> memref<1x250x80xi32, #tpu.memory_space<hbm>>
      %dma_start3A_69 = tpu.memref_squeeze %dma_start3A_68 : memref<1x250x80xi32, #tpu.memory_space<hbm>> -> memref<250x80xi32, #tpu.memory_space<hbm>>
      tpu.enqueue_dma source(%dma_start3A_69 : memref<250x80xi32, #tpu.memory_space<hbm>>) target(%arg8 : memref<250x80xi32, #tpu.memory_space<vmem>>) target_semaphore(%run_scoped3A : memref<!tpu.dma_semaphore, #tpu.memory_space<semaphore_mem>>)
      %dma_wait3A = arith.constant 0 : i32
      %dma_wait3A_70 = arith.constant 0 : i32
      %dma_wait3A_71 = tpu.memref_slice %arg4[%arg1, %dma_wait3A, %dma_wait3A_70] : memref<16x250x80xi32, #tpu.memory_space<hbm>> -> memref<1x250x80xi32, #tpu.memory_space<hbm>>
      %dma_wait3A_72 = tpu.memref_squeeze %dma_wait3A_71 : memref<1x250x80xi32, #tpu.memory_space<hbm>> -> memref<250x80xi32, #tpu.memory_space<hbm>>
      %dma_wait3A_73 = arith.constant 0 : i32
      %dma_wait3A_74 = arith.constant 0 : i32
      %dma_wait3A_75 = tpu.memref_slice %arg4[%arg1, %dma_wait3A_73, %dma_wait3A_74] : memref<16x250x80xi32, #tpu.memory_space<hbm>> -> memref<1x250x80xi32, #tpu.memory_space<hbm>>
      %dma_wait3A_76 = tpu.memref_squeeze %dma_wait3A_75 : memref<1x250x80xi32, #tpu.memory_space<hbm>> -> memref<250x80xi32, #tpu.memory_space<hbm>>
      tpu.wait_dma2 semaphore(%run_scoped3A : memref<!tpu.dma_semaphore, #tpu.memory_space<semaphore_mem>>) src(%dma_wait3A_76 : memref<250x80xi32, #tpu.memory_space<hbm>>) dst(%arg8 : memref<250x80xi32, #tpu.memory_space<vmem>>)
      tpu.yield
    }) : () -> ()
    "tpu.region"() ({
      %run_scoped3A = tpu.sem_alloc : memref<!tpu.dma_semaphore, #tpu.memory_space<semaphore_mem>>
      %dma_start3A_62 = arith.constant 0 : i32
      %dma_start3A_63 = arith.constant 0 : i32
      %dma_start3A_64 = tpu.memref_slice %arg5[%arg1, %dma_start3A_62, %dma_start3A_63] : memref<16x250x80xi32, #tpu.memory_space<hbm>> -> memref<1x250x80xi32, #tpu.memory_space<hbm>>
      %dma_start3A_65 = tpu.memref_squeeze %dma_start3A_64 : memref<1x250x80xi32, #tpu.memory_space<hbm>> -> memref<250x80xi32, #tpu.memory_space<hbm>>
      %dma_start3A_66 = arith.constant 0 : i32
      %dma_start3A_67 = arith.constant 0 : i32
      %dma_start3A_68 = tpu.memref_slice %arg5[%arg1, %dma_start3A_66, %dma_start3A_67] : memref<16x250x80xi32, #tpu.memory_space<hbm>> -> memref<1x250x80xi32, #tpu.memory_space<hbm>>
      %dma_start3A_69 = tpu.memref_squeeze %dma_start3A_68 : memref<1x250x80xi32, #tpu.memory_space<hbm>> -> memref<250x80xi32, #tpu.memory_space<hbm>>
      tpu.enqueue_dma source(%dma_start3A_69 : memref<250x80xi32, #tpu.memory_space<hbm>>) target(%arg9 : memref<250x80xi32, #tpu.memory_space<vmem>>) target_semaphore(%run_scoped3A : memref<!tpu.dma_semaphore, #tpu.memory_space<semaphore_mem>>)
      %dma_wait3A = arith.constant 0 : i32
      %dma_wait3A_70 = arith.constant 0 : i32
      %dma_wait3A_71 = tpu.memref_slice %arg5[%arg1, %dma_wait3A, %dma_wait3A_70] : memref<16x250x80xi32, #tpu.memory_space<hbm>> -> memref<1x250x80xi32, #tpu.memory_space<hbm>>
      %dma_wait3A_72 = tpu.memref_squeeze %dma_wait3A_71 : memref<1x250x80xi32, #tpu.memory_space<hbm>> -> memref<250x80xi32, #tpu.memory_space<hbm>>
      %dma_wait3A_73 = arith.constant 0 : i32
      %dma_wait3A_74 = arith.constant 0 : i32
      %dma_wait3A_75 = tpu.memref_slice %arg5[%arg1, %dma_wait3A_73, %dma_wait3A_74] : memref<16x250x80xi32, #tpu.memory_space<hbm>> -> memref<1x250x80xi32, #tpu.memory_space<hbm>>
      %dma_wait3A_76 = tpu.memref_squeeze %dma_wait3A_75 : memref<1x250x80xi32, #tpu.memory_space<hbm>> -> memref<250x80xi32, #tpu.memory_space<hbm>>
      tpu.wait_dma2 semaphore(%run_scoped3A : memref<!tpu.dma_semaphore, #tpu.memory_space<semaphore_mem>>) src(%dma_wait3A_76 : memref<250x80xi32, #tpu.memory_space<hbm>>) dst(%arg9 : memref<250x80xi32, #tpu.memory_space<vmem>>)
      tpu.yield
    }) : () -> ()
    %scan3A = arith.constant 0 : i32
    %scan3A_3 = arith.constant 0 : i32
    %scan3A_4 = arith.constant 250 : i32
    %scan3A_5 = arith.addi %scan3A_3, %scan3A_4 : i32
    %scan3A_6 = arith.constant 1 : i32
    %scan3A_7 = scf.for %scan3A_62 = %scan3A_3 to %scan3A_5 step %scan3A_6 iter_args(%scan3A_63 = %scan3A) -> (i32)  : i32 {
      %get3A = arith.index_cast %scan3A_62 : i32 to index
      %get3A_64 = arith.constant 0 : index
      %get3A_65 = tpu.vector_load %arg8[%get3A, %get3A_64] {strides = array<i32>} : memref<250x80xi32, #tpu.memory_space<vmem>>, vector<16xi32>,
      %mul3A_66 = arith.constant 2 : i32
      %mul3A_67 = vector.broadcast %mul3A_66 : i32 to vector<16xi32>
      %mul3A_68 = arith.muli %get3A_65, %mul3A_67 : vector<16xi32>
      %add3A_69 = vector.broadcast %arg0 : i32 to vector<16xi32>
      %add3A_70 = arith.addi %mul3A_68, %add3A_69 : vector<16xi32>
      %swap3A = arith.index_cast %scan3A_62 : i32 to index
      %swap3A_71 = arith.constant 0 : index
      %swap3A_72 = tpu.vector_load %arg8[%swap3A, %swap3A_71] {strides = array<i32>} : memref<250x80xi32, #tpu.memory_space<vmem>>, vector<16xi32>,
      tpu.vector_store %arg8[%swap3A, %swap3A_71], %add3A_70 {strides = array<i32>} : memref<250x80xi32, #tpu.memory_space<vmem>>, vector<16xi32>,
      %get3A_73 = arith.index_cast %scan3A_62 : i32 to index
      %get3A_74 = arith.constant 16 : index
      %get3A_75 = tpu.vector_load %arg8[%get3A_73, %get3A_74] {strides = array<i32>} : memref<250x80xi32, #tpu.memory_space<vmem>>, vector<16xi32>,
      %mul3A_76 = arith.constant 2 : i32
      %mul3A_77 = vector.broadcast %mul3A_76 : i32 to vector<16xi32>
      %mul3A_78 = arith.muli %get3A_75, %mul3A_77 : vector<16xi32>
      %add3A_79 = vector.broadcast %arg0 : i32 to vector<16xi32>
      %add3A_80 = arith.addi %mul3A_78, %add3A_79 : vector<16xi32>
      %swap3A_81 = arith.index_cast %scan3A_62 : i32 to index
      %swap3A_82 = arith.constant 16 : index
      %swap3A_83 = tpu.vector_load %arg8[%swap3A_81, %swap3A_82] {strides = array<i32>} : memref<250x80xi32, #tpu.memory_space<vmem>>, vector<16xi32>,
      tpu.vector_store %arg8[%swap3A_81, %swap3A_82], %add3A_80 {strides = array<i32>} : memref<250x80xi32, #tpu.memory_space<vmem>>, vector<16xi32>,
      %get3A_84 = arith.index_cast %scan3A_62 : i32 to index
      %get3A_85 = arith.constant 32 : index
      %get3A_86 = tpu.vector_load %arg8[%get3A_84, %get3A_85] {strides = array<i32>} : memref<250x80xi32, #tpu.memory_space<vmem>>, vector<16xi32>,
      %mul3A_87 = arith.constant 2 : i32
      %mul3A_88 = vector.broadcast %mul3A_87 : i32 to vector<16xi32>
      %mul3A_89 = arith.muli %get3A_86, %mul3A_88 : vector<16xi32>
      %add3A_90 = vector.broadcast %arg0 : i32 to vector<16xi32>
      %add3A_91 = arith.addi %mul3A_89, %add3A_90 : vector<16xi32>
      %swap3A_92 = arith.index_cast %scan3A_62 : i32 to index
      %swap3A_93 = arith.constant 32 : index
      %swap3A_94 = tpu.vector_load %arg8[%swap3A_92, %swap3A_93] {strides = array<i32>} : memref<250x80xi32, #tpu.memory_space<vmem>>, vector<16xi32>,
      tpu.vector_store %arg8[%swap3A_92, %swap3A_93], %add3A_91 {strides = array<i32>} : memref<250x80xi32, #tpu.memory_space<vmem>>, vector<16xi32>,
      %get3A_95 = arith.index_cast %scan3A_62 : i32 to index
      %get3A_96 = arith.constant 48 : index
      %get3A_97 = tpu.vector_load %arg8[%get3A_95, %get3A_96] {strides = array<i32>} : memref<250x80xi32, #tpu.memory_space<vmem>>, vector<16xi32>,
      %mul3A_98 = arith.constant 2 : i32
      %mul3A_99 = vector.broadcast %mul3A_98 : i32 to vector<16xi32>
      %mul3A_100 = arith.muli %get3A_97, %mul3A_99 : vector<16xi32>
      %add3A_101 = vector.broadcast %arg0 : i32 to vector<16xi32>
      %add3A_102 = arith.addi %mul3A_100, %add3A_101 : vector<16xi32>
      %swap3A_103 = arith.index_cast %scan3A_62 : i32 to index
      %swap3A_104 = arith.constant 48 : index
      %swap3A_105 = tpu.vector_load %arg8[%swap3A_103, %swap3A_104] {strides = array<i32>} : memref<250x80xi32, #tpu.memory_space<vmem>>, vector<16xi32>,
      tpu.vector_store %arg8[%swap3A_103, %swap3A_104], %add3A_102 {strides = array<i32>} : memref<250x80xi32, #tpu.memory_space<vmem>>, vector<16xi32>,
      %get3A_106 = arith.index_cast %scan3A_62 : i32 to index
      %get3A_107 = arith.constant 64 : index
      %get3A_108 = tpu.vector_load %arg8[%get3A_106, %get3A_107] {strides = array<i32>} : memref<250x80xi32, #tpu.memory_space<vmem>>, vector<16xi32>,
      %mul3A_109 = arith.constant 2 : i32
      %mul3A_110 = vector.broadcast %mul3A_109 : i32 to vector<16xi32>
      %mul3A_111 = arith.muli %get3A_108, %mul3A_110 : vector<16xi32>
      %add3A_112 = vector.broadcast %arg0 : i32 to vector<16xi32>
      %add3A_113 = arith.addi %mul3A_111, %add3A_112 : vector<16xi32>
      %swap3A_114 = arith.index_cast %scan3A_62 : i32 to index
      %swap3A_115 = arith.constant 64 : index
      %swap3A_116 = tpu.vector_load %arg8[%swap3A_114, %swap3A_115] {strides = array<i32>} : memref<250x80xi32, #tpu.memory_space<vmem>>, vector<16xi32>,
      tpu.vector_store %arg8[%swap3A_114, %swap3A_115], %add3A_113 {strides = array<i32>} : memref<250x80xi32, #tpu.memory_space<vmem>>, vector<16xi32>,
      %scan3A_117 = arith.constant 0 : i32
      scf.yield %scan3A_117 : i32
    }
    %scan3A_8 = arith.constant 250 : i32
    %dma_start3A = arith.constant 0 : i32
    %dma_start3A_9 = arith.constant 0 : i32
    %dma_start3A_10 = tpu.memref_slice %arg8[%dma_start3A, %dma_start3A_9] : memref<250x80xi32, #tpu.memory_space<vmem>> -> memref<1x80xi32, #tpu.memory_space<vmem>>
    %dma_start3A_11 = tpu.memref_squeeze %dma_start3A_10 : memref<1x80xi32, #tpu.memory_space<vmem>> -> memref<80xi32, #tpu.memory_space<vmem>>
    %dma_start3A_12 = arith.constant 0 : i32
    %dma_start3A_13 = arith.constant 0 : i32
    %dma_start3A_14 = tpu.memref_slice %arg2[%dma_start3A_12, %dma_start3A_13] : memref<20000x64xf32, #tpu.memory_space<hbm>> -> memref<20000x64xf32, #tpu.memory_space<hbm>>
    tpu.enqueue_indirect_dma source(%dma_start3A_14 : memref<20000x64xf32, #tpu.memory_space<hbm>>) target(%arg10 : memref<80x64xf32, #tpu.memory_space<vmem>>) offsets(%dma_start3A_11 : memref<80xi32, #tpu.memory_space<vmem>>) semaphore(%arg16 : memref<!tpu.dma_semaphore, #tpu.memory_space<semaphore_mem>>)
    %add3A = arith.constant 0 : i32
    %add3A_15 = arith.addi %mul3A_0, %add3A : i32
    %dma_start3A_16 = tpu.memref_slice %arg3[%add3A_15, %mul3A_2] : memref<320000x128xf32, #tpu.memory_space<hbm>> -> memref<80x64xf32, #tpu.memory_space<hbm>>
    %dma_start3A_17 = tpu.memref_slice %arg3[%add3A_15, %mul3A_2] : memref<320000x128xf32, #tpu.memory_space<hbm>> -> memref<80x64xf32, #tpu.memory_space<hbm>>
    tpu.enqueue_dma source(%dma_start3A_17 : memref<80x64xf32, #tpu.memory_space<hbm>>) target(%arg12 : memref<80x64xf32, #tpu.memory_space<vmem>>) target_semaphore(%arg18 : memref<!tpu.dma_semaphore, #tpu.memory_space<semaphore_mem>>)
    %scan3A_18 = arith.constant 0 : i32
    %scan3A_19 = arith.constant 0 : i32
    %scan3A_20 = arith.constant 128 : i32
    %scan3A_21 = arith.addi %scan3A_19, %scan3A_20 : i32
    %scan3A_22 = arith.constant 1 : i32
    %scan3A_23 = scf.for %scan3A_62 = %scan3A_19 to %scan3A_21 step %scan3A_22 iter_args(%scan3A_63 = %scan3A_18) -> (i32)  : i32 {
      %broadcast_in_dim3A = arith.constant 0.000000e+00 : f32
      %broadcast_in_dim3A_64 = vector.broadcast %broadcast_in_dim3A : f32 to vector<16xf32>
      %swap3A = arith.index_cast %scan3A_62 : i32 to index
      %swap3A_65 = arith.constant 0 : index
      %swap3A_66 = tpu.vector_load %arg14[%swap3A, %swap3A_65] {strides = array<i32>} : memref<128x64xf32, #tpu.memory_space<vmem>>, vector<16xf32>,
      tpu.vector_store %arg14[%swap3A, %swap3A_65], %broadcast_in_dim3A_64 {strides = array<i32>} : memref<128x64xf32, #tpu.memory_space<vmem>>, vector<16xf32>,
      %broadcast_in_dim3A_67 = arith.constant 0.000000e+00 : f32
      %broadcast_in_dim3A_68 = vector.broadcast %broadcast_in_dim3A_67 : f32 to vector<16xf32>
      %swap3A_69 = arith.index_cast %scan3A_62 : i32 to index
      %swap3A_70 = arith.constant 16 : index
      %swap3A_71 = tpu.vector_load %arg14[%swap3A_69, %swap3A_70] {strides = array<i32>} : memref<128x64xf32, #tpu.memory_space<vmem>>, vector<16xf32>,
      tpu.vector_store %arg14[%swap3A_69, %swap3A_70], %broadcast_in_dim3A_68 {strides = array<i32>} : memref<128x64xf32, #tpu.memory_space<vmem>>, vector<16xf32>,
      %broadcast_in_dim3A_72 = arith.constant 0.000000e+00 : f32
      %broadcast_in_dim3A_73 = vector.broadcast %broadcast_in_dim3A_72 : f32 to vector<16xf32>
      %swap3A_74 = arith.index_cast %scan3A_62 : i32 to index
      %swap3A_75 = arith.constant 32 : index
      %swap3A_76 = tpu.vector_load %arg14[%swap3A_74, %swap3A_75] {strides = array<i32>} : memref<128x64xf32, #tpu.memory_space<vmem>>, vector<16xf32>,
      tpu.vector_store %arg14[%swap3A_74, %swap3A_75], %broadcast_in_dim3A_73 {strides = array<i32>} : memref<128x64xf32, #tpu.memory_space<vmem>>, vector<16xf32>,
      %broadcast_in_dim3A_77 = arith.constant 0.000000e+00 : f32
      %broadcast_in_dim3A_78 = vector.broadcast %broadcast_in_dim3A_77 : f32 to vector<16xf32>
      %swap3A_79 = arith.index_cast %scan3A_62 : i32 to index
      %swap3A_80 = arith.constant 48 : index
      %swap3A_81 = tpu.vector_load %arg14[%swap3A_79, %swap3A_80] {strides = array<i32>} : memref<128x64xf32, #tpu.memory_space<vmem>>, vector<16xf32>,
      tpu.vector_store %arg14[%swap3A_79, %swap3A_80], %broadcast_in_dim3A_78 {strides = array<i32>} : memref<128x64xf32, #tpu.memory_space<vmem>>, vector<16xf32>,
      %scan3A_82 = arith.constant 0 : i32
      scf.yield %scan3A_82 : i32
    }
    %scan3A_24 = arith.constant 128 : i32
    %mul3A_25 = arith.constant 640 : i32
    %mul3A_26 = arith.muli %arg1, %mul3A_25 : i32
    %add3A_27 = arith.constant 0 : i32
    %add3A_28 = arith.addi %mul3A_26, %add3A_27 : i32
    "tpu.region"() ({
      %run_scoped3A = tpu.sem_alloc : memref<!tpu.dma_semaphore, #tpu.memory_space<semaphore_mem>>
      %dma_start3A_62 = arith.constant 0 : i32
      %dma_start3A_63 = tpu.memref_slice %arg15[%add3A_28, %dma_start3A_62] : memref<10240x64xf32, #tpu.memory_space<vmem_shared>> -> memref<128x64xf32, #tpu.memory_space<vmem_shared>>
      %dma_start3A_64 = arith.constant 0 : i32
      %dma_start3A_65 = tpu.memref_slice %arg15[%add3A_28, %dma_start3A_64] : memref<10240x64xf32, #tpu.memory_space<vmem_shared>> -> memref<128x64xf32, #tpu.memory_space<vmem_shared>>
      tpu.enqueue_dma source(%arg14 : memref<128x64xf32, #tpu.memory_space<vmem>>) target(%dma_start3A_65 : memref<128x64xf32, #tpu.memory_space<vmem_shared>>) target_semaphore(%run_scoped3A : memref<!tpu.dma_semaphore, #tpu.memory_space<semaphore_mem>>)
      %dma_wait3A = arith.constant 0 : i32
      %dma_wait3A_66 = tpu.memref_slice %arg15[%add3A_28, %dma_wait3A] : memref<10240x64xf32, #tpu.memory_space<vmem_shared>> -> memref<128x64xf32, #tpu.memory_space<vmem_shared>>
      %dma_wait3A_67 = arith.constant 0 : i32
      %dma_wait3A_68 = tpu.memref_slice %arg15[%add3A_28, %dma_wait3A_67] : memref<10240x64xf32, #tpu.memory_space<vmem_shared>> -> memref<128x64xf32, #tpu.memory_space<vmem_shared>>
      tpu.wait_dma2 semaphore(%run_scoped3A : memref<!tpu.dma_semaphore, #tpu.memory_space<semaphore_mem>>) src(%arg14 : memref<128x64xf32, #tpu.memory_space<vmem>>) dst(%dma_wait3A_68 : memref<128x64xf32, #tpu.memory_space<vmem_shared>>)
      tpu.yield
    }) : () -> ()
    %mul3A_29 = arith.constant 640 : i32
    %mul3A_30 = arith.muli %arg1, %mul3A_29 : i32
    %add3A_31 = arith.constant 128 : i32
    %add3A_32 = arith.addi %mul3A_30, %add3A_31 : i32
    "tpu.region"() ({
      %run_scoped3A = tpu.sem_alloc : memref<!tpu.dma_semaphore, #tpu.memory_space<semaphore_mem>>
      %dma_start3A_62 = arith.constant 0 : i32
      %dma_start3A_63 = tpu.memref_slice %arg15[%add3A_32, %dma_start3A_62] : memref<10240x64xf32, #tpu.memory_space<vmem_shared>> -> memref<128x64xf32, #tpu.memory_space<vmem_shared>>
      %dma_start3A_64 = arith.constant 0 : i32
      %dma_start3A_65 = tpu.memref_slice %arg15[%add3A_32, %dma_start3A_64] : memref<10240x64xf32, #tpu.memory_space<vmem_shared>> -> memref<128x64xf32, #tpu.memory_space<vmem_shared>>
      tpu.enqueue_dma source(%arg14 : memref<128x64xf32, #tpu.memory_space<vmem>>) target(%dma_start3A_65 : memref<128x64xf32, #tpu.memory_space<vmem_shared>>) target_semaphore(%run_scoped3A : memref<!tpu.dma_semaphore, #tpu.memory_space<semaphore_mem>>)
      %dma_wait3A = arith.constant 0 : i32
      %dma_wait3A_66 = tpu.memref_slice %arg15[%add3A_32, %dma_wait3A] : memref<10240x64xf32, #tpu.memory_space<vmem_shared>> -> memref<128x64xf32, #tpu.memory_space<vmem_shared>>
      %dma_wait3A_67 = arith.constant 0 : i32
      %dma_wait3A_68 = tpu.memref_slice %arg15[%add3A_32, %dma_wait3A_67] : memref<10240x64xf32, #tpu.memory_space<vmem_shared>> -> memref<128x64xf32, #tpu.memory_space<vmem_shared>>
      tpu.wait_dma2 semaphore(%run_scoped3A : memref<!tpu.dma_semaphore, #tpu.memory_space<semaphore_mem>>) src(%arg14 : memref<128x64xf32, #tpu.memory_space<vmem>>) dst(%dma_wait3A_68 : memref<128x64xf32, #tpu.memory_space<vmem_shared>>)
      tpu.yield
    }) : () -> ()
    %mul3A_33 = arith.constant 640 : i32
    %mul3A_34 = arith.muli %arg1, %mul3A_33 : i32
    %add3A_35 = arith.constant 256 : i32
    %add3A_36 = arith.addi %mul3A_34, %add3A_35 : i32
    "tpu.region"() ({
      %run_scoped3A = tpu.sem_alloc : memref<!tpu.dma_semaphore, #tpu.memory_space<semaphore_mem>>
      %dma_start3A_62 = arith.constant 0 : i32
      %dma_start3A_63 = tpu.memref_slice %arg15[%add3A_36, %dma_start3A_62] : memref<10240x64xf32, #tpu.memory_space<vmem_shared>> -> memref<128x64xf32, #tpu.memory_space<vmem_shared>>
      %dma_start3A_64 = arith.constant 0 : i32
      %dma_start3A_65 = tpu.memref_slice %arg15[%add3A_36, %dma_start3A_64] : memref<10240x64xf32, #tpu.memory_space<vmem_shared>> -> memref<128x64xf32, #tpu.memory_space<vmem_shared>>
      tpu.enqueue_dma source(%arg14 : memref<128x64xf32, #tpu.memory_space<vmem>>) target(%dma_start3A_65 : memref<128x64xf32, #tpu.memory_space<vmem_shared>>) target_semaphore(%run_scoped3A : memref<!tpu.dma_semaphore, #tpu.memory_space<semaphore_mem>>)
      %dma_wait3A = arith.constant 0 : i32
      %dma_wait3A_66 = tpu.memref_slice %arg15[%add3A_36, %dma_wait3A] : memref<10240x64xf32, #tpu.memory_space<vmem_shared>> -> memref<128x64xf32, #tpu.memory_space<vmem_shared>>
      %dma_wait3A_67 = arith.constant 0 : i32
      %dma_wait3A_68 = tpu.memref_slice %arg15[%add3A_36, %dma_wait3A_67] : memref<10240x64xf32, #tpu.memory_space<vmem_shared>> -> memref<128x64xf32, #tpu.memory_space<vmem_shared>>
      tpu.wait_dma2 semaphore(%run_scoped3A : memref<!tpu.dma_semaphore, #tpu.memory_space<semaphore_mem>>) src(%arg14 : memref<128x64xf32, #tpu.memory_space<vmem>>) dst(%dma_wait3A_68 : memref<128x64xf32, #tpu.memory_space<vmem_shared>>)
      tpu.yield
    }) : () -> ()
    %mul3A_37 = arith.constant 640 : i32
    %mul3A_38 = arith.muli %arg1, %mul3A_37 : i32
    %add3A_39 = arith.constant 384 : i32
    %add3A_40 = arith.addi %mul3A_38, %add3A_39 : i32
    "tpu.region"() ({
      %run_scoped3A = tpu.sem_alloc : memref<!tpu.dma_semaphore, #tpu.memory_space<semaphore_mem>>
      %dma_start3A_62 = arith.constant 0 : i32
      %dma_start3A_63 = tpu.memref_slice %arg15[%add3A_40, %dma_start3A_62] : memref<10240x64xf32, #tpu.memory_space<vmem_shared>> -> memref<128x64xf32, #tpu.memory_space<vmem_shared>>
      %dma_start3A_64 = arith.constant 0 : i32
      %dma_start3A_65 = tpu.memref_slice %arg15[%add3A_40, %dma_start3A_64] : memref<10240x64xf32, #tpu.memory_space<vmem_shared>> -> memref<128x64xf32, #tpu.memory_space<vmem_shared>>
      tpu.enqueue_dma source(%arg14 : memref<128x64xf32, #tpu.memory_space<vmem>>) target(%dma_start3A_65 : memref<128x64xf32, #tpu.memory_space<vmem_shared>>) target_semaphore(%run_scoped3A : memref<!tpu.dma_semaphore, #tpu.memory_space<semaphore_mem>>)
      %dma_wait3A = arith.constant 0 : i32
      %dma_wait3A_66 = tpu.memref_slice %arg15[%add3A_40, %dma_wait3A] : memref<10240x64xf32, #tpu.memory_space<vmem_shared>> -> memref<128x64xf32, #tpu.memory_space<vmem_shared>>
      %dma_wait3A_67 = arith.constant 0 : i32
      %dma_wait3A_68 = tpu.memref_slice %arg15[%add3A_40, %dma_wait3A_67] : memref<10240x64xf32, #tpu.memory_space<vmem_shared>> -> memref<128x64xf32, #tpu.memory_space<vmem_shared>>
      tpu.wait_dma2 semaphore(%run_scoped3A : memref<!tpu.dma_semaphore, #tpu.memory_space<semaphore_mem>>) src(%arg14 : memref<128x64xf32, #tpu.memory_space<vmem>>) dst(%dma_wait3A_68 : memref<128x64xf32, #tpu.memory_space<vmem_shared>>)
      tpu.yield
    }) : () -> ()
    %mul3A_41 = arith.constant 640 : i32
    %mul3A_42 = arith.muli %arg1, %mul3A_41 : i32
    %add3A_43 = arith.constant 512 : i32
    %add3A_44 = arith.addi %mul3A_42, %add3A_43 : i32
    "tpu.region"() ({
      %run_scoped3A = tpu.sem_alloc : memref<!tpu.dma_semaphore, #tpu.memory_space<semaphore_mem>>
      %dma_start3A_62 = arith.constant 0 : i32
      %dma_start3A_63 = tpu.memref_slice %arg15[%add3A_44, %dma_start3A_62] : memref<10240x64xf32, #tpu.memory_space<vmem_shared>> -> memref<128x64xf32, #tpu.memory_space<vmem_shared>>
      %dma_start3A_64 = arith.constant 0 : i32
      %dma_start3A_65 = tpu.memref_slice %arg15[%add3A_44, %dma_start3A_64] : memref<10240x64xf32, #tpu.memory_space<vmem_shared>> -> memref<128x64xf32, #tpu.memory_space<vmem_shared>>
      tpu.enqueue_dma source(%arg14 : memref<128x64xf32, #tpu.memory_space<vmem>>) target(%dma_start3A_65 : memref<128x64xf32, #tpu.memory_space<vmem_shared>>) target_semaphore(%run_scoped3A : memref<!tpu.dma_semaphore, #tpu.memory_space<semaphore_mem>>)
      %dma_wait3A = arith.constant 0 : i32
      %dma_wait3A_66 = tpu.memref_slice %arg15[%add3A_44, %dma_wait3A] : memref<10240x64xf32, #tpu.memory_space<vmem_shared>> -> memref<128x64xf32, #tpu.memory_space<vmem_shared>>
      %dma_wait3A_67 = arith.constant 0 : i32
      %dma_wait3A_68 = tpu.memref_slice %arg15[%add3A_44, %dma_wait3A_67] : memref<10240x64xf32, #tpu.memory_space<vmem_shared>> -> memref<128x64xf32, #tpu.memory_space<vmem_shared>>
      tpu.wait_dma2 semaphore(%run_scoped3A : memref<!tpu.dma_semaphore, #tpu.memory_space<semaphore_mem>>) src(%arg14 : memref<128x64xf32, #tpu.memory_space<vmem>>) dst(%dma_wait3A_68 : memref<128x64xf32, #tpu.memory_space<vmem_shared>>)
      tpu.yield
    }) : () -> ()
    %barrier3A = arith.constant 0 : index
    tpu.barrier barrier_id(%barrier3A)
    %scan3A_45 = arith.constant 0 : i32
    %scan3A_46 = arith.constant 0 : i32
    %scan3A_47 = arith.constant 125 : i32
    %scan3A_48 = arith.addi %scan3A_46, %scan3A_47 : i32
    %scan3A_49 = arith.constant 1 : i32
    %scan3A_50 = scf.for %scan3A_62 = %scan3A_46 to %scan3A_48 step %scan3A_49 iter_args(%scan3A_63 = %scan3A_45) -> (i32)  : i32 {
      %mul3A_64 = arith.constant 2 : i32
      %mul3A_65 = arith.muli %scan3A_62, %mul3A_64 : i32
      %add3A_66 = arith.constant 1 : i32
      %add3A_67 = arith.addi %mul3A_65, %add3A_66 : i32
      %dma_start3A_68 = arith.constant 0 : i32
      %dma_start3A_69 = tpu.memref_slice %arg8[%add3A_67, %dma_start3A_68] : memref<250x80xi32, #tpu.memory_space<vmem>> -> memref<1x80xi32, #tpu.memory_space<vmem>>
      %dma_start3A_70 = tpu.memref_squeeze %dma_start3A_69 : memref<1x80xi32, #tpu.memory_space<vmem>> -> memref<80xi32, #tpu.memory_space<vmem>>
      %dma_start3A_71 = arith.constant 0 : i32
      %dma_start3A_72 = arith.constant 0 : i32
      %dma_start3A_73 = tpu.memref_slice %arg2[%dma_start3A_71, %dma_start3A_72] : memref<20000x64xf32, #tpu.memory_space<hbm>> -> memref<20000x64xf32, #tpu.memory_space<hbm>>
      tpu.enqueue_indirect_dma source(%dma_start3A_73 : memref<20000x64xf32, #tpu.memory_space<hbm>>) target(%arg11 : memref<80x64xf32, #tpu.memory_space<vmem>>) offsets(%dma_start3A_70 : memref<80xi32, #tpu.memory_space<vmem>>) semaphore(%arg17 : memref<!tpu.dma_semaphore, #tpu.memory_space<semaphore_mem>>)
      %mul3A_74 = arith.constant 80 : i32
      %mul3A_75 = arith.muli %add3A_67, %mul3A_74 : i32
      %add3A_76 = arith.addi %mul3A_0, %mul3A_75 : i32
      %dma_start3A_77 = tpu.memref_slice %arg3[%add3A_76, %mul3A_2] : memref<320000x128xf32, #tpu.memory_space<hbm>> -> memref<80x64xf32, #tpu.memory_space<hbm>>
      %dma_start3A_78 = tpu.memref_slice %arg3[%add3A_76, %mul3A_2] : memref<320000x128xf32, #tpu.memory_space<hbm>> -> memref<80x64xf32, #tpu.memory_space<hbm>>
      tpu.enqueue_dma source(%dma_start3A_78 : memref<80x64xf32, #tpu.memory_space<hbm>>) target(%arg13 : memref<80x64xf32, #tpu.memory_space<vmem>>) target_semaphore(%arg19 : memref<!tpu.dma_semaphore, #tpu.memory_space<semaphore_mem>>)
      %dma_wait3A = arith.constant 0 : i32
      %dma_wait3A_79 = tpu.memref_slice %arg8[%mul3A_65, %dma_wait3A] : memref<250x80xi32, #tpu.memory_space<vmem>> -> memref<1x80xi32, #tpu.memory_space<vmem>>
      %dma_wait3A_80 = tpu.memref_squeeze %dma_wait3A_79 : memref<1x80xi32, #tpu.memory_space<vmem>> -> memref<80xi32, #tpu.memory_space<vmem>>
      %dma_wait3A_81 = arith.constant 0 : i32
      %dma_wait3A_82 = arith.constant 0 : i32
      %dma_wait3A_83 = tpu.memref_slice %arg2[%dma_wait3A_81, %dma_wait3A_82] : memref<20000x64xf32, #tpu.memory_space<hbm>> -> memref<20000x64xf32, #tpu.memory_space<hbm>>
      tpu.wait_indirect_dma semaphore(%arg16 : memref<!tpu.dma_semaphore, #tpu.memory_space<semaphore_mem>>) src(%dma_wait3A_83 : memref<20000x64xf32, #tpu.memory_space<hbm>>) dst(%arg10 : memref<80x64xf32, #tpu.memory_space<vmem>>)
      %mul3A_84 = arith.constant 80 : i32
      %mul3A_85 = arith.muli %mul3A_65, %mul3A_84 : i32
      %add3A_86 = arith.addi %mul3A_0, %mul3A_85 : i32
      %dma_wait3A_87 = tpu.memref_slice %arg3[%add3A_86, %mul3A_2] : memref<320000x128xf32, #tpu.memory_space<hbm>> -> memref<80x64xf32, #tpu.memory_space<hbm>>
      %dma_wait3A_88 = tpu.memref_slice %arg3[%add3A_86, %mul3A_2] : memref<320000x128xf32, #tpu.memory_space<hbm>> -> memref<80x64xf32, #tpu.memory_space<hbm>>
      tpu.wait_dma2 semaphore(%arg18 : memref<!tpu.dma_semaphore, #tpu.memory_space<semaphore_mem>>) src(%dma_wait3A_88 : memref<80x64xf32, #tpu.memory_space<hbm>>) dst(%arg12 : memref<80x64xf32, #tpu.memory_space<vmem>>)
      %scan3A_89 = arith.constant 0 : i32
      %scan3A_90 = arith.constant 0 : i32
      %scan3A_91 = arith.constant 80 : i32
      %scan3A_92 = arith.addi %scan3A_90, %scan3A_91 : i32
      %scan3A_93 = arith.constant 1 : i32
      %scan3A_94 = scf.for %scan3A_121 = %scan3A_90 to %scan3A_92 step %scan3A_93 iter_args(%scan3A_122 = %scan3A_89) -> (i32)  : i32 {
        %get3A = arith.index_cast %scan3A_121 : i32 to index
        %get3A_123 = arith.constant 0 : index
        %get3A_124 = tpu.vector_load %arg10[%get3A, %get3A_123] {strides = array<i32>} : memref<80x64xf32, #tpu.memory_space<vmem>>, vector<16xf32>,
        %get3A_125 = arith.index_cast %scan3A_121 : i32 to index
        %get3A_126 = arith.constant 0 : index
        %get3A_127 = tpu.vector_load %arg12[%get3A_125, %get3A_126] {strides = array<i32>} : memref<80x64xf32, #tpu.memory_space<vmem>>, vector<16xf32>,
        %mul3A_128 = arith.mulf %get3A_124, %get3A_127 : vector<16xf32>
        %swap3A = arith.index_cast %scan3A_121 : i32 to index
        %swap3A_129 = arith.constant 0 : index
        %swap3A_130 = tpu.vector_load %arg10[%swap3A, %swap3A_129] {strides = array<i32>} : memref<80x64xf32, #tpu.memory_space<vmem>>, vector<16xf32>,
        tpu.vector_store %arg10[%swap3A, %swap3A_129], %mul3A_128 {strides = array<i32>} : memref<80x64xf32, #tpu.memory_space<vmem>>, vector<16xf32>,
        %get3A_131 = arith.index_cast %scan3A_121 : i32 to index
        %get3A_132 = arith.constant 16 : index
        %get3A_133 = tpu.vector_load %arg10[%get3A_131, %get3A_132] {strides = array<i32>} : memref<80x64xf32, #tpu.memory_space<vmem>>, vector<16xf32>,
        %get3A_134 = arith.index_cast %scan3A_121 : i32 to index
        %get3A_135 = arith.constant 16 : index
        %get3A_136 = tpu.vector_load %arg12[%get3A_134, %get3A_135] {strides = array<i32>} : memref<80x64xf32, #tpu.memory_space<vmem>>, vector<16xf32>,
        %mul3A_137 = arith.mulf %get3A_133, %get3A_136 : vector<16xf32>
        %swap3A_138 = arith.index_cast %scan3A_121 : i32 to index
        %swap3A_139 = arith.constant 16 : index
        %swap3A_140 = tpu.vector_load %arg10[%swap3A_138, %swap3A_139] {strides = array<i32>} : memref<80x64xf32, #tpu.memory_space<vmem>>, vector<16xf32>,
        tpu.vector_store %arg10[%swap3A_138, %swap3A_139], %mul3A_137 {strides = array<i32>} : memref<80x64xf32, #tpu.memory_space<vmem>>, vector<16xf32>,
        %get3A_141 = arith.index_cast %scan3A_121 : i32 to index
        %get3A_142 = arith.constant 32 : index
        %get3A_143 = tpu.vector_load %arg10[%get3A_141, %get3A_142] {strides = array<i32>} : memref<80x64xf32, #tpu.memory_space<vmem>>, vector<16xf32>,
        %get3A_144 = arith.index_cast %scan3A_121 : i32 to index
        %get3A_145 = arith.constant 32 : index
        %get3A_146 = tpu.vector_load %arg12[%get3A_144, %get3A_145] {strides = array<i32>} : memref<80x64xf32, #tpu.memory_space<vmem>>, vector<16xf32>,
        %mul3A_147 = arith.mulf %get3A_143, %get3A_146 : vector<16xf32>
        %swap3A_148 = arith.index_cast %scan3A_121 : i32 to index
        %swap3A_149 = arith.constant 32 : index
        %swap3A_150 = tpu.vector_load %arg10[%swap3A_148, %swap3A_149] {strides = array<i32>} : memref<80x64xf32, #tpu.memory_space<vmem>>, vector<16xf32>,
        tpu.vector_store %arg10[%swap3A_148, %swap3A_149], %mul3A_147 {strides = array<i32>} : memref<80x64xf32, #tpu.memory_space<vmem>>, vector<16xf32>,
        %get3A_151 = arith.index_cast %scan3A_121 : i32 to index
        %get3A_152 = arith.constant 48 : index
        %get3A_153 = tpu.vector_load %arg10[%get3A_151, %get3A_152] {strides = array<i32>} : memref<80x64xf32, #tpu.memory_space<vmem>>, vector<16xf32>,
        %get3A_154 = arith.index_cast %scan3A_121 : i32 to index
        %get3A_155 = arith.constant 48 : index
        %get3A_156 = tpu.vector_load %arg12[%get3A_154, %get3A_155] {strides = array<i32>} : memref<80x64xf32, #tpu.memory_space<vmem>>, vector<16xf32>,
        %mul3A_157 = arith.mulf %get3A_153, %get3A_156 : vector<16xf32>
        %swap3A_158 = arith.index_cast %scan3A_121 : i32 to index
        %swap3A_159 = arith.constant 48 : index
        %swap3A_160 = tpu.vector_load %arg10[%swap3A_158, %swap3A_159] {strides = array<i32>} : memref<80x64xf32, #tpu.memory_space<vmem>>, vector<16xf32>,
        tpu.vector_store %arg10[%swap3A_158, %swap3A_159], %mul3A_157 {strides = array<i32>} : memref<80x64xf32, #tpu.memory_space<vmem>>, vector<16xf32>,
        %scan3A_161 = arith.constant 0 : i32
        scf.yield %scan3A_161 : i32
      }
      %scan3A_95 = arith.constant 80 : i32
      "tpu.region"() ({
        %run_scoped3A = tpu.sem_alloc : memref<!tpu.dma_semaphore, #tpu.memory_space<semaphore_mem>>
        %dma_start3A_121 = arith.constant 0 : i32
        %dma_start3A_122 = tpu.memref_slice %arg9[%mul3A_65, %dma_start3A_121] : memref<250x80xi32, #tpu.memory_space<vmem>> -> memref<1x80xi32, #tpu.memory_space<vmem>>
        %dma_start3A_123 = tpu.memref_squeeze %dma_start3A_122 : memref<1x80xi32, #tpu.memory_space<vmem>> -> memref<80xi32, #tpu.memory_space<vmem>>
        %dma_start3A_124 = arith.constant 0 : i32
        %dma_start3A_125 = arith.constant 0 : i32
        %dma_start3A_126 = tpu.memref_slice %arg15[%dma_start3A_124, %dma_start3A_125] : memref<10240x64xf32, #tpu.memory_space<vmem_shared>> -> memref<10240x64xf32, #tpu.memory_space<vmem_shared>>
        tpu.enqueue_indirect_dma source(%arg10 : memref<80x64xf32, #tpu.memory_space<vmem>>) target(%dma_start3A_126 : memref<10240x64xf32, #tpu.memory_space<vmem_shared>>) offsets(%dma_start3A_123 : memref<80xi32, #tpu.memory_space<vmem>>) semaphore(%run_scoped3A : memref<!tpu.dma_semaphore, #tpu.memory_space<semaphore_mem>>) {add = true}
        %dma_wait3A_127 = arith.constant 0 : i32
        %dma_wait3A_128 = tpu.memref_slice %arg9[%mul3A_65, %dma_wait3A_127] : memref<250x80xi32, #tpu.memory_space<vmem>> -> memref<1x80xi32, #tpu.memory_space<vmem>>
        %dma_wait3A_129 = tpu.memref_squeeze %dma_wait3A_128 : memref<1x80xi32, #tpu.memory_space<vmem>> -> memref<80xi32, #tpu.memory_space<vmem>>
        %dma_wait3A_130 = arith.constant 0 : i32
        %dma_wait3A_131 = arith.constant 0 : i32
        %dma_wait3A_132 = tpu.memref_slice %arg15[%dma_wait3A_130, %dma_wait3A_131] : memref<10240x64xf32, #tpu.memory_space<vmem_shared>> -> memref<10240x64xf32, #tpu.memory_space<vmem_shared>>
        tpu.wait_indirect_dma semaphore(%run_scoped3A : memref<!tpu.dma_semaphore, #tpu.memory_space<semaphore_mem>>) src(%arg10 : memref<80x64xf32, #tpu.memory_space<vmem>>) dst(%dma_wait3A_132 : memref<10240x64xf32, #tpu.memory_space<vmem_shared>>)
        tpu.yield
      }) : () -> ()
      %add3A_96 = arith.constant 2 : i32
      %add3A_97 = arith.addi %mul3A_65, %add3A_96 : i32
      %lt3A = arith.constant 250 : i32
      %lt3A_98 = arith.cmpi slt, %add3A_97, %lt3A : i32
      %convert_element_type3A_99 = arith.extui %lt3A_98 : i1 to i32
      %cond3A_100 = arith.constant 0 : i32
      %cond3A_101 = arith.cmpi ne, %convert_element_type3A_99, %cond3A_100 : i32
      scf.if %cond3A_101 {
        %add3A_121 = arith.constant 2 : i32
        %add3A_122 = arith.addi %mul3A_65, %add3A_121 : i32
        %dma_start3A_123 = arith.constant 0 : i32
        %dma_start3A_124 = tpu.memref_slice %arg8[%add3A_122, %dma_start3A_123] : memref<250x80xi32, #tpu.memory_space<vmem>> -> memref<1x80xi32, #tpu.memory_space<vmem>>
        %dma_start3A_125 = tpu.memref_squeeze %dma_start3A_124 : memref<1x80xi32, #tpu.memory_space<vmem>> -> memref<80xi32, #tpu.memory_space<vmem>>
        %dma_start3A_126 = arith.constant 0 : i32
        %dma_start3A_127 = arith.constant 0 : i32
        %dma_start3A_128 = tpu.memref_slice %arg2[%dma_start3A_126, %dma_start3A_127] : memref<20000x64xf32, #tpu.memory_space<hbm>> -> memref<20000x64xf32, #tpu.memory_space<hbm>>
        tpu.enqueue_indirect_dma source(%dma_start3A_128 : memref<20000x64xf32, #tpu.memory_space<hbm>>) target(%arg10 : memref<80x64xf32, #tpu.memory_space<vmem>>) offsets(%dma_start3A_125 : memref<80xi32, #tpu.memory_space<vmem>>) semaphore(%arg16 : memref<!tpu.dma_semaphore, #tpu.memory_space<semaphore_mem>>)
        %mul3A_129 = arith.constant 80 : i32
        %mul3A_130 = arith.muli %add3A_122, %mul3A_129 : i32
        %add3A_131 = arith.addi %mul3A_0, %mul3A_130 : i32
        %dma_start3A_132 = tpu.memref_slice %arg3[%add3A_131, %mul3A_2] : memref<320000x128xf32, #tpu.memory_space<hbm>> -> memref<80x64xf32, #tpu.memory_space<hbm>>
        %dma_start3A_133 = tpu.memref_slice %arg3[%add3A_131, %mul3A_2] : memref<320000x128xf32, #tpu.memory_space<hbm>> -> memref<80x64xf32, #tpu.memory_space<hbm>>
        tpu.enqueue_dma source(%dma_start3A_133 : memref<80x64xf32, #tpu.memory_space<hbm>>) target(%arg12 : memref<80x64xf32, #tpu.memory_space<vmem>>) target_semaphore(%arg18 : memref<!tpu.dma_semaphore, #tpu.memory_space<semaphore_mem>>)
      } else {
      }
      %dma_wait3A_102 = arith.constant 0 : i32
      %dma_wait3A_103 = tpu.memref_slice %arg8[%add3A_67, %dma_wait3A_102] : memref<250x80xi32, #tpu.memory_space<vmem>> -> memref<1x80xi32, #tpu.memory_space<vmem>>
      %dma_wait3A_104 = tpu.memref_squeeze %dma_wait3A_103 : memref<1x80xi32, #tpu.memory_space<vmem>> -> memref<80xi32, #tpu.memory_space<vmem>>
      %dma_wait3A_105 = arith.constant 0 : i32
      %dma_wait3A_106 = arith.constant 0 : i32
      %dma_wait3A_107 = tpu.memref_slice %arg2[%dma_wait3A_105, %dma_wait3A_106] : memref<20000x64xf32, #tpu.memory_space<hbm>> -> memref<20000x64xf32, #tpu.memory_space<hbm>>
      tpu.wait_indirect_dma semaphore(%arg17 : memref<!tpu.dma_semaphore, #tpu.memory_space<semaphore_mem>>) src(%dma_wait3A_107 : memref<20000x64xf32, #tpu.memory_space<hbm>>) dst(%arg11 : memref<80x64xf32, #tpu.memory_space<vmem>>)
      %mul3A_108 = arith.constant 80 : i32
      %mul3A_109 = arith.muli %add3A_67, %mul3A_108 : i32
      %add3A_110 = arith.addi %mul3A_0, %mul3A_109 : i32
      %dma_wait3A_111 = tpu.memref_slice %arg3[%add3A_110, %mul3A_2] : memref<320000x128xf32, #tpu.memory_space<hbm>> -> memref<80x64xf32, #tpu.memory_space<hbm>>
      %dma_wait3A_112 = tpu.memref_slice %arg3[%add3A_110, %mul3A_2] : memref<320000x128xf32, #tpu.memory_space<hbm>> -> memref<80x64xf32, #tpu.memory_space<hbm>>
      tpu.wait_dma2 semaphore(%arg19 : memref<!tpu.dma_semaphore, #tpu.memory_space<semaphore_mem>>) src(%dma_wait3A_112 : memref<80x64xf32, #tpu.memory_space<hbm>>) dst(%arg13 : memref<80x64xf32, #tpu.memory_space<vmem>>)
      %scan3A_113 = arith.constant 0 : i32
      %scan3A_114 = arith.constant 0 : i32
      %scan3A_115 = arith.constant 80 : i32
      %scan3A_116 = arith.addi %scan3A_114, %scan3A_115 : i32
      %scan3A_117 = arith.constant 1 : i32
      %scan3A_118 = scf.for %scan3A_121 = %scan3A_114 to %scan3A_116 step %scan3A_117 iter_args(%scan3A_122 = %scan3A_113) -> (i32)  : i32 {
        %get3A = arith.index_cast %scan3A_121 : i32 to index
        %get3A_123 = arith.constant 0 : index
        %get3A_124 = tpu.vector_load %arg11[%get3A, %get3A_123] {strides = array<i32>} : memref<80x64xf32, #tpu.memory_space<vmem>>, vector<16xf32>,
        %get3A_125 = arith.index_cast %scan3A_121 : i32 to index
        %get3A_126 = arith.constant 0 : index
        %get3A_127 = tpu.vector_load %arg13[%get3A_125, %get3A_126] {strides = array<i32>} : memref<80x64xf32, #tpu.memory_space<vmem>>, vector<16xf32>,
        %mul3A_128 = arith.mulf %get3A_124, %get3A_127 : vector<16xf32>
        %swap3A = arith.index_cast %scan3A_121 : i32 to index
        %swap3A_129 = arith.constant 0 : index
        %swap3A_130 = tpu.vector_load %arg11[%swap3A, %swap3A_129] {strides = array<i32>} : memref<80x64xf32, #tpu.memory_space<vmem>>, vector<16xf32>,
        tpu.vector_store %arg11[%swap3A, %swap3A_129], %mul3A_128 {strides = array<i32>} : memref<80x64xf32, #tpu.memory_space<vmem>>, vector<16xf32>,
        %get3A_131 = arith.index_cast %scan3A_121 : i32 to index
        %get3A_132 = arith.constant 16 : index
        %get3A_133 = tpu.vector_load %arg11[%get3A_131, %get3A_132] {strides = array<i32>} : memref<80x64xf32, #tpu.memory_space<vmem>>, vector<16xf32>,
        %get3A_134 = arith.index_cast %scan3A_121 : i32 to index
        %get3A_135 = arith.constant 16 : index
        %get3A_136 = tpu.vector_load %arg13[%get3A_134, %get3A_135] {strides = array<i32>} : memref<80x64xf32, #tpu.memory_space<vmem>>, vector<16xf32>,
        %mul3A_137 = arith.mulf %get3A_133, %get3A_136 : vector<16xf32>
        %swap3A_138 = arith.index_cast %scan3A_121 : i32 to index
        %swap3A_139 = arith.constant 16 : index
        %swap3A_140 = tpu.vector_load %arg11[%swap3A_138, %swap3A_139] {strides = array<i32>} : memref<80x64xf32, #tpu.memory_space<vmem>>, vector<16xf32>,
        tpu.vector_store %arg11[%swap3A_138, %swap3A_139], %mul3A_137 {strides = array<i32>} : memref<80x64xf32, #tpu.memory_space<vmem>>, vector<16xf32>,
        %get3A_141 = arith.index_cast %scan3A_121 : i32 to index
        %get3A_142 = arith.constant 32 : index
        %get3A_143 = tpu.vector_load %arg11[%get3A_141, %get3A_142] {strides = array<i32>} : memref<80x64xf32, #tpu.memory_space<vmem>>, vector<16xf32>,
        %get3A_144 = arith.index_cast %scan3A_121 : i32 to index
        %get3A_145 = arith.constant 32 : index
        %get3A_146 = tpu.vector_load %arg13[%get3A_144, %get3A_145] {strides = array<i32>} : memref<80x64xf32, #tpu.memory_space<vmem>>, vector<16xf32>,
        %mul3A_147 = arith.mulf %get3A_143, %get3A_146 : vector<16xf32>
        %swap3A_148 = arith.index_cast %scan3A_121 : i32 to index
        %swap3A_149 = arith.constant 32 : index
        %swap3A_150 = tpu.vector_load %arg11[%swap3A_148, %swap3A_149] {strides = array<i32>} : memref<80x64xf32, #tpu.memory_space<vmem>>, vector<16xf32>,
        tpu.vector_store %arg11[%swap3A_148, %swap3A_149], %mul3A_147 {strides = array<i32>} : memref<80x64xf32, #tpu.memory_space<vmem>>, vector<16xf32>,
        %get3A_151 = arith.index_cast %scan3A_121 : i32 to index
        %get3A_152 = arith.constant 48 : index
        %get3A_153 = tpu.vector_load %arg11[%get3A_151, %get3A_152] {strides = array<i32>} : memref<80x64xf32, #tpu.memory_space<vmem>>, vector<16xf32>,
        %get3A_154 = arith.index_cast %scan3A_121 : i32 to index
        %get3A_155 = arith.constant 48 : index
        %get3A_156 = tpu.vector_load %arg13[%get3A_154, %get3A_155] {strides = array<i32>} : memref<80x64xf32, #tpu.memory_space<vmem>>, vector<16xf32>,
        %mul3A_157 = arith.mulf %get3A_153, %get3A_156 : vector<16xf32>
        %swap3A_158 = arith.index_cast %scan3A_121 : i32 to index
        %swap3A_159 = arith.constant 48 : index
        %swap3A_160 = tpu.vector_load %arg11[%swap3A_158, %swap3A_159] {strides = array<i32>} : memref<80x64xf32, #tpu.memory_space<vmem>>, vector<16xf32>,
        tpu.vector_store %arg11[%swap3A_158, %swap3A_159], %mul3A_157 {strides = array<i32>} : memref<80x64xf32, #tpu.memory_space<vmem>>, vector<16xf32>,
        %scan3A_161 = arith.constant 0 : i32
        scf.yield %scan3A_161 : i32
      }
      %scan3A_119 = arith.constant 80 : i32
      "tpu.region"() ({
        %run_scoped3A = tpu.sem_alloc : memref<!tpu.dma_semaphore, #tpu.memory_space<semaphore_mem>>
        %dma_start3A_121 = arith.constant 0 : i32
        %dma_start3A_122 = tpu.memref_slice %arg9[%add3A_67, %dma_start3A_121] : memref<250x80xi32, #tpu.memory_space<vmem>> -> memref<1x80xi32, #tpu.memory_space<vmem>>
        %dma_start3A_123 = tpu.memref_squeeze %dma_start3A_122 : memref<1x80xi32, #tpu.memory_space<vmem>> -> memref<80xi32, #tpu.memory_space<vmem>>
        %dma_start3A_124 = arith.constant 0 : i32
        %dma_start3A_125 = arith.constant 0 : i32
        %dma_start3A_126 = tpu.memref_slice %arg15[%dma_start3A_124, %dma_start3A_125] : memref<10240x64xf32, #tpu.memory_space<vmem_shared>> -> memref<10240x64xf32, #tpu.memory_space<vmem_shared>>
        tpu.enqueue_indirect_dma source(%arg11 : memref<80x64xf32, #tpu.memory_space<vmem>>) target(%dma_start3A_126 : memref<10240x64xf32, #tpu.memory_space<vmem_shared>>) offsets(%dma_start3A_123 : memref<80xi32, #tpu.memory_space<vmem>>) semaphore(%run_scoped3A : memref<!tpu.dma_semaphore, #tpu.memory_space<semaphore_mem>>) {add = true}
        %dma_wait3A_127 = arith.constant 0 : i32
        %dma_wait3A_128 = tpu.memref_slice %arg9[%add3A_67, %dma_wait3A_127] : memref<250x80xi32, #tpu.memory_space<vmem>> -> memref<1x80xi32, #tpu.memory_space<vmem>>
        %dma_wait3A_129 = tpu.memref_squeeze %dma_wait3A_128 : memref<1x80xi32, #tpu.memory_space<vmem>> -> memref<80xi32, #tpu.memory_space<vmem>>
        %dma_wait3A_130 = arith.constant 0 : i32
        %dma_wait3A_131 = arith.constant 0 : i32
        %dma_wait3A_132 = tpu.memref_slice %arg15[%dma_wait3A_130, %dma_wait3A_131] : memref<10240x64xf32, #tpu.memory_space<vmem_shared>> -> memref<10240x64xf32, #tpu.memory_space<vmem_shared>>
        tpu.wait_indirect_dma semaphore(%run_scoped3A : memref<!tpu.dma_semaphore, #tpu.memory_space<semaphore_mem>>) src(%arg11 : memref<80x64xf32, #tpu.memory_space<vmem>>) dst(%dma_wait3A_132 : memref<10240x64xf32, #tpu.memory_space<vmem_shared>>)
        tpu.yield
      }) : () -> ()
      %scan3A_120 = arith.constant 0 : i32
      scf.yield %scan3A_120 : i32
    }
    %scan3A_51 = arith.constant 125 : i32
    %barrier3A_52 = arith.constant 0 : index
    tpu.barrier barrier_id(%barrier3A_52)
    %mul3A_53 = arith.constant 640 : i32
    %mul3A_54 = arith.muli %arg1, %mul3A_53 : i32
    %eq3A = arith.constant 0 : i32
    %eq3A_55 = arith.cmpi eq, %arg0, %eq3A : i32
    %convert_element_type3A = arith.extui %eq3A_55 : i1 to i32
    %cond3A = arith.constant 0 : i32
    %cond3A_56 = arith.cmpi ne, %convert_element_type3A, %cond3A : i32
    scf.if %cond3A_56 {
      "tpu.region"() ({
        %run_scoped3A = tpu.sem_alloc : memref<!tpu.dma_semaphore, #tpu.memory_space<semaphore_mem>>
        %dma_start3A_62 = arith.constant 0 : i32
        %dma_start3A_63 = tpu.memref_slice %arg6[%mul3A_54, %dma_start3A_62] : memref<10240x64xf32, #tpu.memory_space<hbm>> -> memref<640x64xf32, #tpu.memory_space<hbm>>
        %dma_start3A_64 = arith.constant 0 : i32
        %dma_start3A_65 = tpu.memref_slice %arg15[%mul3A_54, %dma_start3A_64] : memref<10240x64xf32, #tpu.memory_space<vmem_shared>> -> memref<640x64xf32, #tpu.memory_space<vmem_shared>>
        tpu.enqueue_dma source(%dma_start3A_65 : memref<640x64xf32, #tpu.memory_space<vmem_shared>>) target(%dma_start3A_63 : memref<640x64xf32, #tpu.memory_space<hbm>>) target_semaphore(%run_scoped3A : memref<!tpu.dma_semaphore, #tpu.memory_space<semaphore_mem>>)
        %dma_wait3A = arith.constant 0 : i32
        %dma_wait3A_66 = tpu.memref_slice %arg6[%mul3A_54, %dma_wait3A] : memref<10240x64xf32, #tpu.memory_space<hbm>> -> memref<640x64xf32, #tpu.memory_space<hbm>>
        %dma_wait3A_67 = arith.constant 0 : i32
        %dma_wait3A_68 = tpu.memref_slice %arg15[%mul3A_54, %dma_wait3A_67] : memref<10240x64xf32, #tpu.memory_space<vmem_shared>> -> memref<640x64xf32, #tpu.memory_space<vmem_shared>>
        tpu.wait_dma2 semaphore(%run_scoped3A : memref<!tpu.dma_semaphore, #tpu.memory_space<semaphore_mem>>) src(%dma_wait3A_68 : memref<640x64xf32, #tpu.memory_space<vmem_shared>>) dst(%dma_wait3A_66 : memref<640x64xf32, #tpu.memory_space<hbm>>)
        tpu.yield
      }) : () -> ()
    } else {
    }
    %eq3A_57 = arith.constant 1 : i32
    %eq3A_58 = arith.cmpi eq, %arg0, %eq3A_57 : i32
    %convert_element_type3A_59 = arith.extui %eq3A_58 : i1 to i32
    %cond3A_60 = arith.constant 0 : i32
    %cond3A_61 = arith.cmpi ne, %convert_element_type3A_59, %cond3A_60 : i32
    scf.if %cond3A_61 {
      "tpu.region"() ({
        %run_scoped3A = tpu.sem_alloc : memref<!tpu.dma_semaphore, #tpu.memory_space<semaphore_mem>>
        %dma_start3A_62 = arith.constant 0 : i32
        %dma_start3A_63 = tpu.memref_slice %arg7[%mul3A_54, %dma_start3A_62] : memref<10240x64xf32, #tpu.memory_space<hbm>> -> memref<640x64xf32, #tpu.memory_space<hbm>>
        %dma_start3A_64 = arith.constant 0 : i32
        %dma_start3A_65 = tpu.memref_slice %arg15[%mul3A_54, %dma_start3A_64] : memref<10240x64xf32, #tpu.memory_space<vmem_shared>> -> memref<640x64xf32, #tpu.memory_space<vmem_shared>>
        tpu.enqueue_dma source(%dma_start3A_65 : memref<640x64xf32, #tpu.memory_space<vmem_shared>>) target(%dma_start3A_63 : memref<640x64xf32, #tpu.memory_space<hbm>>) target_semaphore(%run_scoped3A : memref<!tpu.dma_semaphore, #tpu.memory_space<semaphore_mem>>)
        %dma_wait3A = arith.constant 0 : i32
        %dma_wait3A_66 = tpu.memref_slice %arg7[%mul3A_54, %dma_wait3A] : memref<10240x64xf32, #tpu.memory_space<hbm>> -> memref<640x64xf32, #tpu.memory_space<hbm>>
        %dma_wait3A_67 = arith.constant 0 : i32
        %dma_wait3A_68 = tpu.memref_slice %arg15[%mul3A_54, %dma_wait3A_67] : memref<10240x64xf32, #tpu.memory_space<vmem_shared>> -> memref<640x64xf32, #tpu.memory_space<vmem_shared>>
        tpu.wait_dma2 semaphore(%run_scoped3A : memref<!tpu.dma_semaphore, #tpu.memory_space<semaphore_mem>>) src(%dma_wait3A_68 : memref<640x64xf32, #tpu.memory_space<vmem_shared>>) dst(%dma_wait3A_66 : memref<640x64xf32, #tpu.memory_space<hbm>>)
        tpu.yield
      }) : () -> ()
    } else {
    }
    return
  }
}

#map = affine_map<(d0, d1) -> (0)>
#map1 = affine_map<(d0, d1) -> (0, 0)>
module attributes {stable_mosaic.version = 14 : i64} {
  func.func @_sc_pre(%arg0: i32, %arg1: i32, %arg2: memref<10240xi32, #tpu.memory_space<hbm>>, %arg3: memref<10000xf32, #tpu.memory_space<hbm>>, %arg4: memref<10000xf32, #tpu.memory_space<hbm>>, %arg5: memref<10000xf32, #tpu.memory_space<hbm>>, %arg6: memref<320000xi32, #tpu.memory_space<hbm>>, %arg7: memref<320000xi32, #tpu.memory_space<hbm>>, %arg8: memref<100x128xf32, #tpu.memory_space<hbm>>, %arg9: memref<10240x128xf32, #tpu.memory_space<hbm>>, %arg10: memref<320000xf32, #tpu.memory_space<hbm>>, %arg11: memref<320xi32, #tpu.memory_space<vmem>>, %arg12: memref<80x128xf32, #tpu.memory_space<vmem>>, %arg13: memref<10000xf32, #tpu.memory_space<vmem>>, %arg14: memref<10000xf32, #tpu.memory_space<vmem>>, %arg15: memref<10000xf32, #tpu.memory_space<vmem>>, %arg16: memref<10000xi32, #tpu.memory_space<vmem>>, %arg17: memref<10000xi32, #tpu.memory_space<vmem>>, %arg18: memref<10000xf32, #tpu.memory_space<vmem>>, %arg19: memref<!tpu.dma_semaphore, #tpu.memory_space<semaphore_mem>>) attributes {dimension_semantics = [#tpu.dimension_semantics<core_parallel>, #tpu.dimension_semantics<subcore_parallel>], iteration_bounds = array<i64: 2, 16>, scalar_prefetch = 0 : i64, scratch_operands = 9 : i64, tpu.core_type = #tpu.core_type<sc_vector_subcore>, window_params = [{transform_indices = #map}, {transform_indices = #map}, {transform_indices = #map}, {transform_indices = #map}, {transform_indices = #map}, {transform_indices = #map}, {transform_indices = #map1}, {transform_indices = #map1}, {transform_indices = #map}]} {
    %mul3A = arith.constant 2 : i32
    %mul3A_0 = arith.muli %arg1, %mul3A : i32
    %add3A = arith.addi %mul3A_0, %arg0 : i32
    %mul3A_1 = arith.constant 320 : i32
    %mul3A_2 = arith.muli %add3A, %mul3A_1 : i32
    "tpu.region"() ({
      %run_scoped3A = tpu.sem_alloc : memref<!tpu.dma_semaphore, #tpu.memory_space<semaphore_mem>>
      %dma_start3A_65 = tpu.memref_slice %arg2[%mul3A_2] : memref<10240xi32, #tpu.memory_space<hbm>> -> memref<320xi32, #tpu.memory_space<hbm>>
      %dma_start3A_66 = tpu.memref_slice %arg2[%mul3A_2] : memref<10240xi32, #tpu.memory_space<hbm>> -> memref<320xi32, #tpu.memory_space<hbm>>
      tpu.enqueue_dma source(%dma_start3A_66 : memref<320xi32, #tpu.memory_space<hbm>>) target(%arg11 : memref<320xi32, #tpu.memory_space<vmem>>) target_semaphore(%run_scoped3A : memref<!tpu.dma_semaphore, #tpu.memory_space<semaphore_mem>>)
      %dma_wait3A_67 = tpu.memref_slice %arg2[%mul3A_2] : memref<10240xi32, #tpu.memory_space<hbm>> -> memref<320xi32, #tpu.memory_space<hbm>>
      %dma_wait3A_68 = tpu.memref_slice %arg2[%mul3A_2] : memref<10240xi32, #tpu.memory_space<hbm>> -> memref<320xi32, #tpu.memory_space<hbm>>
      tpu.wait_dma2 semaphore(%run_scoped3A : memref<!tpu.dma_semaphore, #tpu.memory_space<semaphore_mem>>) src(%dma_wait3A_68 : memref<320xi32, #tpu.memory_space<hbm>>) dst(%arg11 : memref<320xi32, #tpu.memory_space<vmem>>)
      tpu.yield
    }) : () -> ()
    %dma_start3A = arith.constant 0 : i32
    %dma_start3A_3 = tpu.memref_slice %arg11[%dma_start3A] : memref<320xi32, #tpu.memory_space<vmem>> -> memref<80xi32, #tpu.memory_space<vmem>>
    %dma_start3A_4 = arith.constant 0 : i32
    %dma_start3A_5 = arith.constant 0 : i32
    %dma_start3A_6 = tpu.memref_slice %arg8[%dma_start3A_4, %dma_start3A_5] : memref<100x128xf32, #tpu.memory_space<hbm>> -> memref<100x128xf32, #tpu.memory_space<hbm>>
    tpu.enqueue_indirect_dma source(%dma_start3A_6 : memref<100x128xf32, #tpu.memory_space<hbm>>) target(%arg12 : memref<80x128xf32, #tpu.memory_space<vmem>>) offsets(%dma_start3A_3 : memref<80xi32, #tpu.memory_space<vmem>>) semaphore(%arg19 : memref<!tpu.dma_semaphore, #tpu.memory_space<semaphore_mem>>)
    %dma_wait3A = arith.constant 0 : i32
    %dma_wait3A_7 = tpu.memref_slice %arg11[%dma_wait3A] : memref<320xi32, #tpu.memory_space<vmem>> -> memref<80xi32, #tpu.memory_space<vmem>>
    %dma_wait3A_8 = arith.constant 0 : i32
    %dma_wait3A_9 = arith.constant 0 : i32
    %dma_wait3A_10 = tpu.memref_slice %arg8[%dma_wait3A_8, %dma_wait3A_9] : memref<100x128xf32, #tpu.memory_space<hbm>> -> memref<100x128xf32, #tpu.memory_space<hbm>>
    tpu.wait_indirect_dma semaphore(%arg19 : memref<!tpu.dma_semaphore, #tpu.memory_space<semaphore_mem>>) src(%dma_wait3A_10 : memref<100x128xf32, #tpu.memory_space<hbm>>) dst(%arg12 : memref<80x128xf32, #tpu.memory_space<vmem>>)
    %mul3A_11 = arith.constant 320 : i32
    %mul3A_12 = arith.muli %add3A, %mul3A_11 : i32
    %add3A_13 = arith.constant 0 : i32
    %add3A_14 = arith.addi %mul3A_12, %add3A_13 : i32
    "tpu.region"() ({
      %run_scoped3A = tpu.sem_alloc : memref<!tpu.dma_semaphore, #tpu.memory_space<semaphore_mem>>
      %dma_start3A_65 = arith.constant 0 : i32
      %dma_start3A_66 = tpu.memref_slice %arg9[%add3A_14, %dma_start3A_65] : memref<10240x128xf32, #tpu.memory_space<hbm>> -> memref<80x128xf32, #tpu.memory_space<hbm>>
      %dma_start3A_67 = arith.constant 0 : i32
      %dma_start3A_68 = tpu.memref_slice %arg9[%add3A_14, %dma_start3A_67] : memref<10240x128xf32, #tpu.memory_space<hbm>> -> memref<80x128xf32, #tpu.memory_space<hbm>>
      tpu.enqueue_dma source(%arg12 : memref<80x128xf32, #tpu.memory_space<vmem>>) target(%dma_start3A_68 : memref<80x128xf32, #tpu.memory_space<hbm>>) target_semaphore(%run_scoped3A : memref<!tpu.dma_semaphore, #tpu.memory_space<semaphore_mem>>)
      %dma_wait3A_69 = arith.constant 0 : i32
      %dma_wait3A_70 = tpu.memref_slice %arg9[%add3A_14, %dma_wait3A_69] : memref<10240x128xf32, #tpu.memory_space<hbm>> -> memref<80x128xf32, #tpu.memory_space<hbm>>
      %dma_wait3A_71 = arith.constant 0 : i32
      %dma_wait3A_72 = tpu.memref_slice %arg9[%add3A_14, %dma_wait3A_71] : memref<10240x128xf32, #tpu.memory_space<hbm>> -> memref<80x128xf32, #tpu.memory_space<hbm>>
      tpu.wait_dma2 semaphore(%run_scoped3A : memref<!tpu.dma_semaphore, #tpu.memory_space<semaphore_mem>>) src(%arg12 : memref<80x128xf32, #tpu.memory_space<vmem>>) dst(%dma_wait3A_72 : memref<80x128xf32, #tpu.memory_space<hbm>>)
      tpu.yield
    }) : () -> ()
    %dma_start3A_15 = arith.constant 80 : i32
    %dma_start3A_16 = tpu.memref_slice %arg11[%dma_start3A_15] : memref<320xi32, #tpu.memory_space<vmem>> -> memref<80xi32, #tpu.memory_space<vmem>>
    %dma_start3A_17 = arith.constant 0 : i32
    %dma_start3A_18 = arith.constant 0 : i32
    %dma_start3A_19 = tpu.memref_slice %arg8[%dma_start3A_17, %dma_start3A_18] : memref<100x128xf32, #tpu.memory_space<hbm>> -> memref<100x128xf32, #tpu.memory_space<hbm>>
    tpu.enqueue_indirect_dma source(%dma_start3A_19 : memref<100x128xf32, #tpu.memory_space<hbm>>) target(%arg12 : memref<80x128xf32, #tpu.memory_space<vmem>>) offsets(%dma_start3A_16 : memref<80xi32, #tpu.memory_space<vmem>>) semaphore(%arg19 : memref<!tpu.dma_semaphore, #tpu.memory_space<semaphore_mem>>)
    %dma_wait3A_20 = arith.constant 80 : i32
    %dma_wait3A_21 = tpu.memref_slice %arg11[%dma_wait3A_20] : memref<320xi32, #tpu.memory_space<vmem>> -> memref<80xi32, #tpu.memory_space<vmem>>
    %dma_wait3A_22 = arith.constant 0 : i32
    %dma_wait3A_23 = arith.constant 0 : i32
    %dma_wait3A_24 = tpu.memref_slice %arg8[%dma_wait3A_22, %dma_wait3A_23] : memref<100x128xf32, #tpu.memory_space<hbm>> -> memref<100x128xf32, #tpu.memory_space<hbm>>
    tpu.wait_indirect_dma semaphore(%arg19 : memref<!tpu.dma_semaphore, #tpu.memory_space<semaphore_mem>>) src(%dma_wait3A_24 : memref<100x128xf32, #tpu.memory_space<hbm>>) dst(%arg12 : memref<80x128xf32, #tpu.memory_space<vmem>>)
    %mul3A_25 = arith.constant 320 : i32
    %mul3A_26 = arith.muli %add3A, %mul3A_25 : i32
    %add3A_27 = arith.constant 80 : i32
    %add3A_28 = arith.addi %mul3A_26, %add3A_27 : i32
    "tpu.region"() ({
      %run_scoped3A = tpu.sem_alloc : memref<!tpu.dma_semaphore, #tpu.memory_space<semaphore_mem>>
      %dma_start3A_65 = arith.constant 0 : i32
      %dma_start3A_66 = tpu.memref_slice %arg9[%add3A_28, %dma_start3A_65] : memref<10240x128xf32, #tpu.memory_space<hbm>> -> memref<80x128xf32, #tpu.memory_space<hbm>>
      %dma_start3A_67 = arith.constant 0 : i32
      %dma_start3A_68 = tpu.memref_slice %arg9[%add3A_28, %dma_start3A_67] : memref<10240x128xf32, #tpu.memory_space<hbm>> -> memref<80x128xf32, #tpu.memory_space<hbm>>
      tpu.enqueue_dma source(%arg12 : memref<80x128xf32, #tpu.memory_space<vmem>>) target(%dma_start3A_68 : memref<80x128xf32, #tpu.memory_space<hbm>>) target_semaphore(%run_scoped3A : memref<!tpu.dma_semaphore, #tpu.memory_space<semaphore_mem>>)
      %dma_wait3A_69 = arith.constant 0 : i32
      %dma_wait3A_70 = tpu.memref_slice %arg9[%add3A_28, %dma_wait3A_69] : memref<10240x128xf32, #tpu.memory_space<hbm>> -> memref<80x128xf32, #tpu.memory_space<hbm>>
      %dma_wait3A_71 = arith.constant 0 : i32
      %dma_wait3A_72 = tpu.memref_slice %arg9[%add3A_28, %dma_wait3A_71] : memref<10240x128xf32, #tpu.memory_space<hbm>> -> memref<80x128xf32, #tpu.memory_space<hbm>>
      tpu.wait_dma2 semaphore(%run_scoped3A : memref<!tpu.dma_semaphore, #tpu.memory_space<semaphore_mem>>) src(%arg12 : memref<80x128xf32, #tpu.memory_space<vmem>>) dst(%dma_wait3A_72 : memref<80x128xf32, #tpu.memory_space<hbm>>)
      tpu.yield
    }) : () -> ()
    %dma_start3A_29 = arith.constant 160 : i32
    %dma_start3A_30 = tpu.memref_slice %arg11[%dma_start3A_29] : memref<320xi32, #tpu.memory_space<vmem>> -> memref<80xi32, #tpu.memory_space<vmem>>
    %dma_start3A_31 = arith.constant 0 : i32
    %dma_start3A_32 = arith.constant 0 : i32
    %dma_start3A_33 = tpu.memref_slice %arg8[%dma_start3A_31, %dma_start3A_32] : memref<100x128xf32, #tpu.memory_space<hbm>> -> memref<100x128xf32, #tpu.memory_space<hbm>>
    tpu.enqueue_indirect_dma source(%dma_start3A_33 : memref<100x128xf32, #tpu.memory_space<hbm>>) target(%arg12 : memref<80x128xf32, #tpu.memory_space<vmem>>) offsets(%dma_start3A_30 : memref<80xi32, #tpu.memory_space<vmem>>) semaphore(%arg19 : memref<!tpu.dma_semaphore, #tpu.memory_space<semaphore_mem>>)
    %dma_wait3A_34 = arith.constant 160 : i32
    %dma_wait3A_35 = tpu.memref_slice %arg11[%dma_wait3A_34] : memref<320xi32, #tpu.memory_space<vmem>> -> memref<80xi32, #tpu.memory_space<vmem>>
    %dma_wait3A_36 = arith.constant 0 : i32
    %dma_wait3A_37 = arith.constant 0 : i32
    %dma_wait3A_38 = tpu.memref_slice %arg8[%dma_wait3A_36, %dma_wait3A_37] : memref<100x128xf32, #tpu.memory_space<hbm>> -> memref<100x128xf32, #tpu.memory_space<hbm>>
    tpu.wait_indirect_dma semaphore(%arg19 : memref<!tpu.dma_semaphore, #tpu.memory_space<semaphore_mem>>) src(%dma_wait3A_38 : memref<100x128xf32, #tpu.memory_space<hbm>>) dst(%arg12 : memref<80x128xf32, #tpu.memory_space<vmem>>)
    %mul3A_39 = arith.constant 320 : i32
    %mul3A_40 = arith.muli %add3A, %mul3A_39 : i32
    %add3A_41 = arith.constant 160 : i32
    %add3A_42 = arith.addi %mul3A_40, %add3A_41 : i32
    "tpu.region"() ({
      %run_scoped3A = tpu.sem_alloc : memref<!tpu.dma_semaphore, #tpu.memory_space<semaphore_mem>>
      %dma_start3A_65 = arith.constant 0 : i32
      %dma_start3A_66 = tpu.memref_slice %arg9[%add3A_42, %dma_start3A_65] : memref<10240x128xf32, #tpu.memory_space<hbm>> -> memref<80x128xf32, #tpu.memory_space<hbm>>
      %dma_start3A_67 = arith.constant 0 : i32
      %dma_start3A_68 = tpu.memref_slice %arg9[%add3A_42, %dma_start3A_67] : memref<10240x128xf32, #tpu.memory_space<hbm>> -> memref<80x128xf32, #tpu.memory_space<hbm>>
      tpu.enqueue_dma source(%arg12 : memref<80x128xf32, #tpu.memory_space<vmem>>) target(%dma_start3A_68 : memref<80x128xf32, #tpu.memory_space<hbm>>) target_semaphore(%run_scoped3A : memref<!tpu.dma_semaphore, #tpu.memory_space<semaphore_mem>>)
      %dma_wait3A_69 = arith.constant 0 : i32
      %dma_wait3A_70 = tpu.memref_slice %arg9[%add3A_42, %dma_wait3A_69] : memref<10240x128xf32, #tpu.memory_space<hbm>> -> memref<80x128xf32, #tpu.memory_space<hbm>>
      %dma_wait3A_71 = arith.constant 0 : i32
      %dma_wait3A_72 = tpu.memref_slice %arg9[%add3A_42, %dma_wait3A_71] : memref<10240x128xf32, #tpu.memory_space<hbm>> -> memref<80x128xf32, #tpu.memory_space<hbm>>
      tpu.wait_dma2 semaphore(%run_scoped3A : memref<!tpu.dma_semaphore, #tpu.memory_space<semaphore_mem>>) src(%arg12 : memref<80x128xf32, #tpu.memory_space<vmem>>) dst(%dma_wait3A_72 : memref<80x128xf32, #tpu.memory_space<hbm>>)
      tpu.yield
    }) : () -> ()
    %dma_start3A_43 = arith.constant 240 : i32
    %dma_start3A_44 = tpu.memref_slice %arg11[%dma_start3A_43] : memref<320xi32, #tpu.memory_space<vmem>> -> memref<80xi32, #tpu.memory_space<vmem>>
    %dma_start3A_45 = arith.constant 0 : i32
    %dma_start3A_46 = arith.constant 0 : i32
    %dma_start3A_47 = tpu.memref_slice %arg8[%dma_start3A_45, %dma_start3A_46] : memref<100x128xf32, #tpu.memory_space<hbm>> -> memref<100x128xf32, #tpu.memory_space<hbm>>
    tpu.enqueue_indirect_dma source(%dma_start3A_47 : memref<100x128xf32, #tpu.memory_space<hbm>>) target(%arg12 : memref<80x128xf32, #tpu.memory_space<vmem>>) offsets(%dma_start3A_44 : memref<80xi32, #tpu.memory_space<vmem>>) semaphore(%arg19 : memref<!tpu.dma_semaphore, #tpu.memory_space<semaphore_mem>>)
    %dma_wait3A_48 = arith.constant 240 : i32
    %dma_wait3A_49 = tpu.memref_slice %arg11[%dma_wait3A_48] : memref<320xi32, #tpu.memory_space<vmem>> -> memref<80xi32, #tpu.memory_space<vmem>>
    %dma_wait3A_50 = arith.constant 0 : i32
    %dma_wait3A_51 = arith.constant 0 : i32
    %dma_wait3A_52 = tpu.memref_slice %arg8[%dma_wait3A_50, %dma_wait3A_51] : memref<100x128xf32, #tpu.memory_space<hbm>> -> memref<100x128xf32, #tpu.memory_space<hbm>>
    tpu.wait_indirect_dma semaphore(%arg19 : memref<!tpu.dma_semaphore, #tpu.memory_space<semaphore_mem>>) src(%dma_wait3A_52 : memref<100x128xf32, #tpu.memory_space<hbm>>) dst(%arg12 : memref<80x128xf32, #tpu.memory_space<vmem>>)
    %mul3A_53 = arith.constant 320 : i32
    %mul3A_54 = arith.muli %add3A, %mul3A_53 : i32
    %add3A_55 = arith.constant 240 : i32
    %add3A_56 = arith.addi %mul3A_54, %add3A_55 : i32
    "tpu.region"() ({
      %run_scoped3A = tpu.sem_alloc : memref<!tpu.dma_semaphore, #tpu.memory_space<semaphore_mem>>
      %dma_start3A_65 = arith.constant 0 : i32
      %dma_start3A_66 = tpu.memref_slice %arg9[%add3A_56, %dma_start3A_65] : memref<10240x128xf32, #tpu.memory_space<hbm>> -> memref<80x128xf32, #tpu.memory_space<hbm>>
      %dma_start3A_67 = arith.constant 0 : i32
      %dma_start3A_68 = tpu.memref_slice %arg9[%add3A_56, %dma_start3A_67] : memref<10240x128xf32, #tpu.memory_space<hbm>> -> memref<80x128xf32, #tpu.memory_space<hbm>>
      tpu.enqueue_dma source(%arg12 : memref<80x128xf32, #tpu.memory_space<vmem>>) target(%dma_start3A_68 : memref<80x128xf32, #tpu.memory_space<hbm>>) target_semaphore(%run_scoped3A : memref<!tpu.dma_semaphore, #tpu.memory_space<semaphore_mem>>)
      %dma_wait3A_69 = arith.constant 0 : i32
      %dma_wait3A_70 = tpu.memref_slice %arg9[%add3A_56, %dma_wait3A_69] : memref<10240x128xf32, #tpu.memory_space<hbm>> -> memref<80x128xf32, #tpu.memory_space<hbm>>
      %dma_wait3A_71 = arith.constant 0 : i32
      %dma_wait3A_72 = tpu.memref_slice %arg9[%add3A_56, %dma_wait3A_71] : memref<10240x128xf32, #tpu.memory_space<hbm>> -> memref<80x128xf32, #tpu.memory_space<hbm>>
      tpu.wait_dma2 semaphore(%run_scoped3A : memref<!tpu.dma_semaphore, #tpu.memory_space<semaphore_mem>>) src(%arg12 : memref<80x128xf32, #tpu.memory_space<vmem>>) dst(%dma_wait3A_72 : memref<80x128xf32, #tpu.memory_space<hbm>>)
      tpu.yield
    }) : () -> ()
    "tpu.region"() ({
      %run_scoped3A = tpu.sem_alloc : memref<!tpu.dma_semaphore, #tpu.memory_space<semaphore_mem>>
      tpu.enqueue_dma source(%arg3 : memref<10000xf32, #tpu.memory_space<hbm>>) target(%arg13 : memref<10000xf32, #tpu.memory_space<vmem>>) target_semaphore(%run_scoped3A : memref<!tpu.dma_semaphore, #tpu.memory_space<semaphore_mem>>)
      tpu.wait_dma2 semaphore(%run_scoped3A : memref<!tpu.dma_semaphore, #tpu.memory_space<semaphore_mem>>) src(%arg3 : memref<10000xf32, #tpu.memory_space<hbm>>) dst(%arg13 : memref<10000xf32, #tpu.memory_space<vmem>>)
      tpu.yield
    }) : () -> ()
    "tpu.region"() ({
      %run_scoped3A = tpu.sem_alloc : memref<!tpu.dma_semaphore, #tpu.memory_space<semaphore_mem>>
      tpu.enqueue_dma source(%arg4 : memref<10000xf32, #tpu.memory_space<hbm>>) target(%arg14 : memref<10000xf32, #tpu.memory_space<vmem>>) target_semaphore(%run_scoped3A : memref<!tpu.dma_semaphore, #tpu.memory_space<semaphore_mem>>)
      tpu.wait_dma2 semaphore(%run_scoped3A : memref<!tpu.dma_semaphore, #tpu.memory_space<semaphore_mem>>) src(%arg4 : memref<10000xf32, #tpu.memory_space<hbm>>) dst(%arg14 : memref<10000xf32, #tpu.memory_space<vmem>>)
      tpu.yield
    }) : () -> ()
    "tpu.region"() ({
      %run_scoped3A = tpu.sem_alloc : memref<!tpu.dma_semaphore, #tpu.memory_space<semaphore_mem>>
      tpu.enqueue_dma source(%arg5 : memref<10000xf32, #tpu.memory_space<hbm>>) target(%arg15 : memref<10000xf32, #tpu.memory_space<vmem>>) target_semaphore(%run_scoped3A : memref<!tpu.dma_semaphore, #tpu.memory_space<semaphore_mem>>)
      tpu.wait_dma2 semaphore(%run_scoped3A : memref<!tpu.dma_semaphore, #tpu.memory_space<semaphore_mem>>) src(%arg5 : memref<10000xf32, #tpu.memory_space<hbm>>) dst(%arg15 : memref<10000xf32, #tpu.memory_space<vmem>>)
      tpu.yield
    }) : () -> ()
    %mul3A_57 = arith.constant 10000 : i32
    %mul3A_58 = arith.muli %add3A, %mul3A_57 : i32
    "tpu.region"() ({
      %run_scoped3A = tpu.sem_alloc : memref<!tpu.dma_semaphore, #tpu.memory_space<semaphore_mem>>
      %dma_start3A_65 = tpu.memref_slice %arg6[%mul3A_58] : memref<320000xi32, #tpu.memory_space<hbm>> -> memref<10000xi32, #tpu.memory_space<hbm>>
      %dma_start3A_66 = tpu.memref_slice %arg6[%mul3A_58] : memref<320000xi32, #tpu.memory_space<hbm>> -> memref<10000xi32, #tpu.memory_space<hbm>>
      tpu.enqueue_dma source(%dma_start3A_66 : memref<10000xi32, #tpu.memory_space<hbm>>) target(%arg16 : memref<10000xi32, #tpu.memory_space<vmem>>) target_semaphore(%run_scoped3A : memref<!tpu.dma_semaphore, #tpu.memory_space<semaphore_mem>>)
      %dma_wait3A_67 = tpu.memref_slice %arg6[%mul3A_58] : memref<320000xi32, #tpu.memory_space<hbm>> -> memref<10000xi32, #tpu.memory_space<hbm>>
      %dma_wait3A_68 = tpu.memref_slice %arg6[%mul3A_58] : memref<320000xi32, #tpu.memory_space<hbm>> -> memref<10000xi32, #tpu.memory_space<hbm>>
      tpu.wait_dma2 semaphore(%run_scoped3A : memref<!tpu.dma_semaphore, #tpu.memory_space<semaphore_mem>>) src(%dma_wait3A_68 : memref<10000xi32, #tpu.memory_space<hbm>>) dst(%arg16 : memref<10000xi32, #tpu.memory_space<vmem>>)
      tpu.yield
    }) : () -> ()
    "tpu.region"() ({
      %run_scoped3A = tpu.sem_alloc : memref<!tpu.dma_semaphore, #tpu.memory_space<semaphore_mem>>
      %dma_start3A_65 = tpu.memref_slice %arg7[%mul3A_58] : memref<320000xi32, #tpu.memory_space<hbm>> -> memref<10000xi32, #tpu.memory_space<hbm>>
      %dma_start3A_66 = tpu.memref_slice %arg7[%mul3A_58] : memref<320000xi32, #tpu.memory_space<hbm>> -> memref<10000xi32, #tpu.memory_space<hbm>>
      tpu.enqueue_dma source(%dma_start3A_66 : memref<10000xi32, #tpu.memory_space<hbm>>) target(%arg17 : memref<10000xi32, #tpu.memory_space<vmem>>) target_semaphore(%run_scoped3A : memref<!tpu.dma_semaphore, #tpu.memory_space<semaphore_mem>>)
      %dma_wait3A_67 = tpu.memref_slice %arg7[%mul3A_58] : memref<320000xi32, #tpu.memory_space<hbm>> -> memref<10000xi32, #tpu.memory_space<hbm>>
      %dma_wait3A_68 = tpu.memref_slice %arg7[%mul3A_58] : memref<320000xi32, #tpu.memory_space<hbm>> -> memref<10000xi32, #tpu.memory_space<hbm>>
      tpu.wait_dma2 semaphore(%run_scoped3A : memref<!tpu.dma_semaphore, #tpu.memory_space<semaphore_mem>>) src(%dma_wait3A_68 : memref<10000xi32, #tpu.memory_space<hbm>>) dst(%arg17 : memref<10000xi32, #tpu.memory_space<vmem>>)
      tpu.yield
    }) : () -> ()
    %scan3A = arith.constant 0 : i32
    %scan3A_59 = arith.constant 0 : i32
    %scan3A_60 = arith.constant 625 : i32
    %scan3A_61 = arith.addi %scan3A_59, %scan3A_60 : i32
    %scan3A_62 = arith.constant 1 : i32
    %scan3A_63 = scf.for %scan3A_65 = %scan3A_59 to %scan3A_61 step %scan3A_62 iter_args(%scan3A_66 = %scan3A) -> (i32)  : i32 {
      %mul3A_67 = arith.constant 16 : i32
      %mul3A_68 = arith.muli %scan3A_65, %mul3A_67 : i32
      %get3A = arith.index_cast %mul3A_68 : i32 to index
      %get3A_69 = tpu.vector_load %arg16[%get3A] {strides = array<i32>} : memref<10000xi32, #tpu.memory_space<vmem>>, vector<16xi32>,
      %get3A_70 = arith.index_cast %mul3A_68 : i32 to index
      %get3A_71 = tpu.vector_load %arg17[%get3A_70] {strides = array<i32>} : memref<10000xi32, #tpu.memory_space<vmem>>, vector<16xi32>,
      %gather3A = tpu.vector_load_idx %arg13[%get3A_71] : memref<10000xf32, #tpu.memory_space<vmem>>[vector<16xi32>], vector<16xf32>,
      %gather3A_72 = tpu.vector_load_idx %arg13[%get3A_69] : memref<10000xf32, #tpu.memory_space<vmem>>[vector<16xi32>], vector<16xf32>,
      %sub3A = arith.subf %gather3A, %gather3A_72 : vector<16xf32>
      %gather3A_73 = tpu.vector_load_idx %arg14[%get3A_71] : memref<10000xf32, #tpu.memory_space<vmem>>[vector<16xi32>], vector<16xf32>,
      %gather3A_74 = tpu.vector_load_idx %arg14[%get3A_69] : memref<10000xf32, #tpu.memory_space<vmem>>[vector<16xi32>], vector<16xf32>,
      %sub3A_75 = arith.subf %gather3A_73, %gather3A_74 : vector<16xf32>
      %gather3A_76 = tpu.vector_load_idx %arg15[%get3A_71] : memref<10000xf32, #tpu.memory_space<vmem>>[vector<16xi32>], vector<16xf32>,
      %gather3A_77 = tpu.vector_load_idx %arg15[%get3A_69] : memref<10000xf32, #tpu.memory_space<vmem>>[vector<16xi32>], vector<16xf32>,
      %sub3A_78 = arith.subf %gather3A_76, %gather3A_77 : vector<16xf32>
      %mul3A_79 = arith.mulf %sub3A, %sub3A : vector<16xf32>
      %mul3A_80 = arith.mulf %sub3A_75, %sub3A_75 : vector<16xf32>
      %add3A_81 = arith.addf %mul3A_79, %mul3A_80 : vector<16xf32>
      %mul3A_82 = arith.mulf %sub3A_78, %sub3A_78 : vector<16xf32>
      %add3A_83 = arith.addf %add3A_81, %mul3A_82 : vector<16xf32>
      %swap3A = arith.index_cast %mul3A_68 : i32 to index
      %swap3A_84 = tpu.vector_load %arg18[%swap3A] {strides = array<i32>} : memref<10000xf32, #tpu.memory_space<vmem>>, vector<16xf32>,
      tpu.vector_store %arg18[%swap3A], %add3A_83 {strides = array<i32>} : memref<10000xf32, #tpu.memory_space<vmem>>, vector<16xf32>,
      %scan3A_85 = arith.constant 0 : i32
      scf.yield %scan3A_85 : i32
    }
    %scan3A_64 = arith.constant 625 : i32
    "tpu.region"() ({
      %run_scoped3A = tpu.sem_alloc : memref<!tpu.dma_semaphore, #tpu.memory_space<semaphore_mem>>
      %dma_start3A_65 = tpu.memref_slice %arg10[%mul3A_58] : memref<320000xf32, #tpu.memory_space<hbm>> -> memref<10000xf32, #tpu.memory_space<hbm>>
      %dma_start3A_66 = tpu.memref_slice %arg10[%mul3A_58] : memref<320000xf32, #tpu.memory_space<hbm>> -> memref<10000xf32, #tpu.memory_space<hbm>>
      tpu.enqueue_dma source(%arg18 : memref<10000xf32, #tpu.memory_space<vmem>>) target(%dma_start3A_66 : memref<10000xf32, #tpu.memory_space<hbm>>) target_semaphore(%run_scoped3A : memref<!tpu.dma_semaphore, #tpu.memory_space<semaphore_mem>>)
      %dma_wait3A_67 = tpu.memref_slice %arg10[%mul3A_58] : memref<320000xf32, #tpu.memory_space<hbm>> -> memref<10000xf32, #tpu.memory_space<hbm>>
      %dma_wait3A_68 = tpu.memref_slice %arg10[%mul3A_58] : memref<320000xf32, #tpu.memory_space<hbm>> -> memref<10000xf32, #tpu.memory_space<hbm>>
      tpu.wait_dma2 semaphore(%run_scoped3A : memref<!tpu.dma_semaphore, #tpu.memory_space<semaphore_mem>>) src(%arg18 : memref<10000xf32, #tpu.memory_space<vmem>>) dst(%dma_wait3A_68 : memref<10000xf32, #tpu.memory_space<hbm>>)
      tpu.yield
    }) : () -> ()
    return
  }
}

#map = affine_map<(d0, d1) -> (0, 0)>
#map1 = affine_map<(d0, d1) -> (0, 0, 0)>
module attributes {stable_mosaic.version = 14 : i64} {
  func.func @_sc_step(%arg0: i32, %arg1: i32, %arg2: memref<20000x64xf32, #tpu.memory_space<hbm>>, %arg3: memref<320000x128xf32, #tpu.memory_space<hbm>>, %arg4: memref<16x250x80xi32, #tpu.memory_space<hbm>>, %arg5: memref<16x250x80xi32, #tpu.memory_space<hbm>>, %arg6: memref<10240x64xf32, #tpu.memory_space<hbm>>, %arg7: memref<10240x64xf32, #tpu.memory_space<hbm>>, %arg8: memref<250x80xi32, #tpu.memory_space<vmem>>, %arg9: memref<250x80xi32, #tpu.memory_space<vmem>>, %arg10: memref<80x64xf32, #tpu.memory_space<vmem>>, %arg11: memref<80x64xf32, #tpu.memory_space<vmem>>, %arg12: memref<80x64xf32, #tpu.memory_space<vmem>>, %arg13: memref<80x64xf32, #tpu.memory_space<vmem>>, %arg14: memref<128x64xf32, #tpu.memory_space<vmem>>, %arg15: memref<10240x64xf32, #tpu.memory_space<vmem_shared>>, %arg16: memref<!tpu.dma_semaphore, #tpu.memory_space<semaphore_mem>>, %arg17: memref<!tpu.dma_semaphore, #tpu.memory_space<semaphore_mem>>, %arg18: memref<!tpu.dma_semaphore, #tpu.memory_space<semaphore_mem>>, %arg19: memref<!tpu.dma_semaphore, #tpu.memory_space<semaphore_mem>>, %arg20: memref<!tpu.dma_semaphore, #tpu.memory_space<semaphore_mem>>, %arg21: memref<!tpu.dma_semaphore, #tpu.memory_space<semaphore_mem>>) attributes {dimension_semantics = [#tpu.dimension_semantics<core_parallel>, #tpu.dimension_semantics<subcore_parallel>], iteration_bounds = array<i64: 2, 16>, scalar_prefetch = 0 : i64, scratch_operands = 14 : i64, tpu.core_type = #tpu.core_type<sc_vector_subcore>, window_params = [{transform_indices = #map}, {transform_indices = #map}, {transform_indices = #map1}, {transform_indices = #map1}, {transform_indices = #map}, {transform_indices = #map}]} {
    %mul3A = arith.constant 20000 : i32
    %mul3A_0 = arith.muli %arg1, %mul3A : i32
    %mul3A_1 = arith.constant 64 : i32
    %mul3A_2 = arith.muli %arg0, %mul3A_1 : i32
    "tpu.region"() ({
      %run_scoped3A = tpu.sem_alloc : memref<!tpu.dma_semaphore, #tpu.memory_space<semaphore_mem>>
      %dma_start3A_62 = arith.constant 0 : i32
      %dma_start3A_63 = arith.constant 0 : i32
      %dma_start3A_64 = tpu.memref_slice %arg4[%arg1, %dma_start3A_62, %dma_start3A_63] : memref<16x250x80xi32, #tpu.memory_space<hbm>> -> memref<1x250x80xi32, #tpu.memory_space<hbm>>
      %dma_start3A_65 = tpu.memref_squeeze %dma_start3A_64 : memref<1x250x80xi32, #tpu.memory_space<hbm>> -> memref<250x80xi32, #tpu.memory_space<hbm>>
      %dma_start3A_66 = arith.constant 0 : i32
      %dma_start3A_67 = arith.constant 0 : i32
      %dma_start3A_68 = tpu.memref_slice %arg4[%arg1, %dma_start3A_66, %dma_start3A_67] : memref<16x250x80xi32, #tpu.memory_space<hbm>> -> memref<1x250x80xi32, #tpu.memory_space<hbm>>
      %dma_start3A_69 = tpu.memref_squeeze %dma_start3A_68 : memref<1x250x80xi32, #tpu.memory_space<hbm>> -> memref<250x80xi32, #tpu.memory_space<hbm>>
      tpu.enqueue_dma source(%dma_start3A_69 : memref<250x80xi32, #tpu.memory_space<hbm>>) target(%arg8 : memref<250x80xi32, #tpu.memory_space<vmem>>) target_semaphore(%run_scoped3A : memref<!tpu.dma_semaphore, #tpu.memory_space<semaphore_mem>>)
      %dma_wait3A = arith.constant 0 : i32
      %dma_wait3A_70 = arith.constant 0 : i32
      %dma_wait3A_71 = tpu.memref_slice %arg4[%arg1, %dma_wait3A, %dma_wait3A_70] : memref<16x250x80xi32, #tpu.memory_space<hbm>> -> memref<1x250x80xi32, #tpu.memory_space<hbm>>
      %dma_wait3A_72 = tpu.memref_squeeze %dma_wait3A_71 : memref<1x250x80xi32, #tpu.memory_space<hbm>> -> memref<250x80xi32, #tpu.memory_space<hbm>>
      %dma_wait3A_73 = arith.constant 0 : i32
      %dma_wait3A_74 = arith.constant 0 : i32
      %dma_wait3A_75 = tpu.memref_slice %arg4[%arg1, %dma_wait3A_73, %dma_wait3A_74] : memref<16x250x80xi32, #tpu.memory_space<hbm>> -> memref<1x250x80xi32, #tpu.memory_space<hbm>>
      %dma_wait3A_76 = tpu.memref_squeeze %dma_wait3A_75 : memref<1x250x80xi32, #tpu.memory_space<hbm>> -> memref<250x80xi32, #tpu.memory_space<hbm>>
      tpu.wait_dma2 semaphore(%run_scoped3A : memref<!tpu.dma_semaphore, #tpu.memory_space<semaphore_mem>>) src(%dma_wait3A_76 : memref<250x80xi32, #tpu.memory_space<hbm>>) dst(%arg8 : memref<250x80xi32, #tpu.memory_space<vmem>>)
      tpu.yield
    }) : () -> ()
    "tpu.region"() ({
      %run_scoped3A = tpu.sem_alloc : memref<!tpu.dma_semaphore, #tpu.memory_space<semaphore_mem>>
      %dma_start3A_62 = arith.constant 0 : i32
      %dma_start3A_63 = arith.constant 0 : i32
      %dma_start3A_64 = tpu.memref_slice %arg5[%arg1, %dma_start3A_62, %dma_start3A_63] : memref<16x250x80xi32, #tpu.memory_space<hbm>> -> memref<1x250x80xi32, #tpu.memory_space<hbm>>
      %dma_start3A_65 = tpu.memref_squeeze %dma_start3A_64 : memref<1x250x80xi32, #tpu.memory_space<hbm>> -> memref<250x80xi32, #tpu.memory_space<hbm>>
      %dma_start3A_66 = arith.constant 0 : i32
      %dma_start3A_67 = arith.constant 0 : i32
      %dma_start3A_68 = tpu.memref_slice %arg5[%arg1, %dma_start3A_66, %dma_start3A_67] : memref<16x250x80xi32, #tpu.memory_space<hbm>> -> memref<1x250x80xi32, #tpu.memory_space<hbm>>
      %dma_start3A_69 = tpu.memref_squeeze %dma_start3A_68 : memref<1x250x80xi32, #tpu.memory_space<hbm>> -> memref<250x80xi32, #tpu.memory_space<hbm>>
      tpu.enqueue_dma source(%dma_start3A_69 : memref<250x80xi32, #tpu.memory_space<hbm>>) target(%arg9 : memref<250x80xi32, #tpu.memory_space<vmem>>) target_semaphore(%run_scoped3A : memref<!tpu.dma_semaphore, #tpu.memory_space<semaphore_mem>>)
      %dma_wait3A = arith.constant 0 : i32
      %dma_wait3A_70 = arith.constant 0 : i32
      %dma_wait3A_71 = tpu.memref_slice %arg5[%arg1, %dma_wait3A, %dma_wait3A_70] : memref<16x250x80xi32, #tpu.memory_space<hbm>> -> memref<1x250x80xi32, #tpu.memory_space<hbm>>
      %dma_wait3A_72 = tpu.memref_squeeze %dma_wait3A_71 : memref<1x250x80xi32, #tpu.memory_space<hbm>> -> memref<250x80xi32, #tpu.memory_space<hbm>>
      %dma_wait3A_73 = arith.constant 0 : i32
      %dma_wait3A_74 = arith.constant 0 : i32
      %dma_wait3A_75 = tpu.memref_slice %arg5[%arg1, %dma_wait3A_73, %dma_wait3A_74] : memref<16x250x80xi32, #tpu.memory_space<hbm>> -> memref<1x250x80xi32, #tpu.memory_space<hbm>>
      %dma_wait3A_76 = tpu.memref_squeeze %dma_wait3A_75 : memref<1x250x80xi32, #tpu.memory_space<hbm>> -> memref<250x80xi32, #tpu.memory_space<hbm>>
      tpu.wait_dma2 semaphore(%run_scoped3A : memref<!tpu.dma_semaphore, #tpu.memory_space<semaphore_mem>>) src(%dma_wait3A_76 : memref<250x80xi32, #tpu.memory_space<hbm>>) dst(%arg9 : memref<250x80xi32, #tpu.memory_space<vmem>>)
      tpu.yield
    }) : () -> ()
    %scan3A = arith.constant 0 : i32
    %scan3A_3 = arith.constant 0 : i32
    %scan3A_4 = arith.constant 250 : i32
    %scan3A_5 = arith.addi %scan3A_3, %scan3A_4 : i32
    %scan3A_6 = arith.constant 1 : i32
    %scan3A_7 = scf.for %scan3A_62 = %scan3A_3 to %scan3A_5 step %scan3A_6 iter_args(%scan3A_63 = %scan3A) -> (i32)  : i32 {
      %get3A = arith.index_cast %scan3A_62 : i32 to index
      %get3A_64 = arith.constant 0 : index
      %get3A_65 = tpu.vector_load %arg8[%get3A, %get3A_64] {strides = array<i32>} : memref<250x80xi32, #tpu.memory_space<vmem>>, vector<16xi32>,
      %mul3A_66 = arith.constant 2 : i32
      %mul3A_67 = vector.broadcast %mul3A_66 : i32 to vector<16xi32>
      %mul3A_68 = arith.muli %get3A_65, %mul3A_67 : vector<16xi32>
      %add3A_69 = vector.broadcast %arg0 : i32 to vector<16xi32>
      %add3A_70 = arith.addi %mul3A_68, %add3A_69 : vector<16xi32>
      %swap3A = arith.index_cast %scan3A_62 : i32 to index
      %swap3A_71 = arith.constant 0 : index
      %swap3A_72 = tpu.vector_load %arg8[%swap3A, %swap3A_71] {strides = array<i32>} : memref<250x80xi32, #tpu.memory_space<vmem>>, vector<16xi32>,
      tpu.vector_store %arg8[%swap3A, %swap3A_71], %add3A_70 {strides = array<i32>} : memref<250x80xi32, #tpu.memory_space<vmem>>, vector<16xi32>,
      %get3A_73 = arith.index_cast %scan3A_62 : i32 to index
      %get3A_74 = arith.constant 16 : index
      %get3A_75 = tpu.vector_load %arg8[%get3A_73, %get3A_74] {strides = array<i32>} : memref<250x80xi32, #tpu.memory_space<vmem>>, vector<16xi32>,
      %mul3A_76 = arith.constant 2 : i32
      %mul3A_77 = vector.broadcast %mul3A_76 : i32 to vector<16xi32>
      %mul3A_78 = arith.muli %get3A_75, %mul3A_77 : vector<16xi32>
      %add3A_79 = vector.broadcast %arg0 : i32 to vector<16xi32>
      %add3A_80 = arith.addi %mul3A_78, %add3A_79 : vector<16xi32>
      %swap3A_81 = arith.index_cast %scan3A_62 : i32 to index
      %swap3A_82 = arith.constant 16 : index
      %swap3A_83 = tpu.vector_load %arg8[%swap3A_81, %swap3A_82] {strides = array<i32>} : memref<250x80xi32, #tpu.memory_space<vmem>>, vector<16xi32>,
      tpu.vector_store %arg8[%swap3A_81, %swap3A_82], %add3A_80 {strides = array<i32>} : memref<250x80xi32, #tpu.memory_space<vmem>>, vector<16xi32>,
      %get3A_84 = arith.index_cast %scan3A_62 : i32 to index
      %get3A_85 = arith.constant 32 : index
      %get3A_86 = tpu.vector_load %arg8[%get3A_84, %get3A_85] {strides = array<i32>} : memref<250x80xi32, #tpu.memory_space<vmem>>, vector<16xi32>,
      %mul3A_87 = arith.constant 2 : i32
      %mul3A_88 = vector.broadcast %mul3A_87 : i32 to vector<16xi32>
      %mul3A_89 = arith.muli %get3A_86, %mul3A_88 : vector<16xi32>
      %add3A_90 = vector.broadcast %arg0 : i32 to vector<16xi32>
      %add3A_91 = arith.addi %mul3A_89, %add3A_90 : vector<16xi32>
      %swap3A_92 = arith.index_cast %scan3A_62 : i32 to index
      %swap3A_93 = arith.constant 32 : index
      %swap3A_94 = tpu.vector_load %arg8[%swap3A_92, %swap3A_93] {strides = array<i32>} : memref<250x80xi32, #tpu.memory_space<vmem>>, vector<16xi32>,
      tpu.vector_store %arg8[%swap3A_92, %swap3A_93], %add3A_91 {strides = array<i32>} : memref<250x80xi32, #tpu.memory_space<vmem>>, vector<16xi32>,
      %get3A_95 = arith.index_cast %scan3A_62 : i32 to index
      %get3A_96 = arith.constant 48 : index
      %get3A_97 = tpu.vector_load %arg8[%get3A_95, %get3A_96] {strides = array<i32>} : memref<250x80xi32, #tpu.memory_space<vmem>>, vector<16xi32>,
      %mul3A_98 = arith.constant 2 : i32
      %mul3A_99 = vector.broadcast %mul3A_98 : i32 to vector<16xi32>
      %mul3A_100 = arith.muli %get3A_97, %mul3A_99 : vector<16xi32>
      %add3A_101 = vector.broadcast %arg0 : i32 to vector<16xi32>
      %add3A_102 = arith.addi %mul3A_100, %add3A_101 : vector<16xi32>
      %swap3A_103 = arith.index_cast %scan3A_62 : i32 to index
      %swap3A_104 = arith.constant 48 : index
      %swap3A_105 = tpu.vector_load %arg8[%swap3A_103, %swap3A_104] {strides = array<i32>} : memref<250x80xi32, #tpu.memory_space<vmem>>, vector<16xi32>,
      tpu.vector_store %arg8[%swap3A_103, %swap3A_104], %add3A_102 {strides = array<i32>} : memref<250x80xi32, #tpu.memory_space<vmem>>, vector<16xi32>,
      %get3A_106 = arith.index_cast %scan3A_62 : i32 to index
      %get3A_107 = arith.constant 64 : index
      %get3A_108 = tpu.vector_load %arg8[%get3A_106, %get3A_107] {strides = array<i32>} : memref<250x80xi32, #tpu.memory_space<vmem>>, vector<16xi32>,
      %mul3A_109 = arith.constant 2 : i32
      %mul3A_110 = vector.broadcast %mul3A_109 : i32 to vector<16xi32>
      %mul3A_111 = arith.muli %get3A_108, %mul3A_110 : vector<16xi32>
      %add3A_112 = vector.broadcast %arg0 : i32 to vector<16xi32>
      %add3A_113 = arith.addi %mul3A_111, %add3A_112 : vector<16xi32>
      %swap3A_114 = arith.index_cast %scan3A_62 : i32 to index
      %swap3A_115 = arith.constant 64 : index
      %swap3A_116 = tpu.vector_load %arg8[%swap3A_114, %swap3A_115] {strides = array<i32>} : memref<250x80xi32, #tpu.memory_space<vmem>>, vector<16xi32>,
      tpu.vector_store %arg8[%swap3A_114, %swap3A_115], %add3A_113 {strides = array<i32>} : memref<250x80xi32, #tpu.memory_space<vmem>>, vector<16xi32>,
      %scan3A_117 = arith.constant 0 : i32
      scf.yield %scan3A_117 : i32
    }
    %scan3A_8 = arith.constant 250 : i32
    %dma_start3A = arith.constant 0 : i32
    %dma_start3A_9 = arith.constant 0 : i32
    %dma_start3A_10 = tpu.memref_slice %arg8[%dma_start3A, %dma_start3A_9] : memref<250x80xi32, #tpu.memory_space<vmem>> -> memref<1x80xi32, #tpu.memory_space<vmem>>
    %dma_start3A_11 = tpu.memref_squeeze %dma_start3A_10 : memref<1x80xi32, #tpu.memory_space<vmem>> -> memref<80xi32, #tpu.memory_space<vmem>>
    %dma_start3A_12 = arith.constant 0 : i32
    %dma_start3A_13 = arith.constant 0 : i32
    %dma_start3A_14 = tpu.memref_slice %arg2[%dma_start3A_12, %dma_start3A_13] : memref<20000x64xf32, #tpu.memory_space<hbm>> -> memref<20000x64xf32, #tpu.memory_space<hbm>>
    tpu.enqueue_indirect_dma source(%dma_start3A_14 : memref<20000x64xf32, #tpu.memory_space<hbm>>) target(%arg10 : memref<80x64xf32, #tpu.memory_space<vmem>>) offsets(%dma_start3A_11 : memref<80xi32, #tpu.memory_space<vmem>>) semaphore(%arg16 : memref<!tpu.dma_semaphore, #tpu.memory_space<semaphore_mem>>)
    %add3A = arith.constant 0 : i32
    %add3A_15 = arith.addi %mul3A_0, %add3A : i32
    %dma_start3A_16 = tpu.memref_slice %arg3[%add3A_15, %mul3A_2] : memref<320000x128xf32, #tpu.memory_space<hbm>> -> memref<80x64xf32, #tpu.memory_space<hbm>>
    %dma_start3A_17 = tpu.memref_slice %arg3[%add3A_15, %mul3A_2] : memref<320000x128xf32, #tpu.memory_space<hbm>> -> memref<80x64xf32, #tpu.memory_space<hbm>>
    tpu.enqueue_dma source(%dma_start3A_17 : memref<80x64xf32, #tpu.memory_space<hbm>>) target(%arg12 : memref<80x64xf32, #tpu.memory_space<vmem>>) target_semaphore(%arg18 : memref<!tpu.dma_semaphore, #tpu.memory_space<semaphore_mem>>)
    %scan3A_18 = arith.constant 0 : i32
    %scan3A_19 = arith.constant 0 : i32
    %scan3A_20 = arith.constant 128 : i32
    %scan3A_21 = arith.addi %scan3A_19, %scan3A_20 : i32
    %scan3A_22 = arith.constant 1 : i32
    %scan3A_23 = scf.for %scan3A_62 = %scan3A_19 to %scan3A_21 step %scan3A_22 iter_args(%scan3A_63 = %scan3A_18) -> (i32)  : i32 {
      %broadcast_in_dim3A = arith.constant 0.000000e+00 : f32
      %broadcast_in_dim3A_64 = vector.broadcast %broadcast_in_dim3A : f32 to vector<16xf32>
      %swap3A = arith.index_cast %scan3A_62 : i32 to index
      %swap3A_65 = arith.constant 0 : index
      %swap3A_66 = tpu.vector_load %arg14[%swap3A, %swap3A_65] {strides = array<i32>} : memref<128x64xf32, #tpu.memory_space<vmem>>, vector<16xf32>,
      tpu.vector_store %arg14[%swap3A, %swap3A_65], %broadcast_in_dim3A_64 {strides = array<i32>} : memref<128x64xf32, #tpu.memory_space<vmem>>, vector<16xf32>,
      %broadcast_in_dim3A_67 = arith.constant 0.000000e+00 : f32
      %broadcast_in_dim3A_68 = vector.broadcast %broadcast_in_dim3A_67 : f32 to vector<16xf32>
      %swap3A_69 = arith.index_cast %scan3A_62 : i32 to index
      %swap3A_70 = arith.constant 16 : index
      %swap3A_71 = tpu.vector_load %arg14[%swap3A_69, %swap3A_70] {strides = array<i32>} : memref<128x64xf32, #tpu.memory_space<vmem>>, vector<16xf32>,
      tpu.vector_store %arg14[%swap3A_69, %swap3A_70], %broadcast_in_dim3A_68 {strides = array<i32>} : memref<128x64xf32, #tpu.memory_space<vmem>>, vector<16xf32>,
      %broadcast_in_dim3A_72 = arith.constant 0.000000e+00 : f32
      %broadcast_in_dim3A_73 = vector.broadcast %broadcast_in_dim3A_72 : f32 to vector<16xf32>
      %swap3A_74 = arith.index_cast %scan3A_62 : i32 to index
      %swap3A_75 = arith.constant 32 : index
      %swap3A_76 = tpu.vector_load %arg14[%swap3A_74, %swap3A_75] {strides = array<i32>} : memref<128x64xf32, #tpu.memory_space<vmem>>, vector<16xf32>,
      tpu.vector_store %arg14[%swap3A_74, %swap3A_75], %broadcast_in_dim3A_73 {strides = array<i32>} : memref<128x64xf32, #tpu.memory_space<vmem>>, vector<16xf32>,
      %broadcast_in_dim3A_77 = arith.constant 0.000000e+00 : f32
      %broadcast_in_dim3A_78 = vector.broadcast %broadcast_in_dim3A_77 : f32 to vector<16xf32>
      %swap3A_79 = arith.index_cast %scan3A_62 : i32 to index
      %swap3A_80 = arith.constant 48 : index
      %swap3A_81 = tpu.vector_load %arg14[%swap3A_79, %swap3A_80] {strides = array<i32>} : memref<128x64xf32, #tpu.memory_space<vmem>>, vector<16xf32>,
      tpu.vector_store %arg14[%swap3A_79, %swap3A_80], %broadcast_in_dim3A_78 {strides = array<i32>} : memref<128x64xf32, #tpu.memory_space<vmem>>, vector<16xf32>,
      %scan3A_82 = arith.constant 0 : i32
      scf.yield %scan3A_82 : i32
    }
    %scan3A_24 = arith.constant 128 : i32
    %mul3A_25 = arith.constant 640 : i32
    %mul3A_26 = arith.muli %arg1, %mul3A_25 : i32
    %add3A_27 = arith.constant 0 : i32
    %add3A_28 = arith.addi %mul3A_26, %add3A_27 : i32
    "tpu.region"() ({
      %run_scoped3A = tpu.sem_alloc : memref<!tpu.dma_semaphore, #tpu.memory_space<semaphore_mem>>
      %dma_start3A_62 = arith.constant 0 : i32
      %dma_start3A_63 = tpu.memref_slice %arg15[%add3A_28, %dma_start3A_62] : memref<10240x64xf32, #tpu.memory_space<vmem_shared>> -> memref<128x64xf32, #tpu.memory_space<vmem_shared>>
      %dma_start3A_64 = arith.constant 0 : i32
      %dma_start3A_65 = tpu.memref_slice %arg15[%add3A_28, %dma_start3A_64] : memref<10240x64xf32, #tpu.memory_space<vmem_shared>> -> memref<128x64xf32, #tpu.memory_space<vmem_shared>>
      tpu.enqueue_dma source(%arg14 : memref<128x64xf32, #tpu.memory_space<vmem>>) target(%dma_start3A_65 : memref<128x64xf32, #tpu.memory_space<vmem_shared>>) target_semaphore(%run_scoped3A : memref<!tpu.dma_semaphore, #tpu.memory_space<semaphore_mem>>)
      %dma_wait3A = arith.constant 0 : i32
      %dma_wait3A_66 = tpu.memref_slice %arg15[%add3A_28, %dma_wait3A] : memref<10240x64xf32, #tpu.memory_space<vmem_shared>> -> memref<128x64xf32, #tpu.memory_space<vmem_shared>>
      %dma_wait3A_67 = arith.constant 0 : i32
      %dma_wait3A_68 = tpu.memref_slice %arg15[%add3A_28, %dma_wait3A_67] : memref<10240x64xf32, #tpu.memory_space<vmem_shared>> -> memref<128x64xf32, #tpu.memory_space<vmem_shared>>
      tpu.wait_dma2 semaphore(%run_scoped3A : memref<!tpu.dma_semaphore, #tpu.memory_space<semaphore_mem>>) src(%arg14 : memref<128x64xf32, #tpu.memory_space<vmem>>) dst(%dma_wait3A_68 : memref<128x64xf32, #tpu.memory_space<vmem_shared>>)
      tpu.yield
    }) : () -> ()
    %mul3A_29 = arith.constant 640 : i32
    %mul3A_30 = arith.muli %arg1, %mul3A_29 : i32
    %add3A_31 = arith.constant 128 : i32
    %add3A_32 = arith.addi %mul3A_30, %add3A_31 : i32
    "tpu.region"() ({
      %run_scoped3A = tpu.sem_alloc : memref<!tpu.dma_semaphore, #tpu.memory_space<semaphore_mem>>
      %dma_start3A_62 = arith.constant 0 : i32
      %dma_start3A_63 = tpu.memref_slice %arg15[%add3A_32, %dma_start3A_62] : memref<10240x64xf32, #tpu.memory_space<vmem_shared>> -> memref<128x64xf32, #tpu.memory_space<vmem_shared>>
      %dma_start3A_64 = arith.constant 0 : i32
      %dma_start3A_65 = tpu.memref_slice %arg15[%add3A_32, %dma_start3A_64] : memref<10240x64xf32, #tpu.memory_space<vmem_shared>> -> memref<128x64xf32, #tpu.memory_space<vmem_shared>>
      tpu.enqueue_dma source(%arg14 : memref<128x64xf32, #tpu.memory_space<vmem>>) target(%dma_start3A_65 : memref<128x64xf32, #tpu.memory_space<vmem_shared>>) target_semaphore(%run_scoped3A : memref<!tpu.dma_semaphore, #tpu.memory_space<semaphore_mem>>)
      %dma_wait3A = arith.constant 0 : i32
      %dma_wait3A_66 = tpu.memref_slice %arg15[%add3A_32, %dma_wait3A] : memref<10240x64xf32, #tpu.memory_space<vmem_shared>> -> memref<128x64xf32, #tpu.memory_space<vmem_shared>>
      %dma_wait3A_67 = arith.constant 0 : i32
      %dma_wait3A_68 = tpu.memref_slice %arg15[%add3A_32, %dma_wait3A_67] : memref<10240x64xf32, #tpu.memory_space<vmem_shared>> -> memref<128x64xf32, #tpu.memory_space<vmem_shared>>
      tpu.wait_dma2 semaphore(%run_scoped3A : memref<!tpu.dma_semaphore, #tpu.memory_space<semaphore_mem>>) src(%arg14 : memref<128x64xf32, #tpu.memory_space<vmem>>) dst(%dma_wait3A_68 : memref<128x64xf32, #tpu.memory_space<vmem_shared>>)
      tpu.yield
    }) : () -> ()
    %mul3A_33 = arith.constant 640 : i32
    %mul3A_34 = arith.muli %arg1, %mul3A_33 : i32
    %add3A_35 = arith.constant 256 : i32
    %add3A_36 = arith.addi %mul3A_34, %add3A_35 : i32
    "tpu.region"() ({
      %run_scoped3A = tpu.sem_alloc : memref<!tpu.dma_semaphore, #tpu.memory_space<semaphore_mem>>
      %dma_start3A_62 = arith.constant 0 : i32
      %dma_start3A_63 = tpu.memref_slice %arg15[%add3A_36, %dma_start3A_62] : memref<10240x64xf32, #tpu.memory_space<vmem_shared>> -> memref<128x64xf32, #tpu.memory_space<vmem_shared>>
      %dma_start3A_64 = arith.constant 0 : i32
      %dma_start3A_65 = tpu.memref_slice %arg15[%add3A_36, %dma_start3A_64] : memref<10240x64xf32, #tpu.memory_space<vmem_shared>> -> memref<128x64xf32, #tpu.memory_space<vmem_shared>>
      tpu.enqueue_dma source(%arg14 : memref<128x64xf32, #tpu.memory_space<vmem>>) target(%dma_start3A_65 : memref<128x64xf32, #tpu.memory_space<vmem_shared>>) target_semaphore(%run_scoped3A : memref<!tpu.dma_semaphore, #tpu.memory_space<semaphore_mem>>)
      %dma_wait3A = arith.constant 0 : i32
      %dma_wait3A_66 = tpu.memref_slice %arg15[%add3A_36, %dma_wait3A] : memref<10240x64xf32, #tpu.memory_space<vmem_shared>> -> memref<128x64xf32, #tpu.memory_space<vmem_shared>>
      %dma_wait3A_67 = arith.constant 0 : i32
      %dma_wait3A_68 = tpu.memref_slice %arg15[%add3A_36, %dma_wait3A_67] : memref<10240x64xf32, #tpu.memory_space<vmem_shared>> -> memref<128x64xf32, #tpu.memory_space<vmem_shared>>
      tpu.wait_dma2 semaphore(%run_scoped3A : memref<!tpu.dma_semaphore, #tpu.memory_space<semaphore_mem>>) src(%arg14 : memref<128x64xf32, #tpu.memory_space<vmem>>) dst(%dma_wait3A_68 : memref<128x64xf32, #tpu.memory_space<vmem_shared>>)
      tpu.yield
    }) : () -> ()
    %mul3A_37 = arith.constant 640 : i32
    %mul3A_38 = arith.muli %arg1, %mul3A_37 : i32
    %add3A_39 = arith.constant 384 : i32
    %add3A_40 = arith.addi %mul3A_38, %add3A_39 : i32
    "tpu.region"() ({
      %run_scoped3A = tpu.sem_alloc : memref<!tpu.dma_semaphore, #tpu.memory_space<semaphore_mem>>
      %dma_start3A_62 = arith.constant 0 : i32
      %dma_start3A_63 = tpu.memref_slice %arg15[%add3A_40, %dma_start3A_62] : memref<10240x64xf32, #tpu.memory_space<vmem_shared>> -> memref<128x64xf32, #tpu.memory_space<vmem_shared>>
      %dma_start3A_64 = arith.constant 0 : i32
      %dma_start3A_65 = tpu.memref_slice %arg15[%add3A_40, %dma_start3A_64] : memref<10240x64xf32, #tpu.memory_space<vmem_shared>> -> memref<128x64xf32, #tpu.memory_space<vmem_shared>>
      tpu.enqueue_dma source(%arg14 : memref<128x64xf32, #tpu.memory_space<vmem>>) target(%dma_start3A_65 : memref<128x64xf32, #tpu.memory_space<vmem_shared>>) target_semaphore(%run_scoped3A : memref<!tpu.dma_semaphore, #tpu.memory_space<semaphore_mem>>)
      %dma_wait3A = arith.constant 0 : i32
      %dma_wait3A_66 = tpu.memref_slice %arg15[%add3A_40, %dma_wait3A] : memref<10240x64xf32, #tpu.memory_space<vmem_shared>> -> memref<128x64xf32, #tpu.memory_space<vmem_shared>>
      %dma_wait3A_67 = arith.constant 0 : i32
      %dma_wait3A_68 = tpu.memref_slice %arg15[%add3A_40, %dma_wait3A_67] : memref<10240x64xf32, #tpu.memory_space<vmem_shared>> -> memref<128x64xf32, #tpu.memory_space<vmem_shared>>
      tpu.wait_dma2 semaphore(%run_scoped3A : memref<!tpu.dma_semaphore, #tpu.memory_space<semaphore_mem>>) src(%arg14 : memref<128x64xf32, #tpu.memory_space<vmem>>) dst(%dma_wait3A_68 : memref<128x64xf32, #tpu.memory_space<vmem_shared>>)
      tpu.yield
    }) : () -> ()
    %mul3A_41 = arith.constant 640 : i32
    %mul3A_42 = arith.muli %arg1, %mul3A_41 : i32
    %add3A_43 = arith.constant 512 : i32
    %add3A_44 = arith.addi %mul3A_42, %add3A_43 : i32
    "tpu.region"() ({
      %run_scoped3A = tpu.sem_alloc : memref<!tpu.dma_semaphore, #tpu.memory_space<semaphore_mem>>
      %dma_start3A_62 = arith.constant 0 : i32
      %dma_start3A_63 = tpu.memref_slice %arg15[%add3A_44, %dma_start3A_62] : memref<10240x64xf32, #tpu.memory_space<vmem_shared>> -> memref<128x64xf32, #tpu.memory_space<vmem_shared>>
      %dma_start3A_64 = arith.constant 0 : i32
      %dma_start3A_65 = tpu.memref_slice %arg15[%add3A_44, %dma_start3A_64] : memref<10240x64xf32, #tpu.memory_space<vmem_shared>> -> memref<128x64xf32, #tpu.memory_space<vmem_shared>>
      tpu.enqueue_dma source(%arg14 : memref<128x64xf32, #tpu.memory_space<vmem>>) target(%dma_start3A_65 : memref<128x64xf32, #tpu.memory_space<vmem_shared>>) target_semaphore(%run_scoped3A : memref<!tpu.dma_semaphore, #tpu.memory_space<semaphore_mem>>)
      %dma_wait3A = arith.constant 0 : i32
      %dma_wait3A_66 = tpu.memref_slice %arg15[%add3A_44, %dma_wait3A] : memref<10240x64xf32, #tpu.memory_space<vmem_shared>> -> memref<128x64xf32, #tpu.memory_space<vmem_shared>>
      %dma_wait3A_67 = arith.constant 0 : i32
      %dma_wait3A_68 = tpu.memref_slice %arg15[%add3A_44, %dma_wait3A_67] : memref<10240x64xf32, #tpu.memory_space<vmem_shared>> -> memref<128x64xf32, #tpu.memory_space<vmem_shared>>
      tpu.wait_dma2 semaphore(%run_scoped3A : memref<!tpu.dma_semaphore, #tpu.memory_space<semaphore_mem>>) src(%arg14 : memref<128x64xf32, #tpu.memory_space<vmem>>) dst(%dma_wait3A_68 : memref<128x64xf32, #tpu.memory_space<vmem_shared>>)
      tpu.yield
    }) : () -> ()
    %barrier3A = arith.constant 0 : index
    tpu.barrier barrier_id(%barrier3A)
    %scan3A_45 = arith.constant 0 : i32
    %scan3A_46 = arith.constant 0 : i32
    %scan3A_47 = arith.constant 125 : i32
    %scan3A_48 = arith.addi %scan3A_46, %scan3A_47 : i32
    %scan3A_49 = arith.constant 1 : i32
    %scan3A_50 = scf.for %scan3A_62 = %scan3A_46 to %scan3A_48 step %scan3A_49 iter_args(%scan3A_63 = %scan3A_45) -> (i32)  : i32 {
      %mul3A_64 = arith.constant 2 : i32
      %mul3A_65 = arith.muli %scan3A_62, %mul3A_64 : i32
      %add3A_66 = arith.constant 1 : i32
      %add3A_67 = arith.addi %mul3A_65, %add3A_66 : i32
      %dma_start3A_68 = arith.constant 0 : i32
      %dma_start3A_69 = tpu.memref_slice %arg8[%add3A_67, %dma_start3A_68] : memref<250x80xi32, #tpu.memory_space<vmem>> -> memref<1x80xi32, #tpu.memory_space<vmem>>
      %dma_start3A_70 = tpu.memref_squeeze %dma_start3A_69 : memref<1x80xi32, #tpu.memory_space<vmem>> -> memref<80xi32, #tpu.memory_space<vmem>>
      %dma_start3A_71 = arith.constant 0 : i32
      %dma_start3A_72 = arith.constant 0 : i32
      %dma_start3A_73 = tpu.memref_slice %arg2[%dma_start3A_71, %dma_start3A_72] : memref<20000x64xf32, #tpu.memory_space<hbm>> -> memref<20000x64xf32, #tpu.memory_space<hbm>>
      tpu.enqueue_indirect_dma source(%dma_start3A_73 : memref<20000x64xf32, #tpu.memory_space<hbm>>) target(%arg11 : memref<80x64xf32, #tpu.memory_space<vmem>>) offsets(%dma_start3A_70 : memref<80xi32, #tpu.memory_space<vmem>>) semaphore(%arg17 : memref<!tpu.dma_semaphore, #tpu.memory_space<semaphore_mem>>)
      %mul3A_74 = arith.constant 80 : i32
      %mul3A_75 = arith.muli %add3A_67, %mul3A_74 : i32
      %add3A_76 = arith.addi %mul3A_0, %mul3A_75 : i32
      %dma_start3A_77 = tpu.memref_slice %arg3[%add3A_76, %mul3A_2] : memref<320000x128xf32, #tpu.memory_space<hbm>> -> memref<80x64xf32, #tpu.memory_space<hbm>>
      %dma_start3A_78 = tpu.memref_slice %arg3[%add3A_76, %mul3A_2] : memref<320000x128xf32, #tpu.memory_space<hbm>> -> memref<80x64xf32, #tpu.memory_space<hbm>>
      tpu.enqueue_dma source(%dma_start3A_78 : memref<80x64xf32, #tpu.memory_space<hbm>>) target(%arg13 : memref<80x64xf32, #tpu.memory_space<vmem>>) target_semaphore(%arg19 : memref<!tpu.dma_semaphore, #tpu.memory_space<semaphore_mem>>)
      %dma_wait3A = arith.constant 0 : i32
      %dma_wait3A_79 = tpu.memref_slice %arg8[%mul3A_65, %dma_wait3A] : memref<250x80xi32, #tpu.memory_space<vmem>> -> memref<1x80xi32, #tpu.memory_space<vmem>>
      %dma_wait3A_80 = tpu.memref_squeeze %dma_wait3A_79 : memref<1x80xi32, #tpu.memory_space<vmem>> -> memref<80xi32, #tpu.memory_space<vmem>>
      %dma_wait3A_81 = arith.constant 0 : i32
      %dma_wait3A_82 = arith.constant 0 : i32
      %dma_wait3A_83 = tpu.memref_slice %arg2[%dma_wait3A_81, %dma_wait3A_82] : memref<20000x64xf32, #tpu.memory_space<hbm>> -> memref<20000x64xf32, #tpu.memory_space<hbm>>
      tpu.wait_indirect_dma semaphore(%arg16 : memref<!tpu.dma_semaphore, #tpu.memory_space<semaphore_mem>>) src(%dma_wait3A_83 : memref<20000x64xf32, #tpu.memory_space<hbm>>) dst(%arg10 : memref<80x64xf32, #tpu.memory_space<vmem>>)
      %mul3A_84 = arith.constant 80 : i32
      %mul3A_85 = arith.muli %mul3A_65, %mul3A_84 : i32
      %add3A_86 = arith.addi %mul3A_0, %mul3A_85 : i32
      %dma_wait3A_87 = tpu.memref_slice %arg3[%add3A_86, %mul3A_2] : memref<320000x128xf32, #tpu.memory_space<hbm>> -> memref<80x64xf32, #tpu.memory_space<hbm>>
      %dma_wait3A_88 = tpu.memref_slice %arg3[%add3A_86, %mul3A_2] : memref<320000x128xf32, #tpu.memory_space<hbm>> -> memref<80x64xf32, #tpu.memory_space<hbm>>
      tpu.wait_dma2 semaphore(%arg18 : memref<!tpu.dma_semaphore, #tpu.memory_space<semaphore_mem>>) src(%dma_wait3A_88 : memref<80x64xf32, #tpu.memory_space<hbm>>) dst(%arg12 : memref<80x64xf32, #tpu.memory_space<vmem>>)
      %scan3A_89 = arith.constant 0 : i32
      %scan3A_90 = arith.constant 0 : i32
      %scan3A_91 = arith.constant 80 : i32
      %scan3A_92 = arith.addi %scan3A_90, %scan3A_91 : i32
      %scan3A_93 = arith.constant 1 : i32
      %scan3A_94 = scf.for %scan3A_121 = %scan3A_90 to %scan3A_92 step %scan3A_93 iter_args(%scan3A_122 = %scan3A_89) -> (i32)  : i32 {
        %get3A = arith.index_cast %scan3A_121 : i32 to index
        %get3A_123 = arith.constant 0 : index
        %get3A_124 = tpu.vector_load %arg10[%get3A, %get3A_123] {strides = array<i32>} : memref<80x64xf32, #tpu.memory_space<vmem>>, vector<16xf32>,
        %get3A_125 = arith.index_cast %scan3A_121 : i32 to index
        %get3A_126 = arith.constant 0 : index
        %get3A_127 = tpu.vector_load %arg12[%get3A_125, %get3A_126] {strides = array<i32>} : memref<80x64xf32, #tpu.memory_space<vmem>>, vector<16xf32>,
        %mul3A_128 = arith.mulf %get3A_124, %get3A_127 : vector<16xf32>
        %swap3A = arith.index_cast %scan3A_121 : i32 to index
        %swap3A_129 = arith.constant 0 : index
        %swap3A_130 = tpu.vector_load %arg10[%swap3A, %swap3A_129] {strides = array<i32>} : memref<80x64xf32, #tpu.memory_space<vmem>>, vector<16xf32>,
        tpu.vector_store %arg10[%swap3A, %swap3A_129], %mul3A_128 {strides = array<i32>} : memref<80x64xf32, #tpu.memory_space<vmem>>, vector<16xf32>,
        %get3A_131 = arith.index_cast %scan3A_121 : i32 to index
        %get3A_132 = arith.constant 16 : index
        %get3A_133 = tpu.vector_load %arg10[%get3A_131, %get3A_132] {strides = array<i32>} : memref<80x64xf32, #tpu.memory_space<vmem>>, vector<16xf32>,
        %get3A_134 = arith.index_cast %scan3A_121 : i32 to index
        %get3A_135 = arith.constant 16 : index
        %get3A_136 = tpu.vector_load %arg12[%get3A_134, %get3A_135] {strides = array<i32>} : memref<80x64xf32, #tpu.memory_space<vmem>>, vector<16xf32>,
        %mul3A_137 = arith.mulf %get3A_133, %get3A_136 : vector<16xf32>
        %swap3A_138 = arith.index_cast %scan3A_121 : i32 to index
        %swap3A_139 = arith.constant 16 : index
        %swap3A_140 = tpu.vector_load %arg10[%swap3A_138, %swap3A_139] {strides = array<i32>} : memref<80x64xf32, #tpu.memory_space<vmem>>, vector<16xf32>,
        tpu.vector_store %arg10[%swap3A_138, %swap3A_139], %mul3A_137 {strides = array<i32>} : memref<80x64xf32, #tpu.memory_space<vmem>>, vector<16xf32>,
        %get3A_141 = arith.index_cast %scan3A_121 : i32 to index
        %get3A_142 = arith.constant 32 : index
        %get3A_143 = tpu.vector_load %arg10[%get3A_141, %get3A_142] {strides = array<i32>} : memref<80x64xf32, #tpu.memory_space<vmem>>, vector<16xf32>,
        %get3A_144 = arith.index_cast %scan3A_121 : i32 to index
        %get3A_145 = arith.constant 32 : index
        %get3A_146 = tpu.vector_load %arg12[%get3A_144, %get3A_145] {strides = array<i32>} : memref<80x64xf32, #tpu.memory_space<vmem>>, vector<16xf32>,
        %mul3A_147 = arith.mulf %get3A_143, %get3A_146 : vector<16xf32>
        %swap3A_148 = arith.index_cast %scan3A_121 : i32 to index
        %swap3A_149 = arith.constant 32 : index
        %swap3A_150 = tpu.vector_load %arg10[%swap3A_148, %swap3A_149] {strides = array<i32>} : memref<80x64xf32, #tpu.memory_space<vmem>>, vector<16xf32>,
        tpu.vector_store %arg10[%swap3A_148, %swap3A_149], %mul3A_147 {strides = array<i32>} : memref<80x64xf32, #tpu.memory_space<vmem>>, vector<16xf32>,
        %get3A_151 = arith.index_cast %scan3A_121 : i32 to index
        %get3A_152 = arith.constant 48 : index
        %get3A_153 = tpu.vector_load %arg10[%get3A_151, %get3A_152] {strides = array<i32>} : memref<80x64xf32, #tpu.memory_space<vmem>>, vector<16xf32>,
        %get3A_154 = arith.index_cast %scan3A_121 : i32 to index
        %get3A_155 = arith.constant 48 : index
        %get3A_156 = tpu.vector_load %arg12[%get3A_154, %get3A_155] {strides = array<i32>} : memref<80x64xf32, #tpu.memory_space<vmem>>, vector<16xf32>,
        %mul3A_157 = arith.mulf %get3A_153, %get3A_156 : vector<16xf32>
        %swap3A_158 = arith.index_cast %scan3A_121 : i32 to index
        %swap3A_159 = arith.constant 48 : index
        %swap3A_160 = tpu.vector_load %arg10[%swap3A_158, %swap3A_159] {strides = array<i32>} : memref<80x64xf32, #tpu.memory_space<vmem>>, vector<16xf32>,
        tpu.vector_store %arg10[%swap3A_158, %swap3A_159], %mul3A_157 {strides = array<i32>} : memref<80x64xf32, #tpu.memory_space<vmem>>, vector<16xf32>,
        %scan3A_161 = arith.constant 0 : i32
        scf.yield %scan3A_161 : i32
      }
      %scan3A_95 = arith.constant 80 : i32
      "tpu.region"() ({
        %run_scoped3A = tpu.sem_alloc : memref<!tpu.dma_semaphore, #tpu.memory_space<semaphore_mem>>
        %dma_start3A_121 = arith.constant 0 : i32
        %dma_start3A_122 = tpu.memref_slice %arg9[%mul3A_65, %dma_start3A_121] : memref<250x80xi32, #tpu.memory_space<vmem>> -> memref<1x80xi32, #tpu.memory_space<vmem>>
        %dma_start3A_123 = tpu.memref_squeeze %dma_start3A_122 : memref<1x80xi32, #tpu.memory_space<vmem>> -> memref<80xi32, #tpu.memory_space<vmem>>
        %dma_start3A_124 = arith.constant 0 : i32
        %dma_start3A_125 = arith.constant 0 : i32
        %dma_start3A_126 = tpu.memref_slice %arg15[%dma_start3A_124, %dma_start3A_125] : memref<10240x64xf32, #tpu.memory_space<vmem_shared>> -> memref<10240x64xf32, #tpu.memory_space<vmem_shared>>
        tpu.enqueue_indirect_dma source(%arg10 : memref<80x64xf32, #tpu.memory_space<vmem>>) target(%dma_start3A_126 : memref<10240x64xf32, #tpu.memory_space<vmem_shared>>) offsets(%dma_start3A_123 : memref<80xi32, #tpu.memory_space<vmem>>) semaphore(%run_scoped3A : memref<!tpu.dma_semaphore, #tpu.memory_space<semaphore_mem>>) {add = true}
        %dma_wait3A_127 = arith.constant 0 : i32
        %dma_wait3A_128 = tpu.memref_slice %arg9[%mul3A_65, %dma_wait3A_127] : memref<250x80xi32, #tpu.memory_space<vmem>> -> memref<1x80xi32, #tpu.memory_space<vmem>>
        %dma_wait3A_129 = tpu.memref_squeeze %dma_wait3A_128 : memref<1x80xi32, #tpu.memory_space<vmem>> -> memref<80xi32, #tpu.memory_space<vmem>>
        %dma_wait3A_130 = arith.constant 0 : i32
        %dma_wait3A_131 = arith.constant 0 : i32
        %dma_wait3A_132 = tpu.memref_slice %arg15[%dma_wait3A_130, %dma_wait3A_131] : memref<10240x64xf32, #tpu.memory_space<vmem_shared>> -> memref<10240x64xf32, #tpu.memory_space<vmem_shared>>
        tpu.wait_indirect_dma semaphore(%run_scoped3A : memref<!tpu.dma_semaphore, #tpu.memory_space<semaphore_mem>>) src(%arg10 : memref<80x64xf32, #tpu.memory_space<vmem>>) dst(%dma_wait3A_132 : memref<10240x64xf32, #tpu.memory_space<vmem_shared>>)
        tpu.yield
      }) : () -> ()
      %add3A_96 = arith.constant 2 : i32
      %add3A_97 = arith.addi %mul3A_65, %add3A_96 : i32
      %lt3A = arith.constant 250 : i32
      %lt3A_98 = arith.cmpi slt, %add3A_97, %lt3A : i32
      %convert_element_type3A_99 = arith.extui %lt3A_98 : i1 to i32
      %cond3A_100 = arith.constant 0 : i32
      %cond3A_101 = arith.cmpi ne, %convert_element_type3A_99, %cond3A_100 : i32
      scf.if %cond3A_101 {
        %add3A_121 = arith.constant 2 : i32
        %add3A_122 = arith.addi %mul3A_65, %add3A_121 : i32
        %dma_start3A_123 = arith.constant 0 : i32
        %dma_start3A_124 = tpu.memref_slice %arg8[%add3A_122, %dma_start3A_123] : memref<250x80xi32, #tpu.memory_space<vmem>> -> memref<1x80xi32, #tpu.memory_space<vmem>>
        %dma_start3A_125 = tpu.memref_squeeze %dma_start3A_124 : memref<1x80xi32, #tpu.memory_space<vmem>> -> memref<80xi32, #tpu.memory_space<vmem>>
        %dma_start3A_126 = arith.constant 0 : i32
        %dma_start3A_127 = arith.constant 0 : i32
        %dma_start3A_128 = tpu.memref_slice %arg2[%dma_start3A_126, %dma_start3A_127] : memref<20000x64xf32, #tpu.memory_space<hbm>> -> memref<20000x64xf32, #tpu.memory_space<hbm>>
        tpu.enqueue_indirect_dma source(%dma_start3A_128 : memref<20000x64xf32, #tpu.memory_space<hbm>>) target(%arg10 : memref<80x64xf32, #tpu.memory_space<vmem>>) offsets(%dma_start3A_125 : memref<80xi32, #tpu.memory_space<vmem>>) semaphore(%arg16 : memref<!tpu.dma_semaphore, #tpu.memory_space<semaphore_mem>>)
        %mul3A_129 = arith.constant 80 : i32
        %mul3A_130 = arith.muli %add3A_122, %mul3A_129 : i32
        %add3A_131 = arith.addi %mul3A_0, %mul3A_130 : i32
        %dma_start3A_132 = tpu.memref_slice %arg3[%add3A_131, %mul3A_2] : memref<320000x128xf32, #tpu.memory_space<hbm>> -> memref<80x64xf32, #tpu.memory_space<hbm>>
        %dma_start3A_133 = tpu.memref_slice %arg3[%add3A_131, %mul3A_2] : memref<320000x128xf32, #tpu.memory_space<hbm>> -> memref<80x64xf32, #tpu.memory_space<hbm>>
        tpu.enqueue_dma source(%dma_start3A_133 : memref<80x64xf32, #tpu.memory_space<hbm>>) target(%arg12 : memref<80x64xf32, #tpu.memory_space<vmem>>) target_semaphore(%arg18 : memref<!tpu.dma_semaphore, #tpu.memory_space<semaphore_mem>>)
      } else {
      }
      %dma_wait3A_102 = arith.constant 0 : i32
      %dma_wait3A_103 = tpu.memref_slice %arg8[%add3A_67, %dma_wait3A_102] : memref<250x80xi32, #tpu.memory_space<vmem>> -> memref<1x80xi32, #tpu.memory_space<vmem>>
      %dma_wait3A_104 = tpu.memref_squeeze %dma_wait3A_103 : memref<1x80xi32, #tpu.memory_space<vmem>> -> memref<80xi32, #tpu.memory_space<vmem>>
      %dma_wait3A_105 = arith.constant 0 : i32
      %dma_wait3A_106 = arith.constant 0 : i32
      %dma_wait3A_107 = tpu.memref_slice %arg2[%dma_wait3A_105, %dma_wait3A_106] : memref<20000x64xf32, #tpu.memory_space<hbm>> -> memref<20000x64xf32, #tpu.memory_space<hbm>>
      tpu.wait_indirect_dma semaphore(%arg17 : memref<!tpu.dma_semaphore, #tpu.memory_space<semaphore_mem>>) src(%dma_wait3A_107 : memref<20000x64xf32, #tpu.memory_space<hbm>>) dst(%arg11 : memref<80x64xf32, #tpu.memory_space<vmem>>)
      %mul3A_108 = arith.constant 80 : i32
      %mul3A_109 = arith.muli %add3A_67, %mul3A_108 : i32
      %add3A_110 = arith.addi %mul3A_0, %mul3A_109 : i32
      %dma_wait3A_111 = tpu.memref_slice %arg3[%add3A_110, %mul3A_2] : memref<320000x128xf32, #tpu.memory_space<hbm>> -> memref<80x64xf32, #tpu.memory_space<hbm>>
      %dma_wait3A_112 = tpu.memref_slice %arg3[%add3A_110, %mul3A_2] : memref<320000x128xf32, #tpu.memory_space<hbm>> -> memref<80x64xf32, #tpu.memory_space<hbm>>
      tpu.wait_dma2 semaphore(%arg19 : memref<!tpu.dma_semaphore, #tpu.memory_space<semaphore_mem>>) src(%dma_wait3A_112 : memref<80x64xf32, #tpu.memory_space<hbm>>) dst(%arg13 : memref<80x64xf32, #tpu.memory_space<vmem>>)
      %scan3A_113 = arith.constant 0 : i32
      %scan3A_114 = arith.constant 0 : i32
      %scan3A_115 = arith.constant 80 : i32
      %scan3A_116 = arith.addi %scan3A_114, %scan3A_115 : i32
      %scan3A_117 = arith.constant 1 : i32
      %scan3A_118 = scf.for %scan3A_121 = %scan3A_114 to %scan3A_116 step %scan3A_117 iter_args(%scan3A_122 = %scan3A_113) -> (i32)  : i32 {
        %get3A = arith.index_cast %scan3A_121 : i32 to index
        %get3A_123 = arith.constant 0 : index
        %get3A_124 = tpu.vector_load %arg11[%get3A, %get3A_123] {strides = array<i32>} : memref<80x64xf32, #tpu.memory_space<vmem>>, vector<16xf32>,
        %get3A_125 = arith.index_cast %scan3A_121 : i32 to index
        %get3A_126 = arith.constant 0 : index
        %get3A_127 = tpu.vector_load %arg13[%get3A_125, %get3A_126] {strides = array<i32>} : memref<80x64xf32, #tpu.memory_space<vmem>>, vector<16xf32>,
        %mul3A_128 = arith.mulf %get3A_124, %get3A_127 : vector<16xf32>
        %swap3A = arith.index_cast %scan3A_121 : i32 to index
        %swap3A_129 = arith.constant 0 : index
        %swap3A_130 = tpu.vector_load %arg11[%swap3A, %swap3A_129] {strides = array<i32>} : memref<80x64xf32, #tpu.memory_space<vmem>>, vector<16xf32>,
        tpu.vector_store %arg11[%swap3A, %swap3A_129], %mul3A_128 {strides = array<i32>} : memref<80x64xf32, #tpu.memory_space<vmem>>, vector<16xf32>,
        %get3A_131 = arith.index_cast %scan3A_121 : i32 to index
        %get3A_132 = arith.constant 16 : index
        %get3A_133 = tpu.vector_load %arg11[%get3A_131, %get3A_132] {strides = array<i32>} : memref<80x64xf32, #tpu.memory_space<vmem>>, vector<16xf32>,
        %get3A_134 = arith.index_cast %scan3A_121 : i32 to index
        %get3A_135 = arith.constant 16 : index
        %get3A_136 = tpu.vector_load %arg13[%get3A_134, %get3A_135] {strides = array<i32>} : memref<80x64xf32, #tpu.memory_space<vmem>>, vector<16xf32>,
        %mul3A_137 = arith.mulf %get3A_133, %get3A_136 : vector<16xf32>
        %swap3A_138 = arith.index_cast %scan3A_121 : i32 to index
        %swap3A_139 = arith.constant 16 : index
        %swap3A_140 = tpu.vector_load %arg11[%swap3A_138, %swap3A_139] {strides = array<i32>} : memref<80x64xf32, #tpu.memory_space<vmem>>, vector<16xf32>,
        tpu.vector_store %arg11[%swap3A_138, %swap3A_139], %mul3A_137 {strides = array<i32>} : memref<80x64xf32, #tpu.memory_space<vmem>>, vector<16xf32>,
        %get3A_141 = arith.index_cast %scan3A_121 : i32 to index
        %get3A_142 = arith.constant 32 : index
        %get3A_143 = tpu.vector_load %arg11[%get3A_141, %get3A_142] {strides = array<i32>} : memref<80x64xf32, #tpu.memory_space<vmem>>, vector<16xf32>,
        %get3A_144 = arith.index_cast %scan3A_121 : i32 to index
        %get3A_145 = arith.constant 32 : index
        %get3A_146 = tpu.vector_load %arg13[%get3A_144, %get3A_145] {strides = array<i32>} : memref<80x64xf32, #tpu.memory_space<vmem>>, vector<16xf32>,
        %mul3A_147 = arith.mulf %get3A_143, %get3A_146 : vector<16xf32>
        %swap3A_148 = arith.index_cast %scan3A_121 : i32 to index
        %swap3A_149 = arith.constant 32 : index
        %swap3A_150 = tpu.vector_load %arg11[%swap3A_148, %swap3A_149] {strides = array<i32>} : memref<80x64xf32, #tpu.memory_space<vmem>>, vector<16xf32>,
        tpu.vector_store %arg11[%swap3A_148, %swap3A_149], %mul3A_147 {strides = array<i32>} : memref<80x64xf32, #tpu.memory_space<vmem>>, vector<16xf32>,
        %get3A_151 = arith.index_cast %scan3A_121 : i32 to index
        %get3A_152 = arith.constant 48 : index
        %get3A_153 = tpu.vector_load %arg11[%get3A_151, %get3A_152] {strides = array<i32>} : memref<80x64xf32, #tpu.memory_space<vmem>>, vector<16xf32>,
        %get3A_154 = arith.index_cast %scan3A_121 : i32 to index
        %get3A_155 = arith.constant 48 : index
        %get3A_156 = tpu.vector_load %arg13[%get3A_154, %get3A_155] {strides = array<i32>} : memref<80x64xf32, #tpu.memory_space<vmem>>, vector<16xf32>,
        %mul3A_157 = arith.mulf %get3A_153, %get3A_156 : vector<16xf32>
        %swap3A_158 = arith.index_cast %scan3A_121 : i32 to index
        %swap3A_159 = arith.constant 48 : index
        %swap3A_160 = tpu.vector_load %arg11[%swap3A_158, %swap3A_159] {strides = array<i32>} : memref<80x64xf32, #tpu.memory_space<vmem>>, vector<16xf32>,
        tpu.vector_store %arg11[%swap3A_158, %swap3A_159], %mul3A_157 {strides = array<i32>} : memref<80x64xf32, #tpu.memory_space<vmem>>, vector<16xf32>,
        %scan3A_161 = arith.constant 0 : i32
        scf.yield %scan3A_161 : i32
      }
      %scan3A_119 = arith.constant 80 : i32
      "tpu.region"() ({
        %run_scoped3A = tpu.sem_alloc : memref<!tpu.dma_semaphore, #tpu.memory_space<semaphore_mem>>
        %dma_start3A_121 = arith.constant 0 : i32
        %dma_start3A_122 = tpu.memref_slice %arg9[%add3A_67, %dma_start3A_121] : memref<250x80xi32, #tpu.memory_space<vmem>> -> memref<1x80xi32, #tpu.memory_space<vmem>>
        %dma_start3A_123 = tpu.memref_squeeze %dma_start3A_122 : memref<1x80xi32, #tpu.memory_space<vmem>> -> memref<80xi32, #tpu.memory_space<vmem>>
        %dma_start3A_124 = arith.constant 0 : i32
        %dma_start3A_125 = arith.constant 0 : i32
        %dma_start3A_126 = tpu.memref_slice %arg15[%dma_start3A_124, %dma_start3A_125] : memref<10240x64xf32, #tpu.memory_space<vmem_shared>> -> memref<10240x64xf32, #tpu.memory_space<vmem_shared>>
        tpu.enqueue_indirect_dma source(%arg11 : memref<80x64xf32, #tpu.memory_space<vmem>>) target(%dma_start3A_126 : memref<10240x64xf32, #tpu.memory_space<vmem_shared>>) offsets(%dma_start3A_123 : memref<80xi32, #tpu.memory_space<vmem>>) semaphore(%run_scoped3A : memref<!tpu.dma_semaphore, #tpu.memory_space<semaphore_mem>>) {add = true}
        %dma_wait3A_127 = arith.constant 0 : i32
        %dma_wait3A_128 = tpu.memref_slice %arg9[%add3A_67, %dma_wait3A_127] : memref<250x80xi32, #tpu.memory_space<vmem>> -> memref<1x80xi32, #tpu.memory_space<vmem>>
        %dma_wait3A_129 = tpu.memref_squeeze %dma_wait3A_128 : memref<1x80xi32, #tpu.memory_space<vmem>> -> memref<80xi32, #tpu.memory_space<vmem>>
        %dma_wait3A_130 = arith.constant 0 : i32
        %dma_wait3A_131 = arith.constant 0 : i32
        %dma_wait3A_132 = tpu.memref_slice %arg15[%dma_wait3A_130, %dma_wait3A_131] : memref<10240x64xf32, #tpu.memory_space<vmem_shared>> -> memref<10240x64xf32, #tpu.memory_space<vmem_shared>>
        tpu.wait_indirect_dma semaphore(%run_scoped3A : memref<!tpu.dma_semaphore, #tpu.memory_space<semaphore_mem>>) src(%arg11 : memref<80x64xf32, #tpu.memory_space<vmem>>) dst(%dma_wait3A_132 : memref<10240x64xf32, #tpu.memory_space<vmem_shared>>)
        tpu.yield
      }) : () -> ()
      %scan3A_120 = arith.constant 0 : i32
      scf.yield %scan3A_120 : i32
    }
    %scan3A_51 = arith.constant 125 : i32
    %barrier3A_52 = arith.constant 0 : index
    tpu.barrier barrier_id(%barrier3A_52)
    %mul3A_53 = arith.constant 640 : i32
    %mul3A_54 = arith.muli %arg1, %mul3A_53 : i32
    %eq3A = arith.constant 0 : i32
    %eq3A_55 = arith.cmpi eq, %arg0, %eq3A : i32
    %convert_element_type3A = arith.extui %eq3A_55 : i1 to i32
    %cond3A = arith.constant 0 : i32
    %cond3A_56 = arith.cmpi ne, %convert_element_type3A, %cond3A : i32
    scf.if %cond3A_56 {
      "tpu.region"() ({
        %run_scoped3A = tpu.sem_alloc : memref<!tpu.dma_semaphore, #tpu.memory_space<semaphore_mem>>
        %dma_start3A_62 = arith.constant 0 : i32
        %dma_start3A_63 = tpu.memref_slice %arg6[%mul3A_54, %dma_start3A_62] : memref<10240x64xf32, #tpu.memory_space<hbm>> -> memref<640x64xf32, #tpu.memory_space<hbm>>
        %dma_start3A_64 = arith.constant 0 : i32
        %dma_start3A_65 = tpu.memref_slice %arg15[%mul3A_54, %dma_start3A_64] : memref<10240x64xf32, #tpu.memory_space<vmem_shared>> -> memref<640x64xf32, #tpu.memory_space<vmem_shared>>
        tpu.enqueue_dma source(%dma_start3A_65 : memref<640x64xf32, #tpu.memory_space<vmem_shared>>) target(%dma_start3A_63 : memref<640x64xf32, #tpu.memory_space<hbm>>) target_semaphore(%run_scoped3A : memref<!tpu.dma_semaphore, #tpu.memory_space<semaphore_mem>>)
        %dma_wait3A = arith.constant 0 : i32
        %dma_wait3A_66 = tpu.memref_slice %arg6[%mul3A_54, %dma_wait3A] : memref<10240x64xf32, #tpu.memory_space<hbm>> -> memref<640x64xf32, #tpu.memory_space<hbm>>
        %dma_wait3A_67 = arith.constant 0 : i32
        %dma_wait3A_68 = tpu.memref_slice %arg15[%mul3A_54, %dma_wait3A_67] : memref<10240x64xf32, #tpu.memory_space<vmem_shared>> -> memref<640x64xf32, #tpu.memory_space<vmem_shared>>
        tpu.wait_dma2 semaphore(%run_scoped3A : memref<!tpu.dma_semaphore, #tpu.memory_space<semaphore_mem>>) src(%dma_wait3A_68 : memref<640x64xf32, #tpu.memory_space<vmem_shared>>) dst(%dma_wait3A_66 : memref<640x64xf32, #tpu.memory_space<hbm>>)
        tpu.yield
      }) : () -> ()
    } else {
    }
    %eq3A_57 = arith.constant 1 : i32
    %eq3A_58 = arith.cmpi eq, %arg0, %eq3A_57 : i32
    %convert_element_type3A_59 = arith.extui %eq3A_58 : i1 to i32
    %cond3A_60 = arith.constant 0 : i32
    %cond3A_61 = arith.cmpi ne, %convert_element_type3A_59, %cond3A_60 : i32
    scf.if %cond3A_61 {
      "tpu.region"() ({
        %run_scoped3A = tpu.sem_alloc : memref<!tpu.dma_semaphore, #tpu.memory_space<semaphore_mem>>
        %dma_start3A_62 = arith.constant 0 : i32
        %dma_start3A_63 = tpu.memref_slice %arg7[%mul3A_54, %dma_start3A_62] : memref<10240x64xf32, #tpu.memory_space<hbm>> -> memref<640x64xf32, #tpu.memory_space<hbm>>
        %dma_start3A_64 = arith.constant 0 : i32
        %dma_start3A_65 = tpu.memref_slice %arg15[%mul3A_54, %dma_start3A_64] : memref<10240x64xf32, #tpu.memory_space<vmem_shared>> -> memref<640x64xf32, #tpu.memory_space<vmem_shared>>
        tpu.enqueue_dma source(%dma_start3A_65 : memref<640x64xf32, #tpu.memory_space<vmem_shared>>) target(%dma_start3A_63 : memref<640x64xf32, #tpu.memory_space<hbm>>) target_semaphore(%run_scoped3A : memref<!tpu.dma_semaphore, #tpu.memory_space<semaphore_mem>>)
        %dma_wait3A = arith.constant 0 : i32
        %dma_wait3A_66 = tpu.memref_slice %arg7[%mul3A_54, %dma_wait3A] : memref<10240x64xf32, #tpu.memory_space<hbm>> -> memref<640x64xf32, #tpu.memory_space<hbm>>
        %dma_wait3A_67 = arith.constant 0 : i32
        %dma_wait3A_68 = tpu.memref_slice %arg15[%mul3A_54, %dma_wait3A_67] : memref<10240x64xf32, #tpu.memory_space<vmem_shared>> -> memref<640x64xf32, #tpu.memory_space<vmem_shared>>
        tpu.wait_dma2 semaphore(%run_scoped3A : memref<!tpu.dma_semaphore, #tpu.memory_space<semaphore_mem>>) src(%dma_wait3A_68 : memref<640x64xf32, #tpu.memory_space<vmem_shared>>) dst(%dma_wait3A_66 : memref<640x64xf32, #tpu.memory_space<hbm>>)
        tpu.yield
      }) : () -> ()
    } else {
    }
    return
  }
}

#map = affine_map<(d0, d1) -> (0, 0)>
#map1 = affine_map<(d0, d1) -> (0, 0, 0)>
module attributes {stable_mosaic.version = 14 : i64} {
  func.func @_sc_step(%arg0: i32, %arg1: i32, %arg2: memref<20000x64xf32, #tpu.memory_space<hbm>>, %arg3: memref<320000x128xf32, #tpu.memory_space<hbm>>, %arg4: memref<16x250x80xi32, #tpu.memory_space<hbm>>, %arg5: memref<16x250x80xi32, #tpu.memory_space<hbm>>, %arg6: memref<10240x64xf32, #tpu.memory_space<hbm>>, %arg7: memref<10240x64xf32, #tpu.memory_space<hbm>>, %arg8: memref<250x80xi32, #tpu.memory_space<vmem>>, %arg9: memref<250x80xi32, #tpu.memory_space<vmem>>, %arg10: memref<80x64xf32, #tpu.memory_space<vmem>>, %arg11: memref<80x64xf32, #tpu.memory_space<vmem>>, %arg12: memref<80x64xf32, #tpu.memory_space<vmem>>, %arg13: memref<80x64xf32, #tpu.memory_space<vmem>>, %arg14: memref<128x64xf32, #tpu.memory_space<vmem>>, %arg15: memref<10240x64xf32, #tpu.memory_space<vmem_shared>>, %arg16: memref<!tpu.dma_semaphore, #tpu.memory_space<semaphore_mem>>, %arg17: memref<!tpu.dma_semaphore, #tpu.memory_space<semaphore_mem>>, %arg18: memref<!tpu.dma_semaphore, #tpu.memory_space<semaphore_mem>>, %arg19: memref<!tpu.dma_semaphore, #tpu.memory_space<semaphore_mem>>, %arg20: memref<!tpu.dma_semaphore, #tpu.memory_space<semaphore_mem>>, %arg21: memref<!tpu.dma_semaphore, #tpu.memory_space<semaphore_mem>>) attributes {dimension_semantics = [#tpu.dimension_semantics<core_parallel>, #tpu.dimension_semantics<subcore_parallel>], iteration_bounds = array<i64: 2, 16>, scalar_prefetch = 0 : i64, scratch_operands = 14 : i64, tpu.core_type = #tpu.core_type<sc_vector_subcore>, window_params = [{transform_indices = #map}, {transform_indices = #map}, {transform_indices = #map1}, {transform_indices = #map1}, {transform_indices = #map}, {transform_indices = #map}]} {
    %mul3A = arith.constant 20000 : i32
    %mul3A_0 = arith.muli %arg1, %mul3A : i32
    %mul3A_1 = arith.constant 64 : i32
    %mul3A_2 = arith.muli %arg0, %mul3A_1 : i32
    "tpu.region"() ({
      %run_scoped3A = tpu.sem_alloc : memref<!tpu.dma_semaphore, #tpu.memory_space<semaphore_mem>>
      %dma_start3A_62 = arith.constant 0 : i32
      %dma_start3A_63 = arith.constant 0 : i32
      %dma_start3A_64 = tpu.memref_slice %arg4[%arg1, %dma_start3A_62, %dma_start3A_63] : memref<16x250x80xi32, #tpu.memory_space<hbm>> -> memref<1x250x80xi32, #tpu.memory_space<hbm>>
      %dma_start3A_65 = tpu.memref_squeeze %dma_start3A_64 : memref<1x250x80xi32, #tpu.memory_space<hbm>> -> memref<250x80xi32, #tpu.memory_space<hbm>>
      %dma_start3A_66 = arith.constant 0 : i32
      %dma_start3A_67 = arith.constant 0 : i32
      %dma_start3A_68 = tpu.memref_slice %arg4[%arg1, %dma_start3A_66, %dma_start3A_67] : memref<16x250x80xi32, #tpu.memory_space<hbm>> -> memref<1x250x80xi32, #tpu.memory_space<hbm>>
      %dma_start3A_69 = tpu.memref_squeeze %dma_start3A_68 : memref<1x250x80xi32, #tpu.memory_space<hbm>> -> memref<250x80xi32, #tpu.memory_space<hbm>>
      tpu.enqueue_dma source(%dma_start3A_69 : memref<250x80xi32, #tpu.memory_space<hbm>>) target(%arg8 : memref<250x80xi32, #tpu.memory_space<vmem>>) target_semaphore(%run_scoped3A : memref<!tpu.dma_semaphore, #tpu.memory_space<semaphore_mem>>)
      %dma_wait3A = arith.constant 0 : i32
      %dma_wait3A_70 = arith.constant 0 : i32
      %dma_wait3A_71 = tpu.memref_slice %arg4[%arg1, %dma_wait3A, %dma_wait3A_70] : memref<16x250x80xi32, #tpu.memory_space<hbm>> -> memref<1x250x80xi32, #tpu.memory_space<hbm>>
      %dma_wait3A_72 = tpu.memref_squeeze %dma_wait3A_71 : memref<1x250x80xi32, #tpu.memory_space<hbm>> -> memref<250x80xi32, #tpu.memory_space<hbm>>
      %dma_wait3A_73 = arith.constant 0 : i32
      %dma_wait3A_74 = arith.constant 0 : i32
      %dma_wait3A_75 = tpu.memref_slice %arg4[%arg1, %dma_wait3A_73, %dma_wait3A_74] : memref<16x250x80xi32, #tpu.memory_space<hbm>> -> memref<1x250x80xi32, #tpu.memory_space<hbm>>
      %dma_wait3A_76 = tpu.memref_squeeze %dma_wait3A_75 : memref<1x250x80xi32, #tpu.memory_space<hbm>> -> memref<250x80xi32, #tpu.memory_space<hbm>>
      tpu.wait_dma2 semaphore(%run_scoped3A : memref<!tpu.dma_semaphore, #tpu.memory_space<semaphore_mem>>) src(%dma_wait3A_76 : memref<250x80xi32, #tpu.memory_space<hbm>>) dst(%arg8 : memref<250x80xi32, #tpu.memory_space<vmem>>)
      tpu.yield
    }) : () -> ()
    "tpu.region"() ({
      %run_scoped3A = tpu.sem_alloc : memref<!tpu.dma_semaphore, #tpu.memory_space<semaphore_mem>>
      %dma_start3A_62 = arith.constant 0 : i32
      %dma_start3A_63 = arith.constant 0 : i32
      %dma_start3A_64 = tpu.memref_slice %arg5[%arg1, %dma_start3A_62, %dma_start3A_63] : memref<16x250x80xi32, #tpu.memory_space<hbm>> -> memref<1x250x80xi32, #tpu.memory_space<hbm>>
      %dma_start3A_65 = tpu.memref_squeeze %dma_start3A_64 : memref<1x250x80xi32, #tpu.memory_space<hbm>> -> memref<250x80xi32, #tpu.memory_space<hbm>>
      %dma_start3A_66 = arith.constant 0 : i32
      %dma_start3A_67 = arith.constant 0 : i32
      %dma_start3A_68 = tpu.memref_slice %arg5[%arg1, %dma_start3A_66, %dma_start3A_67] : memref<16x250x80xi32, #tpu.memory_space<hbm>> -> memref<1x250x80xi32, #tpu.memory_space<hbm>>
      %dma_start3A_69 = tpu.memref_squeeze %dma_start3A_68 : memref<1x250x80xi32, #tpu.memory_space<hbm>> -> memref<250x80xi32, #tpu.memory_space<hbm>>
      tpu.enqueue_dma source(%dma_start3A_69 : memref<250x80xi32, #tpu.memory_space<hbm>>) target(%arg9 : memref<250x80xi32, #tpu.memory_space<vmem>>) target_semaphore(%run_scoped3A : memref<!tpu.dma_semaphore, #tpu.memory_space<semaphore_mem>>)
      %dma_wait3A = arith.constant 0 : i32
      %dma_wait3A_70 = arith.constant 0 : i32
      %dma_wait3A_71 = tpu.memref_slice %arg5[%arg1, %dma_wait3A, %dma_wait3A_70] : memref<16x250x80xi32, #tpu.memory_space<hbm>> -> memref<1x250x80xi32, #tpu.memory_space<hbm>>
      %dma_wait3A_72 = tpu.memref_squeeze %dma_wait3A_71 : memref<1x250x80xi32, #tpu.memory_space<hbm>> -> memref<250x80xi32, #tpu.memory_space<hbm>>
      %dma_wait3A_73 = arith.constant 0 : i32
      %dma_wait3A_74 = arith.constant 0 : i32
      %dma_wait3A_75 = tpu.memref_slice %arg5[%arg1, %dma_wait3A_73, %dma_wait3A_74] : memref<16x250x80xi32, #tpu.memory_space<hbm>> -> memref<1x250x80xi32, #tpu.memory_space<hbm>>
      %dma_wait3A_76 = tpu.memref_squeeze %dma_wait3A_75 : memref<1x250x80xi32, #tpu.memory_space<hbm>> -> memref<250x80xi32, #tpu.memory_space<hbm>>
      tpu.wait_dma2 semaphore(%run_scoped3A : memref<!tpu.dma_semaphore, #tpu.memory_space<semaphore_mem>>) src(%dma_wait3A_76 : memref<250x80xi32, #tpu.memory_space<hbm>>) dst(%arg9 : memref<250x80xi32, #tpu.memory_space<vmem>>)
      tpu.yield
    }) : () -> ()
    %scan3A = arith.constant 0 : i32
    %scan3A_3 = arith.constant 0 : i32
    %scan3A_4 = arith.constant 250 : i32
    %scan3A_5 = arith.addi %scan3A_3, %scan3A_4 : i32
    %scan3A_6 = arith.constant 1 : i32
    %scan3A_7 = scf.for %scan3A_62 = %scan3A_3 to %scan3A_5 step %scan3A_6 iter_args(%scan3A_63 = %scan3A) -> (i32)  : i32 {
      %get3A = arith.index_cast %scan3A_62 : i32 to index
      %get3A_64 = arith.constant 0 : index
      %get3A_65 = tpu.vector_load %arg8[%get3A, %get3A_64] {strides = array<i32>} : memref<250x80xi32, #tpu.memory_space<vmem>>, vector<16xi32>,
      %mul3A_66 = arith.constant 2 : i32
      %mul3A_67 = vector.broadcast %mul3A_66 : i32 to vector<16xi32>
      %mul3A_68 = arith.muli %get3A_65, %mul3A_67 : vector<16xi32>
      %add3A_69 = vector.broadcast %arg0 : i32 to vector<16xi32>
      %add3A_70 = arith.addi %mul3A_68, %add3A_69 : vector<16xi32>
      %swap3A = arith.index_cast %scan3A_62 : i32 to index
      %swap3A_71 = arith.constant 0 : index
      %swap3A_72 = tpu.vector_load %arg8[%swap3A, %swap3A_71] {strides = array<i32>} : memref<250x80xi32, #tpu.memory_space<vmem>>, vector<16xi32>,
      tpu.vector_store %arg8[%swap3A, %swap3A_71], %add3A_70 {strides = array<i32>} : memref<250x80xi32, #tpu.memory_space<vmem>>, vector<16xi32>,
      %get3A_73 = arith.index_cast %scan3A_62 : i32 to index
      %get3A_74 = arith.constant 16 : index
      %get3A_75 = tpu.vector_load %arg8[%get3A_73, %get3A_74] {strides = array<i32>} : memref<250x80xi32, #tpu.memory_space<vmem>>, vector<16xi32>,
      %mul3A_76 = arith.constant 2 : i32
      %mul3A_77 = vector.broadcast %mul3A_76 : i32 to vector<16xi32>
      %mul3A_78 = arith.muli %get3A_75, %mul3A_77 : vector<16xi32>
      %add3A_79 = vector.broadcast %arg0 : i32 to vector<16xi32>
      %add3A_80 = arith.addi %mul3A_78, %add3A_79 : vector<16xi32>
      %swap3A_81 = arith.index_cast %scan3A_62 : i32 to index
      %swap3A_82 = arith.constant 16 : index
      %swap3A_83 = tpu.vector_load %arg8[%swap3A_81, %swap3A_82] {strides = array<i32>} : memref<250x80xi32, #tpu.memory_space<vmem>>, vector<16xi32>,
      tpu.vector_store %arg8[%swap3A_81, %swap3A_82], %add3A_80 {strides = array<i32>} : memref<250x80xi32, #tpu.memory_space<vmem>>, vector<16xi32>,
      %get3A_84 = arith.index_cast %scan3A_62 : i32 to index
      %get3A_85 = arith.constant 32 : index
      %get3A_86 = tpu.vector_load %arg8[%get3A_84, %get3A_85] {strides = array<i32>} : memref<250x80xi32, #tpu.memory_space<vmem>>, vector<16xi32>,
      %mul3A_87 = arith.constant 2 : i32
      %mul3A_88 = vector.broadcast %mul3A_87 : i32 to vector<16xi32>
      %mul3A_89 = arith.muli %get3A_86, %mul3A_88 : vector<16xi32>
      %add3A_90 = vector.broadcast %arg0 : i32 to vector<16xi32>
      %add3A_91 = arith.addi %mul3A_89, %add3A_90 : vector<16xi32>
      %swap3A_92 = arith.index_cast %scan3A_62 : i32 to index
      %swap3A_93 = arith.constant 32 : index
      %swap3A_94 = tpu.vector_load %arg8[%swap3A_92, %swap3A_93] {strides = array<i32>} : memref<250x80xi32, #tpu.memory_space<vmem>>, vector<16xi32>,
      tpu.vector_store %arg8[%swap3A_92, %swap3A_93], %add3A_91 {strides = array<i32>} : memref<250x80xi32, #tpu.memory_space<vmem>>, vector<16xi32>,
      %get3A_95 = arith.index_cast %scan3A_62 : i32 to index
      %get3A_96 = arith.constant 48 : index
      %get3A_97 = tpu.vector_load %arg8[%get3A_95, %get3A_96] {strides = array<i32>} : memref<250x80xi32, #tpu.memory_space<vmem>>, vector<16xi32>,
      %mul3A_98 = arith.constant 2 : i32
      %mul3A_99 = vector.broadcast %mul3A_98 : i32 to vector<16xi32>
      %mul3A_100 = arith.muli %get3A_97, %mul3A_99 : vector<16xi32>
      %add3A_101 = vector.broadcast %arg0 : i32 to vector<16xi32>
      %add3A_102 = arith.addi %mul3A_100, %add3A_101 : vector<16xi32>
      %swap3A_103 = arith.index_cast %scan3A_62 : i32 to index
      %swap3A_104 = arith.constant 48 : index
      %swap3A_105 = tpu.vector_load %arg8[%swap3A_103, %swap3A_104] {strides = array<i32>} : memref<250x80xi32, #tpu.memory_space<vmem>>, vector<16xi32>,
      tpu.vector_store %arg8[%swap3A_103, %swap3A_104], %add3A_102 {strides = array<i32>} : memref<250x80xi32, #tpu.memory_space<vmem>>, vector<16xi32>,
      %get3A_106 = arith.index_cast %scan3A_62 : i32 to index
      %get3A_107 = arith.constant 64 : index
      %get3A_108 = tpu.vector_load %arg8[%get3A_106, %get3A_107] {strides = array<i32>} : memref<250x80xi32, #tpu.memory_space<vmem>>, vector<16xi32>,
      %mul3A_109 = arith.constant 2 : i32
      %mul3A_110 = vector.broadcast %mul3A_109 : i32 to vector<16xi32>
      %mul3A_111 = arith.muli %get3A_108, %mul3A_110 : vector<16xi32>
      %add3A_112 = vector.broadcast %arg0 : i32 to vector<16xi32>
      %add3A_113 = arith.addi %mul3A_111, %add3A_112 : vector<16xi32>
      %swap3A_114 = arith.index_cast %scan3A_62 : i32 to index
      %swap3A_115 = arith.constant 64 : index
      %swap3A_116 = tpu.vector_load %arg8[%swap3A_114, %swap3A_115] {strides = array<i32>} : memref<250x80xi32, #tpu.memory_space<vmem>>, vector<16xi32>,
      tpu.vector_store %arg8[%swap3A_114, %swap3A_115], %add3A_113 {strides = array<i32>} : memref<250x80xi32, #tpu.memory_space<vmem>>, vector<16xi32>,
      %scan3A_117 = arith.constant 0 : i32
      scf.yield %scan3A_117 : i32
    }
    %scan3A_8 = arith.constant 250 : i32
    %dma_start3A = arith.constant 0 : i32
    %dma_start3A_9 = arith.constant 0 : i32
    %dma_start3A_10 = tpu.memref_slice %arg8[%dma_start3A, %dma_start3A_9] : memref<250x80xi32, #tpu.memory_space<vmem>> -> memref<1x80xi32, #tpu.memory_space<vmem>>
    %dma_start3A_11 = tpu.memref_squeeze %dma_start3A_10 : memref<1x80xi32, #tpu.memory_space<vmem>> -> memref<80xi32, #tpu.memory_space<vmem>>
    %dma_start3A_12 = arith.constant 0 : i32
    %dma_start3A_13 = arith.constant 0 : i32
    %dma_start3A_14 = tpu.memref_slice %arg2[%dma_start3A_12, %dma_start3A_13] : memref<20000x64xf32, #tpu.memory_space<hbm>> -> memref<20000x64xf32, #tpu.memory_space<hbm>>
    tpu.enqueue_indirect_dma source(%dma_start3A_14 : memref<20000x64xf32, #tpu.memory_space<hbm>>) target(%arg10 : memref<80x64xf32, #tpu.memory_space<vmem>>) offsets(%dma_start3A_11 : memref<80xi32, #tpu.memory_space<vmem>>) semaphore(%arg16 : memref<!tpu.dma_semaphore, #tpu.memory_space<semaphore_mem>>)
    %add3A = arith.constant 0 : i32
    %add3A_15 = arith.addi %mul3A_0, %add3A : i32
    %dma_start3A_16 = tpu.memref_slice %arg3[%add3A_15, %mul3A_2] : memref<320000x128xf32, #tpu.memory_space<hbm>> -> memref<80x64xf32, #tpu.memory_space<hbm>>
    %dma_start3A_17 = tpu.memref_slice %arg3[%add3A_15, %mul3A_2] : memref<320000x128xf32, #tpu.memory_space<hbm>> -> memref<80x64xf32, #tpu.memory_space<hbm>>
    tpu.enqueue_dma source(%dma_start3A_17 : memref<80x64xf32, #tpu.memory_space<hbm>>) target(%arg12 : memref<80x64xf32, #tpu.memory_space<vmem>>) target_semaphore(%arg18 : memref<!tpu.dma_semaphore, #tpu.memory_space<semaphore_mem>>)
    %scan3A_18 = arith.constant 0 : i32
    %scan3A_19 = arith.constant 0 : i32
    %scan3A_20 = arith.constant 128 : i32
    %scan3A_21 = arith.addi %scan3A_19, %scan3A_20 : i32
    %scan3A_22 = arith.constant 1 : i32
    %scan3A_23 = scf.for %scan3A_62 = %scan3A_19 to %scan3A_21 step %scan3A_22 iter_args(%scan3A_63 = %scan3A_18) -> (i32)  : i32 {
      %broadcast_in_dim3A = arith.constant 0.000000e+00 : f32
      %broadcast_in_dim3A_64 = vector.broadcast %broadcast_in_dim3A : f32 to vector<16xf32>
      %swap3A = arith.index_cast %scan3A_62 : i32 to index
      %swap3A_65 = arith.constant 0 : index
      %swap3A_66 = tpu.vector_load %arg14[%swap3A, %swap3A_65] {strides = array<i32>} : memref<128x64xf32, #tpu.memory_space<vmem>>, vector<16xf32>,
      tpu.vector_store %arg14[%swap3A, %swap3A_65], %broadcast_in_dim3A_64 {strides = array<i32>} : memref<128x64xf32, #tpu.memory_space<vmem>>, vector<16xf32>,
      %broadcast_in_dim3A_67 = arith.constant 0.000000e+00 : f32
      %broadcast_in_dim3A_68 = vector.broadcast %broadcast_in_dim3A_67 : f32 to vector<16xf32>
      %swap3A_69 = arith.index_cast %scan3A_62 : i32 to index
      %swap3A_70 = arith.constant 16 : index
      %swap3A_71 = tpu.vector_load %arg14[%swap3A_69, %swap3A_70] {strides = array<i32>} : memref<128x64xf32, #tpu.memory_space<vmem>>, vector<16xf32>,
      tpu.vector_store %arg14[%swap3A_69, %swap3A_70], %broadcast_in_dim3A_68 {strides = array<i32>} : memref<128x64xf32, #tpu.memory_space<vmem>>, vector<16xf32>,
      %broadcast_in_dim3A_72 = arith.constant 0.000000e+00 : f32
      %broadcast_in_dim3A_73 = vector.broadcast %broadcast_in_dim3A_72 : f32 to vector<16xf32>
      %swap3A_74 = arith.index_cast %scan3A_62 : i32 to index
      %swap3A_75 = arith.constant 32 : index
      %swap3A_76 = tpu.vector_load %arg14[%swap3A_74, %swap3A_75] {strides = array<i32>} : memref<128x64xf32, #tpu.memory_space<vmem>>, vector<16xf32>,
      tpu.vector_store %arg14[%swap3A_74, %swap3A_75], %broadcast_in_dim3A_73 {strides = array<i32>} : memref<128x64xf32, #tpu.memory_space<vmem>>, vector<16xf32>,
      %broadcast_in_dim3A_77 = arith.constant 0.000000e+00 : f32
      %broadcast_in_dim3A_78 = vector.broadcast %broadcast_in_dim3A_77 : f32 to vector<16xf32>
      %swap3A_79 = arith.index_cast %scan3A_62 : i32 to index
      %swap3A_80 = arith.constant 48 : index
      %swap3A_81 = tpu.vector_load %arg14[%swap3A_79, %swap3A_80] {strides = array<i32>} : memref<128x64xf32, #tpu.memory_space<vmem>>, vector<16xf32>,
      tpu.vector_store %arg14[%swap3A_79, %swap3A_80], %broadcast_in_dim3A_78 {strides = array<i32>} : memref<128x64xf32, #tpu.memory_space<vmem>>, vector<16xf32>,
      %scan3A_82 = arith.constant 0 : i32
      scf.yield %scan3A_82 : i32
    }
    %scan3A_24 = arith.constant 128 : i32
    %mul3A_25 = arith.constant 640 : i32
    %mul3A_26 = arith.muli %arg1, %mul3A_25 : i32
    %add3A_27 = arith.constant 0 : i32
    %add3A_28 = arith.addi %mul3A_26, %add3A_27 : i32
    "tpu.region"() ({
      %run_scoped3A = tpu.sem_alloc : memref<!tpu.dma_semaphore, #tpu.memory_space<semaphore_mem>>
      %dma_start3A_62 = arith.constant 0 : i32
      %dma_start3A_63 = tpu.memref_slice %arg15[%add3A_28, %dma_start3A_62] : memref<10240x64xf32, #tpu.memory_space<vmem_shared>> -> memref<128x64xf32, #tpu.memory_space<vmem_shared>>
      %dma_start3A_64 = arith.constant 0 : i32
      %dma_start3A_65 = tpu.memref_slice %arg15[%add3A_28, %dma_start3A_64] : memref<10240x64xf32, #tpu.memory_space<vmem_shared>> -> memref<128x64xf32, #tpu.memory_space<vmem_shared>>
      tpu.enqueue_dma source(%arg14 : memref<128x64xf32, #tpu.memory_space<vmem>>) target(%dma_start3A_65 : memref<128x64xf32, #tpu.memory_space<vmem_shared>>) target_semaphore(%run_scoped3A : memref<!tpu.dma_semaphore, #tpu.memory_space<semaphore_mem>>)
      %dma_wait3A = arith.constant 0 : i32
      %dma_wait3A_66 = tpu.memref_slice %arg15[%add3A_28, %dma_wait3A] : memref<10240x64xf32, #tpu.memory_space<vmem_shared>> -> memref<128x64xf32, #tpu.memory_space<vmem_shared>>
      %dma_wait3A_67 = arith.constant 0 : i32
      %dma_wait3A_68 = tpu.memref_slice %arg15[%add3A_28, %dma_wait3A_67] : memref<10240x64xf32, #tpu.memory_space<vmem_shared>> -> memref<128x64xf32, #tpu.memory_space<vmem_shared>>
      tpu.wait_dma2 semaphore(%run_scoped3A : memref<!tpu.dma_semaphore, #tpu.memory_space<semaphore_mem>>) src(%arg14 : memref<128x64xf32, #tpu.memory_space<vmem>>) dst(%dma_wait3A_68 : memref<128x64xf32, #tpu.memory_space<vmem_shared>>)
      tpu.yield
    }) : () -> ()
    %mul3A_29 = arith.constant 640 : i32
    %mul3A_30 = arith.muli %arg1, %mul3A_29 : i32
    %add3A_31 = arith.constant 128 : i32
    %add3A_32 = arith.addi %mul3A_30, %add3A_31 : i32
    "tpu.region"() ({
      %run_scoped3A = tpu.sem_alloc : memref<!tpu.dma_semaphore, #tpu.memory_space<semaphore_mem>>
      %dma_start3A_62 = arith.constant 0 : i32
      %dma_start3A_63 = tpu.memref_slice %arg15[%add3A_32, %dma_start3A_62] : memref<10240x64xf32, #tpu.memory_space<vmem_shared>> -> memref<128x64xf32, #tpu.memory_space<vmem_shared>>
      %dma_start3A_64 = arith.constant 0 : i32
      %dma_start3A_65 = tpu.memref_slice %arg15[%add3A_32, %dma_start3A_64] : memref<10240x64xf32, #tpu.memory_space<vmem_shared>> -> memref<128x64xf32, #tpu.memory_space<vmem_shared>>
      tpu.enqueue_dma source(%arg14 : memref<128x64xf32, #tpu.memory_space<vmem>>) target(%dma_start3A_65 : memref<128x64xf32, #tpu.memory_space<vmem_shared>>) target_semaphore(%run_scoped3A : memref<!tpu.dma_semaphore, #tpu.memory_space<semaphore_mem>>)
      %dma_wait3A = arith.constant 0 : i32
      %dma_wait3A_66 = tpu.memref_slice %arg15[%add3A_32, %dma_wait3A] : memref<10240x64xf32, #tpu.memory_space<vmem_shared>> -> memref<128x64xf32, #tpu.memory_space<vmem_shared>>
      %dma_wait3A_67 = arith.constant 0 : i32
      %dma_wait3A_68 = tpu.memref_slice %arg15[%add3A_32, %dma_wait3A_67] : memref<10240x64xf32, #tpu.memory_space<vmem_shared>> -> memref<128x64xf32, #tpu.memory_space<vmem_shared>>
      tpu.wait_dma2 semaphore(%run_scoped3A : memref<!tpu.dma_semaphore, #tpu.memory_space<semaphore_mem>>) src(%arg14 : memref<128x64xf32, #tpu.memory_space<vmem>>) dst(%dma_wait3A_68 : memref<128x64xf32, #tpu.memory_space<vmem_shared>>)
      tpu.yield
    }) : () -> ()
    %mul3A_33 = arith.constant 640 : i32
    %mul3A_34 = arith.muli %arg1, %mul3A_33 : i32
    %add3A_35 = arith.constant 256 : i32
    %add3A_36 = arith.addi %mul3A_34, %add3A_35 : i32
    "tpu.region"() ({
      %run_scoped3A = tpu.sem_alloc : memref<!tpu.dma_semaphore, #tpu.memory_space<semaphore_mem>>
      %dma_start3A_62 = arith.constant 0 : i32
      %dma_start3A_63 = tpu.memref_slice %arg15[%add3A_36, %dma_start3A_62] : memref<10240x64xf32, #tpu.memory_space<vmem_shared>> -> memref<128x64xf32, #tpu.memory_space<vmem_shared>>
      %dma_start3A_64 = arith.constant 0 : i32
      %dma_start3A_65 = tpu.memref_slice %arg15[%add3A_36, %dma_start3A_64] : memref<10240x64xf32, #tpu.memory_space<vmem_shared>> -> memref<128x64xf32, #tpu.memory_space<vmem_shared>>
      tpu.enqueue_dma source(%arg14 : memref<128x64xf32, #tpu.memory_space<vmem>>) target(%dma_start3A_65 : memref<128x64xf32, #tpu.memory_space<vmem_shared>>) target_semaphore(%run_scoped3A : memref<!tpu.dma_semaphore, #tpu.memory_space<semaphore_mem>>)
      %dma_wait3A = arith.constant 0 : i32
      %dma_wait3A_66 = tpu.memref_slice %arg15[%add3A_36, %dma_wait3A] : memref<10240x64xf32, #tpu.memory_space<vmem_shared>> -> memref<128x64xf32, #tpu.memory_space<vmem_shared>>
      %dma_wait3A_67 = arith.constant 0 : i32
      %dma_wait3A_68 = tpu.memref_slice %arg15[%add3A_36, %dma_wait3A_67] : memref<10240x64xf32, #tpu.memory_space<vmem_shared>> -> memref<128x64xf32, #tpu.memory_space<vmem_shared>>
      tpu.wait_dma2 semaphore(%run_scoped3A : memref<!tpu.dma_semaphore, #tpu.memory_space<semaphore_mem>>) src(%arg14 : memref<128x64xf32, #tpu.memory_space<vmem>>) dst(%dma_wait3A_68 : memref<128x64xf32, #tpu.memory_space<vmem_shared>>)
      tpu.yield
    }) : () -> ()
    %mul3A_37 = arith.constant 640 : i32
    %mul3A_38 = arith.muli %arg1, %mul3A_37 : i32
    %add3A_39 = arith.constant 384 : i32
    %add3A_40 = arith.addi %mul3A_38, %add3A_39 : i32
    "tpu.region"() ({
      %run_scoped3A = tpu.sem_alloc : memref<!tpu.dma_semaphore, #tpu.memory_space<semaphore_mem>>
      %dma_start3A_62 = arith.constant 0 : i32
      %dma_start3A_63 = tpu.memref_slice %arg15[%add3A_40, %dma_start3A_62] : memref<10240x64xf32, #tpu.memory_space<vmem_shared>> -> memref<128x64xf32, #tpu.memory_space<vmem_shared>>
      %dma_start3A_64 = arith.constant 0 : i32
      %dma_start3A_65 = tpu.memref_slice %arg15[%add3A_40, %dma_start3A_64] : memref<10240x64xf32, #tpu.memory_space<vmem_shared>> -> memref<128x64xf32, #tpu.memory_space<vmem_shared>>
      tpu.enqueue_dma source(%arg14 : memref<128x64xf32, #tpu.memory_space<vmem>>) target(%dma_start3A_65 : memref<128x64xf32, #tpu.memory_space<vmem_shared>>) target_semaphore(%run_scoped3A : memref<!tpu.dma_semaphore, #tpu.memory_space<semaphore_mem>>)
      %dma_wait3A = arith.constant 0 : i32
      %dma_wait3A_66 = tpu.memref_slice %arg15[%add3A_40, %dma_wait3A] : memref<10240x64xf32, #tpu.memory_space<vmem_shared>> -> memref<128x64xf32, #tpu.memory_space<vmem_shared>>
      %dma_wait3A_67 = arith.constant 0 : i32
      %dma_wait3A_68 = tpu.memref_slice %arg15[%add3A_40, %dma_wait3A_67] : memref<10240x64xf32, #tpu.memory_space<vmem_shared>> -> memref<128x64xf32, #tpu.memory_space<vmem_shared>>
      tpu.wait_dma2 semaphore(%run_scoped3A : memref<!tpu.dma_semaphore, #tpu.memory_space<semaphore_mem>>) src(%arg14 : memref<128x64xf32, #tpu.memory_space<vmem>>) dst(%dma_wait3A_68 : memref<128x64xf32, #tpu.memory_space<vmem_shared>>)
      tpu.yield
    }) : () -> ()
    %mul3A_41 = arith.constant 640 : i32
    %mul3A_42 = arith.muli %arg1, %mul3A_41 : i32
    %add3A_43 = arith.constant 512 : i32
    %add3A_44 = arith.addi %mul3A_42, %add3A_43 : i32
    "tpu.region"() ({
      %run_scoped3A = tpu.sem_alloc : memref<!tpu.dma_semaphore, #tpu.memory_space<semaphore_mem>>
      %dma_start3A_62 = arith.constant 0 : i32
      %dma_start3A_63 = tpu.memref_slice %arg15[%add3A_44, %dma_start3A_62] : memref<10240x64xf32, #tpu.memory_space<vmem_shared>> -> memref<128x64xf32, #tpu.memory_space<vmem_shared>>
      %dma_start3A_64 = arith.constant 0 : i32
      %dma_start3A_65 = tpu.memref_slice %arg15[%add3A_44, %dma_start3A_64] : memref<10240x64xf32, #tpu.memory_space<vmem_shared>> -> memref<128x64xf32, #tpu.memory_space<vmem_shared>>
      tpu.enqueue_dma source(%arg14 : memref<128x64xf32, #tpu.memory_space<vmem>>) target(%dma_start3A_65 : memref<128x64xf32, #tpu.memory_space<vmem_shared>>) target_semaphore(%run_scoped3A : memref<!tpu.dma_semaphore, #tpu.memory_space<semaphore_mem>>)
      %dma_wait3A = arith.constant 0 : i32
      %dma_wait3A_66 = tpu.memref_slice %arg15[%add3A_44, %dma_wait3A] : memref<10240x64xf32, #tpu.memory_space<vmem_shared>> -> memref<128x64xf32, #tpu.memory_space<vmem_shared>>
      %dma_wait3A_67 = arith.constant 0 : i32
      %dma_wait3A_68 = tpu.memref_slice %arg15[%add3A_44, %dma_wait3A_67] : memref<10240x64xf32, #tpu.memory_space<vmem_shared>> -> memref<128x64xf32, #tpu.memory_space<vmem_shared>>
      tpu.wait_dma2 semaphore(%run_scoped3A : memref<!tpu.dma_semaphore, #tpu.memory_space<semaphore_mem>>) src(%arg14 : memref<128x64xf32, #tpu.memory_space<vmem>>) dst(%dma_wait3A_68 : memref<128x64xf32, #tpu.memory_space<vmem_shared>>)
      tpu.yield
    }) : () -> ()
    %barrier3A = arith.constant 0 : index
    tpu.barrier barrier_id(%barrier3A)
    %scan3A_45 = arith.constant 0 : i32
    %scan3A_46 = arith.constant 0 : i32
    %scan3A_47 = arith.constant 125 : i32
    %scan3A_48 = arith.addi %scan3A_46, %scan3A_47 : i32
    %scan3A_49 = arith.constant 1 : i32
    %scan3A_50 = scf.for %scan3A_62 = %scan3A_46 to %scan3A_48 step %scan3A_49 iter_args(%scan3A_63 = %scan3A_45) -> (i32)  : i32 {
      %mul3A_64 = arith.constant 2 : i32
      %mul3A_65 = arith.muli %scan3A_62, %mul3A_64 : i32
      %add3A_66 = arith.constant 1 : i32
      %add3A_67 = arith.addi %mul3A_65, %add3A_66 : i32
      %dma_start3A_68 = arith.constant 0 : i32
      %dma_start3A_69 = tpu.memref_slice %arg8[%add3A_67, %dma_start3A_68] : memref<250x80xi32, #tpu.memory_space<vmem>> -> memref<1x80xi32, #tpu.memory_space<vmem>>
      %dma_start3A_70 = tpu.memref_squeeze %dma_start3A_69 : memref<1x80xi32, #tpu.memory_space<vmem>> -> memref<80xi32, #tpu.memory_space<vmem>>
      %dma_start3A_71 = arith.constant 0 : i32
      %dma_start3A_72 = arith.constant 0 : i32
      %dma_start3A_73 = tpu.memref_slice %arg2[%dma_start3A_71, %dma_start3A_72] : memref<20000x64xf32, #tpu.memory_space<hbm>> -> memref<20000x64xf32, #tpu.memory_space<hbm>>
      tpu.enqueue_indirect_dma source(%dma_start3A_73 : memref<20000x64xf32, #tpu.memory_space<hbm>>) target(%arg11 : memref<80x64xf32, #tpu.memory_space<vmem>>) offsets(%dma_start3A_70 : memref<80xi32, #tpu.memory_space<vmem>>) semaphore(%arg17 : memref<!tpu.dma_semaphore, #tpu.memory_space<semaphore_mem>>)
      %mul3A_74 = arith.constant 80 : i32
      %mul3A_75 = arith.muli %add3A_67, %mul3A_74 : i32
      %add3A_76 = arith.addi %mul3A_0, %mul3A_75 : i32
      %dma_start3A_77 = tpu.memref_slice %arg3[%add3A_76, %mul3A_2] : memref<320000x128xf32, #tpu.memory_space<hbm>> -> memref<80x64xf32, #tpu.memory_space<hbm>>
      %dma_start3A_78 = tpu.memref_slice %arg3[%add3A_76, %mul3A_2] : memref<320000x128xf32, #tpu.memory_space<hbm>> -> memref<80x64xf32, #tpu.memory_space<hbm>>
      tpu.enqueue_dma source(%dma_start3A_78 : memref<80x64xf32, #tpu.memory_space<hbm>>) target(%arg13 : memref<80x64xf32, #tpu.memory_space<vmem>>) target_semaphore(%arg19 : memref<!tpu.dma_semaphore, #tpu.memory_space<semaphore_mem>>)
      %dma_wait3A = arith.constant 0 : i32
      %dma_wait3A_79 = tpu.memref_slice %arg8[%mul3A_65, %dma_wait3A] : memref<250x80xi32, #tpu.memory_space<vmem>> -> memref<1x80xi32, #tpu.memory_space<vmem>>
      %dma_wait3A_80 = tpu.memref_squeeze %dma_wait3A_79 : memref<1x80xi32, #tpu.memory_space<vmem>> -> memref<80xi32, #tpu.memory_space<vmem>>
      %dma_wait3A_81 = arith.constant 0 : i32
      %dma_wait3A_82 = arith.constant 0 : i32
      %dma_wait3A_83 = tpu.memref_slice %arg2[%dma_wait3A_81, %dma_wait3A_82] : memref<20000x64xf32, #tpu.memory_space<hbm>> -> memref<20000x64xf32, #tpu.memory_space<hbm>>
      tpu.wait_indirect_dma semaphore(%arg16 : memref<!tpu.dma_semaphore, #tpu.memory_space<semaphore_mem>>) src(%dma_wait3A_83 : memref<20000x64xf32, #tpu.memory_space<hbm>>) dst(%arg10 : memref<80x64xf32, #tpu.memory_space<vmem>>)
      %mul3A_84 = arith.constant 80 : i32
      %mul3A_85 = arith.muli %mul3A_65, %mul3A_84 : i32
      %add3A_86 = arith.addi %mul3A_0, %mul3A_85 : i32
      %dma_wait3A_87 = tpu.memref_slice %arg3[%add3A_86, %mul3A_2] : memref<320000x128xf32, #tpu.memory_space<hbm>> -> memref<80x64xf32, #tpu.memory_space<hbm>>
      %dma_wait3A_88 = tpu.memref_slice %arg3[%add3A_86, %mul3A_2] : memref<320000x128xf32, #tpu.memory_space<hbm>> -> memref<80x64xf32, #tpu.memory_space<hbm>>
      tpu.wait_dma2 semaphore(%arg18 : memref<!tpu.dma_semaphore, #tpu.memory_space<semaphore_mem>>) src(%dma_wait3A_88 : memref<80x64xf32, #tpu.memory_space<hbm>>) dst(%arg12 : memref<80x64xf32, #tpu.memory_space<vmem>>)
      %scan3A_89 = arith.constant 0 : i32
      %scan3A_90 = arith.constant 0 : i32
      %scan3A_91 = arith.constant 80 : i32
      %scan3A_92 = arith.addi %scan3A_90, %scan3A_91 : i32
      %scan3A_93 = arith.constant 1 : i32
      %scan3A_94 = scf.for %scan3A_121 = %scan3A_90 to %scan3A_92 step %scan3A_93 iter_args(%scan3A_122 = %scan3A_89) -> (i32)  : i32 {
        %get3A = arith.index_cast %scan3A_121 : i32 to index
        %get3A_123 = arith.constant 0 : index
        %get3A_124 = tpu.vector_load %arg10[%get3A, %get3A_123] {strides = array<i32>} : memref<80x64xf32, #tpu.memory_space<vmem>>, vector<16xf32>,
        %get3A_125 = arith.index_cast %scan3A_121 : i32 to index
        %get3A_126 = arith.constant 0 : index
        %get3A_127 = tpu.vector_load %arg12[%get3A_125, %get3A_126] {strides = array<i32>} : memref<80x64xf32, #tpu.memory_space<vmem>>, vector<16xf32>,
        %mul3A_128 = arith.mulf %get3A_124, %get3A_127 : vector<16xf32>
        %swap3A = arith.index_cast %scan3A_121 : i32 to index
        %swap3A_129 = arith.constant 0 : index
        %swap3A_130 = tpu.vector_load %arg10[%swap3A, %swap3A_129] {strides = array<i32>} : memref<80x64xf32, #tpu.memory_space<vmem>>, vector<16xf32>,
        tpu.vector_store %arg10[%swap3A, %swap3A_129], %mul3A_128 {strides = array<i32>} : memref<80x64xf32, #tpu.memory_space<vmem>>, vector<16xf32>,
        %get3A_131 = arith.index_cast %scan3A_121 : i32 to index
        %get3A_132 = arith.constant 16 : index
        %get3A_133 = tpu.vector_load %arg10[%get3A_131, %get3A_132] {strides = array<i32>} : memref<80x64xf32, #tpu.memory_space<vmem>>, vector<16xf32>,
        %get3A_134 = arith.index_cast %scan3A_121 : i32 to index
        %get3A_135 = arith.constant 16 : index
        %get3A_136 = tpu.vector_load %arg12[%get3A_134, %get3A_135] {strides = array<i32>} : memref<80x64xf32, #tpu.memory_space<vmem>>, vector<16xf32>,
        %mul3A_137 = arith.mulf %get3A_133, %get3A_136 : vector<16xf32>
        %swap3A_138 = arith.index_cast %scan3A_121 : i32 to index
        %swap3A_139 = arith.constant 16 : index
        %swap3A_140 = tpu.vector_load %arg10[%swap3A_138, %swap3A_139] {strides = array<i32>} : memref<80x64xf32, #tpu.memory_space<vmem>>, vector<16xf32>,
        tpu.vector_store %arg10[%swap3A_138, %swap3A_139], %mul3A_137 {strides = array<i32>} : memref<80x64xf32, #tpu.memory_space<vmem>>, vector<16xf32>,
        %get3A_141 = arith.index_cast %scan3A_121 : i32 to index
        %get3A_142 = arith.constant 32 : index
        %get3A_143 = tpu.vector_load %arg10[%get3A_141, %get3A_142] {strides = array<i32>} : memref<80x64xf32, #tpu.memory_space<vmem>>, vector<16xf32>,
        %get3A_144 = arith.index_cast %scan3A_121 : i32 to index
        %get3A_145 = arith.constant 32 : index
        %get3A_146 = tpu.vector_load %arg12[%get3A_144, %get3A_145] {strides = array<i32>} : memref<80x64xf32, #tpu.memory_space<vmem>>, vector<16xf32>,
        %mul3A_147 = arith.mulf %get3A_143, %get3A_146 : vector<16xf32>
        %swap3A_148 = arith.index_cast %scan3A_121 : i32 to index
        %swap3A_149 = arith.constant 32 : index
        %swap3A_150 = tpu.vector_load %arg10[%swap3A_148, %swap3A_149] {strides = array<i32>} : memref<80x64xf32, #tpu.memory_space<vmem>>, vector<16xf32>,
        tpu.vector_store %arg10[%swap3A_148, %swap3A_149], %mul3A_147 {strides = array<i32>} : memref<80x64xf32, #tpu.memory_space<vmem>>, vector<16xf32>,
        %get3A_151 = arith.index_cast %scan3A_121 : i32 to index
        %get3A_152 = arith.constant 48 : index
        %get3A_153 = tpu.vector_load %arg10[%get3A_151, %get3A_152] {strides = array<i32>} : memref<80x64xf32, #tpu.memory_space<vmem>>, vector<16xf32>,
        %get3A_154 = arith.index_cast %scan3A_121 : i32 to index
        %get3A_155 = arith.constant 48 : index
        %get3A_156 = tpu.vector_load %arg12[%get3A_154, %get3A_155] {strides = array<i32>} : memref<80x64xf32, #tpu.memory_space<vmem>>, vector<16xf32>,
        %mul3A_157 = arith.mulf %get3A_153, %get3A_156 : vector<16xf32>
        %swap3A_158 = arith.index_cast %scan3A_121 : i32 to index
        %swap3A_159 = arith.constant 48 : index
        %swap3A_160 = tpu.vector_load %arg10[%swap3A_158, %swap3A_159] {strides = array<i32>} : memref<80x64xf32, #tpu.memory_space<vmem>>, vector<16xf32>,
        tpu.vector_store %arg10[%swap3A_158, %swap3A_159], %mul3A_157 {strides = array<i32>} : memref<80x64xf32, #tpu.memory_space<vmem>>, vector<16xf32>,
        %scan3A_161 = arith.constant 0 : i32
        scf.yield %scan3A_161 : i32
      }
      %scan3A_95 = arith.constant 80 : i32
      "tpu.region"() ({
        %run_scoped3A = tpu.sem_alloc : memref<!tpu.dma_semaphore, #tpu.memory_space<semaphore_mem>>
        %dma_start3A_121 = arith.constant 0 : i32
        %dma_start3A_122 = tpu.memref_slice %arg9[%mul3A_65, %dma_start3A_121] : memref<250x80xi32, #tpu.memory_space<vmem>> -> memref<1x80xi32, #tpu.memory_space<vmem>>
        %dma_start3A_123 = tpu.memref_squeeze %dma_start3A_122 : memref<1x80xi32, #tpu.memory_space<vmem>> -> memref<80xi32, #tpu.memory_space<vmem>>
        %dma_start3A_124 = arith.constant 0 : i32
        %dma_start3A_125 = arith.constant 0 : i32
        %dma_start3A_126 = tpu.memref_slice %arg15[%dma_start3A_124, %dma_start3A_125] : memref<10240x64xf32, #tpu.memory_space<vmem_shared>> -> memref<10240x64xf32, #tpu.memory_space<vmem_shared>>
        tpu.enqueue_indirect_dma source(%arg10 : memref<80x64xf32, #tpu.memory_space<vmem>>) target(%dma_start3A_126 : memref<10240x64xf32, #tpu.memory_space<vmem_shared>>) offsets(%dma_start3A_123 : memref<80xi32, #tpu.memory_space<vmem>>) semaphore(%run_scoped3A : memref<!tpu.dma_semaphore, #tpu.memory_space<semaphore_mem>>) {add = true}
        %dma_wait3A_127 = arith.constant 0 : i32
        %dma_wait3A_128 = tpu.memref_slice %arg9[%mul3A_65, %dma_wait3A_127] : memref<250x80xi32, #tpu.memory_space<vmem>> -> memref<1x80xi32, #tpu.memory_space<vmem>>
        %dma_wait3A_129 = tpu.memref_squeeze %dma_wait3A_128 : memref<1x80xi32, #tpu.memory_space<vmem>> -> memref<80xi32, #tpu.memory_space<vmem>>
        %dma_wait3A_130 = arith.constant 0 : i32
        %dma_wait3A_131 = arith.constant 0 : i32
        %dma_wait3A_132 = tpu.memref_slice %arg15[%dma_wait3A_130, %dma_wait3A_131] : memref<10240x64xf32, #tpu.memory_space<vmem_shared>> -> memref<10240x64xf32, #tpu.memory_space<vmem_shared>>
        tpu.wait_indirect_dma semaphore(%run_scoped3A : memref<!tpu.dma_semaphore, #tpu.memory_space<semaphore_mem>>) src(%arg10 : memref<80x64xf32, #tpu.memory_space<vmem>>) dst(%dma_wait3A_132 : memref<10240x64xf32, #tpu.memory_space<vmem_shared>>)
        tpu.yield
      }) : () -> ()
      %add3A_96 = arith.constant 2 : i32
      %add3A_97 = arith.addi %mul3A_65, %add3A_96 : i32
      %lt3A = arith.constant 250 : i32
      %lt3A_98 = arith.cmpi slt, %add3A_97, %lt3A : i32
      %convert_element_type3A_99 = arith.extui %lt3A_98 : i1 to i32
      %cond3A_100 = arith.constant 0 : i32
      %cond3A_101 = arith.cmpi ne, %convert_element_type3A_99, %cond3A_100 : i32
      scf.if %cond3A_101 {
        %add3A_121 = arith.constant 2 : i32
        %add3A_122 = arith.addi %mul3A_65, %add3A_121 : i32
        %dma_start3A_123 = arith.constant 0 : i32
        %dma_start3A_124 = tpu.memref_slice %arg8[%add3A_122, %dma_start3A_123] : memref<250x80xi32, #tpu.memory_space<vmem>> -> memref<1x80xi32, #tpu.memory_space<vmem>>
        %dma_start3A_125 = tpu.memref_squeeze %dma_start3A_124 : memref<1x80xi32, #tpu.memory_space<vmem>> -> memref<80xi32, #tpu.memory_space<vmem>>
        %dma_start3A_126 = arith.constant 0 : i32
        %dma_start3A_127 = arith.constant 0 : i32
        %dma_start3A_128 = tpu.memref_slice %arg2[%dma_start3A_126, %dma_start3A_127] : memref<20000x64xf32, #tpu.memory_space<hbm>> -> memref<20000x64xf32, #tpu.memory_space<hbm>>
        tpu.enqueue_indirect_dma source(%dma_start3A_128 : memref<20000x64xf32, #tpu.memory_space<hbm>>) target(%arg10 : memref<80x64xf32, #tpu.memory_space<vmem>>) offsets(%dma_start3A_125 : memref<80xi32, #tpu.memory_space<vmem>>) semaphore(%arg16 : memref<!tpu.dma_semaphore, #tpu.memory_space<semaphore_mem>>)
        %mul3A_129 = arith.constant 80 : i32
        %mul3A_130 = arith.muli %add3A_122, %mul3A_129 : i32
        %add3A_131 = arith.addi %mul3A_0, %mul3A_130 : i32
        %dma_start3A_132 = tpu.memref_slice %arg3[%add3A_131, %mul3A_2] : memref<320000x128xf32, #tpu.memory_space<hbm>> -> memref<80x64xf32, #tpu.memory_space<hbm>>
        %dma_start3A_133 = tpu.memref_slice %arg3[%add3A_131, %mul3A_2] : memref<320000x128xf32, #tpu.memory_space<hbm>> -> memref<80x64xf32, #tpu.memory_space<hbm>>
        tpu.enqueue_dma source(%dma_start3A_133 : memref<80x64xf32, #tpu.memory_space<hbm>>) target(%arg12 : memref<80x64xf32, #tpu.memory_space<vmem>>) target_semaphore(%arg18 : memref<!tpu.dma_semaphore, #tpu.memory_space<semaphore_mem>>)
      } else {
      }
      %dma_wait3A_102 = arith.constant 0 : i32
      %dma_wait3A_103 = tpu.memref_slice %arg8[%add3A_67, %dma_wait3A_102] : memref<250x80xi32, #tpu.memory_space<vmem>> -> memref<1x80xi32, #tpu.memory_space<vmem>>
      %dma_wait3A_104 = tpu.memref_squeeze %dma_wait3A_103 : memref<1x80xi32, #tpu.memory_space<vmem>> -> memref<80xi32, #tpu.memory_space<vmem>>
      %dma_wait3A_105 = arith.constant 0 : i32
      %dma_wait3A_106 = arith.constant 0 : i32
      %dma_wait3A_107 = tpu.memref_slice %arg2[%dma_wait3A_105, %dma_wait3A_106] : memref<20000x64xf32, #tpu.memory_space<hbm>> -> memref<20000x64xf32, #tpu.memory_space<hbm>>
      tpu.wait_indirect_dma semaphore(%arg17 : memref<!tpu.dma_semaphore, #tpu.memory_space<semaphore_mem>>) src(%dma_wait3A_107 : memref<20000x64xf32, #tpu.memory_space<hbm>>) dst(%arg11 : memref<80x64xf32, #tpu.memory_space<vmem>>)
      %mul3A_108 = arith.constant 80 : i32
      %mul3A_109 = arith.muli %add3A_67, %mul3A_108 : i32
      %add3A_110 = arith.addi %mul3A_0, %mul3A_109 : i32
      %dma_wait3A_111 = tpu.memref_slice %arg3[%add3A_110, %mul3A_2] : memref<320000x128xf32, #tpu.memory_space<hbm>> -> memref<80x64xf32, #tpu.memory_space<hbm>>
      %dma_wait3A_112 = tpu.memref_slice %arg3[%add3A_110, %mul3A_2] : memref<320000x128xf32, #tpu.memory_space<hbm>> -> memref<80x64xf32, #tpu.memory_space<hbm>>
      tpu.wait_dma2 semaphore(%arg19 : memref<!tpu.dma_semaphore, #tpu.memory_space<semaphore_mem>>) src(%dma_wait3A_112 : memref<80x64xf32, #tpu.memory_space<hbm>>) dst(%arg13 : memref<80x64xf32, #tpu.memory_space<vmem>>)
      %scan3A_113 = arith.constant 0 : i32
      %scan3A_114 = arith.constant 0 : i32
      %scan3A_115 = arith.constant 80 : i32
      %scan3A_116 = arith.addi %scan3A_114, %scan3A_115 : i32
      %scan3A_117 = arith.constant 1 : i32
      %scan3A_118 = scf.for %scan3A_121 = %scan3A_114 to %scan3A_116 step %scan3A_117 iter_args(%scan3A_122 = %scan3A_113) -> (i32)  : i32 {
        %get3A = arith.index_cast %scan3A_121 : i32 to index
        %get3A_123 = arith.constant 0 : index
        %get3A_124 = tpu.vector_load %arg11[%get3A, %get3A_123] {strides = array<i32>} : memref<80x64xf32, #tpu.memory_space<vmem>>, vector<16xf32>,
        %get3A_125 = arith.index_cast %scan3A_121 : i32 to index
        %get3A_126 = arith.constant 0 : index
        %get3A_127 = tpu.vector_load %arg13[%get3A_125, %get3A_126] {strides = array<i32>} : memref<80x64xf32, #tpu.memory_space<vmem>>, vector<16xf32>,
        %mul3A_128 = arith.mulf %get3A_124, %get3A_127 : vector<16xf32>
        %swap3A = arith.index_cast %scan3A_121 : i32 to index
        %swap3A_129 = arith.constant 0 : index
        %swap3A_130 = tpu.vector_load %arg11[%swap3A, %swap3A_129] {strides = array<i32>} : memref<80x64xf32, #tpu.memory_space<vmem>>, vector<16xf32>,
        tpu.vector_store %arg11[%swap3A, %swap3A_129], %mul3A_128 {strides = array<i32>} : memref<80x64xf32, #tpu.memory_space<vmem>>, vector<16xf32>,
        %get3A_131 = arith.index_cast %scan3A_121 : i32 to index
        %get3A_132 = arith.constant 16 : index
        %get3A_133 = tpu.vector_load %arg11[%get3A_131, %get3A_132] {strides = array<i32>} : memref<80x64xf32, #tpu.memory_space<vmem>>, vector<16xf32>,
        %get3A_134 = arith.index_cast %scan3A_121 : i32 to index
        %get3A_135 = arith.constant 16 : index
        %get3A_136 = tpu.vector_load %arg13[%get3A_134, %get3A_135] {strides = array<i32>} : memref<80x64xf32, #tpu.memory_space<vmem>>, vector<16xf32>,
        %mul3A_137 = arith.mulf %get3A_133, %get3A_136 : vector<16xf32>
        %swap3A_138 = arith.index_cast %scan3A_121 : i32 to index
        %swap3A_139 = arith.constant 16 : index
        %swap3A_140 = tpu.vector_load %arg11[%swap3A_138, %swap3A_139] {strides = array<i32>} : memref<80x64xf32, #tpu.memory_space<vmem>>, vector<16xf32>,
        tpu.vector_store %arg11[%swap3A_138, %swap3A_139], %mul3A_137 {strides = array<i32>} : memref<80x64xf32, #tpu.memory_space<vmem>>, vector<16xf32>,
        %get3A_141 = arith.index_cast %scan3A_121 : i32 to index
        %get3A_142 = arith.constant 32 : index
        %get3A_143 = tpu.vector_load %arg11[%get3A_141, %get3A_142] {strides = array<i32>} : memref<80x64xf32, #tpu.memory_space<vmem>>, vector<16xf32>,
        %get3A_144 = arith.index_cast %scan3A_121 : i32 to index
        %get3A_145 = arith.constant 32 : index
        %get3A_146 = tpu.vector_load %arg13[%get3A_144, %get3A_145] {strides = array<i32>} : memref<80x64xf32, #tpu.memory_space<vmem>>, vector<16xf32>,
        %mul3A_147 = arith.mulf %get3A_143, %get3A_146 : vector<16xf32>
        %swap3A_148 = arith.index_cast %scan3A_121 : i32 to index
        %swap3A_149 = arith.constant 32 : index
        %swap3A_150 = tpu.vector_load %arg11[%swap3A_148, %swap3A_149] {strides = array<i32>} : memref<80x64xf32, #tpu.memory_space<vmem>>, vector<16xf32>,
        tpu.vector_store %arg11[%swap3A_148, %swap3A_149], %mul3A_147 {strides = array<i32>} : memref<80x64xf32, #tpu.memory_space<vmem>>, vector<16xf32>,
        %get3A_151 = arith.index_cast %scan3A_121 : i32 to index
        %get3A_152 = arith.constant 48 : index
        %get3A_153 = tpu.vector_load %arg11[%get3A_151, %get3A_152] {strides = array<i32>} : memref<80x64xf32, #tpu.memory_space<vmem>>, vector<16xf32>,
        %get3A_154 = arith.index_cast %scan3A_121 : i32 to index
        %get3A_155 = arith.constant 48 : index
        %get3A_156 = tpu.vector_load %arg13[%get3A_154, %get3A_155] {strides = array<i32>} : memref<80x64xf32, #tpu.memory_space<vmem>>, vector<16xf32>,
        %mul3A_157 = arith.mulf %get3A_153, %get3A_156 : vector<16xf32>
        %swap3A_158 = arith.index_cast %scan3A_121 : i32 to index
        %swap3A_159 = arith.constant 48 : index
        %swap3A_160 = tpu.vector_load %arg11[%swap3A_158, %swap3A_159] {strides = array<i32>} : memref<80x64xf32, #tpu.memory_space<vmem>>, vector<16xf32>,
        tpu.vector_store %arg11[%swap3A_158, %swap3A_159], %mul3A_157 {strides = array<i32>} : memref<80x64xf32, #tpu.memory_space<vmem>>, vector<16xf32>,
        %scan3A_161 = arith.constant 0 : i32
        scf.yield %scan3A_161 : i32
      }
      %scan3A_119 = arith.constant 80 : i32
      "tpu.region"() ({
        %run_scoped3A = tpu.sem_alloc : memref<!tpu.dma_semaphore, #tpu.memory_space<semaphore_mem>>
        %dma_start3A_121 = arith.constant 0 : i32
        %dma_start3A_122 = tpu.memref_slice %arg9[%add3A_67, %dma_start3A_121] : memref<250x80xi32, #tpu.memory_space<vmem>> -> memref<1x80xi32, #tpu.memory_space<vmem>>
        %dma_start3A_123 = tpu.memref_squeeze %dma_start3A_122 : memref<1x80xi32, #tpu.memory_space<vmem>> -> memref<80xi32, #tpu.memory_space<vmem>>
        %dma_start3A_124 = arith.constant 0 : i32
        %dma_start3A_125 = arith.constant 0 : i32
        %dma_start3A_126 = tpu.memref_slice %arg15[%dma_start3A_124, %dma_start3A_125] : memref<10240x64xf32, #tpu.memory_space<vmem_shared>> -> memref<10240x64xf32, #tpu.memory_space<vmem_shared>>
        tpu.enqueue_indirect_dma source(%arg11 : memref<80x64xf32, #tpu.memory_space<vmem>>) target(%dma_start3A_126 : memref<10240x64xf32, #tpu.memory_space<vmem_shared>>) offsets(%dma_start3A_123 : memref<80xi32, #tpu.memory_space<vmem>>) semaphore(%run_scoped3A : memref<!tpu.dma_semaphore, #tpu.memory_space<semaphore_mem>>) {add = true}
        %dma_wait3A_127 = arith.constant 0 : i32
        %dma_wait3A_128 = tpu.memref_slice %arg9[%add3A_67, %dma_wait3A_127] : memref<250x80xi32, #tpu.memory_space<vmem>> -> memref<1x80xi32, #tpu.memory_space<vmem>>
        %dma_wait3A_129 = tpu.memref_squeeze %dma_wait3A_128 : memref<1x80xi32, #tpu.memory_space<vmem>> -> memref<80xi32, #tpu.memory_space<vmem>>
        %dma_wait3A_130 = arith.constant 0 : i32
        %dma_wait3A_131 = arith.constant 0 : i32
        %dma_wait3A_132 = tpu.memref_slice %arg15[%dma_wait3A_130, %dma_wait3A_131] : memref<10240x64xf32, #tpu.memory_space<vmem_shared>> -> memref<10240x64xf32, #tpu.memory_space<vmem_shared>>
        tpu.wait_indirect_dma semaphore(%run_scoped3A : memref<!tpu.dma_semaphore, #tpu.memory_space<semaphore_mem>>) src(%arg11 : memref<80x64xf32, #tpu.memory_space<vmem>>) dst(%dma_wait3A_132 : memref<10240x64xf32, #tpu.memory_space<vmem_shared>>)
        tpu.yield
      }) : () -> ()
      %scan3A_120 = arith.constant 0 : i32
      scf.yield %scan3A_120 : i32
    }
    %scan3A_51 = arith.constant 125 : i32
    %barrier3A_52 = arith.constant 0 : index
    tpu.barrier barrier_id(%barrier3A_52)
    %mul3A_53 = arith.constant 640 : i32
    %mul3A_54 = arith.muli %arg1, %mul3A_53 : i32
    %eq3A = arith.constant 0 : i32
    %eq3A_55 = arith.cmpi eq, %arg0, %eq3A : i32
    %convert_element_type3A = arith.extui %eq3A_55 : i1 to i32
    %cond3A = arith.constant 0 : i32
    %cond3A_56 = arith.cmpi ne, %convert_element_type3A, %cond3A : i32
    scf.if %cond3A_56 {
      "tpu.region"() ({
        %run_scoped3A = tpu.sem_alloc : memref<!tpu.dma_semaphore, #tpu.memory_space<semaphore_mem>>
        %dma_start3A_62 = arith.constant 0 : i32
        %dma_start3A_63 = tpu.memref_slice %arg6[%mul3A_54, %dma_start3A_62] : memref<10240x64xf32, #tpu.memory_space<hbm>> -> memref<640x64xf32, #tpu.memory_space<hbm>>
        %dma_start3A_64 = arith.constant 0 : i32
        %dma_start3A_65 = tpu.memref_slice %arg15[%mul3A_54, %dma_start3A_64] : memref<10240x64xf32, #tpu.memory_space<vmem_shared>> -> memref<640x64xf32, #tpu.memory_space<vmem_shared>>
        tpu.enqueue_dma source(%dma_start3A_65 : memref<640x64xf32, #tpu.memory_space<vmem_shared>>) target(%dma_start3A_63 : memref<640x64xf32, #tpu.memory_space<hbm>>) target_semaphore(%run_scoped3A : memref<!tpu.dma_semaphore, #tpu.memory_space<semaphore_mem>>)
        %dma_wait3A = arith.constant 0 : i32
        %dma_wait3A_66 = tpu.memref_slice %arg6[%mul3A_54, %dma_wait3A] : memref<10240x64xf32, #tpu.memory_space<hbm>> -> memref<640x64xf32, #tpu.memory_space<hbm>>
        %dma_wait3A_67 = arith.constant 0 : i32
        %dma_wait3A_68 = tpu.memref_slice %arg15[%mul3A_54, %dma_wait3A_67] : memref<10240x64xf32, #tpu.memory_space<vmem_shared>> -> memref<640x64xf32, #tpu.memory_space<vmem_shared>>
        tpu.wait_dma2 semaphore(%run_scoped3A : memref<!tpu.dma_semaphore, #tpu.memory_space<semaphore_mem>>) src(%dma_wait3A_68 : memref<640x64xf32, #tpu.memory_space<vmem_shared>>) dst(%dma_wait3A_66 : memref<640x64xf32, #tpu.memory_space<hbm>>)
        tpu.yield
      }) : () -> ()
    } else {
    }
    %eq3A_57 = arith.constant 1 : i32
    %eq3A_58 = arith.cmpi eq, %arg0, %eq3A_57 : i32
    %convert_element_type3A_59 = arith.extui %eq3A_58 : i1 to i32
    %cond3A_60 = arith.constant 0 : i32
    %cond3A_61 = arith.cmpi ne, %convert_element_type3A_59, %cond3A_60 : i32
    scf.if %cond3A_61 {
      "tpu.region"() ({
        %run_scoped3A = tpu.sem_alloc : memref<!tpu.dma_semaphore, #tpu.memory_space<semaphore_mem>>
        %dma_start3A_62 = arith.constant 0 : i32
        %dma_start3A_63 = tpu.memref_slice %arg7[%mul3A_54, %dma_start3A_62] : memref<10240x64xf32, #tpu.memory_space<hbm>> -> memref<640x64xf32, #tpu.memory_space<hbm>>
        %dma_start3A_64 = arith.constant 0 : i32
        %dma_start3A_65 = tpu.memref_slice %arg15[%mul3A_54, %dma_start3A_64] : memref<10240x64xf32, #tpu.memory_space<vmem_shared>> -> memref<640x64xf32, #tpu.memory_space<vmem_shared>>
        tpu.enqueue_dma source(%dma_start3A_65 : memref<640x64xf32, #tpu.memory_space<vmem_shared>>) target(%dma_start3A_63 : memref<640x64xf32, #tpu.memory_space<hbm>>) target_semaphore(%run_scoped3A : memref<!tpu.dma_semaphore, #tpu.memory_space<semaphore_mem>>)
        %dma_wait3A = arith.constant 0 : i32
        %dma_wait3A_66 = tpu.memref_slice %arg7[%mul3A_54, %dma_wait3A] : memref<10240x64xf32, #tpu.memory_space<hbm>> -> memref<640x64xf32, #tpu.memory_space<hbm>>
        %dma_wait3A_67 = arith.constant 0 : i32
        %dma_wait3A_68 = tpu.memref_slice %arg15[%mul3A_54, %dma_wait3A_67] : memref<10240x64xf32, #tpu.memory_space<vmem_shared>> -> memref<640x64xf32, #tpu.memory_space<vmem_shared>>
        tpu.wait_dma2 semaphore(%run_scoped3A : memref<!tpu.dma_semaphore, #tpu.memory_space<semaphore_mem>>) src(%dma_wait3A_68 : memref<640x64xf32, #tpu.memory_space<vmem_shared>>) dst(%dma_wait3A_66 : memref<640x64xf32, #tpu.memory_space<hbm>>)
        tpu.yield
      }) : () -> ()
    } else {
    }
    return
  }
}

#map = affine_map<(d0, d1) -> (0, 0)>
#map1 = affine_map<(d0, d1) -> (0, 0, 0)>
module attributes {stable_mosaic.version = 14 : i64} {
  func.func @_sc_step(%arg0: i32, %arg1: i32, %arg2: memref<20000x64xf32, #tpu.memory_space<hbm>>, %arg3: memref<320000x128xf32, #tpu.memory_space<hbm>>, %arg4: memref<16x250x80xi32, #tpu.memory_space<hbm>>, %arg5: memref<16x250x80xi32, #tpu.memory_space<hbm>>, %arg6: memref<10240x64xf32, #tpu.memory_space<hbm>>, %arg7: memref<10240x64xf32, #tpu.memory_space<hbm>>, %arg8: memref<250x80xi32, #tpu.memory_space<vmem>>, %arg9: memref<250x80xi32, #tpu.memory_space<vmem>>, %arg10: memref<80x64xf32, #tpu.memory_space<vmem>>, %arg11: memref<80x64xf32, #tpu.memory_space<vmem>>, %arg12: memref<80x64xf32, #tpu.memory_space<vmem>>, %arg13: memref<80x64xf32, #tpu.memory_space<vmem>>, %arg14: memref<128x64xf32, #tpu.memory_space<vmem>>, %arg15: memref<10240x64xf32, #tpu.memory_space<vmem_shared>>, %arg16: memref<!tpu.dma_semaphore, #tpu.memory_space<semaphore_mem>>, %arg17: memref<!tpu.dma_semaphore, #tpu.memory_space<semaphore_mem>>, %arg18: memref<!tpu.dma_semaphore, #tpu.memory_space<semaphore_mem>>, %arg19: memref<!tpu.dma_semaphore, #tpu.memory_space<semaphore_mem>>, %arg20: memref<!tpu.dma_semaphore, #tpu.memory_space<semaphore_mem>>, %arg21: memref<!tpu.dma_semaphore, #tpu.memory_space<semaphore_mem>>) attributes {dimension_semantics = [#tpu.dimension_semantics<core_parallel>, #tpu.dimension_semantics<subcore_parallel>], iteration_bounds = array<i64: 2, 16>, scalar_prefetch = 0 : i64, scratch_operands = 14 : i64, tpu.core_type = #tpu.core_type<sc_vector_subcore>, window_params = [{transform_indices = #map}, {transform_indices = #map}, {transform_indices = #map1}, {transform_indices = #map1}, {transform_indices = #map}, {transform_indices = #map}]} {
    %mul3A = arith.constant 20000 : i32
    %mul3A_0 = arith.muli %arg1, %mul3A : i32
    %mul3A_1 = arith.constant 64 : i32
    %mul3A_2 = arith.muli %arg0, %mul3A_1 : i32
    "tpu.region"() ({
      %run_scoped3A = tpu.sem_alloc : memref<!tpu.dma_semaphore, #tpu.memory_space<semaphore_mem>>
      %dma_start3A_62 = arith.constant 0 : i32
      %dma_start3A_63 = arith.constant 0 : i32
      %dma_start3A_64 = tpu.memref_slice %arg4[%arg1, %dma_start3A_62, %dma_start3A_63] : memref<16x250x80xi32, #tpu.memory_space<hbm>> -> memref<1x250x80xi32, #tpu.memory_space<hbm>>
      %dma_start3A_65 = tpu.memref_squeeze %dma_start3A_64 : memref<1x250x80xi32, #tpu.memory_space<hbm>> -> memref<250x80xi32, #tpu.memory_space<hbm>>
      %dma_start3A_66 = arith.constant 0 : i32
      %dma_start3A_67 = arith.constant 0 : i32
      %dma_start3A_68 = tpu.memref_slice %arg4[%arg1, %dma_start3A_66, %dma_start3A_67] : memref<16x250x80xi32, #tpu.memory_space<hbm>> -> memref<1x250x80xi32, #tpu.memory_space<hbm>>
      %dma_start3A_69 = tpu.memref_squeeze %dma_start3A_68 : memref<1x250x80xi32, #tpu.memory_space<hbm>> -> memref<250x80xi32, #tpu.memory_space<hbm>>
      tpu.enqueue_dma source(%dma_start3A_69 : memref<250x80xi32, #tpu.memory_space<hbm>>) target(%arg8 : memref<250x80xi32, #tpu.memory_space<vmem>>) target_semaphore(%run_scoped3A : memref<!tpu.dma_semaphore, #tpu.memory_space<semaphore_mem>>)
      %dma_wait3A = arith.constant 0 : i32
      %dma_wait3A_70 = arith.constant 0 : i32
      %dma_wait3A_71 = tpu.memref_slice %arg4[%arg1, %dma_wait3A, %dma_wait3A_70] : memref<16x250x80xi32, #tpu.memory_space<hbm>> -> memref<1x250x80xi32, #tpu.memory_space<hbm>>
      %dma_wait3A_72 = tpu.memref_squeeze %dma_wait3A_71 : memref<1x250x80xi32, #tpu.memory_space<hbm>> -> memref<250x80xi32, #tpu.memory_space<hbm>>
      %dma_wait3A_73 = arith.constant 0 : i32
      %dma_wait3A_74 = arith.constant 0 : i32
      %dma_wait3A_75 = tpu.memref_slice %arg4[%arg1, %dma_wait3A_73, %dma_wait3A_74] : memref<16x250x80xi32, #tpu.memory_space<hbm>> -> memref<1x250x80xi32, #tpu.memory_space<hbm>>
      %dma_wait3A_76 = tpu.memref_squeeze %dma_wait3A_75 : memref<1x250x80xi32, #tpu.memory_space<hbm>> -> memref<250x80xi32, #tpu.memory_space<hbm>>
      tpu.wait_dma2 semaphore(%run_scoped3A : memref<!tpu.dma_semaphore, #tpu.memory_space<semaphore_mem>>) src(%dma_wait3A_76 : memref<250x80xi32, #tpu.memory_space<hbm>>) dst(%arg8 : memref<250x80xi32, #tpu.memory_space<vmem>>)
      tpu.yield
    }) : () -> ()
    "tpu.region"() ({
      %run_scoped3A = tpu.sem_alloc : memref<!tpu.dma_semaphore, #tpu.memory_space<semaphore_mem>>
      %dma_start3A_62 = arith.constant 0 : i32
      %dma_start3A_63 = arith.constant 0 : i32
      %dma_start3A_64 = tpu.memref_slice %arg5[%arg1, %dma_start3A_62, %dma_start3A_63] : memref<16x250x80xi32, #tpu.memory_space<hbm>> -> memref<1x250x80xi32, #tpu.memory_space<hbm>>
      %dma_start3A_65 = tpu.memref_squeeze %dma_start3A_64 : memref<1x250x80xi32, #tpu.memory_space<hbm>> -> memref<250x80xi32, #tpu.memory_space<hbm>>
      %dma_start3A_66 = arith.constant 0 : i32
      %dma_start3A_67 = arith.constant 0 : i32
      %dma_start3A_68 = tpu.memref_slice %arg5[%arg1, %dma_start3A_66, %dma_start3A_67] : memref<16x250x80xi32, #tpu.memory_space<hbm>> -> memref<1x250x80xi32, #tpu.memory_space<hbm>>
      %dma_start3A_69 = tpu.memref_squeeze %dma_start3A_68 : memref<1x250x80xi32, #tpu.memory_space<hbm>> -> memref<250x80xi32, #tpu.memory_space<hbm>>
      tpu.enqueue_dma source(%dma_start3A_69 : memref<250x80xi32, #tpu.memory_space<hbm>>) target(%arg9 : memref<250x80xi32, #tpu.memory_space<vmem>>) target_semaphore(%run_scoped3A : memref<!tpu.dma_semaphore, #tpu.memory_space<semaphore_mem>>)
      %dma_wait3A = arith.constant 0 : i32
      %dma_wait3A_70 = arith.constant 0 : i32
      %dma_wait3A_71 = tpu.memref_slice %arg5[%arg1, %dma_wait3A, %dma_wait3A_70] : memref<16x250x80xi32, #tpu.memory_space<hbm>> -> memref<1x250x80xi32, #tpu.memory_space<hbm>>
      %dma_wait3A_72 = tpu.memref_squeeze %dma_wait3A_71 : memref<1x250x80xi32, #tpu.memory_space<hbm>> -> memref<250x80xi32, #tpu.memory_space<hbm>>
      %dma_wait3A_73 = arith.constant 0 : i32
      %dma_wait3A_74 = arith.constant 0 : i32
      %dma_wait3A_75 = tpu.memref_slice %arg5[%arg1, %dma_wait3A_73, %dma_wait3A_74] : memref<16x250x80xi32, #tpu.memory_space<hbm>> -> memref<1x250x80xi32, #tpu.memory_space<hbm>>
      %dma_wait3A_76 = tpu.memref_squeeze %dma_wait3A_75 : memref<1x250x80xi32, #tpu.memory_space<hbm>> -> memref<250x80xi32, #tpu.memory_space<hbm>>
      tpu.wait_dma2 semaphore(%run_scoped3A : memref<!tpu.dma_semaphore, #tpu.memory_space<semaphore_mem>>) src(%dma_wait3A_76 : memref<250x80xi32, #tpu.memory_space<hbm>>) dst(%arg9 : memref<250x80xi32, #tpu.memory_space<vmem>>)
      tpu.yield
    }) : () -> ()
    %scan3A = arith.constant 0 : i32
    %scan3A_3 = arith.constant 0 : i32
    %scan3A_4 = arith.constant 250 : i32
    %scan3A_5 = arith.addi %scan3A_3, %scan3A_4 : i32
    %scan3A_6 = arith.constant 1 : i32
    %scan3A_7 = scf.for %scan3A_62 = %scan3A_3 to %scan3A_5 step %scan3A_6 iter_args(%scan3A_63 = %scan3A) -> (i32)  : i32 {
      %get3A = arith.index_cast %scan3A_62 : i32 to index
      %get3A_64 = arith.constant 0 : index
      %get3A_65 = tpu.vector_load %arg8[%get3A, %get3A_64] {strides = array<i32>} : memref<250x80xi32, #tpu.memory_space<vmem>>, vector<16xi32>,
      %mul3A_66 = arith.constant 2 : i32
      %mul3A_67 = vector.broadcast %mul3A_66 : i32 to vector<16xi32>
      %mul3A_68 = arith.muli %get3A_65, %mul3A_67 : vector<16xi32>
      %add3A_69 = vector.broadcast %arg0 : i32 to vector<16xi32>
      %add3A_70 = arith.addi %mul3A_68, %add3A_69 : vector<16xi32>
      %swap3A = arith.index_cast %scan3A_62 : i32 to index
      %swap3A_71 = arith.constant 0 : index
      %swap3A_72 = tpu.vector_load %arg8[%swap3A, %swap3A_71] {strides = array<i32>} : memref<250x80xi32, #tpu.memory_space<vmem>>, vector<16xi32>,
      tpu.vector_store %arg8[%swap3A, %swap3A_71], %add3A_70 {strides = array<i32>} : memref<250x80xi32, #tpu.memory_space<vmem>>, vector<16xi32>,
      %get3A_73 = arith.index_cast %scan3A_62 : i32 to index
      %get3A_74 = arith.constant 16 : index
      %get3A_75 = tpu.vector_load %arg8[%get3A_73, %get3A_74] {strides = array<i32>} : memref<250x80xi32, #tpu.memory_space<vmem>>, vector<16xi32>,
      %mul3A_76 = arith.constant 2 : i32
      %mul3A_77 = vector.broadcast %mul3A_76 : i32 to vector<16xi32>
      %mul3A_78 = arith.muli %get3A_75, %mul3A_77 : vector<16xi32>
      %add3A_79 = vector.broadcast %arg0 : i32 to vector<16xi32>
      %add3A_80 = arith.addi %mul3A_78, %add3A_79 : vector<16xi32>
      %swap3A_81 = arith.index_cast %scan3A_62 : i32 to index
      %swap3A_82 = arith.constant 16 : index
      %swap3A_83 = tpu.vector_load %arg8[%swap3A_81, %swap3A_82] {strides = array<i32>} : memref<250x80xi32, #tpu.memory_space<vmem>>, vector<16xi32>,
      tpu.vector_store %arg8[%swap3A_81, %swap3A_82], %add3A_80 {strides = array<i32>} : memref<250x80xi32, #tpu.memory_space<vmem>>, vector<16xi32>,
      %get3A_84 = arith.index_cast %scan3A_62 : i32 to index
      %get3A_85 = arith.constant 32 : index
      %get3A_86 = tpu.vector_load %arg8[%get3A_84, %get3A_85] {strides = array<i32>} : memref<250x80xi32, #tpu.memory_space<vmem>>, vector<16xi32>,
      %mul3A_87 = arith.constant 2 : i32
      %mul3A_88 = vector.broadcast %mul3A_87 : i32 to vector<16xi32>
      %mul3A_89 = arith.muli %get3A_86, %mul3A_88 : vector<16xi32>
      %add3A_90 = vector.broadcast %arg0 : i32 to vector<16xi32>
      %add3A_91 = arith.addi %mul3A_89, %add3A_90 : vector<16xi32>
      %swap3A_92 = arith.index_cast %scan3A_62 : i32 to index
      %swap3A_93 = arith.constant 32 : index
      %swap3A_94 = tpu.vector_load %arg8[%swap3A_92, %swap3A_93] {strides = array<i32>} : memref<250x80xi32, #tpu.memory_space<vmem>>, vector<16xi32>,
      tpu.vector_store %arg8[%swap3A_92, %swap3A_93], %add3A_91 {strides = array<i32>} : memref<250x80xi32, #tpu.memory_space<vmem>>, vector<16xi32>,
      %get3A_95 = arith.index_cast %scan3A_62 : i32 to index
      %get3A_96 = arith.constant 48 : index
      %get3A_97 = tpu.vector_load %arg8[%get3A_95, %get3A_96] {strides = array<i32>} : memref<250x80xi32, #tpu.memory_space<vmem>>, vector<16xi32>,
      %mul3A_98 = arith.constant 2 : i32
      %mul3A_99 = vector.broadcast %mul3A_98 : i32 to vector<16xi32>
      %mul3A_100 = arith.muli %get3A_97, %mul3A_99 : vector<16xi32>
      %add3A_101 = vector.broadcast %arg0 : i32 to vector<16xi32>
      %add3A_102 = arith.addi %mul3A_100, %add3A_101 : vector<16xi32>
      %swap3A_103 = arith.index_cast %scan3A_62 : i32 to index
      %swap3A_104 = arith.constant 48 : index
      %swap3A_105 = tpu.vector_load %arg8[%swap3A_103, %swap3A_104] {strides = array<i32>} : memref<250x80xi32, #tpu.memory_space<vmem>>, vector<16xi32>,
      tpu.vector_store %arg8[%swap3A_103, %swap3A_104], %add3A_102 {strides = array<i32>} : memref<250x80xi32, #tpu.memory_space<vmem>>, vector<16xi32>,
      %get3A_106 = arith.index_cast %scan3A_62 : i32 to index
      %get3A_107 = arith.constant 64 : index
      %get3A_108 = tpu.vector_load %arg8[%get3A_106, %get3A_107] {strides = array<i32>} : memref<250x80xi32, #tpu.memory_space<vmem>>, vector<16xi32>,
      %mul3A_109 = arith.constant 2 : i32
      %mul3A_110 = vector.broadcast %mul3A_109 : i32 to vector<16xi32>
      %mul3A_111 = arith.muli %get3A_108, %mul3A_110 : vector<16xi32>
      %add3A_112 = vector.broadcast %arg0 : i32 to vector<16xi32>
      %add3A_113 = arith.addi %mul3A_111, %add3A_112 : vector<16xi32>
      %swap3A_114 = arith.index_cast %scan3A_62 : i32 to index
      %swap3A_115 = arith.constant 64 : index
      %swap3A_116 = tpu.vector_load %arg8[%swap3A_114, %swap3A_115] {strides = array<i32>} : memref<250x80xi32, #tpu.memory_space<vmem>>, vector<16xi32>,
      tpu.vector_store %arg8[%swap3A_114, %swap3A_115], %add3A_113 {strides = array<i32>} : memref<250x80xi32, #tpu.memory_space<vmem>>, vector<16xi32>,
      %scan3A_117 = arith.constant 0 : i32
      scf.yield %scan3A_117 : i32
    }
    %scan3A_8 = arith.constant 250 : i32
    %dma_start3A = arith.constant 0 : i32
    %dma_start3A_9 = arith.constant 0 : i32
    %dma_start3A_10 = tpu.memref_slice %arg8[%dma_start3A, %dma_start3A_9] : memref<250x80xi32, #tpu.memory_space<vmem>> -> memref<1x80xi32, #tpu.memory_space<vmem>>
    %dma_start3A_11 = tpu.memref_squeeze %dma_start3A_10 : memref<1x80xi32, #tpu.memory_space<vmem>> -> memref<80xi32, #tpu.memory_space<vmem>>
    %dma_start3A_12 = arith.constant 0 : i32
    %dma_start3A_13 = arith.constant 0 : i32
    %dma_start3A_14 = tpu.memref_slice %arg2[%dma_start3A_12, %dma_start3A_13] : memref<20000x64xf32, #tpu.memory_space<hbm>> -> memref<20000x64xf32, #tpu.memory_space<hbm>>
    tpu.enqueue_indirect_dma source(%dma_start3A_14 : memref<20000x64xf32, #tpu.memory_space<hbm>>) target(%arg10 : memref<80x64xf32, #tpu.memory_space<vmem>>) offsets(%dma_start3A_11 : memref<80xi32, #tpu.memory_space<vmem>>) semaphore(%arg16 : memref<!tpu.dma_semaphore, #tpu.memory_space<semaphore_mem>>)
    %add3A = arith.constant 0 : i32
    %add3A_15 = arith.addi %mul3A_0, %add3A : i32
    %dma_start3A_16 = tpu.memref_slice %arg3[%add3A_15, %mul3A_2] : memref<320000x128xf32, #tpu.memory_space<hbm>> -> memref<80x64xf32, #tpu.memory_space<hbm>>
    %dma_start3A_17 = tpu.memref_slice %arg3[%add3A_15, %mul3A_2] : memref<320000x128xf32, #tpu.memory_space<hbm>> -> memref<80x64xf32, #tpu.memory_space<hbm>>
    tpu.enqueue_dma source(%dma_start3A_17 : memref<80x64xf32, #tpu.memory_space<hbm>>) target(%arg12 : memref<80x64xf32, #tpu.memory_space<vmem>>) target_semaphore(%arg18 : memref<!tpu.dma_semaphore, #tpu.memory_space<semaphore_mem>>)
    %scan3A_18 = arith.constant 0 : i32
    %scan3A_19 = arith.constant 0 : i32
    %scan3A_20 = arith.constant 128 : i32
    %scan3A_21 = arith.addi %scan3A_19, %scan3A_20 : i32
    %scan3A_22 = arith.constant 1 : i32
    %scan3A_23 = scf.for %scan3A_62 = %scan3A_19 to %scan3A_21 step %scan3A_22 iter_args(%scan3A_63 = %scan3A_18) -> (i32)  : i32 {
      %broadcast_in_dim3A = arith.constant 0.000000e+00 : f32
      %broadcast_in_dim3A_64 = vector.broadcast %broadcast_in_dim3A : f32 to vector<16xf32>
      %swap3A = arith.index_cast %scan3A_62 : i32 to index
      %swap3A_65 = arith.constant 0 : index
      %swap3A_66 = tpu.vector_load %arg14[%swap3A, %swap3A_65] {strides = array<i32>} : memref<128x64xf32, #tpu.memory_space<vmem>>, vector<16xf32>,
      tpu.vector_store %arg14[%swap3A, %swap3A_65], %broadcast_in_dim3A_64 {strides = array<i32>} : memref<128x64xf32, #tpu.memory_space<vmem>>, vector<16xf32>,
      %broadcast_in_dim3A_67 = arith.constant 0.000000e+00 : f32
      %broadcast_in_dim3A_68 = vector.broadcast %broadcast_in_dim3A_67 : f32 to vector<16xf32>
      %swap3A_69 = arith.index_cast %scan3A_62 : i32 to index
      %swap3A_70 = arith.constant 16 : index
      %swap3A_71 = tpu.vector_load %arg14[%swap3A_69, %swap3A_70] {strides = array<i32>} : memref<128x64xf32, #tpu.memory_space<vmem>>, vector<16xf32>,
      tpu.vector_store %arg14[%swap3A_69, %swap3A_70], %broadcast_in_dim3A_68 {strides = array<i32>} : memref<128x64xf32, #tpu.memory_space<vmem>>, vector<16xf32>,
      %broadcast_in_dim3A_72 = arith.constant 0.000000e+00 : f32
      %broadcast_in_dim3A_73 = vector.broadcast %broadcast_in_dim3A_72 : f32 to vector<16xf32>
      %swap3A_74 = arith.index_cast %scan3A_62 : i32 to index
      %swap3A_75 = arith.constant 32 : index
      %swap3A_76 = tpu.vector_load %arg14[%swap3A_74, %swap3A_75] {strides = array<i32>} : memref<128x64xf32, #tpu.memory_space<vmem>>, vector<16xf32>,
      tpu.vector_store %arg14[%swap3A_74, %swap3A_75], %broadcast_in_dim3A_73 {strides = array<i32>} : memref<128x64xf32, #tpu.memory_space<vmem>>, vector<16xf32>,
      %broadcast_in_dim3A_77 = arith.constant 0.000000e+00 : f32
      %broadcast_in_dim3A_78 = vector.broadcast %broadcast_in_dim3A_77 : f32 to vector<16xf32>
      %swap3A_79 = arith.index_cast %scan3A_62 : i32 to index
      %swap3A_80 = arith.constant 48 : index
      %swap3A_81 = tpu.vector_load %arg14[%swap3A_79, %swap3A_80] {strides = array<i32>} : memref<128x64xf32, #tpu.memory_space<vmem>>, vector<16xf32>,
      tpu.vector_store %arg14[%swap3A_79, %swap3A_80], %broadcast_in_dim3A_78 {strides = array<i32>} : memref<128x64xf32, #tpu.memory_space<vmem>>, vector<16xf32>,
      %scan3A_82 = arith.constant 0 : i32
      scf.yield %scan3A_82 : i32
    }
    %scan3A_24 = arith.constant 128 : i32
    %mul3A_25 = arith.constant 640 : i32
    %mul3A_26 = arith.muli %arg1, %mul3A_25 : i32
    %add3A_27 = arith.constant 0 : i32
    %add3A_28 = arith.addi %mul3A_26, %add3A_27 : i32
    "tpu.region"() ({
      %run_scoped3A = tpu.sem_alloc : memref<!tpu.dma_semaphore, #tpu.memory_space<semaphore_mem>>
      %dma_start3A_62 = arith.constant 0 : i32
      %dma_start3A_63 = tpu.memref_slice %arg15[%add3A_28, %dma_start3A_62] : memref<10240x64xf32, #tpu.memory_space<vmem_shared>> -> memref<128x64xf32, #tpu.memory_space<vmem_shared>>
      %dma_start3A_64 = arith.constant 0 : i32
      %dma_start3A_65 = tpu.memref_slice %arg15[%add3A_28, %dma_start3A_64] : memref<10240x64xf32, #tpu.memory_space<vmem_shared>> -> memref<128x64xf32, #tpu.memory_space<vmem_shared>>
      tpu.enqueue_dma source(%arg14 : memref<128x64xf32, #tpu.memory_space<vmem>>) target(%dma_start3A_65 : memref<128x64xf32, #tpu.memory_space<vmem_shared>>) target_semaphore(%run_scoped3A : memref<!tpu.dma_semaphore, #tpu.memory_space<semaphore_mem>>)
      %dma_wait3A = arith.constant 0 : i32
      %dma_wait3A_66 = tpu.memref_slice %arg15[%add3A_28, %dma_wait3A] : memref<10240x64xf32, #tpu.memory_space<vmem_shared>> -> memref<128x64xf32, #tpu.memory_space<vmem_shared>>
      %dma_wait3A_67 = arith.constant 0 : i32
      %dma_wait3A_68 = tpu.memref_slice %arg15[%add3A_28, %dma_wait3A_67] : memref<10240x64xf32, #tpu.memory_space<vmem_shared>> -> memref<128x64xf32, #tpu.memory_space<vmem_shared>>
      tpu.wait_dma2 semaphore(%run_scoped3A : memref<!tpu.dma_semaphore, #tpu.memory_space<semaphore_mem>>) src(%arg14 : memref<128x64xf32, #tpu.memory_space<vmem>>) dst(%dma_wait3A_68 : memref<128x64xf32, #tpu.memory_space<vmem_shared>>)
      tpu.yield
    }) : () -> ()
    %mul3A_29 = arith.constant 640 : i32
    %mul3A_30 = arith.muli %arg1, %mul3A_29 : i32
    %add3A_31 = arith.constant 128 : i32
    %add3A_32 = arith.addi %mul3A_30, %add3A_31 : i32
    "tpu.region"() ({
      %run_scoped3A = tpu.sem_alloc : memref<!tpu.dma_semaphore, #tpu.memory_space<semaphore_mem>>
      %dma_start3A_62 = arith.constant 0 : i32
      %dma_start3A_63 = tpu.memref_slice %arg15[%add3A_32, %dma_start3A_62] : memref<10240x64xf32, #tpu.memory_space<vmem_shared>> -> memref<128x64xf32, #tpu.memory_space<vmem_shared>>
      %dma_start3A_64 = arith.constant 0 : i32
      %dma_start3A_65 = tpu.memref_slice %arg15[%add3A_32, %dma_start3A_64] : memref<10240x64xf32, #tpu.memory_space<vmem_shared>> -> memref<128x64xf32, #tpu.memory_space<vmem_shared>>
      tpu.enqueue_dma source(%arg14 : memref<128x64xf32, #tpu.memory_space<vmem>>) target(%dma_start3A_65 : memref<128x64xf32, #tpu.memory_space<vmem_shared>>) target_semaphore(%run_scoped3A : memref<!tpu.dma_semaphore, #tpu.memory_space<semaphore_mem>>)
      %dma_wait3A = arith.constant 0 : i32
      %dma_wait3A_66 = tpu.memref_slice %arg15[%add3A_32, %dma_wait3A] : memref<10240x64xf32, #tpu.memory_space<vmem_shared>> -> memref<128x64xf32, #tpu.memory_space<vmem_shared>>
      %dma_wait3A_67 = arith.constant 0 : i32
      %dma_wait3A_68 = tpu.memref_slice %arg15[%add3A_32, %dma_wait3A_67] : memref<10240x64xf32, #tpu.memory_space<vmem_shared>> -> memref<128x64xf32, #tpu.memory_space<vmem_shared>>
      tpu.wait_dma2 semaphore(%run_scoped3A : memref<!tpu.dma_semaphore, #tpu.memory_space<semaphore_mem>>) src(%arg14 : memref<128x64xf32, #tpu.memory_space<vmem>>) dst(%dma_wait3A_68 : memref<128x64xf32, #tpu.memory_space<vmem_shared>>)
      tpu.yield
    }) : () -> ()
    %mul3A_33 = arith.constant 640 : i32
    %mul3A_34 = arith.muli %arg1, %mul3A_33 : i32
    %add3A_35 = arith.constant 256 : i32
    %add3A_36 = arith.addi %mul3A_34, %add3A_35 : i32
    "tpu.region"() ({
      %run_scoped3A = tpu.sem_alloc : memref<!tpu.dma_semaphore, #tpu.memory_space<semaphore_mem>>
      %dma_start3A_62 = arith.constant 0 : i32
      %dma_start3A_63 = tpu.memref_slice %arg15[%add3A_36, %dma_start3A_62] : memref<10240x64xf32, #tpu.memory_space<vmem_shared>> -> memref<128x64xf32, #tpu.memory_space<vmem_shared>>
      %dma_start3A_64 = arith.constant 0 : i32
      %dma_start3A_65 = tpu.memref_slice %arg15[%add3A_36, %dma_start3A_64] : memref<10240x64xf32, #tpu.memory_space<vmem_shared>> -> memref<128x64xf32, #tpu.memory_space<vmem_shared>>
      tpu.enqueue_dma source(%arg14 : memref<128x64xf32, #tpu.memory_space<vmem>>) target(%dma_start3A_65 : memref<128x64xf32, #tpu.memory_space<vmem_shared>>) target_semaphore(%run_scoped3A : memref<!tpu.dma_semaphore, #tpu.memory_space<semaphore_mem>>)
      %dma_wait3A = arith.constant 0 : i32
      %dma_wait3A_66 = tpu.memref_slice %arg15[%add3A_36, %dma_wait3A] : memref<10240x64xf32, #tpu.memory_space<vmem_shared>> -> memref<128x64xf32, #tpu.memory_space<vmem_shared>>
      %dma_wait3A_67 = arith.constant 0 : i32
      %dma_wait3A_68 = tpu.memref_slice %arg15[%add3A_36, %dma_wait3A_67] : memref<10240x64xf32, #tpu.memory_space<vmem_shared>> -> memref<128x64xf32, #tpu.memory_space<vmem_shared>>
      tpu.wait_dma2 semaphore(%run_scoped3A : memref<!tpu.dma_semaphore, #tpu.memory_space<semaphore_mem>>) src(%arg14 : memref<128x64xf32, #tpu.memory_space<vmem>>) dst(%dma_wait3A_68 : memref<128x64xf32, #tpu.memory_space<vmem_shared>>)
      tpu.yield
    }) : () -> ()
    %mul3A_37 = arith.constant 640 : i32
    %mul3A_38 = arith.muli %arg1, %mul3A_37 : i32
    %add3A_39 = arith.constant 384 : i32
    %add3A_40 = arith.addi %mul3A_38, %add3A_39 : i32
    "tpu.region"() ({
      %run_scoped3A = tpu.sem_alloc : memref<!tpu.dma_semaphore, #tpu.memory_space<semaphore_mem>>
      %dma_start3A_62 = arith.constant 0 : i32
      %dma_start3A_63 = tpu.memref_slice %arg15[%add3A_40, %dma_start3A_62] : memref<10240x64xf32, #tpu.memory_space<vmem_shared>> -> memref<128x64xf32, #tpu.memory_space<vmem_shared>>
      %dma_start3A_64 = arith.constant 0 : i32
      %dma_start3A_65 = tpu.memref_slice %arg15[%add3A_40, %dma_start3A_64] : memref<10240x64xf32, #tpu.memory_space<vmem_shared>> -> memref<128x64xf32, #tpu.memory_space<vmem_shared>>
      tpu.enqueue_dma source(%arg14 : memref<128x64xf32, #tpu.memory_space<vmem>>) target(%dma_start3A_65 : memref<128x64xf32, #tpu.memory_space<vmem_shared>>) target_semaphore(%run_scoped3A : memref<!tpu.dma_semaphore, #tpu.memory_space<semaphore_mem>>)
      %dma_wait3A = arith.constant 0 : i32
      %dma_wait3A_66 = tpu.memref_slice %arg15[%add3A_40, %dma_wait3A] : memref<10240x64xf32, #tpu.memory_space<vmem_shared>> -> memref<128x64xf32, #tpu.memory_space<vmem_shared>>
      %dma_wait3A_67 = arith.constant 0 : i32
      %dma_wait3A_68 = tpu.memref_slice %arg15[%add3A_40, %dma_wait3A_67] : memref<10240x64xf32, #tpu.memory_space<vmem_shared>> -> memref<128x64xf32, #tpu.memory_space<vmem_shared>>
      tpu.wait_dma2 semaphore(%run_scoped3A : memref<!tpu.dma_semaphore, #tpu.memory_space<semaphore_mem>>) src(%arg14 : memref<128x64xf32, #tpu.memory_space<vmem>>) dst(%dma_wait3A_68 : memref<128x64xf32, #tpu.memory_space<vmem_shared>>)
      tpu.yield
    }) : () -> ()
    %mul3A_41 = arith.constant 640 : i32
    %mul3A_42 = arith.muli %arg1, %mul3A_41 : i32
    %add3A_43 = arith.constant 512 : i32
    %add3A_44 = arith.addi %mul3A_42, %add3A_43 : i32
    "tpu.region"() ({
      %run_scoped3A = tpu.sem_alloc : memref<!tpu.dma_semaphore, #tpu.memory_space<semaphore_mem>>
      %dma_start3A_62 = arith.constant 0 : i32
      %dma_start3A_63 = tpu.memref_slice %arg15[%add3A_44, %dma_start3A_62] : memref<10240x64xf32, #tpu.memory_space<vmem_shared>> -> memref<128x64xf32, #tpu.memory_space<vmem_shared>>
      %dma_start3A_64 = arith.constant 0 : i32
      %dma_start3A_65 = tpu.memref_slice %arg15[%add3A_44, %dma_start3A_64] : memref<10240x64xf32, #tpu.memory_space<vmem_shared>> -> memref<128x64xf32, #tpu.memory_space<vmem_shared>>
      tpu.enqueue_dma source(%arg14 : memref<128x64xf32, #tpu.memory_space<vmem>>) target(%dma_start3A_65 : memref<128x64xf32, #tpu.memory_space<vmem_shared>>) target_semaphore(%run_scoped3A : memref<!tpu.dma_semaphore, #tpu.memory_space<semaphore_mem>>)
      %dma_wait3A = arith.constant 0 : i32
      %dma_wait3A_66 = tpu.memref_slice %arg15[%add3A_44, %dma_wait3A] : memref<10240x64xf32, #tpu.memory_space<vmem_shared>> -> memref<128x64xf32, #tpu.memory_space<vmem_shared>>
      %dma_wait3A_67 = arith.constant 0 : i32
      %dma_wait3A_68 = tpu.memref_slice %arg15[%add3A_44, %dma_wait3A_67] : memref<10240x64xf32, #tpu.memory_space<vmem_shared>> -> memref<128x64xf32, #tpu.memory_space<vmem_shared>>
      tpu.wait_dma2 semaphore(%run_scoped3A : memref<!tpu.dma_semaphore, #tpu.memory_space<semaphore_mem>>) src(%arg14 : memref<128x64xf32, #tpu.memory_space<vmem>>) dst(%dma_wait3A_68 : memref<128x64xf32, #tpu.memory_space<vmem_shared>>)
      tpu.yield
    }) : () -> ()
    %barrier3A = arith.constant 0 : index
    tpu.barrier barrier_id(%barrier3A)
    %scan3A_45 = arith.constant 0 : i32
    %scan3A_46 = arith.constant 0 : i32
    %scan3A_47 = arith.constant 125 : i32
    %scan3A_48 = arith.addi %scan3A_46, %scan3A_47 : i32
    %scan3A_49 = arith.constant 1 : i32
    %scan3A_50 = scf.for %scan3A_62 = %scan3A_46 to %scan3A_48 step %scan3A_49 iter_args(%scan3A_63 = %scan3A_45) -> (i32)  : i32 {
      %mul3A_64 = arith.constant 2 : i32
      %mul3A_65 = arith.muli %scan3A_62, %mul3A_64 : i32
      %add3A_66 = arith.constant 1 : i32
      %add3A_67 = arith.addi %mul3A_65, %add3A_66 : i32
      %dma_start3A_68 = arith.constant 0 : i32
      %dma_start3A_69 = tpu.memref_slice %arg8[%add3A_67, %dma_start3A_68] : memref<250x80xi32, #tpu.memory_space<vmem>> -> memref<1x80xi32, #tpu.memory_space<vmem>>
      %dma_start3A_70 = tpu.memref_squeeze %dma_start3A_69 : memref<1x80xi32, #tpu.memory_space<vmem>> -> memref<80xi32, #tpu.memory_space<vmem>>
      %dma_start3A_71 = arith.constant 0 : i32
      %dma_start3A_72 = arith.constant 0 : i32
      %dma_start3A_73 = tpu.memref_slice %arg2[%dma_start3A_71, %dma_start3A_72] : memref<20000x64xf32, #tpu.memory_space<hbm>> -> memref<20000x64xf32, #tpu.memory_space<hbm>>
      tpu.enqueue_indirect_dma source(%dma_start3A_73 : memref<20000x64xf32, #tpu.memory_space<hbm>>) target(%arg11 : memref<80x64xf32, #tpu.memory_space<vmem>>) offsets(%dma_start3A_70 : memref<80xi32, #tpu.memory_space<vmem>>) semaphore(%arg17 : memref<!tpu.dma_semaphore, #tpu.memory_space<semaphore_mem>>)
      %mul3A_74 = arith.constant 80 : i32
      %mul3A_75 = arith.muli %add3A_67, %mul3A_74 : i32
      %add3A_76 = arith.addi %mul3A_0, %mul3A_75 : i32
      %dma_start3A_77 = tpu.memref_slice %arg3[%add3A_76, %mul3A_2] : memref<320000x128xf32, #tpu.memory_space<hbm>> -> memref<80x64xf32, #tpu.memory_space<hbm>>
      %dma_start3A_78 = tpu.memref_slice %arg3[%add3A_76, %mul3A_2] : memref<320000x128xf32, #tpu.memory_space<hbm>> -> memref<80x64xf32, #tpu.memory_space<hbm>>
      tpu.enqueue_dma source(%dma_start3A_78 : memref<80x64xf32, #tpu.memory_space<hbm>>) target(%arg13 : memref<80x64xf32, #tpu.memory_space<vmem>>) target_semaphore(%arg19 : memref<!tpu.dma_semaphore, #tpu.memory_space<semaphore_mem>>)
      %dma_wait3A = arith.constant 0 : i32
      %dma_wait3A_79 = tpu.memref_slice %arg8[%mul3A_65, %dma_wait3A] : memref<250x80xi32, #tpu.memory_space<vmem>> -> memref<1x80xi32, #tpu.memory_space<vmem>>
      %dma_wait3A_80 = tpu.memref_squeeze %dma_wait3A_79 : memref<1x80xi32, #tpu.memory_space<vmem>> -> memref<80xi32, #tpu.memory_space<vmem>>
      %dma_wait3A_81 = arith.constant 0 : i32
      %dma_wait3A_82 = arith.constant 0 : i32
      %dma_wait3A_83 = tpu.memref_slice %arg2[%dma_wait3A_81, %dma_wait3A_82] : memref<20000x64xf32, #tpu.memory_space<hbm>> -> memref<20000x64xf32, #tpu.memory_space<hbm>>
      tpu.wait_indirect_dma semaphore(%arg16 : memref<!tpu.dma_semaphore, #tpu.memory_space<semaphore_mem>>) src(%dma_wait3A_83 : memref<20000x64xf32, #tpu.memory_space<hbm>>) dst(%arg10 : memref<80x64xf32, #tpu.memory_space<vmem>>)
      %mul3A_84 = arith.constant 80 : i32
      %mul3A_85 = arith.muli %mul3A_65, %mul3A_84 : i32
      %add3A_86 = arith.addi %mul3A_0, %mul3A_85 : i32
      %dma_wait3A_87 = tpu.memref_slice %arg3[%add3A_86, %mul3A_2] : memref<320000x128xf32, #tpu.memory_space<hbm>> -> memref<80x64xf32, #tpu.memory_space<hbm>>
      %dma_wait3A_88 = tpu.memref_slice %arg3[%add3A_86, %mul3A_2] : memref<320000x128xf32, #tpu.memory_space<hbm>> -> memref<80x64xf32, #tpu.memory_space<hbm>>
      tpu.wait_dma2 semaphore(%arg18 : memref<!tpu.dma_semaphore, #tpu.memory_space<semaphore_mem>>) src(%dma_wait3A_88 : memref<80x64xf32, #tpu.memory_space<hbm>>) dst(%arg12 : memref<80x64xf32, #tpu.memory_space<vmem>>)
      %scan3A_89 = arith.constant 0 : i32
      %scan3A_90 = arith.constant 0 : i32
      %scan3A_91 = arith.constant 80 : i32
      %scan3A_92 = arith.addi %scan3A_90, %scan3A_91 : i32
      %scan3A_93 = arith.constant 1 : i32
      %scan3A_94 = scf.for %scan3A_121 = %scan3A_90 to %scan3A_92 step %scan3A_93 iter_args(%scan3A_122 = %scan3A_89) -> (i32)  : i32 {
        %get3A = arith.index_cast %scan3A_121 : i32 to index
        %get3A_123 = arith.constant 0 : index
        %get3A_124 = tpu.vector_load %arg10[%get3A, %get3A_123] {strides = array<i32>} : memref<80x64xf32, #tpu.memory_space<vmem>>, vector<16xf32>,
        %get3A_125 = arith.index_cast %scan3A_121 : i32 to index
        %get3A_126 = arith.constant 0 : index
        %get3A_127 = tpu.vector_load %arg12[%get3A_125, %get3A_126] {strides = array<i32>} : memref<80x64xf32, #tpu.memory_space<vmem>>, vector<16xf32>,
        %mul3A_128 = arith.mulf %get3A_124, %get3A_127 : vector<16xf32>
        %swap3A = arith.index_cast %scan3A_121 : i32 to index
        %swap3A_129 = arith.constant 0 : index
        %swap3A_130 = tpu.vector_load %arg10[%swap3A, %swap3A_129] {strides = array<i32>} : memref<80x64xf32, #tpu.memory_space<vmem>>, vector<16xf32>,
        tpu.vector_store %arg10[%swap3A, %swap3A_129], %mul3A_128 {strides = array<i32>} : memref<80x64xf32, #tpu.memory_space<vmem>>, vector<16xf32>,
        %get3A_131 = arith.index_cast %scan3A_121 : i32 to index
        %get3A_132 = arith.constant 16 : index
        %get3A_133 = tpu.vector_load %arg10[%get3A_131, %get3A_132] {strides = array<i32>} : memref<80x64xf32, #tpu.memory_space<vmem>>, vector<16xf32>,
        %get3A_134 = arith.index_cast %scan3A_121 : i32 to index
        %get3A_135 = arith.constant 16 : index
        %get3A_136 = tpu.vector_load %arg12[%get3A_134, %get3A_135] {strides = array<i32>} : memref<80x64xf32, #tpu.memory_space<vmem>>, vector<16xf32>,
        %mul3A_137 = arith.mulf %get3A_133, %get3A_136 : vector<16xf32>
        %swap3A_138 = arith.index_cast %scan3A_121 : i32 to index
        %swap3A_139 = arith.constant 16 : index
        %swap3A_140 = tpu.vector_load %arg10[%swap3A_138, %swap3A_139] {strides = array<i32>} : memref<80x64xf32, #tpu.memory_space<vmem>>, vector<16xf32>,
        tpu.vector_store %arg10[%swap3A_138, %swap3A_139], %mul3A_137 {strides = array<i32>} : memref<80x64xf32, #tpu.memory_space<vmem>>, vector<16xf32>,
        %get3A_141 = arith.index_cast %scan3A_121 : i32 to index
        %get3A_142 = arith.constant 32 : index
        %get3A_143 = tpu.vector_load %arg10[%get3A_141, %get3A_142] {strides = array<i32>} : memref<80x64xf32, #tpu.memory_space<vmem>>, vector<16xf32>,
        %get3A_144 = arith.index_cast %scan3A_121 : i32 to index
        %get3A_145 = arith.constant 32 : index
        %get3A_146 = tpu.vector_load %arg12[%get3A_144, %get3A_145] {strides = array<i32>} : memref<80x64xf32, #tpu.memory_space<vmem>>, vector<16xf32>,
        %mul3A_147 = arith.mulf %get3A_143, %get3A_146 : vector<16xf32>
        %swap3A_148 = arith.index_cast %scan3A_121 : i32 to index
        %swap3A_149 = arith.constant 32 : index
        %swap3A_150 = tpu.vector_load %arg10[%swap3A_148, %swap3A_149] {strides = array<i32>} : memref<80x64xf32, #tpu.memory_space<vmem>>, vector<16xf32>,
        tpu.vector_store %arg10[%swap3A_148, %swap3A_149], %mul3A_147 {strides = array<i32>} : memref<80x64xf32, #tpu.memory_space<vmem>>, vector<16xf32>,
        %get3A_151 = arith.index_cast %scan3A_121 : i32 to index
        %get3A_152 = arith.constant 48 : index
        %get3A_153 = tpu.vector_load %arg10[%get3A_151, %get3A_152] {strides = array<i32>} : memref<80x64xf32, #tpu.memory_space<vmem>>, vector<16xf32>,
        %get3A_154 = arith.index_cast %scan3A_121 : i32 to index
        %get3A_155 = arith.constant 48 : index
        %get3A_156 = tpu.vector_load %arg12[%get3A_154, %get3A_155] {strides = array<i32>} : memref<80x64xf32, #tpu.memory_space<vmem>>, vector<16xf32>,
        %mul3A_157 = arith.mulf %get3A_153, %get3A_156 : vector<16xf32>
        %swap3A_158 = arith.index_cast %scan3A_121 : i32 to index
        %swap3A_159 = arith.constant 48 : index
        %swap3A_160 = tpu.vector_load %arg10[%swap3A_158, %swap3A_159] {strides = array<i32>} : memref<80x64xf32, #tpu.memory_space<vmem>>, vector<16xf32>,
        tpu.vector_store %arg10[%swap3A_158, %swap3A_159], %mul3A_157 {strides = array<i32>} : memref<80x64xf32, #tpu.memory_space<vmem>>, vector<16xf32>,
        %scan3A_161 = arith.constant 0 : i32
        scf.yield %scan3A_161 : i32
      }
      %scan3A_95 = arith.constant 80 : i32
      "tpu.region"() ({
        %run_scoped3A = tpu.sem_alloc : memref<!tpu.dma_semaphore, #tpu.memory_space<semaphore_mem>>
        %dma_start3A_121 = arith.constant 0 : i32
        %dma_start3A_122 = tpu.memref_slice %arg9[%mul3A_65, %dma_start3A_121] : memref<250x80xi32, #tpu.memory_space<vmem>> -> memref<1x80xi32, #tpu.memory_space<vmem>>
        %dma_start3A_123 = tpu.memref_squeeze %dma_start3A_122 : memref<1x80xi32, #tpu.memory_space<vmem>> -> memref<80xi32, #tpu.memory_space<vmem>>
        %dma_start3A_124 = arith.constant 0 : i32
        %dma_start3A_125 = arith.constant 0 : i32
        %dma_start3A_126 = tpu.memref_slice %arg15[%dma_start3A_124, %dma_start3A_125] : memref<10240x64xf32, #tpu.memory_space<vmem_shared>> -> memref<10240x64xf32, #tpu.memory_space<vmem_shared>>
        tpu.enqueue_indirect_dma source(%arg10 : memref<80x64xf32, #tpu.memory_space<vmem>>) target(%dma_start3A_126 : memref<10240x64xf32, #tpu.memory_space<vmem_shared>>) offsets(%dma_start3A_123 : memref<80xi32, #tpu.memory_space<vmem>>) semaphore(%run_scoped3A : memref<!tpu.dma_semaphore, #tpu.memory_space<semaphore_mem>>) {add = true}
        %dma_wait3A_127 = arith.constant 0 : i32
        %dma_wait3A_128 = tpu.memref_slice %arg9[%mul3A_65, %dma_wait3A_127] : memref<250x80xi32, #tpu.memory_space<vmem>> -> memref<1x80xi32, #tpu.memory_space<vmem>>
        %dma_wait3A_129 = tpu.memref_squeeze %dma_wait3A_128 : memref<1x80xi32, #tpu.memory_space<vmem>> -> memref<80xi32, #tpu.memory_space<vmem>>
        %dma_wait3A_130 = arith.constant 0 : i32
        %dma_wait3A_131 = arith.constant 0 : i32
        %dma_wait3A_132 = tpu.memref_slice %arg15[%dma_wait3A_130, %dma_wait3A_131] : memref<10240x64xf32, #tpu.memory_space<vmem_shared>> -> memref<10240x64xf32, #tpu.memory_space<vmem_shared>>
        tpu.wait_indirect_dma semaphore(%run_scoped3A : memref<!tpu.dma_semaphore, #tpu.memory_space<semaphore_mem>>) src(%arg10 : memref<80x64xf32, #tpu.memory_space<vmem>>) dst(%dma_wait3A_132 : memref<10240x64xf32, #tpu.memory_space<vmem_shared>>)
        tpu.yield
      }) : () -> ()
      %add3A_96 = arith.constant 2 : i32
      %add3A_97 = arith.addi %mul3A_65, %add3A_96 : i32
      %lt3A = arith.constant 250 : i32
      %lt3A_98 = arith.cmpi slt, %add3A_97, %lt3A : i32
      %convert_element_type3A_99 = arith.extui %lt3A_98 : i1 to i32
      %cond3A_100 = arith.constant 0 : i32
      %cond3A_101 = arith.cmpi ne, %convert_element_type3A_99, %cond3A_100 : i32
      scf.if %cond3A_101 {
        %add3A_121 = arith.constant 2 : i32
        %add3A_122 = arith.addi %mul3A_65, %add3A_121 : i32
        %dma_start3A_123 = arith.constant 0 : i32
        %dma_start3A_124 = tpu.memref_slice %arg8[%add3A_122, %dma_start3A_123] : memref<250x80xi32, #tpu.memory_space<vmem>> -> memref<1x80xi32, #tpu.memory_space<vmem>>
        %dma_start3A_125 = tpu.memref_squeeze %dma_start3A_124 : memref<1x80xi32, #tpu.memory_space<vmem>> -> memref<80xi32, #tpu.memory_space<vmem>>
        %dma_start3A_126 = arith.constant 0 : i32
        %dma_start3A_127 = arith.constant 0 : i32
        %dma_start3A_128 = tpu.memref_slice %arg2[%dma_start3A_126, %dma_start3A_127] : memref<20000x64xf32, #tpu.memory_space<hbm>> -> memref<20000x64xf32, #tpu.memory_space<hbm>>
        tpu.enqueue_indirect_dma source(%dma_start3A_128 : memref<20000x64xf32, #tpu.memory_space<hbm>>) target(%arg10 : memref<80x64xf32, #tpu.memory_space<vmem>>) offsets(%dma_start3A_125 : memref<80xi32, #tpu.memory_space<vmem>>) semaphore(%arg16 : memref<!tpu.dma_semaphore, #tpu.memory_space<semaphore_mem>>)
        %mul3A_129 = arith.constant 80 : i32
        %mul3A_130 = arith.muli %add3A_122, %mul3A_129 : i32
        %add3A_131 = arith.addi %mul3A_0, %mul3A_130 : i32
        %dma_start3A_132 = tpu.memref_slice %arg3[%add3A_131, %mul3A_2] : memref<320000x128xf32, #tpu.memory_space<hbm>> -> memref<80x64xf32, #tpu.memory_space<hbm>>
        %dma_start3A_133 = tpu.memref_slice %arg3[%add3A_131, %mul3A_2] : memref<320000x128xf32, #tpu.memory_space<hbm>> -> memref<80x64xf32, #tpu.memory_space<hbm>>
        tpu.enqueue_dma source(%dma_start3A_133 : memref<80x64xf32, #tpu.memory_space<hbm>>) target(%arg12 : memref<80x64xf32, #tpu.memory_space<vmem>>) target_semaphore(%arg18 : memref<!tpu.dma_semaphore, #tpu.memory_space<semaphore_mem>>)
      } else {
      }
      %dma_wait3A_102 = arith.constant 0 : i32
      %dma_wait3A_103 = tpu.memref_slice %arg8[%add3A_67, %dma_wait3A_102] : memref<250x80xi32, #tpu.memory_space<vmem>> -> memref<1x80xi32, #tpu.memory_space<vmem>>
      %dma_wait3A_104 = tpu.memref_squeeze %dma_wait3A_103 : memref<1x80xi32, #tpu.memory_space<vmem>> -> memref<80xi32, #tpu.memory_space<vmem>>
      %dma_wait3A_105 = arith.constant 0 : i32
      %dma_wait3A_106 = arith.constant 0 : i32
      %dma_wait3A_107 = tpu.memref_slice %arg2[%dma_wait3A_105, %dma_wait3A_106] : memref<20000x64xf32, #tpu.memory_space<hbm>> -> memref<20000x64xf32, #tpu.memory_space<hbm>>
      tpu.wait_indirect_dma semaphore(%arg17 : memref<!tpu.dma_semaphore, #tpu.memory_space<semaphore_mem>>) src(%dma_wait3A_107 : memref<20000x64xf32, #tpu.memory_space<hbm>>) dst(%arg11 : memref<80x64xf32, #tpu.memory_space<vmem>>)
      %mul3A_108 = arith.constant 80 : i32
      %mul3A_109 = arith.muli %add3A_67, %mul3A_108 : i32
      %add3A_110 = arith.addi %mul3A_0, %mul3A_109 : i32
      %dma_wait3A_111 = tpu.memref_slice %arg3[%add3A_110, %mul3A_2] : memref<320000x128xf32, #tpu.memory_space<hbm>> -> memref<80x64xf32, #tpu.memory_space<hbm>>
      %dma_wait3A_112 = tpu.memref_slice %arg3[%add3A_110, %mul3A_2] : memref<320000x128xf32, #tpu.memory_space<hbm>> -> memref<80x64xf32, #tpu.memory_space<hbm>>
      tpu.wait_dma2 semaphore(%arg19 : memref<!tpu.dma_semaphore, #tpu.memory_space<semaphore_mem>>) src(%dma_wait3A_112 : memref<80x64xf32, #tpu.memory_space<hbm>>) dst(%arg13 : memref<80x64xf32, #tpu.memory_space<vmem>>)
      %scan3A_113 = arith.constant 0 : i32
      %scan3A_114 = arith.constant 0 : i32
      %scan3A_115 = arith.constant 80 : i32
      %scan3A_116 = arith.addi %scan3A_114, %scan3A_115 : i32
      %scan3A_117 = arith.constant 1 : i32
      %scan3A_118 = scf.for %scan3A_121 = %scan3A_114 to %scan3A_116 step %scan3A_117 iter_args(%scan3A_122 = %scan3A_113) -> (i32)  : i32 {
        %get3A = arith.index_cast %scan3A_121 : i32 to index
        %get3A_123 = arith.constant 0 : index
        %get3A_124 = tpu.vector_load %arg11[%get3A, %get3A_123] {strides = array<i32>} : memref<80x64xf32, #tpu.memory_space<vmem>>, vector<16xf32>,
        %get3A_125 = arith.index_cast %scan3A_121 : i32 to index
        %get3A_126 = arith.constant 0 : index
        %get3A_127 = tpu.vector_load %arg13[%get3A_125, %get3A_126] {strides = array<i32>} : memref<80x64xf32, #tpu.memory_space<vmem>>, vector<16xf32>,
        %mul3A_128 = arith.mulf %get3A_124, %get3A_127 : vector<16xf32>
        %swap3A = arith.index_cast %scan3A_121 : i32 to index
        %swap3A_129 = arith.constant 0 : index
        %swap3A_130 = tpu.vector_load %arg11[%swap3A, %swap3A_129] {strides = array<i32>} : memref<80x64xf32, #tpu.memory_space<vmem>>, vector<16xf32>,
        tpu.vector_store %arg11[%swap3A, %swap3A_129], %mul3A_128 {strides = array<i32>} : memref<80x64xf32, #tpu.memory_space<vmem>>, vector<16xf32>,
        %get3A_131 = arith.index_cast %scan3A_121 : i32 to index
        %get3A_132 = arith.constant 16 : index
        %get3A_133 = tpu.vector_load %arg11[%get3A_131, %get3A_132] {strides = array<i32>} : memref<80x64xf32, #tpu.memory_space<vmem>>, vector<16xf32>,
        %get3A_134 = arith.index_cast %scan3A_121 : i32 to index
        %get3A_135 = arith.constant 16 : index
        %get3A_136 = tpu.vector_load %arg13[%get3A_134, %get3A_135] {strides = array<i32>} : memref<80x64xf32, #tpu.memory_space<vmem>>, vector<16xf32>,
        %mul3A_137 = arith.mulf %get3A_133, %get3A_136 : vector<16xf32>
        %swap3A_138 = arith.index_cast %scan3A_121 : i32 to index
        %swap3A_139 = arith.constant 16 : index
        %swap3A_140 = tpu.vector_load %arg11[%swap3A_138, %swap3A_139] {strides = array<i32>} : memref<80x64xf32, #tpu.memory_space<vmem>>, vector<16xf32>,
        tpu.vector_store %arg11[%swap3A_138, %swap3A_139], %mul3A_137 {strides = array<i32>} : memref<80x64xf32, #tpu.memory_space<vmem>>, vector<16xf32>,
        %get3A_141 = arith.index_cast %scan3A_121 : i32 to index
        %get3A_142 = arith.constant 32 : index
        %get3A_143 = tpu.vector_load %arg11[%get3A_141, %get3A_142] {strides = array<i32>} : memref<80x64xf32, #tpu.memory_space<vmem>>, vector<16xf32>,
        %get3A_144 = arith.index_cast %scan3A_121 : i32 to index
        %get3A_145 = arith.constant 32 : index
        %get3A_146 = tpu.vector_load %arg13[%get3A_144, %get3A_145] {strides = array<i32>} : memref<80x64xf32, #tpu.memory_space<vmem>>, vector<16xf32>,
        %mul3A_147 = arith.mulf %get3A_143, %get3A_146 : vector<16xf32>
        %swap3A_148 = arith.index_cast %scan3A_121 : i32 to index
        %swap3A_149 = arith.constant 32 : index
        %swap3A_150 = tpu.vector_load %arg11[%swap3A_148, %swap3A_149] {strides = array<i32>} : memref<80x64xf32, #tpu.memory_space<vmem>>, vector<16xf32>,
        tpu.vector_store %arg11[%swap3A_148, %swap3A_149], %mul3A_147 {strides = array<i32>} : memref<80x64xf32, #tpu.memory_space<vmem>>, vector<16xf32>,
        %get3A_151 = arith.index_cast %scan3A_121 : i32 to index
        %get3A_152 = arith.constant 48 : index
        %get3A_153 = tpu.vector_load %arg11[%get3A_151, %get3A_152] {strides = array<i32>} : memref<80x64xf32, #tpu.memory_space<vmem>>, vector<16xf32>,
        %get3A_154 = arith.index_cast %scan3A_121 : i32 to index
        %get3A_155 = arith.constant 48 : index
        %get3A_156 = tpu.vector_load %arg13[%get3A_154, %get3A_155] {strides = array<i32>} : memref<80x64xf32, #tpu.memory_space<vmem>>, vector<16xf32>,
        %mul3A_157 = arith.mulf %get3A_153, %get3A_156 : vector<16xf32>
        %swap3A_158 = arith.index_cast %scan3A_121 : i32 to index
        %swap3A_159 = arith.constant 48 : index
        %swap3A_160 = tpu.vector_load %arg11[%swap3A_158, %swap3A_159] {strides = array<i32>} : memref<80x64xf32, #tpu.memory_space<vmem>>, vector<16xf32>,
        tpu.vector_store %arg11[%swap3A_158, %swap3A_159], %mul3A_157 {strides = array<i32>} : memref<80x64xf32, #tpu.memory_space<vmem>>, vector<16xf32>,
        %scan3A_161 = arith.constant 0 : i32
        scf.yield %scan3A_161 : i32
      }
      %scan3A_119 = arith.constant 80 : i32
      "tpu.region"() ({
        %run_scoped3A = tpu.sem_alloc : memref<!tpu.dma_semaphore, #tpu.memory_space<semaphore_mem>>
        %dma_start3A_121 = arith.constant 0 : i32
        %dma_start3A_122 = tpu.memref_slice %arg9[%add3A_67, %dma_start3A_121] : memref<250x80xi32, #tpu.memory_space<vmem>> -> memref<1x80xi32, #tpu.memory_space<vmem>>
        %dma_start3A_123 = tpu.memref_squeeze %dma_start3A_122 : memref<1x80xi32, #tpu.memory_space<vmem>> -> memref<80xi32, #tpu.memory_space<vmem>>
        %dma_start3A_124 = arith.constant 0 : i32
        %dma_start3A_125 = arith.constant 0 : i32
        %dma_start3A_126 = tpu.memref_slice %arg15[%dma_start3A_124, %dma_start3A_125] : memref<10240x64xf32, #tpu.memory_space<vmem_shared>> -> memref<10240x64xf32, #tpu.memory_space<vmem_shared>>
        tpu.enqueue_indirect_dma source(%arg11 : memref<80x64xf32, #tpu.memory_space<vmem>>) target(%dma_start3A_126 : memref<10240x64xf32, #tpu.memory_space<vmem_shared>>) offsets(%dma_start3A_123 : memref<80xi32, #tpu.memory_space<vmem>>) semaphore(%run_scoped3A : memref<!tpu.dma_semaphore, #tpu.memory_space<semaphore_mem>>) {add = true}
        %dma_wait3A_127 = arith.constant 0 : i32
        %dma_wait3A_128 = tpu.memref_slice %arg9[%add3A_67, %dma_wait3A_127] : memref<250x80xi32, #tpu.memory_space<vmem>> -> memref<1x80xi32, #tpu.memory_space<vmem>>
        %dma_wait3A_129 = tpu.memref_squeeze %dma_wait3A_128 : memref<1x80xi32, #tpu.memory_space<vmem>> -> memref<80xi32, #tpu.memory_space<vmem>>
        %dma_wait3A_130 = arith.constant 0 : i32
        %dma_wait3A_131 = arith.constant 0 : i32
        %dma_wait3A_132 = tpu.memref_slice %arg15[%dma_wait3A_130, %dma_wait3A_131] : memref<10240x64xf32, #tpu.memory_space<vmem_shared>> -> memref<10240x64xf32, #tpu.memory_space<vmem_shared>>
        tpu.wait_indirect_dma semaphore(%run_scoped3A : memref<!tpu.dma_semaphore, #tpu.memory_space<semaphore_mem>>) src(%arg11 : memref<80x64xf32, #tpu.memory_space<vmem>>) dst(%dma_wait3A_132 : memref<10240x64xf32, #tpu.memory_space<vmem_shared>>)
        tpu.yield
      }) : () -> ()
      %scan3A_120 = arith.constant 0 : i32
      scf.yield %scan3A_120 : i32
    }
    %scan3A_51 = arith.constant 125 : i32
    %barrier3A_52 = arith.constant 0 : index
    tpu.barrier barrier_id(%barrier3A_52)
    %mul3A_53 = arith.constant 640 : i32
    %mul3A_54 = arith.muli %arg1, %mul3A_53 : i32
    %eq3A = arith.constant 0 : i32
    %eq3A_55 = arith.cmpi eq, %arg0, %eq3A : i32
    %convert_element_type3A = arith.extui %eq3A_55 : i1 to i32
    %cond3A = arith.constant 0 : i32
    %cond3A_56 = arith.cmpi ne, %convert_element_type3A, %cond3A : i32
    scf.if %cond3A_56 {
      "tpu.region"() ({
        %run_scoped3A = tpu.sem_alloc : memref<!tpu.dma_semaphore, #tpu.memory_space<semaphore_mem>>
        %dma_start3A_62 = arith.constant 0 : i32
        %dma_start3A_63 = tpu.memref_slice %arg6[%mul3A_54, %dma_start3A_62] : memref<10240x64xf32, #tpu.memory_space<hbm>> -> memref<640x64xf32, #tpu.memory_space<hbm>>
        %dma_start3A_64 = arith.constant 0 : i32
        %dma_start3A_65 = tpu.memref_slice %arg15[%mul3A_54, %dma_start3A_64] : memref<10240x64xf32, #tpu.memory_space<vmem_shared>> -> memref<640x64xf32, #tpu.memory_space<vmem_shared>>
        tpu.enqueue_dma source(%dma_start3A_65 : memref<640x64xf32, #tpu.memory_space<vmem_shared>>) target(%dma_start3A_63 : memref<640x64xf32, #tpu.memory_space<hbm>>) target_semaphore(%run_scoped3A : memref<!tpu.dma_semaphore, #tpu.memory_space<semaphore_mem>>)
        %dma_wait3A = arith.constant 0 : i32
        %dma_wait3A_66 = tpu.memref_slice %arg6[%mul3A_54, %dma_wait3A] : memref<10240x64xf32, #tpu.memory_space<hbm>> -> memref<640x64xf32, #tpu.memory_space<hbm>>
        %dma_wait3A_67 = arith.constant 0 : i32
        %dma_wait3A_68 = tpu.memref_slice %arg15[%mul3A_54, %dma_wait3A_67] : memref<10240x64xf32, #tpu.memory_space<vmem_shared>> -> memref<640x64xf32, #tpu.memory_space<vmem_shared>>
        tpu.wait_dma2 semaphore(%run_scoped3A : memref<!tpu.dma_semaphore, #tpu.memory_space<semaphore_mem>>) src(%dma_wait3A_68 : memref<640x64xf32, #tpu.memory_space<vmem_shared>>) dst(%dma_wait3A_66 : memref<640x64xf32, #tpu.memory_space<hbm>>)
        tpu.yield
      }) : () -> ()
    } else {
    }
    %eq3A_57 = arith.constant 1 : i32
    %eq3A_58 = arith.cmpi eq, %arg0, %eq3A_57 : i32
    %convert_element_type3A_59 = arith.extui %eq3A_58 : i1 to i32
    %cond3A_60 = arith.constant 0 : i32
    %cond3A_61 = arith.cmpi ne, %convert_element_type3A_59, %cond3A_60 : i32
    scf.if %cond3A_61 {
      "tpu.region"() ({
        %run_scoped3A = tpu.sem_alloc : memref<!tpu.dma_semaphore, #tpu.memory_space<semaphore_mem>>
        %dma_start3A_62 = arith.constant 0 : i32
        %dma_start3A_63 = tpu.memref_slice %arg7[%mul3A_54, %dma_start3A_62] : memref<10240x64xf32, #tpu.memory_space<hbm>> -> memref<640x64xf32, #tpu.memory_space<hbm>>
        %dma_start3A_64 = arith.constant 0 : i32
        %dma_start3A_65 = tpu.memref_slice %arg15[%mul3A_54, %dma_start3A_64] : memref<10240x64xf32, #tpu.memory_space<vmem_shared>> -> memref<640x64xf32, #tpu.memory_space<vmem_shared>>
        tpu.enqueue_dma source(%dma_start3A_65 : memref<640x64xf32, #tpu.memory_space<vmem_shared>>) target(%dma_start3A_63 : memref<640x64xf32, #tpu.memory_space<hbm>>) target_semaphore(%run_scoped3A : memref<!tpu.dma_semaphore, #tpu.memory_space<semaphore_mem>>)
        %dma_wait3A = arith.constant 0 : i32
        %dma_wait3A_66 = tpu.memref_slice %arg7[%mul3A_54, %dma_wait3A] : memref<10240x64xf32, #tpu.memory_space<hbm>> -> memref<640x64xf32, #tpu.memory_space<hbm>>
        %dma_wait3A_67 = arith.constant 0 : i32
        %dma_wait3A_68 = tpu.memref_slice %arg15[%mul3A_54, %dma_wait3A_67] : memref<10240x64xf32, #tpu.memory_space<vmem_shared>> -> memref<640x64xf32, #tpu.memory_space<vmem_shared>>
        tpu.wait_dma2 semaphore(%run_scoped3A : memref<!tpu.dma_semaphore, #tpu.memory_space<semaphore_mem>>) src(%dma_wait3A_68 : memref<640x64xf32, #tpu.memory_space<vmem_shared>>) dst(%dma_wait3A_66 : memref<640x64xf32, #tpu.memory_space<hbm>>)
        tpu.yield
      }) : () -> ()
    } else {
    }
    return
  }
}

module attributes {stable_mosaic.version = 14 : i64} {
  func.func @_h_body(%arg0: i32, %arg1: memref<1000x128xf32, #tpu.memory_space<vmem>>, %arg2: memref<1x128xf32, #tpu.memory_space<vmem>>, %arg3: memref<128x128xf32, #tpu.memory_space<vmem>>, %arg4: memref<1x128xf32, #tpu.memory_space<vmem>>, %arg5: memref<1000x128xf32, #tpu.memory_space<vmem>>) attributes {dimension_semantics = [#tpu.dimension_semantics<arbitrary>], iteration_bounds = array<i64: 10>, scalar_prefetch = 0 : i64, scratch_operands = 0 : i64, tpu.core_type = #tpu.core_type<tc>, window_params = [{transform_indices = @transform_0, window_bounds = array<i64: 1000, 128>}, {pipeline_mode = #tpu.pipeline_mode<synchronous>, transform_indices = @transform_1, window_bounds = array<i64: 1, 128>}, {pipeline_mode = #tpu.pipeline_mode<synchronous>, transform_indices = @transform_2, window_bounds = array<i64: 128, 128>}, {pipeline_mode = #tpu.pipeline_mode<synchronous>, transform_indices = @transform_3, window_bounds = array<i64: 1, 128>}, {transform_indices = @transform_4, window_bounds = array<i64: 1000, 128>}]} {
    %get3A = arith.constant 0 : index
    %get3A_0 = arith.constant 0 : index
    %get3A_1 = vector.load %arg1[%get3A, %get3A_0] : memref<1000x128xf32, #tpu.memory_space<vmem>>, vector<1000x128xf32>
    %get3A_2 = arith.constant 0 : index
    %get3A_3 = arith.constant 0 : index
    %get3A_4 = vector.load %arg2[%get3A_2, %get3A_3] : memref<1x128xf32, #tpu.memory_space<vmem>>, vector<1x128xf32>
    %add3A = vector.broadcast %get3A_4 : vector<1x128xf32> to vector<1000x128xf32>
    %add3A_5 = arith.addf %get3A_1, %add3A : vector<1000x128xf32>
    %get3A_6 = arith.constant 0 : index
    %get3A_7 = arith.constant 0 : index
    %get3A_8 = vector.load %arg3[%get3A_6, %get3A_7] : memref<128x128xf32, #tpu.memory_space<vmem>>, vector<128x128xf32>
    %dot_general3A = arith.constant dense<0.000000e+00> : vector<1000x128xf32>
    %dot_general3A_9 = tpu.matmul %add3A_5, %get3A_8, %dot_general3A {dimension_numbers = #tpu.dot_dimension_numbers<[1], [0], [0], [1], [0, 0, 1, 1], [], []>, transpose_lhs_hint = false} : vector<1000x128xf32>, vector<128x128xf32>, vector<1000x128xf32> -> vector<1000x128xf32>
    %get3A_10 = arith.constant 0 : index
    %get3A_11 = arith.constant 0 : index
    %get3A_12 = vector.load %arg4[%get3A_10, %get3A_11] : memref<1x128xf32, #tpu.memory_space<vmem>>, vector<1x128xf32>
    %add3A_13 = vector.broadcast %get3A_12 : vector<1x128xf32> to vector<1000x128xf32>
    %add3A_14 = arith.addf %dot_general3A_9, %add3A_13 : vector<1000x128xf32>
    %swap3A = arith.constant 0 : index
    %swap3A_15 = arith.constant 0 : index
    %swap3A_16 = vector.load %arg5[%swap3A, %swap3A_15] : memref<1000x128xf32, #tpu.memory_space<vmem>>, vector<1000x128xf32>
    tpu.vector_store %arg5[%swap3A, %swap3A_15], %add3A_14 {strides = array<i32>} : memref<1000x128xf32, #tpu.memory_space<vmem>>, vector<1000x128xf32>,
    return
  }
  func.func @transform_0(%arg0: i32) -> (i32, i32) {
    %c0_i32 = arith.constant 0 : i32
    %c0_i32_0 = arith.constant 0 : i32
    return %arg0, %c0_i32 : i32, i32
  }
  func.func @transform_1(%arg0: i32) -> (i32, i32) {
    %c0_i32 = arith.constant 0 : i32
    %c0_i32_0 = arith.constant 0 : i32
    %c0_i32_1 = arith.constant 0 : i32
    return %c0_i32, %c0_i32_0 : i32, i32
  }
  func.func @transform_2(%arg0: i32) -> (i32, i32) {
    %c0_i32 = arith.constant 0 : i32
    %c0_i32_0 = arith.constant 0 : i32
    %c0_i32_1 = arith.constant 0 : i32
    return %c0_i32, %c0_i32_0 : i32, i32
  }
  func.func @transform_3(%arg0: i32) -> (i32, i32) {
    %c0_i32 = arith.constant 0 : i32
    %c0_i32_0 = arith.constant 0 : i32
    %c0_i32_1 = arith.constant 0 : i32
    return %c0_i32, %c0_i32_0 : i32, i32
  }
  func.func @transform_4(%arg0: i32) -> (i32, i32) {
    %c0_i32 = arith.constant 0 : i32
    %c0_i32_0 = arith.constant 0 : i32
    return %arg0, %c0_i32 : i32, i32
  }
}

module attributes {stable_mosaic.version = 14 : i64} {
  func.func @_filter_body(%arg0: i32, %arg1: memref<1x2560xf32, #tpu.memory_space<vmem>>, %arg2: memref<33x64xf32, #tpu.memory_space<vmem>>, %arg3: memref<33x64xf32, #tpu.memory_space<vmem>>, %arg4: memref<32x128xf32, #tpu.memory_space<vmem>>, %arg5: memref<128x64xf32, #tpu.memory_space<vmem>>, %arg6: memref<128x64xf32, #tpu.memory_space<vmem>>, %arg7: memref<128x1xf32, #tpu.memory_space<vmem>>, %arg8: memref<2560x128xf32, #tpu.memory_space<vmem>>) attributes {dimension_semantics = [#tpu.dimension_semantics<arbitrary>], iteration_bounds = array<i64: 125>, scalar_prefetch = 0 : i64, scratch_operands = 0 : i64, tpu.core_type = #tpu.core_type<tc>, window_params = [{transform_indices = @transform_0, window_bounds = array<i64: 1, 2560>}, {pipeline_mode = #tpu.pipeline_mode<synchronous>, transform_indices = @transform_1, window_bounds = array<i64: 33, 64>}, {pipeline_mode = #tpu.pipeline_mode<synchronous>, transform_indices = @transform_2, window_bounds = array<i64: 33, 64>}, {pipeline_mode = #tpu.pipeline_mode<synchronous>, transform_indices = @transform_3, window_bounds = array<i64: 32, 128>}, {pipeline_mode = #tpu.pipeline_mode<synchronous>, transform_indices = @transform_4, window_bounds = array<i64: 128, 64>}, {pipeline_mode = #tpu.pipeline_mode<synchronous>, transform_indices = @transform_5, window_bounds = array<i64: 128, 64>}, {pipeline_mode = #tpu.pipeline_mode<synchronous>, transform_indices = @transform_6, window_bounds = array<i64: 128, 1>}, {transform_indices = @transform_7, window_bounds = array<i64: 2560, 128>}]} {
    %get3A = arith.constant 0 : index
    %get3A_0 = arith.constant 0 : index
    %get3A_1 = vector.load %arg1[%get3A, %get3A_0] : memref<1x2560xf32, #tpu.memory_space<vmem>>, vector<1x2560xf32>
    %add3A = arith.constant 9.99999993E-9 : f32
    %add3A_2 = vector.broadcast %add3A : f32 to vector<1x2560xf32>
    %add3A_3 = arith.addf %get3A_1, %add3A_2 : vector<1x2560xf32>
    %sqrt3A = math.sqrt %add3A_3 : vector<1x2560xf32>
    %iota3A = tpu.iota {dimensions = array<i32: 0>} : vector<32x2560xi32>
    %convert_element_type3A = arith.sitofp %iota3A : vector<32x2560xi32> to vector<32x2560xf32>
    %mul3A = arith.constant 0.258064508 : f32
    %mul3A_4 = vector.broadcast %mul3A : f32 to vector<32x2560xf32>
    %mul3A_5 = arith.mulf %convert_element_type3A, %mul3A_4 : vector<32x2560xf32>
    %sub3A = vector.broadcast %sqrt3A : vector<1x2560xf32> to vector<32x2560xf32>
    %sub3A_6 = arith.subf %sub3A, %mul3A_5 : vector<32x2560xf32>
    %mul3A_7 = arith.constant 3.875000e+00 : f32
    %mul3A_8 = vector.broadcast %mul3A_7 : f32 to vector<32x2560xf32>
    %mul3A_9 = arith.mulf %sub3A_6, %mul3A_8 : vector<32x2560xf32>
    %mul3A_10 = arith.constant -0.72134751 : f32
    %mul3A_11 = vector.broadcast %mul3A_10 : f32 to vector<32x2560xf32>
    %mul3A_12 = arith.mulf %mul3A_11, %mul3A_9 : vector<32x2560xf32>
    %mul3A_13 = arith.mulf %mul3A_12, %mul3A_9 : vector<32x2560xf32>
    %exp23A = math.exp2 %mul3A_13 : vector<32x2560xf32>
    %mul3A_14 = arith.constant 0.392699093 : f32
    %mul3A_15 = vector.broadcast %mul3A_14 : f32 to vector<1x2560xf32>
    %mul3A_16 = arith.mulf %sqrt3A, %mul3A_15 : vector<1x2560xf32>
    %cos3A = math.cos %mul3A_16 : vector<1x2560xf32>
    %add3A_17 = arith.constant 1.000000e+00 : f32
    %add3A_18 = vector.broadcast %add3A_17 : f32 to vector<1x2560xf32>
    %add3A_19 = arith.addf %cos3A, %add3A_18 : vector<1x2560xf32>
    %mul3A_20 = arith.constant 5.000000e-01 : f32
    %mul3A_21 = vector.broadcast %mul3A_20 : f32 to vector<1x2560xf32>
    %mul3A_22 = arith.mulf %mul3A_21, %add3A_19 : vector<1x2560xf32>
    %lt3A = arith.constant 8.000000e+00 : f32
    %lt3A_23 = vector.broadcast %lt3A : f32 to vector<1x2560xf32>
    %lt3A_24 = arith.cmpf olt, %sqrt3A, %lt3A_23 : vector<1x2560xf32>
    %convert_element_type3A_25 = arith.extui %lt3A_24 : vector<1x2560xi1> to vector<1x2560xi32>
    %convert_element_type3A_26 = arith.sitofp %convert_element_type3A_25 : vector<1x2560xi32> to vector<1x2560xf32>
    %mul3A_27 = arith.mulf %mul3A_22, %convert_element_type3A_26 : vector<1x2560xf32>
    %get3A_28 = arith.constant 0 : index
    %get3A_29 = arith.constant 0 : index
    %get3A_30 = vector.load %arg4[%get3A_28, %get3A_29] : memref<32x128xf32, #tpu.memory_space<vmem>>, vector<32x128xf32>
    %dot_general3A = arith.constant dense<0.000000e+00> : vector<128x2560xf32>
    %dot_general3A_31 = tpu.matmul %get3A_30, %exp23A, %dot_general3A {dimension_numbers = #tpu.dot_dimension_numbers<[0], [0], [1], [1], [0, 1, 1, 1], [], []>, transpose_lhs_hint = false} : vector<32x128xf32>, vector<32x2560xf32>, vector<128x2560xf32> -> vector<128x2560xf32>
    %get3A_32 = arith.constant 0 : index
    %get3A_33 = arith.constant 0 : index
    %get3A_34 = vector.load %arg7[%get3A_32, %get3A_33] : memref<128x1xf32, #tpu.memory_space<vmem>>, vector<128x1xf32>
    %add3A_35 = vector.broadcast %get3A_34 : vector<128x1xf32> to vector<128x2560xf32>
    %add3A_36 = arith.addf %dot_general3A_31, %add3A_35 : vector<128x2560xf32>
    %mul3A_37 = arith.constant 1.44269502 : f32
    %mul3A_38 = vector.broadcast %mul3A_37 : f32 to vector<128x2560xf32>
    %mul3A_39 = arith.mulf %add3A_36, %mul3A_38 : vector<128x2560xf32>
    %min3A = arith.constant 1.200000e+02 : f32
    %min3A_40 = vector.broadcast %min3A : f32 to vector<128x2560xf32>
    %min3A_41 = arith.minimumf %mul3A_39, %min3A_40 : vector<128x2560xf32>
    %exp23A_42 = math.exp2 %min3A_41 : vector<128x2560xf32>
    %mul3A_43 = vector.broadcast %mul3A_27 : vector<1x2560xf32> to vector<128x2560xf32>
    %mul3A_44 = arith.mulf %add3A_36, %mul3A_43 : vector<128x2560xf32>
    %add3A_45 = arith.constant 1.000000e+00 : f32
    %add3A_46 = vector.broadcast %add3A_45 : f32 to vector<128x2560xf32>
    %add3A_47 = arith.addf %add3A_46, %exp23A_42 : vector<128x2560xf32>
    %div3A = arith.divf %exp23A_42, %add3A_47 : vector<128x2560xf32>
    %mul3A_48 = arith.mulf %mul3A_44, %div3A : vector<128x2560xf32>
    %mul3A_49 = vector.broadcast %mul3A_27 : vector<1x2560xf32> to vector<32x2560xf32>
    %mul3A_50 = arith.mulf %exp23A, %mul3A_49 : vector<32x2560xf32>
    %concatenate3A = tpu.concatenate %mul3A_50, %mul3A_27 in 0 : vector<32x2560xf32>, vector<1x2560xf32> -> vector<33x2560xf32>
    %get3A_51 = arith.constant 0 : index
    %get3A_52 = arith.constant 0 : index
    %get3A_53 = vector.load %arg2[%get3A_51, %get3A_52] : memref<33x64xf32, #tpu.memory_space<vmem>>, vector<33x64xf32>
    %dot_general3A_54 = arith.constant dense<0.000000e+00> : vector<2560x64xf32>
    %dot_general3A_55 = tpu.matmul %concatenate3A, %get3A_53, %dot_general3A_54 {dimension_numbers = #tpu.dot_dimension_numbers<[0], [0], [1], [1], [0, 1, 1, 1], [], []>, transpose_lhs_hint = false} : vector<33x2560xf32>, vector<33x64xf32>, vector<2560x64xf32> -> vector<2560x64xf32>
    %get3A_56 = arith.constant 0 : index
    %get3A_57 = arith.constant 0 : index
    %get3A_58 = vector.load %arg5[%get3A_56, %get3A_57] : memref<128x64xf32, #tpu.memory_space<vmem>>, vector<128x64xf32>
    %dot_general3A_59 = arith.constant dense<0.000000e+00> : vector<2560x64xf32>
    %dot_general3A_60 = tpu.matmul %mul3A_48, %get3A_58, %dot_general3A_59 {dimension_numbers = #tpu.dot_dimension_numbers<[0], [0], [1], [1], [0, 1, 1, 1], [], []>, transpose_lhs_hint = false} : vector<128x2560xf32>, vector<128x64xf32>, vector<2560x64xf32> -> vector<2560x64xf32>
    %add3A_61 = arith.addf %dot_general3A_55, %dot_general3A_60 : vector<2560x64xf32>
    %get3A_62 = arith.constant 0 : index
    %get3A_63 = arith.constant 0 : index
    %get3A_64 = vector.load %arg3[%get3A_62, %get3A_63] : memref<33x64xf32, #tpu.memory_space<vmem>>, vector<33x64xf32>
    %dot_general3A_65 = arith.constant dense<0.000000e+00> : vector<2560x64xf32>
    %dot_general3A_66 = tpu.matmul %concatenate3A, %get3A_64, %dot_general3A_65 {dimension_numbers = #tpu.dot_dimension_numbers<[0], [0], [1], [1], [0, 1, 1, 1], [], []>, transpose_lhs_hint = false} : vector<33x2560xf32>, vector<33x64xf32>, vector<2560x64xf32> -> vector<2560x64xf32>
    %get3A_67 = arith.constant 0 : index
    %get3A_68 = arith.constant 0 : index
    %get3A_69 = vector.load %arg6[%get3A_67, %get3A_68] : memref<128x64xf32, #tpu.memory_space<vmem>>, vector<128x64xf32>
    %dot_general3A_70 = arith.constant dense<0.000000e+00> : vector<2560x64xf32>
    %dot_general3A_71 = tpu.matmul %mul3A_48, %get3A_69, %dot_general3A_70 {dimension_numbers = #tpu.dot_dimension_numbers<[0], [0], [1], [1], [0, 1, 1, 1], [], []>, transpose_lhs_hint = false} : vector<128x2560xf32>, vector<128x64xf32>, vector<2560x64xf32> -> vector<2560x64xf32>
    %add3A_72 = arith.addf %dot_general3A_66, %dot_general3A_71 : vector<2560x64xf32>
    %concatenate3A_73 = tpu.concatenate %add3A_61, %add3A_72 in 1 : vector<2560x64xf32>, vector<2560x64xf32> -> vector<2560x128xf32>
    %swap3A = arith.constant 0 : index
    %swap3A_74 = arith.constant 0 : index
    %swap3A_75 = vector.load %arg8[%swap3A, %swap3A_74] : memref<2560x128xf32, #tpu.memory_space<vmem>>, vector<2560x128xf32>
    tpu.vector_store %arg8[%swap3A, %swap3A_74], %concatenate3A_73 {strides = array<i32>} : memref<2560x128xf32, #tpu.memory_space<vmem>>, vector<2560x128xf32>,
    return
  }
  func.func @transform_0(%arg0: i32) -> (i32, i32) {
    %c0_i32 = arith.constant 0 : i32
    %c0_i32_0 = arith.constant 0 : i32
    return %c0_i32, %arg0 : i32, i32
  }
  func.func @transform_1(%arg0: i32) -> (i32, i32) {
    %c0_i32 = arith.constant 0 : i32
    %c0_i32_0 = arith.constant 0 : i32
    %c0_i32_1 = arith.constant 0 : i32
    return %c0_i32, %c0_i32_0 : i32, i32
  }
  func.func @transform_2(%arg0: i32) -> (i32, i32) {
    %c0_i32 = arith.constant 0 : i32
    %c0_i32_0 = arith.constant 0 : i32
    %c0_i32_1 = arith.constant 0 : i32
    return %c0_i32, %c0_i32_0 : i32, i32
  }
  func.func @transform_3(%arg0: i32) -> (i32, i32) {
    %c0_i32 = arith.constant 0 : i32
    %c0_i32_0 = arith.constant 0 : i32
    %c0_i32_1 = arith.constant 0 : i32
    return %c0_i32, %c0_i32_0 : i32, i32
  }
  func.func @transform_4(%arg0: i32) -> (i32, i32) {
    %c0_i32 = arith.constant 0 : i32
    %c0_i32_0 = arith.constant 0 : i32
    %c0_i32_1 = arith.constant 0 : i32
    return %c0_i32, %c0_i32_0 : i32, i32
  }
  func.func @transform_5(%arg0: i32) -> (i32, i32) {
    %c0_i32 = arith.constant 0 : i32
    %c0_i32_0 = arith.constant 0 : i32
    %c0_i32_1 = arith.constant 0 : i32
    return %c0_i32, %c0_i32_0 : i32, i32
  }
  func.func @transform_6(%arg0: i32) -> (i32, i32) {
    %c0_i32 = arith.constant 0 : i32
    %c0_i32_0 = arith.constant 0 : i32
    %c0_i32_1 = arith.constant 0 : i32
    return %c0_i32, %c0_i32_0 : i32, i32
  }
  func.func @transform_7(%arg0: i32) -> (i32, i32) {
    %c0_i32 = arith.constant 0 : i32
    %c0_i32_0 = arith.constant 0 : i32
    return %arg0, %c0_i32 : i32, i32
  }
}

module attributes {stable_mosaic.version = 14 : i64} {
  func.func @_upd_body(%arg0: i32, %arg1: memref<1000x128xf32, #tpu.memory_space<vmem>>, %arg2: memref<1000x64xf32, #tpu.memory_space<vmem>>, %arg3: memref<1000x64xf32, #tpu.memory_space<vmem>>, %arg4: memref<64x128xf32, #tpu.memory_space<vmem>>, %arg5: memref<64x128xf32, #tpu.memory_space<vmem>>, %arg6: memref<1x128xf32, #tpu.memory_space<vmem>>, %arg7: memref<1x128xf32, #tpu.memory_space<vmem>>, %arg8: memref<128x128xf32, #tpu.memory_space<vmem>>, %arg9: memref<1x128xf32, #tpu.memory_space<vmem>>, %arg10: memref<1000x128xf32, #tpu.memory_space<vmem>>, %arg11: memref<1000x128xf32, #tpu.memory_space<vmem>>) attributes {dimension_semantics = [#tpu.dimension_semantics<arbitrary>], iteration_bounds = array<i64: 10>, scalar_prefetch = 0 : i64, scratch_operands = 0 : i64, tpu.core_type = #tpu.core_type<tc>, window_params = [{transform_indices = @transform_0, window_bounds = array<i64: 1000, 128>}, {transform_indices = @transform_1, window_bounds = array<i64: 1000, 64>}, {transform_indices = @transform_2, window_bounds = array<i64: 1000, 64>}, {pipeline_mode = #tpu.pipeline_mode<synchronous>, transform_indices = @transform_3, window_bounds = array<i64: 64, 128>}, {pipeline_mode = #tpu.pipeline_mode<synchronous>, transform_indices = @transform_4, window_bounds = array<i64: 64, 128>}, {pipeline_mode = #tpu.pipeline_mode<synchronous>, transform_indices = @transform_5, window_bounds = array<i64: 1, 128>}, {pipeline_mode = #tpu.pipeline_mode<synchronous>, transform_indices = @transform_6, window_bounds = array<i64: 1, 128>}, {pipeline_mode = #tpu.pipeline_mode<synchronous>, transform_indices = @transform_7, window_bounds = array<i64: 128, 128>}, {pipeline_mode = #tpu.pipeline_mode<synchronous>, transform_indices = @transform_8, window_bounds = array<i64: 1, 128>}, {transform_indices = @transform_9, window_bounds = array<i64: 1000, 128>}, {transform_indices = @transform_10, window_bounds = array<i64: 1000, 128>}]} {
    %get3A = arith.constant 0 : index
    %get3A_0 = arith.constant 0 : index
    %get3A_1 = vector.load %arg1[%get3A, %get3A_0] : memref<1000x128xf32, #tpu.memory_space<vmem>>, vector<1000x128xf32>
    %get3A_2 = arith.constant 0 : index
    %get3A_3 = arith.constant 0 : index
    %get3A_4 = vector.load %arg2[%get3A_2, %get3A_3] : memref<1000x64xf32, #tpu.memory_space<vmem>>, vector<1000x64xf32>
    %get3A_5 = arith.constant 0 : index
    %get3A_6 = arith.constant 0 : index
    %get3A_7 = vector.load %arg4[%get3A_5, %get3A_6] : memref<64x128xf32, #tpu.memory_space<vmem>>, vector<64x128xf32>
    %dot_general3A = arith.constant dense<0.000000e+00> : vector<1000x128xf32>
    %dot_general3A_8 = tpu.matmul %get3A_4, %get3A_7, %dot_general3A {dimension_numbers = #tpu.dot_dimension_numbers<[1], [0], [0], [1], [0, 0, 1, 1], [], []>, transpose_lhs_hint = false} : vector<1000x64xf32>, vector<64x128xf32>, vector<1000x128xf32> -> vector<1000x128xf32>
    %add3A = arith.addf %get3A_1, %dot_general3A_8 : vector<1000x128xf32>
    %get3A_9 = arith.constant 0 : index
    %get3A_10 = arith.constant 0 : index
    %get3A_11 = vector.load %arg3[%get3A_9, %get3A_10] : memref<1000x64xf32, #tpu.memory_space<vmem>>, vector<1000x64xf32>
    %get3A_12 = arith.constant 0 : index
    %get3A_13 = arith.constant 0 : index
    %get3A_14 = vector.load %arg5[%get3A_12, %get3A_13] : memref<64x128xf32, #tpu.memory_space<vmem>>, vector<64x128xf32>
    %dot_general3A_15 = arith.constant dense<0.000000e+00> : vector<1000x128xf32>
    %dot_general3A_16 = tpu.matmul %get3A_11, %get3A_14, %dot_general3A_15 {dimension_numbers = #tpu.dot_dimension_numbers<[1], [0], [0], [1], [0, 0, 1, 1], [], []>, transpose_lhs_hint = false} : vector<1000x64xf32>, vector<64x128xf32>, vector<1000x128xf32> -> vector<1000x128xf32>
    %add3A_17 = arith.addf %add3A, %dot_general3A_16 : vector<1000x128xf32>
    %get3A_18 = arith.constant 0 : index
    %get3A_19 = arith.constant 0 : index
    %get3A_20 = vector.load %arg6[%get3A_18, %get3A_19] : memref<1x128xf32, #tpu.memory_space<vmem>>, vector<1x128xf32>
    %add3A_21 = vector.broadcast %get3A_20 : vector<1x128xf32> to vector<1000x128xf32>
    %add3A_22 = arith.addf %add3A_17, %add3A_21 : vector<1000x128xf32>
    %swap3A = arith.constant 0 : index
    %swap3A_23 = arith.constant 0 : index
    %swap3A_24 = vector.load %arg10[%swap3A, %swap3A_23] : memref<1000x128xf32, #tpu.memory_space<vmem>>, vector<1000x128xf32>
    tpu.vector_store %arg10[%swap3A, %swap3A_23], %add3A_22 {strides = array<i32>} : memref<1000x128xf32, #tpu.memory_space<vmem>>, vector<1000x128xf32>,
    %get3A_25 = arith.constant 0 : index
    %get3A_26 = arith.constant 0 : index
    %get3A_27 = vector.load %arg7[%get3A_25, %get3A_26] : memref<1x128xf32, #tpu.memory_space<vmem>>, vector<1x128xf32>
    %add3A_28 = vector.broadcast %get3A_27 : vector<1x128xf32> to vector<1000x128xf32>
    %add3A_29 = arith.addf %add3A_22, %add3A_28 : vector<1000x128xf32>
    %get3A_30 = arith.constant 0 : index
    %get3A_31 = arith.constant 0 : index
    %get3A_32 = vector.load %arg8[%get3A_30, %get3A_31] : memref<128x128xf32, #tpu.memory_space<vmem>>, vector<128x128xf32>
    %dot_general3A_33 = arith.constant dense<0.000000e+00> : vector<1000x128xf32>
    %dot_general3A_34 = tpu.matmul %add3A_29, %get3A_32, %dot_general3A_33 {dimension_numbers = #tpu.dot_dimension_numbers<[1], [0], [0], [1], [0, 0, 1, 1], [], []>, transpose_lhs_hint = false} : vector<1000x128xf32>, vector<128x128xf32>, vector<1000x128xf32> -> vector<1000x128xf32>
    %get3A_35 = arith.constant 0 : index
    %get3A_36 = arith.constant 0 : index
    %get3A_37 = vector.load %arg9[%get3A_35, %get3A_36] : memref<1x128xf32, #tpu.memory_space<vmem>>, vector<1x128xf32>
    %add3A_38 = vector.broadcast %get3A_37 : vector<1x128xf32> to vector<1000x128xf32>
    %add3A_39 = arith.addf %dot_general3A_34, %add3A_38 : vector<1000x128xf32>
    %swap3A_40 = arith.constant 0 : index
    %swap3A_41 = arith.constant 0 : index
    %swap3A_42 = vector.load %arg11[%swap3A_40, %swap3A_41] : memref<1000x128xf32, #tpu.memory_space<vmem>>, vector<1000x128xf32>
    tpu.vector_store %arg11[%swap3A_40, %swap3A_41], %add3A_39 {strides = array<i32>} : memref<1000x128xf32, #tpu.memory_space<vmem>>, vector<1000x128xf32>,
    return
  }
  func.func @transform_0(%arg0: i32) -> (i32, i32) {
    %c0_i32 = arith.constant 0 : i32
    %c0_i32_0 = arith.constant 0 : i32
    return %arg0, %c0_i32 : i32, i32
  }
  func.func @transform_1(%arg0: i32) -> (i32, i32) {
    %c0_i32 = arith.constant 0 : i32
    %c0_i32_0 = arith.constant 0 : i32
    return %arg0, %c0_i32 : i32, i32
  }
  func.func @transform_2(%arg0: i32) -> (i32, i32) {
    %c0_i32 = arith.constant 0 : i32
    %c0_i32_0 = arith.constant 0 : i32
    return %arg0, %c0_i32 : i32, i32
  }
  func.func @transform_3(%arg0: i32) -> (i32, i32) {
    %c0_i32 = arith.constant 0 : i32
    %c0_i32_0 = arith.constant 0 : i32
    %c0_i32_1 = arith.constant 0 : i32
    return %c0_i32, %c0_i32_0 : i32, i32
  }
  func.func @transform_4(%arg0: i32) -> (i32, i32) {
    %c0_i32 = arith.constant 0 : i32
    %c0_i32_0 = arith.constant 0 : i32
    %c0_i32_1 = arith.constant 0 : i32
    return %c0_i32, %c0_i32_0 : i32, i32
  }
  func.func @transform_5(%arg0: i32) -> (i32, i32) {
    %c0_i32 = arith.constant 0 : i32
    %c0_i32_0 = arith.constant 0 : i32
    %c0_i32_1 = arith.constant 0 : i32
    return %c0_i32, %c0_i32_0 : i32, i32
  }
  func.func @transform_6(%arg0: i32) -> (i32, i32) {
    %c0_i32 = arith.constant 0 : i32
    %c0_i32_0 = arith.constant 0 : i32
    %c0_i32_1 = arith.constant 0 : i32
    return %c0_i32, %c0_i32_0 : i32, i32
  }
  func.func @transform_7(%arg0: i32) -> (i32, i32) {
    %c0_i32 = arith.constant 0 : i32
    %c0_i32_0 = arith.constant 0 : i32
    %c0_i32_1 = arith.constant 0 : i32
    return %c0_i32, %c0_i32_0 : i32, i32
  }
  func.func @transform_8(%arg0: i32) -> (i32, i32) {
    %c0_i32 = arith.constant 0 : i32
    %c0_i32_0 = arith.constant 0 : i32
    %c0_i32_1 = arith.constant 0 : i32
    return %c0_i32, %c0_i32_0 : i32, i32
  }
  func.func @transform_9(%arg0: i32) -> (i32, i32) {
    %c0_i32 = arith.constant 0 : i32
    %c0_i32_0 = arith.constant 0 : i32
    return %arg0, %c0_i32 : i32, i32
  }
  func.func @transform_10(%arg0: i32) -> (i32, i32) {
    %c0_i32 = arith.constant 0 : i32
    %c0_i32_0 = arith.constant 0 : i32
    return %arg0, %c0_i32 : i32, i32
  }
}

module attributes {stable_mosaic.version = 14 : i64} {
  func.func @_upd_body(%arg0: i32, %arg1: memref<1000x128xf32, #tpu.memory_space<vmem>>, %arg2: memref<1000x64xf32, #tpu.memory_space<vmem>>, %arg3: memref<1000x64xf32, #tpu.memory_space<vmem>>, %arg4: memref<64x128xf32, #tpu.memory_space<vmem>>, %arg5: memref<64x128xf32, #tpu.memory_space<vmem>>, %arg6: memref<1x128xf32, #tpu.memory_space<vmem>>, %arg7: memref<1x128xf32, #tpu.memory_space<vmem>>, %arg8: memref<128x128xf32, #tpu.memory_space<vmem>>, %arg9: memref<1x128xf32, #tpu.memory_space<vmem>>, %arg10: memref<1000x128xf32, #tpu.memory_space<vmem>>, %arg11: memref<1000x128xf32, #tpu.memory_space<vmem>>) attributes {dimension_semantics = [#tpu.dimension_semantics<arbitrary>], iteration_bounds = array<i64: 10>, scalar_prefetch = 0 : i64, scratch_operands = 0 : i64, tpu.core_type = #tpu.core_type<tc>, window_params = [{transform_indices = @transform_0, window_bounds = array<i64: 1000, 128>}, {transform_indices = @transform_1, window_bounds = array<i64: 1000, 64>}, {transform_indices = @transform_2, window_bounds = array<i64: 1000, 64>}, {pipeline_mode = #tpu.pipeline_mode<synchronous>, transform_indices = @transform_3, window_bounds = array<i64: 64, 128>}, {pipeline_mode = #tpu.pipeline_mode<synchronous>, transform_indices = @transform_4, window_bounds = array<i64: 64, 128>}, {pipeline_mode = #tpu.pipeline_mode<synchronous>, transform_indices = @transform_5, window_bounds = array<i64: 1, 128>}, {pipeline_mode = #tpu.pipeline_mode<synchronous>, transform_indices = @transform_6, window_bounds = array<i64: 1, 128>}, {pipeline_mode = #tpu.pipeline_mode<synchronous>, transform_indices = @transform_7, window_bounds = array<i64: 128, 128>}, {pipeline_mode = #tpu.pipeline_mode<synchronous>, transform_indices = @transform_8, window_bounds = array<i64: 1, 128>}, {transform_indices = @transform_9, window_bounds = array<i64: 1000, 128>}, {transform_indices = @transform_10, window_bounds = array<i64: 1000, 128>}]} {
    %get3A = arith.constant 0 : index
    %get3A_0 = arith.constant 0 : index
    %get3A_1 = vector.load %arg1[%get3A, %get3A_0] : memref<1000x128xf32, #tpu.memory_space<vmem>>, vector<1000x128xf32>
    %get3A_2 = arith.constant 0 : index
    %get3A_3 = arith.constant 0 : index
    %get3A_4 = vector.load %arg2[%get3A_2, %get3A_3] : memref<1000x64xf32, #tpu.memory_space<vmem>>, vector<1000x64xf32>
    %get3A_5 = arith.constant 0 : index
    %get3A_6 = arith.constant 0 : index
    %get3A_7 = vector.load %arg4[%get3A_5, %get3A_6] : memref<64x128xf32, #tpu.memory_space<vmem>>, vector<64x128xf32>
    %dot_general3A = arith.constant dense<0.000000e+00> : vector<1000x128xf32>
    %dot_general3A_8 = tpu.matmul %get3A_4, %get3A_7, %dot_general3A {dimension_numbers = #tpu.dot_dimension_numbers<[1], [0], [0], [1], [0, 0, 1, 1], [], []>, transpose_lhs_hint = false} : vector<1000x64xf32>, vector<64x128xf32>, vector<1000x128xf32> -> vector<1000x128xf32>
    %add3A = arith.addf %get3A_1, %dot_general3A_8 : vector<1000x128xf32>
    %get3A_9 = arith.constant 0 : index
    %get3A_10 = arith.constant 0 : index
    %get3A_11 = vector.load %arg3[%get3A_9, %get3A_10] : memref<1000x64xf32, #tpu.memory_space<vmem>>, vector<1000x64xf32>
    %get3A_12 = arith.constant 0 : index
    %get3A_13 = arith.constant 0 : index
    %get3A_14 = vector.load %arg5[%get3A_12, %get3A_13] : memref<64x128xf32, #tpu.memory_space<vmem>>, vector<64x128xf32>
    %dot_general3A_15 = arith.constant dense<0.000000e+00> : vector<1000x128xf32>
    %dot_general3A_16 = tpu.matmul %get3A_11, %get3A_14, %dot_general3A_15 {dimension_numbers = #tpu.dot_dimension_numbers<[1], [0], [0], [1], [0, 0, 1, 1], [], []>, transpose_lhs_hint = false} : vector<1000x64xf32>, vector<64x128xf32>, vector<1000x128xf32> -> vector<1000x128xf32>
    %add3A_17 = arith.addf %add3A, %dot_general3A_16 : vector<1000x128xf32>
    %get3A_18 = arith.constant 0 : index
    %get3A_19 = arith.constant 0 : index
    %get3A_20 = vector.load %arg6[%get3A_18, %get3A_19] : memref<1x128xf32, #tpu.memory_space<vmem>>, vector<1x128xf32>
    %add3A_21 = vector.broadcast %get3A_20 : vector<1x128xf32> to vector<1000x128xf32>
    %add3A_22 = arith.addf %add3A_17, %add3A_21 : vector<1000x128xf32>
    %swap3A = arith.constant 0 : index
    %swap3A_23 = arith.constant 0 : index
    %swap3A_24 = vector.load %arg10[%swap3A, %swap3A_23] : memref<1000x128xf32, #tpu.memory_space<vmem>>, vector<1000x128xf32>
    tpu.vector_store %arg10[%swap3A, %swap3A_23], %add3A_22 {strides = array<i32>} : memref<1000x128xf32, #tpu.memory_space<vmem>>, vector<1000x128xf32>,
    %get3A_25 = arith.constant 0 : index
    %get3A_26 = arith.constant 0 : index
    %get3A_27 = vector.load %arg7[%get3A_25, %get3A_26] : memref<1x128xf32, #tpu.memory_space<vmem>>, vector<1x128xf32>
    %add3A_28 = vector.broadcast %get3A_27 : vector<1x128xf32> to vector<1000x128xf32>
    %add3A_29 = arith.addf %add3A_22, %add3A_28 : vector<1000x128xf32>
    %get3A_30 = arith.constant 0 : index
    %get3A_31 = arith.constant 0 : index
    %get3A_32 = vector.load %arg8[%get3A_30, %get3A_31] : memref<128x128xf32, #tpu.memory_space<vmem>>, vector<128x128xf32>
    %dot_general3A_33 = arith.constant dense<0.000000e+00> : vector<1000x128xf32>
    %dot_general3A_34 = tpu.matmul %add3A_29, %get3A_32, %dot_general3A_33 {dimension_numbers = #tpu.dot_dimension_numbers<[1], [0], [0], [1], [0, 0, 1, 1], [], []>, transpose_lhs_hint = false} : vector<1000x128xf32>, vector<128x128xf32>, vector<1000x128xf32> -> vector<1000x128xf32>
    %get3A_35 = arith.constant 0 : index
    %get3A_36 = arith.constant 0 : index
    %get3A_37 = vector.load %arg9[%get3A_35, %get3A_36] : memref<1x128xf32, #tpu.memory_space<vmem>>, vector<1x128xf32>
    %add3A_38 = vector.broadcast %get3A_37 : vector<1x128xf32> to vector<1000x128xf32>
    %add3A_39 = arith.addf %dot_general3A_34, %add3A_38 : vector<1000x128xf32>
    %swap3A_40 = arith.constant 0 : index
    %swap3A_41 = arith.constant 0 : index
    %swap3A_42 = vector.load %arg11[%swap3A_40, %swap3A_41] : memref<1000x128xf32, #tpu.memory_space<vmem>>, vector<1000x128xf32>
    tpu.vector_store %arg11[%swap3A_40, %swap3A_41], %add3A_39 {strides = array<i32>} : memref<1000x128xf32, #tpu.memory_space<vmem>>, vector<1000x128xf32>,
    return
  }
  func.func @transform_0(%arg0: i32) -> (i32, i32) {
    %c0_i32 = arith.constant 0 : i32
    %c0_i32_0 = arith.constant 0 : i32
    return %arg0, %c0_i32 : i32, i32
  }
  func.func @transform_1(%arg0: i32) -> (i32, i32) {
    %c0_i32 = arith.constant 0 : i32
    %c0_i32_0 = arith.constant 0 : i32
    return %arg0, %c0_i32 : i32, i32
  }
  func.func @transform_2(%arg0: i32) -> (i32, i32) {
    %c0_i32 = arith.constant 0 : i32
    %c0_i32_0 = arith.constant 0 : i32
    return %arg0, %c0_i32 : i32, i32
  }
  func.func @transform_3(%arg0: i32) -> (i32, i32) {
    %c0_i32 = arith.constant 0 : i32
    %c0_i32_0 = arith.constant 0 : i32
    %c0_i32_1 = arith.constant 0 : i32
    return %c0_i32, %c0_i32_0 : i32, i32
  }
  func.func @transform_4(%arg0: i32) -> (i32, i32) {
    %c0_i32 = arith.constant 0 : i32
    %c0_i32_0 = arith.constant 0 : i32
    %c0_i32_1 = arith.constant 0 : i32
    return %c0_i32, %c0_i32_0 : i32, i32
  }
  func.func @transform_5(%arg0: i32) -> (i32, i32) {
    %c0_i32 = arith.constant 0 : i32
    %c0_i32_0 = arith.constant 0 : i32
    %c0_i32_1 = arith.constant 0 : i32
    return %c0_i32, %c0_i32_0 : i32, i32
  }
  func.func @transform_6(%arg0: i32) -> (i32, i32) {
    %c0_i32 = arith.constant 0 : i32
    %c0_i32_0 = arith.constant 0 : i32
    %c0_i32_1 = arith.constant 0 : i32
    return %c0_i32, %c0_i32_0 : i32, i32
  }
  func.func @transform_7(%arg0: i32) -> (i32, i32) {
    %c0_i32 = arith.constant 0 : i32
    %c0_i32_0 = arith.constant 0 : i32
    %c0_i32_1 = arith.constant 0 : i32
    return %c0_i32, %c0_i32_0 : i32, i32
  }
  func.func @transform_8(%arg0: i32) -> (i32, i32) {
    %c0_i32 = arith.constant 0 : i32
    %c0_i32_0 = arith.constant 0 : i32
    %c0_i32_1 = arith.constant 0 : i32
    return %c0_i32, %c0_i32_0 : i32, i32
  }
  func.func @transform_9(%arg0: i32) -> (i32, i32) {
    %c0_i32 = arith.constant 0 : i32
    %c0_i32_0 = arith.constant 0 : i32
    return %arg0, %c0_i32 : i32, i32
  }
  func.func @transform_10(%arg0: i32) -> (i32, i32) {
    %c0_i32 = arith.constant 0 : i32
    %c0_i32_0 = arith.constant 0 : i32
    return %arg0, %c0_i32 : i32, i32
  }
}

module attributes {stable_mosaic.version = 14 : i64} {
  func.func @_readout_body(%arg0: i32, %arg1: memref<1000x128xf32, #tpu.memory_space<vmem>>, %arg2: memref<128x64xf32, #tpu.memory_space<vmem>>, %arg3: memref<1x64xf32, #tpu.memory_space<vmem>>, %arg4: memref<1x64xf32, #tpu.memory_space<vmem>>, %arg5: memref<1x1xf32, #tpu.memory_space<vmem>>) attributes {dimension_semantics = [#tpu.dimension_semantics<arbitrary>], iteration_bounds = array<i64: 10>, scalar_prefetch = 0 : i64, scratch_operands = 0 : i64, tpu.core_type = #tpu.core_type<tc>, window_params = [{transform_indices = @transform_0, window_bounds = array<i64: 1000, 128>}, {pipeline_mode = #tpu.pipeline_mode<synchronous>, transform_indices = @transform_1, window_bounds = array<i64: 128, 64>}, {pipeline_mode = #tpu.pipeline_mode<synchronous>, transform_indices = @transform_2, window_bounds = array<i64: 1, 64>}, {pipeline_mode = #tpu.pipeline_mode<synchronous>, transform_indices = @transform_3, window_bounds = array<i64: 1, 64>}, {pipeline_mode = #tpu.pipeline_mode<synchronous>, transform_indices = @transform_4, window_bounds = array<i64: 1, 1>}]} {
    %get3A = arith.constant 0 : index
    %get3A_0 = arith.constant 0 : index
    %get3A_1 = vector.load %arg1[%get3A, %get3A_0] : memref<1000x128xf32, #tpu.memory_space<vmem>>, vector<1000x128xf32>
    %get3A_2 = arith.constant 0 : index
    %get3A_3 = arith.constant 0 : index
    %get3A_4 = vector.load %arg2[%get3A_2, %get3A_3] : memref<128x64xf32, #tpu.memory_space<vmem>>, vector<128x64xf32>
    %dot_general3A = arith.constant dense<0.000000e+00> : vector<1000x64xf32>
    %dot_general3A_5 = tpu.matmul %get3A_1, %get3A_4, %dot_general3A {dimension_numbers = #tpu.dot_dimension_numbers<[1], [0], [0], [1], [0, 0, 1, 1], [], []>, transpose_lhs_hint = false} : vector<1000x128xf32>, vector<128x64xf32>, vector<1000x64xf32> -> vector<1000x64xf32>
    %get3A_6 = arith.constant 0 : index
    %get3A_7 = arith.constant 0 : index
    %get3A_8 = vector.load %arg3[%get3A_6, %get3A_7] : memref<1x64xf32, #tpu.memory_space<vmem>>, vector<1x64xf32>
    %add3A = vector.broadcast %get3A_8 : vector<1x64xf32> to vector<1000x64xf32>
    %add3A_9 = arith.addf %dot_general3A_5, %add3A : vector<1000x64xf32>
    %mul3A = arith.constant 1.44269502 : f32
    %mul3A_10 = vector.broadcast %mul3A : f32 to vector<1000x64xf32>
    %mul3A_11 = arith.mulf %add3A_9, %mul3A_10 : vector<1000x64xf32>
    %min3A = arith.constant 1.200000e+02 : f32
    %min3A_12 = vector.broadcast %min3A : f32 to vector<1000x64xf32>
    %min3A_13 = arith.minimumf %mul3A_11, %min3A_12 : vector<1000x64xf32>
    %exp23A = math.exp2 %min3A_13 : vector<1000x64xf32>
    %add3A_14 = arith.constant 1.000000e+00 : f32
    %add3A_15 = vector.broadcast %add3A_14 : f32 to vector<1000x64xf32>
    %add3A_16 = arith.addf %add3A_15, %exp23A : vector<1000x64xf32>
    %div3A = arith.divf %exp23A, %add3A_16 : vector<1000x64xf32>
    %mul3A_17 = arith.mulf %add3A_9, %div3A : vector<1000x64xf32>
    %get3A_18 = arith.constant 0 : index
    %get3A_19 = arith.constant 0 : index
    %get3A_20 = vector.load %arg4[%get3A_18, %get3A_19] : memref<1x64xf32, #tpu.memory_space<vmem>>, vector<1x64xf32>
    %mul3A_21 = vector.broadcast %get3A_20 : vector<1x64xf32> to vector<1000x64xf32>
    %mul3A_22 = arith.mulf %mul3A_17, %mul3A_21 : vector<1000x64xf32>
    %reduce_sum3A = vector.shape_cast %mul3A_22 : vector<1000x64xf32> to vector<1x1000x64xf32>
    %reduce_sum3A_23 = arith.constant dense<0.000000e+00> : vector<1xf32>
    %reduce_sum3A_24 = vector.multi_reduction <add>, %reduce_sum3A, %reduce_sum3A_23 [1, 2] : vector<1x1000x64xf32> to vector<1xf32>
    %reduce_sum3A_25 = vector.shape_cast %reduce_sum3A_24 : vector<1xf32> to vector<1x1x1xf32>
    %reduce_sum3A_26 = vector.extract %reduce_sum3A_25[0, 0, 0] : f32 from vector<1x1x1xf32>
    %broadcast_in_dim3A = vector.broadcast %reduce_sum3A_26 : f32 to vector<1x1xf32>
    %eq3A = arith.constant 0 : i32
    %eq3A_27 = arith.cmpi eq, %arg0, %eq3A : i32
    %convert_element_type3A = arith.extui %eq3A_27 : i1 to i32
    %cond3A = arith.constant 0 : i32
    %cond3A_28 = arith.cmpi ne, %convert_element_type3A, %cond3A : i32
    scf.if %cond3A_28 {
      %swap3A = arith.constant 0 : index
      %swap3A_33 = arith.constant 0 : index
      %swap3A_34 = vector.load %arg5[%swap3A, %swap3A_33] : memref<1x1xf32, #tpu.memory_space<vmem>>, vector<1x1xf32>
      tpu.vector_store %arg5[%swap3A, %swap3A_33], %broadcast_in_dim3A {strides = array<i32>} : memref<1x1xf32, #tpu.memory_space<vmem>>, vector<1x1xf32>,
    } else {
    }
    %gt3A = arith.constant 0 : i32
    %gt3A_29 = arith.cmpi sgt, %arg0, %gt3A : i32
    %convert_element_type3A_30 = arith.extui %gt3A_29 : i1 to i32
    %cond3A_31 = arith.constant 0 : i32
    %cond3A_32 = arith.cmpi ne, %convert_element_type3A_30, %cond3A_31 : i32
    scf.if %cond3A_32 {
      %get3A_33 = arith.constant 0 : index
      %get3A_34 = arith.constant 0 : index
      %get3A_35 = vector.load %arg5[%get3A_33, %get3A_34] : memref<1x1xf32, #tpu.memory_space<vmem>>, vector<1x1xf32>
      %add3A_36 = arith.addf %get3A_35, %broadcast_in_dim3A : vector<1x1xf32>
      %swap3A = arith.constant 0 : index
      %swap3A_37 = arith.constant 0 : index
      %swap3A_38 = vector.load %arg5[%swap3A, %swap3A_37] : memref<1x1xf32, #tpu.memory_space<vmem>>, vector<1x1xf32>
      tpu.vector_store %arg5[%swap3A, %swap3A_37], %add3A_36 {strides = array<i32>} : memref<1x1xf32, #tpu.memory_space<vmem>>, vector<1x1xf32>,
    } else {
    }
    return
  }
  func.func @transform_0(%arg0: i32) -> (i32, i32) {
    %c0_i32 = arith.constant 0 : i32
    %c0_i32_0 = arith.constant 0 : i32
    return %arg0, %c0_i32 : i32, i32
  }
  func.func @transform_1(%arg0: i32) -> (i32, i32) {
    %c0_i32 = arith.constant 0 : i32
    %c0_i32_0 = arith.constant 0 : i32
    %c0_i32_1 = arith.constant 0 : i32
    return %c0_i32, %c0_i32_0 : i32, i32
  }
  func.func @transform_2(%arg0: i32) -> (i32, i32) {
    %c0_i32 = arith.constant 0 : i32
    %c0_i32_0 = arith.constant 0 : i32
    %c0_i32_1 = arith.constant 0 : i32
    return %c0_i32, %c0_i32_0 : i32, i32
  }
  func.func @transform_3(%arg0: i32) -> (i32, i32) {
    %c0_i32 = arith.constant 0 : i32
    %c0_i32_0 = arith.constant 0 : i32
    %c0_i32_1 = arith.constant 0 : i32
    return %c0_i32, %c0_i32_0 : i32, i32
  }
  func.func @transform_4(%arg0: i32) -> (i32, i32) {
    %c0_i32 = arith.constant 0 : i32
    %c0_i32_0 = arith.constant 0 : i32
    %c0_i32_1 = arith.constant 0 : i32
    return %c0_i32, %c0_i32_0 : i32, i32
  }
}

</mosaic_0001>

<sc_bundles>
// kernel: kernel.14.cloned.1.call-start
scs
__scs_entry_jumppad:
0x0: {  	(pc) =	sbr.rel $0x88, $3  }
0x1: {  	(tag) =	ssettag $0x0;
	lr =	simm.s32 $0x1  }
0x2: {  	[smem:$0x3F8E] =	sst lr;
	_ =	strace $0xD0000000  }
0x3: {  	_ = 	snop  }
0x4: {  	_ = 	snop  }
0x5: {  	_ = 	snop  }
0x6: {  	_ = 	snop  }
0x7: {  	_ = 	snop  }
__scs_overlays_trampoline_lowered:
0x8: {  	[smem:$0x3F9D] =	sst s0  }
0x9: {  	[smem:$0x3F9E] =	sst s1  }
0xa: {  	[smem:$0x3F9F] =	sst s2  }
0xb: {  	[smem:$0x3FA0] =	sst s3  }
0xc: {  	[smem:$0x3FA1] =	sst s4  }
0xd: {  	[smem:$0x3FA2] =	sst s5  }
0xe: {  	[smem:$0x3FA3] =	sst s6  }
0xf: {  	[smem:$0x3FA4] =	sst s7  }
0x10: {  	[smem:$0x3FA5] =	sst s8  }
0x11: {  	[smem:$0x3FA6] =	sst s9;
	s0 =	simm.s32 @!p0 $0x0  }
0x12: {  	s1 =	sld [smem:$0x3F8C];
	s0 =	simm.s32 @p0 $0x1  }
0x13: {  	[smem:$0x3FA7] =	sst s0;
	s0 =	simm.s32 @!p1 $0x0  }
0x14: {  	s2 =	sld [smem:$0x3F8B];
	s0 =	simm.s32 @p1 $0x1  }
0x15: {  	[smem:$0x3FA8] =	sst s0;
	s0 =	simm.s32 @!p2 $0x0  }
0x16: {  	s3 =	sld [smem:$0x3FDB];
	s0 =	simm.s32 @p2 $0x1  }
0x17: {  	s4 =	simm.s32 $0x1BF5;
	[smem:$0x3FAA] =	sst s0  }
0x18: {  	s0 =	sld [smem:$0x3F8D];
	_ =	swait.ge [sflag:s4], $0x0  }
0x19: {  	s7 =	sld [smem:$0x3F8E]  }
0x1a: {  	s8 =	sadd.s32 $0xFFFFE003, lr  }
0x1b: {  	s9 =	sadd.s32 $0xFFFFFEF7, lr;
	s5 =	simm.s32 $0xFFFFFFFF;
	p2 =	slt.u32 s8, $0xFFFFF086  }
0x1c: {  	p1 =	slt.u32 s9, $0xF7A;
	s5 =	simm.s32 @!p2 $0x0  }
0x1d: {  	s5 =	simm.s32 @p1 $0x1;
	p0 =	seq.s32 s7, s2  }
0x1e: {  	s7 =	smul.u32 @!p0 $0xF7A, s2;
	p2 =	seq.s32 @!p0 s5, $0x0  }
0x1f: {  	s9 =	smul.u32 $0xF7A, s1;
	s8 =	simm.s32 @!p0 $0x1BF5;
	p2 =	por !p2, p0  }
0x20: {  	[sflag:s8] =	ssyncset.s32 @!p0 $0xFFFFF086;
	s6 =	sadd.s32 @!p0 s3, s7;
	s7 =	simm.s32 @!p0 $0x108  }
0x21: {  	s3 =	sadd.s32 s3, s9;
	s6 =	sadd.s32 @!p0 $0x88, s6;
	s7 =	simm.s32 @p2 $0x1082  }
0x22: {  	[simem:s7], [sflag:s8] =	dma.local @!p0 [hbm:s6], $0xF7A  }
0x23: {  	s9 =	sor.u32 $0xD0000000, s2;
	s6 =	simm.s32 $0x108;
	_ =	swait.ge @!p0 [sflag:s8], $0x0  }
0x24: {  	s3 =	sadd.s32 $0x88, s3;
	s6 =	simm.s32 @!p1 $0x1082;
	[sflag:s4] =	ssyncset.s32 $0xFFFFF086  }
0x25: {  	[simem:s6], [sflag:s4] =	dma.local [hbm:s3], $0xF7A  }
0x26: {  	[smem:$0x3F8E] =	sst s1;
	(tag) =	ssettag s2;
	_ =	strace s9  }
0x27: {  	s1 =	sld [smem:$0x3F9E]  }
0x28: {  	s2 =	sld [smem:$0x3F9F]  }
0x29: {  	s4 =	sld [smem:$0x3FA1]  }
0x2a: {  	p0 =	seq.s32 s5, $0x0;
	s5 =	sld [smem:$0x3FA2]  }
0x2b: {  	s6 =	sld [smem:$0x3FA3]  }
0x2c: {  	s7 =	sld [smem:$0x3FA4]  }
0x2d: {  	s3 =	simm.s32 $0x108;
	s8 =	sld [smem:$0x3FA5]  }
0x2e: {  	s3 =	simm.s32 @!p0 $0x1082;
	s9 =	sld [smem:$0x3FA6]  }
0x2f: {  	lr =	sadd.s32 s0, s3;
	s0 =	sld [smem:$0x3F9D]  }
0x30: {  	s3 =	sld [smem:$0x3FA0]  }
0x31: {  	[smem:$0x3FA9] =	sst s10  }
0x32: {  	s10 =	sld [smem:$0x3FA7];
	_ =	sdelay $0x3  }
0x33: {  	p0 =	seq.s32 s10, $0x1;
	s10 =	sld [smem:$0x3FA9];
	_ =	sdelay $0x3  }
0x34: {  	[smem:$0x3FA9] =	sst s10  }
0x35: {  	s10 =	sld [smem:$0x3FA8];
	_ =	sdelay $0x3  }
0x36: {  	p1 =	seq.s32 s10, $0x1;
	s10 =	sld [smem:$0x3FA9];
	_ =	sdelay $0x3  }
0x37: {  	[smem:$0x3FA9] =	sst s10  }
0x38: {  	s10 =	sld [smem:$0x3FAA]  }
0x39: {  	_ = 	snop;
	(pc) =	sbr.ind lr, $3  }
0x3a: {  	_ = 	snop  }
0x3b: {  	_ = 	snop  }
0x3c: {  	p2 =	seq.s32 s10, $0x1;
	s10 =	sld [smem:$0x3FA9]  }
0x3d: {  	_ =	shalt  }
0x3e: {  	_ =	shalt  }
0x3f: {  	_ =	shalt  }
0x40: {  	_ =	shalt  }
0x41: {  	_ =	shalt  }
0x42: {  	_ =	shalt  }
0x43: {  	_ =	shalt  }
0x44: {  	_ =	shalt  }
0x45: {  	_ =	shalt  }
0x46: {  	_ =	shalt  }
0x47: {  	_ =	shalt  }
0x48: {  	_ =	shalt  }
0x49: {  	_ =	shalt  }
0x4a: {  	_ =	shalt  }
0x4b: {  	_ =	shalt  }
0x4c: {  	_ =	shalt  }
0x4d: {  	_ =	shalt  }
0x4e: {  	_ =	shalt  }
0x4f: {  	_ =	shalt  }
0x50: {  	_ =	shalt  }
0x51: {  	_ =	shalt  }
0x52: {  	_ =	shalt  }
0x53: {  	_ =	shalt  }
0x54: {  	_ =	shalt  }
0x55: {  	_ =	shalt  }
0x56: {  	_ =	shalt  }
0x57: {  	_ =	shalt  }
0x58: {  	_ =	shalt  }
0x59: {  	_ =	shalt  }
0x5a: {  	_ =	shalt  }
0x5b: {  	_ =	shalt  }
0x5c: {  	_ =	shalt  }
0x5d: {  	_ =	shalt  }
0x5e: {  	_ =	shalt  }
0x5f: {  	_ =	shalt  }
0x60: {  	_ =	shalt  }
0x61: {  	_ =	shalt  }
0x62: {  	_ =	shalt  }
0x63: {  	_ =	shalt  }
0x64: {  	_ =	shalt  }
0x65: {  	_ =	shalt  }
0x66: {  	_ =	shalt  }
0x67: {  	_ =	shalt  }
0x68: {  	_ =	shalt  }
0x69: {  	_ =	shalt  }
0x6a: {  	_ =	shalt  }
0x6b: {  	_ =	shalt  }
0x6c: {  	_ =	shalt  }
0x6d: {  	_ =	shalt  }
0x6e: {  	_ =	shalt  }
0x6f: {  	_ =	shalt  }
0x70: {  	_ =	shalt  }
0x71: {  	_ =	shalt  }
0x72: {  	_ =	shalt  }
0x73: {  	_ =	shalt  }
0x74: {  	_ =	shalt  }
0x75: {  	_ =	shalt  }
0x76: {  	_ =	shalt  }
0x77: {  	_ =	shalt  }
0x78: {  	_ =	shalt  }
0x79: {  	_ =	shalt  }
0x7a: {  	_ =	shalt  }
0x7b: {  	_ =	shalt  }
0x7c: {  	_ =	shalt  }
0x7d: {  	_ =	shalt  }
0x7e: {  	_ =	shalt  }
0x7f: {  	_ =	shalt  }
0x80: {  	_ =	shalt  }
0x81: {  	_ =	shalt  }
0x82: {  	_ =	shalt  }
0x83: {  	_ =	shalt  }
0x84: {  	_ =	shalt  }
0x85: {  	_ =	shalt  }
0x86: {  	_ =	shalt  }
0x87: {  	_ =	shalt  }
.Lfunc_end0:
.L_simem_size_0:
called_computation_lowered:
.L_overlay_start_0:
0x88: {  	s2 =	sld [smem:$0x3FD9]  }
0x89: {  	s3 =	sld [smem:$0x3FFE];
	_ =	sdelay $0x1  }
0x8a: {  	s1 =	srdreg.scid  }
0x8b: {  	s0 =	sand.u32 $0x1, s1  }
0x8c: {  	s17 =	sshll.u32 s0, $0xA;
	s2 =	sadd.s32 s3, s2  }
0x8d: {  	s2 =	sadd.s32 s2, s17  }
0x8e: {  	[smem:$0x3FB5] =	sst s2  }
0x8f: {  	_ = 	snop  }
0x90: {  	s2 =	sld [smem:$0x3FC6];
	(tm) =	ssettm $0x1  }
0x91: {  	s18 =	sld [smem:$0x3FFB];
	_ =	sdelay $0x3  }
0x92: {  	_ =	strace s18  }
0x93: {  	s3 =	sld [smem:$0x3FFC];
	_ =	sdelay $0x3  }
0x94: {  	_ =	strace s3  }
0x95: {  	s3 =	sld [smem:$0x3FFD];
	_ =	sdelay $0x3  }
0x96: {  	_ =	strace s3  }
0x97: {  	_ =	strace $0x8FFFFFFF  }
0x98: {  	s19 =	sld [smem:$0x3FDB];
	_ =	sdelay $0x1  }
0x99: {  	s4 =	simm.s32 $_scs_section_size  }
0x9a: {  	s5 =	simm.s32 $_size__tile_overlayer_lowered;
	s6 =	simm.s32 $_tile_overlayer_lowered  }
0x9b: {  	s22 =	simm.s32 $0x1BFF;
	s21 =	sshll.u32 s6, $0x1;
	s3 =	sadd.s32 s4, s19  }
0x9c: {  	s7 =	simm.s32 $0x0;
	s20 =	sshll.u32 s5, $0x1;
	s5 =	sadd.s32 s21, s3  }
0x9d: {  	[timem:s7], [sflag:s22] =	dma.local [hbm:s5], s20  }
0x9e: {  	_ =	swait.ge [sflag:s22], s20  }
0x9f: {  	s4 =	ssub.s32 $0x0, s20;
	[sflag:s22] =	ssyncset.done $0x0  }
0xa0: {  	[sflag:s22] =	ssyncadd.s32 s4;
	_ =	sdelay $0x1  }
0xa1: {  	s23 =	simm.s32 $0x1B8B  }
0xa2: {  	_ =	swait.ge [sflag:s23], $0x1  }
0xa3: {  	[sflag:s23] =	ssyncset.done $0x0  }
0xa4: {  	s25 =	simm.s32 $0x1B8E;
	s24 =	sld [smem:$0x3FFE];
	[sflag:s23] =	ssyncadd.s32 $0xFFFFFFFF  }
0xa5: {  	s26 =	simm.s32 $execute0_lowered;
	[smem:$0x3FD2] =	sst s25  }
0xa6: {  	s5 =	sshll.u32 s26, $0x1;
	_ =	strace $0x80000046;
	[dreg:$0x1] =	wrdreg $0xFFFFFFFF  }
0xa7: {  	s28 =	simm.s32 $_size_execute0_lowered;
	s3 =	sadd.s32 s3, s5;
	[dreg:$0x0] =	wrdreg $0x0  }
0xa8: {  	s5 =	sshll.u32 s28, $0x1;
	[dreg:$0x2] =	wrdreg s3  }
0xa9: {  	[dreg:$0x3] =	wrdreg s5  }
0xaa: {  	[dreg:$0x4] =	wrdreg $0xC0  }
0xab: {  	_ =	task [dreg:s7], $0x5FFFF  }
0xac: {  	[dreg:$0x1] =	wrdreg $0xFFFFFFFF  }
0xad: {  	[dreg:$0x0] =	wrdreg $0x60  }
0xae: {  	[dreg:$0x2] =	wrdreg s24  }
0xaf: {  	[dreg:$0x3] =	wrdreg s2  }
0xb0: {  	[dreg:$0x4] =	wrdreg $0x9  }
0xb1: {  	_ =	task.clear_ibuf [dreg:s7], $0x5FFFF;
	_ =	strace $0x90000046  }
0xb2: {  	s29 =	simm.s32 $0x9;
	_ =	strace $0x80000048  }
0xb3: {  	_ =	swait.ge [sflag:s29], $0x1  }
0xb4: {  	[sflag:s29] =	ssyncadd.s32 $0xFFFFFFFF  }
0xb5: {  	_ =	strace $0x90000048  }
0xb6: {  	_ =	sfence  }
0xb7: {  	s30 =	sld [smem:$0x0];
	_ =	sdelay $0x2  }
0xb8: {  	s31 =	sshll.u32 s1, $0xD;
	s1 =	sshrl.u32 s1, $0x2  }
0xb9: {  	s3 =	sand.u32 $0x4000, s31;
	s1 =	sadd.s32 s1, s30  }
0xba: {  	s0 =	sor.u32 s3, s0;
	s1 =	sshll.u32 s1, $0x11  }
0xbb: {  	s0 =	sor.u32 s1, s0  }
0xbc: {  	s0 =	sadd.s32 $0x8F2B, s0  }
0xbd: {  	[sflag:s0] =	ssyncadd.remote.s32 $0x1  }
0xbe: {  	_ =	sfence.sel $0xFFFF  }
0xbf: {  	[dreg:$0x0] =	wrdreg $0xFFFFFFFF;
	(pc) =	sbr.abs _section_cstart, $3  }
0xc0: {  	[dreg:$0x1] =	wrdreg $0xFFFFFFFF  }
0xc1: {  	_ =	task.clear_ibuf [dreg:s7], $0x2FFFF;
	_ =	strace $0x9FFFFFFF  }
0xc2: {  	(tm) =	ssettm $0x7FFFFFFF  }
0xc3: {  	_ =	shalt  }
tec
execute0_lowered:
.L_overlay_start_1:
0x0: {  	(tag) =	ssettag $0x1  }
0x1: {  	s1 =	rddreg [dreg:$0x0];
	s3 =	srdreg.scid  }
0x2: {  	s0 =	stileid.u32;
	s2 =	rddreg [dreg:$0x1];
	s16 =	simm.s32 $0x2  }
0x3: {  	s17 =	simm.s32 $0x50;
	s18 =	simm.s32 $0x180;
	s19 =	simm.s32 $0x1  }
0x4: {  	s20 =	simm.s32 $0xA0;
	s21 =	simm.s32 $0xF0;
	s22 =	simm.s32 $0x2980  }
0x5: {  	s23 =	simm.s32 $0x5100;
	s24 =	simm.s32 $0x7880;
	s25 =	simm.s32 $0xA000  }
0x6: {  	s26 =	simm.s32 $0xC780;
	s7 =	sand.u32 $0x1, s3;
	s4 =	sshll.u32 s0, $0x1  }
0x7: {  	s28 =	simm.s32 $0xEF00;
	s29 =	simm.s32 $0x0;
	s8 =	sor.u32 s7, s4  }
0x8: {  	s3 =	simm.s32 $0x0;
	s5 =	sadd.s32 $0x1A800, s1;
	s4 =	smul.u32 $0x28, s8  }
0x9: {  	s6 =	sadd.s32 $0x1A200, s1;
	s12 =	sadd.s32 $0x1BA00, s1;
	s10 =	smul.u32 $0x4E2, s8  }
0xa: {  	[smem:$0x7FF] =	sst s3;
	s7 =	ssub.s32 $0x2, s7;
	s11 =	smul.u32 $0xA000, s8  }
0xb: {  	_ =	strace $0x80000047;
	s31 =	sshrl.u32 s7, $0x1;
	s8 =	smul.u32 $0x1400, s8  }
0xc: {  	s15 =	ssub.s32 s7, s31;
	s9 =	sadd.s32 s4, s1;
	s4 =	sadd.s32 $0x1AE00, s1  }
0xd: {  	s1 =	sadd.s32 s10, s1;
	s11 =	sshrl.u32 s11, $0x3;
	s8 =	sadd.s32 s12, s8  }
0xe: {  	s15 =	smax.u32 s15, $0x1;
	s7 =	sadd.s32 $0x1B400, s9;
	s11 =	sadd.s32 s12, s11  }
0xf: {  	s12 =	sadd.s32 $0x10400, s1;
	s13 =	sadd.s32 $0x6600, s1;
	s14 =	sadd.s32 $0x43A00, s1  }
0x10: {  	s9 =	sadd.s32 $0x500, s11;
	s10 =	sadd.s32 $0xA00, s11;
	s11 =	sadd.s32 $0xF00, s11  }
.LBB2_1:
0x11: {  	[tilespmem:s3], [sflag:$0x2] =	stream.linear.gather [hbm4b:s7+s3], $0x140, $0x38;
	[tilespmem:$0x11680] =	vst v63  }
0x12: {  	_ =	swait.ge [sflag:s16], $0x140  }
0x13: {  	[sflag:s16] =	ssyncset.done $0x0  }
0x14: {  	[sflag:s16] =	ssyncadd.s32 $0xFFFFFEC0  }
0x15: {  	[tilespmem:s18], [sflag:$0x1] =	stream.indirect.gather [hbm4b:s2+s17], $0x80, s3, s17, $0xb8;
	[tilespmem:$0x11680] =	vst v63  }
0x16: {  	_ =	swait.ge [sflag:s19], $0x2800  }
0x17: {  	[sflag:s19] =	ssyncset.done $0x0  }
0x18: {  	[sflag:s19] =	ssyncadd.s32 $0xFFFFD800  }
0x19: {  	[hbm4b:s8+s3] =	stream.linear.scatter [tilespmem:s18], [sflag:$0x2], $0x2800, $0x38;
	[tilespmem:$0x11680] =	vst v63  }
0x1a: {  	_ =	swait.ge [sflag:s16], $0x2800  }
0x1b: {  	[sflag:s16] =	ssyncset.done $0x0  }
0x1c: {  	[sflag:s16] =	ssyncadd.s32 $0xFFFFD800  }
0x1d: {  	[tilespmem:s18], [sflag:$0x1] =	stream.indirect.gather [hbm4b:s2+s17], $0x80, s17, s17, $0xb8;
	[tilespmem:$0x11680] =	vst v63  }
0x1e: {  	_ =	swait.ge [sflag:s19], $0x2800  }
0x1f: {  	[sflag:s19] =	ssyncset.done $0x0  }
0x20: {  	[sflag:s19] =	ssyncadd.s32 $0xFFFFD800  }
0x21: {  	[hbm4b:s9+s3] =	stream.linear.scatter [tilespmem:s18], [sflag:$0x2], $0x2800, $0x38;
	[tilespmem:$0x11680] =	vst v63  }
0x22: {  	_ =	swait.ge [sflag:s16], $0x2800  }
0x23: {  	[sflag:s16] =	ssyncset.done $0x0  }
0x24: {  	[sflag:s16] =	ssyncadd.s32 $0xFFFFD800  }
0x25: {  	[tilespmem:s18], [sflag:$0x1] =	stream.indirect.gather [hbm4b:s2+s17], $0x80, s20, s17, $0xb8;
	[tilespmem:$0x11680] =	vst v63  }
0x26: {  	_ =	swait.ge [sflag:s19], $0x2800  }
0x27: {  	[sflag:s19] =	ssyncset.done $0x0  }
0x28: {  	[sflag:s19] =	ssyncadd.s32 $0xFFFFD800  }
0x29: {  	[hbm4b:s10+s3] =	stream.linear.scatter [tilespmem:s18], [sflag:$0x2], $0x2800, $0x38;
	[tilespmem:$0x11680] =	vst v63  }
0x2a: {  	_ =	swait.ge [sflag:s16], $0x2800  }
0x2b: {  	[sflag:s16] =	ssyncset.done $0x0  }
0x2c: {  	[sflag:s16] =	ssyncadd.s32 $0xFFFFD800  }
0x2d: {  	[tilespmem:s18], [sflag:$0x1] =	stream.indirect.gather [hbm4b:s2+s17], $0x80, s21, s17, $0xb8;
	[tilespmem:$0x11680] =	vst v63  }
0x2e: {  	_ =	swait.ge [sflag:s19], $0x2800  }
0x2f: {  	[sflag:s19] =	ssyncset.done $0x0  }
0x30: {  	[sflag:s19] =	ssyncadd.s32 $0xFFFFD800  }
0x31: {  	[hbm4b:s11+s3] =	stream.linear.scatter [tilespmem:s18], [sflag:$0x2], $0x2800, $0x38;
	[tilespmem:$0x11680] =	vst v63  }
0x32: {  	_ =	swait.ge [sflag:s16], $0x2800  }
0x33: {  	[sflag:s16] =	ssyncset.done $0x0  }
0x34: {  	[sflag:s16] =	ssyncadd.s32 $0xFFFFD800  }
0x35: {  	[tilespmem:s22], [sflag:$0x2] =	stream.linear.gather [hbm4b:s4+s3], $0x2780, $0x38;
	[tilespmem:$0x11680] =	vst v63  }
0x36: {  	_ =	swait.ge [sflag:s16], $0x2780  }
0x37: {  	[sflag:s16] =	ssyncset.done $0x0  }
0x38: {  	[sflag:s16] =	ssyncadd.s32 $0xFFFFD880  }
0x39: {  	[tilespmem:s23], [sflag:$0x2] =	stream.linear.gather [hbm4b:s5+s3], $0x2780, $0x38;
	[tilespmem:$0x11680] =	vst v63  }
0x3a: {  	_ =	swait.ge [sflag:s16], $0x2780  }
0x3b: {  	[sflag:s16] =	ssyncset.done $0x0  }
0x3c: {  	[sflag:s16] =	ssyncadd.s32 $0xFFFFD880  }
0x3d: {  	[tilespmem:s24], [sflag:$0x2] =	stream.linear.gather [hbm4b:s6+s3], $0x2780, $0x38;
	[tilespmem:$0x11680] =	vst v63  }
0x3e: {  	_ =	swait.ge [sflag:s16], $0x2780  }
0x3f: {  	[sflag:s16] =	ssyncset.done $0x0  }
0x40: {  	[sflag:s16] =	ssyncadd.s32 $0xFFFFD880  }
0x41: {  	[tilespmem:s25], [sflag:$0x2] =	stream.linear.gather [hbm4b:s12+s3], $0x2710, $0x38;
	[tilespmem:$0x11680] =	vst v63  }
0x42: {  	_ =	swait.ge [sflag:s16], $0x2710  }
0x43: {  	[sflag:s16] =	ssyncset.done $0x0  }
0x44: {  	[sflag:s16] =	ssyncadd.s32 $0xFFFFD8F0  }
0x45: {  	[tilespmem:s26], [sflag:$0x2] =	stream.linear.gather [hbm4b:s13+s3], $0x2710, $0x38;
	[tilespmem:$0x11680] =	vst v63  }
0x46: {  	_ =	swait.ge [sflag:s16], $0x2710  }
0x47: {  	[sflag:s16] =	ssyncset.done $0x0  }
0x48: {  	s30 =	simm.s32 $0x0;
	[sflag:s16] =	ssyncadd.s32 $0xFFFFD8F0  }
0x49: {  	v0 =	vld [tilespmem:s30+$0xA000]  }
0x4a: {  	v1 =	vld [tilespmem:s30+$0xC780];
	_ =	sdelay $0x6  }
0x4b: {  	v2 =	vld.idx.msk [tilespmem:v0+s22+$0x0], $0xffff  }
0x4c: {  	v3 =	vld.idx.msk [tilespmem:v1+s22+$0x0], $0xffff  }
0x4d: {  	v4 =	vld.idx.msk [tilespmem:v1+s23+$0x0], $0xffff  }
0x4e: {  	v5 =	vld.idx.msk [tilespmem:v0+s23+$0x0], $0xffff  }
0x4f: {  	v6 =	vld.idx.msk [tilespmem:v1+s24+$0x0], $0xffff  }
0x50: {  	v7 =	vld.idx.msk [tilespmem:v0+s24+$0x0], $0xffff;
	_ =	sdelay $0x2  }
0x51: {  	s31 =	simm.s32 $0x10;
	v3 =	vsub.f32 v3, v2;
	v4 =	vsub.f32 v4, v5  }
0x52: {  	v0 =	vld [tilespmem:s31+$0xA000]  }
0x53: {  	v1 =	vld [tilespmem:s31+$0xC780];
	v2 =	vsub.f32 v6, v7;
	v3 =	vmul.f32 v3, v3;
	v4 =	vmul.f32 v4, v4  }
0x54: {  	s1 =	simm.s32 $0x80  }
.LBB2_2:
0x55: {  	p0 =	sne.s32 s1, $0x9C00;
	v3 =	vadd.f32 v4, v3;
	v2 =	vmul.f32 v2, v2;
	_ =	sdelay $0x1  }
0x56: {  	v2 =	vadd.f32 v2, v3;
	_ =	sdelay $0x1  }
0x57: {  	[tilespmem:s30+$0xEF00] =	vst v2;
	s30 =	smov.u32 s31  }
0x58: {  	v2 =	vld.idx.msk [tilespmem:v0+s22+$0x0], $0xffff  }
0x59: {  	v3 =	vld.idx.msk [tilespmem:v1+s22+$0x0], $0xffff  }
0x5a: {  	v4 =	vld.idx.msk [tilespmem:v1+s23+$0x0], $0xffff  }
0x5b: {  	v5 =	vld.idx.msk [tilespmem:v0+s23+$0x0], $0xffff  }
0x5c: {  	v6 =	vld.idx.msk [tilespmem:v1+s24+$0x0], $0xffff  }
0x5d: {  	v7 =	vld.idx.msk [tilespmem:v0+s24+$0x0], $0xffff;
	_ =	sdelay $0x2  }
.Ltmp0:
0x5e: {  	(pc) =	sbr.rel @p0 .LBB2_2-.Ltmp0, $4  }
0x5f: {  	s31 =	sshra.s32 s1, $0x2;
	v3 =	vsub.f32 v3, v2;
	v4 =	vsub.f32 v4, v5  }
0x60: {  	v0 =	vld [tilespmem:s31+$0xA000]  }
0x61: {  	v3 =	vmul.f32 v3, v3;
	v2 =	vsub.f32 v6, v7;
	v4 =	vmul.f32 v4, v4;
	v1 =	vld [tilespmem:s31+$0xC780]  }
0x62: {  	s1 =	sadd.s32 $0x40, s1  }
0x63: {  	_ = 	snop  }
0x64: {  	v3 =	vadd.f32 v4, v3;
	v2 =	vmul.f32 v2, v2;
	_ =	sdelay $0x1  }
0x65: {  	v2 =	vadd.f32 v2, v3;
	_ =	sdelay $0x1  }
0x66: {  	[tilespmem:s30+$0xEF00] =	vst v2  }
0x67: {  	v2 =	vld.idx.msk [tilespmem:v0+s22+$0x0], $0xffff  }
0x68: {  	v57 =	vld.idx.msk [tilespmem:v1+s22+$0x0], $0xffff  }
0x69: {  	v58 =	vld.idx.msk [tilespmem:v1+s23+$0x0], $0xffff  }
0x6a: {  	v5 =	vld.idx.msk [tilespmem:v0+s23+$0x0], $0xffff  }
0x6b: {  	v59 =	vld.idx.msk [tilespmem:v1+s24+$0x0], $0xffff  }
0x6c: {  	v60 =	vld.idx.msk [tilespmem:v0+s24+$0x0], $0xffff;
	_ =	sdelay $0x2  }
0x6d: {  	v2 =	vsub.f32 v57, v2;
	v61 =	vsub.f32 v58, v5;
	_ =	sdelay $0x1  }
0x6e: {  	v0 =	vsub.f32 v59, v60;
	v62 =	vmul.f32 v2, v2;
	v63 =	vmul.f32 v61, v61;
	_ =	sdelay $0x1  }
0x6f: {  	v0 =	vmul.f32 v0, v0;
	v1 =	vadd.f32 v63, v62;
	_ =	sdelay $0x1  }
0x70: {  	s29 =	sadd.s32 $0x1, s29;
	v0 =	vadd.f32 v0, v1  }
0x71: {  	p0 =	sne.s32 s29, s15  }
.Ltmp1:
0x72: {  	[tilespmem:s31+$0xEF00] =	vst v0;
	(pc) =	sbr.rel @p0 .LBB2_1-.Ltmp1, $4  }
0x73: {  	[hbm4b:s14+s3] =	stream.linear.scatter [tilespmem:s28], [sflag:$0x2], $0x2710, $0x38;
	[tilespmem:$0x11680] =	vst v63  }
0x74: {  	_ =	swait.ge [sflag:s16], $0x2710  }
0x75: {  	[sflag:s16] =	ssyncset.done $0x0  }
0x76: {  	[sflag:s16] =	ssyncadd.s32 $0xFFFFD8F0  }
0x77: {  	_ =	sfence.sel $0x180000  }
0x78: {  	[bflag:$0x0] =	sbarrier.arrive $0xFFFF  }
0x79: {  	_ =	strace $0x90000047  }
0x7a: {  	[bflag:$0x2] =	sbarrier.arrive $0xFFFF  }
0x7b: {  	p0 =	sne.s32 s0, $0x0;
	s0 =	rddreg [dreg:$0x2]  }
0x7c: {  	s0 =	sadd.s32 @!p0 $0x100000, s0  }
0x7d: {  	[sflag:s0] =	ssyncadd.tile.s32 @!p0 $0x1;
	_ =	shalt  }
.Lfunc_end2:
_tile_overlayer_lowered:
.L_overlay_start_2:
0x7e: {  	(tag) =	ssettag $0x2  }
0x7f: {  	s0 =	rddreg [dreg:$0x0];
	s2 =	stileid.u32  }
0x80: {  	s1 =	rddreg [dreg:$0x1];
	p0 =	sne.s32 s2, $0x0  }
0x81: {  	s3 =	rddreg [dreg:$0x2];
	[bflag:$0x3] =	sbarrier.arrive $0xFFFF;
	s2 =	simm.s32 @!p0 $0x1C02  }
0x82: {  	[timem:s3], [sflag:s2] =	dma.local @!p0 [hbm:s0], s1  }
0x83: {  	s0 =	simm.s32 @!p0 $0x2  }
0x84: {  	_ =	swait.ge @!p0 [sflag:s0], s1  }
0x85: {  	s1 =	ssub.s32 @!p0 $0x0, s1;
	[sflag:s0] =	ssyncset.done @!p0 $0x0  }
0x86: {  	[sflag:s0] =	ssyncadd.s32 @!p0 s1  }
0x87: {  	[bflag:$0x3] =	sbarrier.arrive $0xFFFF  }
0x88: {  	_ =	shalt  }

// kernel: kernel.17.cloned.1.call-start
scs
__scs_entry_jumppad:
0x0: {  	(pc) =	sbr.rel $0x88, $3  }
0x1: {  	(tag) =	ssettag $0x0;
	lr =	simm.s32 $0x1  }
0x2: {  	[smem:$0x3F8E] =	sst lr;
	_ =	strace $0xD0000000  }
0x3: {  	_ = 	snop  }
0x4: {  	_ = 	snop  }
0x5: {  	_ = 	snop  }
0x6: {  	_ = 	snop  }
0x7: {  	_ = 	snop  }
__scs_overlays_trampoline_lowered:
0x8: {  	[smem:$0x3F9D] =	sst s0  }
0x9: {  	[smem:$0x3F9E] =	sst s1  }
0xa: {  	[smem:$0x3F9F] =	sst s2  }
0xb: {  	[smem:$0x3FA0] =	sst s3  }
0xc: {  	[smem:$0x3FA1] =	sst s4  }
0xd: {  	[smem:$0x3FA2] =	sst s5  }
0xe: {  	[smem:$0x3FA3] =	sst s6  }
0xf: {  	[smem:$0x3FA4] =	sst s7  }
0x10: {  	[smem:$0x3FA5] =	sst s8  }
0x11: {  	[smem:$0x3FA6] =	sst s9;
	s0 =	simm.s32 @!p0 $0x0  }
0x12: {  	s1 =	sld [smem:$0x3F8C];
	s0 =	simm.s32 @p0 $0x1  }
0x13: {  	[smem:$0x3FA7] =	sst s0;
	s0 =	simm.s32 @!p1 $0x0  }
0x14: {  	s2 =	sld [smem:$0x3F8B];
	s0 =	simm.s32 @p1 $0x1  }
0x15: {  	[smem:$0x3FA8] =	sst s0;
	s0 =	simm.s32 @!p2 $0x0  }
0x16: {  	s3 =	sld [smem:$0x3FDB];
	s0 =	simm.s32 @p2 $0x1  }
0x17: {  	s4 =	simm.s32 $0x1BF5;
	[smem:$0x3FAA] =	sst s0  }
0x18: {  	s0 =	sld [smem:$0x3F8D];
	_ =	swait.ge [sflag:s4], $0x0  }
0x19: {  	s7 =	sld [smem:$0x3F8E]  }
0x1a: {  	s8 =	sadd.s32 $0xFFFFE003, lr  }
0x1b: {  	s9 =	sadd.s32 $0xFFFFFEF7, lr;
	s5 =	simm.s32 $0xFFFFFFFF;
	p2 =	slt.u32 s8, $0xFFFFF086  }
0x1c: {  	p1 =	slt.u32 s9, $0xF7A;
	s5 =	simm.s32 @!p2 $0x0  }
0x1d: {  	s5 =	simm.s32 @p1 $0x1;
	p0 =	seq.s32 s7, s2  }
0x1e: {  	s7 =	smul.u32 @!p0 $0xF7A, s2;
	p2 =	seq.s32 @!p0 s5, $0x0  }
0x1f: {  	s9 =	smul.u32 $0xF7A, s1;
	s8 =	simm.s32 @!p0 $0x1BF5;
	p2 =	por !p2, p0  }
0x20: {  	[sflag:s8] =	ssyncset.s32 @!p0 $0xFFFFF086;
	s6 =	sadd.s32 @!p0 s3, s7;
	s7 =	simm.s32 @!p0 $0x108  }
0x21: {  	s3 =	sadd.s32 s3, s9;
	s6 =	sadd.s32 @!p0 $0x88, s6;
	s7 =	simm.s32 @p2 $0x1082  }
0x22: {  	[simem:s7], [sflag:s8] =	dma.local @!p0 [hbm:s6], $0xF7A  }
0x23: {  	s9 =	sor.u32 $0xD0000000, s2;
	s6 =	simm.s32 $0x108;
	_ =	swait.ge @!p0 [sflag:s8], $0x0  }
0x24: {  	s3 =	sadd.s32 $0x88, s3;
	s6 =	simm.s32 @!p1 $0x1082;
	[sflag:s4] =	ssyncset.s32 $0xFFFFF086  }
0x25: {  	[simem:s6], [sflag:s4] =	dma.local [hbm:s3], $0xF7A  }
0x26: {  	[smem:$0x3F8E] =	sst s1;
	(tag) =	ssettag s2;
	_ =	strace s9  }
0x27: {  	s1 =	sld [smem:$0x3F9E]  }
0x28: {  	s2 =	sld [smem:$0x3F9F]  }
0x29: {  	s4 =	sld [smem:$0x3FA1]  }
0x2a: {  	p0 =	seq.s32 s5, $0x0;
	s5 =	sld [smem:$0x3FA2]  }
0x2b: {  	s6 =	sld [smem:$0x3FA3]  }
0x2c: {  	s7 =	sld [smem:$0x3FA4]  }
0x2d: {  	s3 =	simm.s32 $0x108;
	s8 =	sld [smem:$0x3FA5]  }
0x2e: {  	s3 =	simm.s32 @!p0 $0x1082;
	s9 =	sld [smem:$0x3FA6]  }
0x2f: {  	lr =	sadd.s32 s0, s3;
	s0 =	sld [smem:$0x3F9D]  }
0x30: {  	s3 =	sld [smem:$0x3FA0]  }
0x31: {  	[smem:$0x3FA9] =	sst s10  }
0x32: {  	s10 =	sld [smem:$0x3FA7];
	_ =	sdelay $0x3  }
0x33: {  	p0 =	seq.s32 s10, $0x1;
	s10 =	sld [smem:$0x3FA9];
	_ =	sdelay $0x3  }
0x34: {  	[smem:$0x3FA9] =	sst s10  }
0x35: {  	s10 =	sld [smem:$0x3FA8];
	_ =	sdelay $0x3  }
0x36: {  	p1 =	seq.s32 s10, $0x1;
	s10 =	sld [smem:$0x3FA9];
	_ =	sdelay $0x3  }
0x37: {  	[smem:$0x3FA9] =	sst s10  }
0x38: {  	s10 =	sld [smem:$0x3FAA]  }
0x39: {  	_ = 	snop;
	(pc) =	sbr.ind lr, $3  }
0x3a: {  	_ = 	snop  }
0x3b: {  	_ = 	snop  }
0x3c: {  	p2 =	seq.s32 s10, $0x1;
	s10 =	sld [smem:$0x3FA9]  }
0x3d: {  	_ =	shalt  }
0x3e: {  	_ =	shalt  }
0x3f: {  	_ =	shalt  }
0x40: {  	_ =	shalt  }
0x41: {  	_ =	shalt  }
0x42: {  	_ =	shalt  }
0x43: {  	_ =	shalt  }
0x44: {  	_ =	shalt  }
0x45: {  	_ =	shalt  }
0x46: {  	_ =	shalt  }
0x47: {  	_ =	shalt  }
0x48: {  	_ =	shalt  }
0x49: {  	_ =	shalt  }
0x4a: {  	_ =	shalt  }
0x4b: {  	_ =	shalt  }
0x4c: {  	_ =	shalt  }
0x4d: {  	_ =	shalt  }
0x4e: {  	_ =	shalt  }
0x4f: {  	_ =	shalt  }
0x50: {  	_ =	shalt  }
0x51: {  	_ =	shalt  }
0x52: {  	_ =	shalt  }
0x53: {  	_ =	shalt  }
0x54: {  	_ =	shalt  }
0x55: {  	_ =	shalt  }
0x56: {  	_ =	shalt  }
0x57: {  	_ =	shalt  }
0x58: {  	_ =	shalt  }
0x59: {  	_ =	shalt  }
0x5a: {  	_ =	shalt  }
0x5b: {  	_ =	shalt  }
0x5c: {  	_ =	shalt  }
0x5d: {  	_ =	shalt  }
0x5e: {  	_ =	shalt  }
0x5f: {  	_ =	shalt  }
0x60: {  	_ =	shalt  }
0x61: {  	_ =	shalt  }
0x62: {  	_ =	shalt  }
0x63: {  	_ =	shalt  }
0x64: {  	_ =	shalt  }
0x65: {  	_ =	shalt  }
0x66: {  	_ =	shalt  }
0x67: {  	_ =	shalt  }
0x68: {  	_ =	shalt  }
0x69: {  	_ =	shalt  }
0x6a: {  	_ =	shalt  }
0x6b: {  	_ =	shalt  }
0x6c: {  	_ =	shalt  }
0x6d: {  	_ =	shalt  }
0x6e: {  	_ =	shalt  }
0x6f: {  	_ =	shalt  }
0x70: {  	_ =	shalt  }
0x71: {  	_ =	shalt  }
0x72: {  	_ =	shalt  }
0x73: {  	_ =	shalt  }
0x74: {  	_ =	shalt  }
0x75: {  	_ =	shalt  }
0x76: {  	_ =	shalt  }
0x77: {  	_ =	shalt  }
0x78: {  	_ =	shalt  }
0x79: {  	_ =	shalt  }
0x7a: {  	_ =	shalt  }
0x7b: {  	_ =	shalt  }
0x7c: {  	_ =	shalt  }
0x7d: {  	_ =	shalt  }
0x7e: {  	_ =	shalt  }
0x7f: {  	_ =	shalt  }
0x80: {  	_ =	shalt  }
0x81: {  	_ =	shalt  }
0x82: {  	_ =	shalt  }
0x83: {  	_ =	shalt  }
0x84: {  	_ =	shalt  }
0x85: {  	_ =	shalt  }
0x86: {  	_ =	shalt  }
0x87: {  	_ =	shalt  }
.Lfunc_end0:
.L_simem_size_0:
called_computation.1_lowered:
.L_overlay_start_0:
0x88: {  	s2 =	sld [smem:$0x3FD9]  }
0x89: {  	s3 =	sld [smem:$0x3FFE];
	_ =	sdelay $0x1  }
0x8a: {  	s1 =	srdreg.scid  }
0x8b: {  	s0 =	sand.u32 $0x1, s1  }
0x8c: {  	s16 =	sshll.u32 s0, $0xA;
	s2 =	sadd.s32 s3, s2  }
0x8d: {  	s2 =	sadd.s32 s2, s16  }
0x8e: {  	[smem:$0x3FB5] =	sst s2  }
0x8f: {  	_ = 	snop  }
0x90: {  	(tm) =	ssettm $0x1  }
0x91: {  	s17 =	sld [smem:$0x3FFB];
	_ =	sdelay $0x3  }
0x92: {  	_ =	strace s17  }
0x93: {  	s2 =	sld [smem:$0x3FFC];
	_ =	sdelay $0x3  }
0x94: {  	_ =	strace s2  }
0x95: {  	s2 =	sld [smem:$0x3FFD];
	_ =	sdelay $0x3  }
0x96: {  	_ =	strace s2  }
0x97: {  	_ =	strace $0x8FFFFFFF  }
0x98: {  	s18 =	sld [smem:$0x3FDB];
	_ =	sdelay $0x1  }
0x99: {  	s19 =	simm.s32 $_scs_section_size  }
0x9a: {  	s4 =	simm.s32 $_size__tile_overlayer_lowered;
	s5 =	simm.s32 $_tile_overlayer_lowered  }
0x9b: {  	s22 =	simm.s32 $0x1BFF;
	s21 =	sshll.u32 s5, $0x1;
	s2 =	sadd.s32 s19, s18  }
0x9c: {  	s6 =	simm.s32 $0x0;
	s20 =	sshll.u32 s4, $0x1;
	s4 =	sadd.s32 s21, s2  }
0x9d: {  	[timem:s6], [sflag:s22] =	dma.local [hbm:s4], s20  }
0x9e: {  	_ =	swait.ge [sflag:s22], s20  }
0x9f: {  	s3 =	ssub.s32 $0x0, s20;
	[sflag:s22] =	ssyncset.done $0x0  }
0xa0: {  	[sflag:s22] =	ssyncadd.s32 s3;
	_ =	sdelay $0x1  }
0xa1: {  	s23 =	simm.s32 $0x1B8B  }
0xa2: {  	_ =	swait.ge [sflag:s23], $0x1  }
0xa3: {  	[sflag:s23] =	ssyncset.done $0x0  }
0xa4: {  	s25 =	simm.s32 $0x1B8E;
	s24 =	sld [smem:$0x3FFE];
	[sflag:s23] =	ssyncadd.s32 $0xFFFFFFFF  }
0xa5: {  	s26 =	simm.s32 $execute0_lowered;
	[smem:$0x3FD2] =	sst s25  }
0xa6: {  	s4 =	sshll.u32 s26, $0x1;
	_ =	strace $0x80000049;
	[dreg:$0x1] =	wrdreg $0xFFFFFFFF  }
0xa7: {  	s28 =	simm.s32 $_size_execute0_lowered;
	s2 =	sadd.s32 s2, s4;
	[dreg:$0x0] =	wrdreg $0x0  }
0xa8: {  	s4 =	sshll.u32 s28, $0x1;
	[dreg:$0x2] =	wrdreg s2  }
0xa9: {  	[dreg:$0x3] =	wrdreg s4  }
0xaa: {  	[dreg:$0x4] =	wrdreg $0xC0  }
0xab: {  	_ =	task [dreg:s6], $0x5FFFF  }
0xac: {  	[dreg:$0x1] =	wrdreg $0xFFFFFFFF  }
0xad: {  	[dreg:$0x0] =	wrdreg $0x60  }
0xae: {  	[dreg:$0x2] =	wrdreg s24  }
0xaf: {  	[dreg:$0x3] =	wrdreg $0x10C400  }
0xb0: {  	[dreg:$0x4] =	wrdreg $0x9  }
0xb1: {  	_ =	task.clear_ibuf [dreg:s6], $0x5FFFF;
	_ =	strace $0x90000049  }
0xb2: {  	s29 =	simm.s32 $0x9;
	_ =	strace $0x8000004B  }
0xb3: {  	_ =	swait.ge [sflag:s29], $0x1  }
0xb4: {  	[sflag:s29] =	ssyncadd.s32 $0xFFFFFFFF  }
0xb5: {  	_ =	strace $0x9000004B  }
0xb6: {  	_ =	sfence  }
0xb7: {  	s30 =	sld [smem:$0x0];
	_ =	sdelay $0x2  }
0xb8: {  	s31 =	sshll.u32 s1, $0xD;
	s1 =	sshrl.u32 s1, $0x2  }
0xb9: {  	s3 =	sand.u32 $0x4000, s31;
	s1 =	sadd.s32 s1, s30  }
0xba: {  	s0 =	sor.u32 s3, s0;
	s1 =	sshll.u32 s1, $0x11  }
0xbb: {  	s0 =	sor.u32 s1, s0  }
0xbc: {  	s0 =	sadd.s32 $0x8F2B, s0  }
0xbd: {  	[sflag:s0] =	ssyncadd.remote.s32 $0x1  }
0xbe: {  	_ =	sfence.sel $0xFFFF  }
0xbf: {  	[dreg:$0x0] =	wrdreg $0xFFFFFFFF;
	(pc) =	sbr.abs _section_cstart, $3  }
0xc0: {  	[dreg:$0x1] =	wrdreg $0xFFFFFFFF  }
0xc1: {  	_ =	task.clear_ibuf [dreg:s6], $0x2FFFF;
	_ =	strace $0x9FFFFFFF  }
0xc2: {  	(tm) =	ssettm $0x7FFFFFFF  }
0xc3: {  	_ =	shalt  }
tec
execute0_lowered:
.L_overlay_start_1:
0x0: {  	(tag) =	ssettag $0x1  }
0x1: {  	s0 =	rddreg [dreg:$0x0]  }
0x2: {  	s2 =	rddreg [dreg:$0x1];
	s1 =	simm.s32 $0x0;
	s11 =	stileid.u32  }
0x3: {  	s23 =	srdreg.scid;
	s18 =	simm.s32 $0x5;
	s20 =	simm.s32 $0x50  }
0x4: {  	s21 =	simm.s32 $0x9C40;
	s22 =	simm.s32 $0x40;
	s28 =	simm.s32 $0xD840  }
0x5: {  	s29 =	simm.s32 $0x1;
	s30 =	simm.s32 $0x3;
	s4 =	smul.u32 $0x4E20, s11  }
0x6: {  	s31 =	simm.s32 $0x2;
	s19 =	simm.s32 $0x0;
	s9 =	smul.u32 $0x271000, s11  }
0x7: {  	[smem:$0x7FF] =	sst s1;
	s5 =	sadd.s32 $0x4DC00, s0;
	s15 =	smul.u32 $0xA000, s11  }
0x8: {  	s6 =	sadd.s32 $0x74E00, s0;
	s1 =	sand.u32 $0x1, s23;
	s12 =	smul.u32 $0x28000, s11  }
0x9: {  	s23 =	simm.s32 $0x80;
	_ =	strace $0x8000004A;
	s8 =	ssub.s32 $0x2, s1  }
0xa: {  	s7 =	sshll.u32 s1, $0x6;
	p0 =	seq.s32 s1, $0x1;
	s3 =	sshrl.u32 s4, $0x3  }
0xb: {  	s10 =	sshrl.u32 s8, $0x1;
	s9 =	sor.u32 s7, s9;
	s11 =	sadd.s32 s15, s2  }
0xc: {  	s26 =	sshrl.u32 s12, $0x2;
	s17 =	sshrl.u32 s15, $0x3;
	s3 =	sadd.s32 s3, s0  }
0xd: {  	s8 =	ssub.s32 s8, s10;
	s25 =	sshrl.u32 s9, $0x3;
	s24 =	sadd.s32 $0x10400, s3  }
0xe: {  	s9 =	simm.s32 $0x556E00;
	s3 =	sadd.s32 $0x6600, s3;
	[dreg:$0x3] =	wrdreg s24  }
0xf: {  	s9 =	simm.s32 @!p0 $0x56AE00;
	s16 =	smax.u32 s8, $0x1;
	[dreg:$0x4] =	wrdreg s3  }
0x10: {  	s3 =	sadd.s32 s6, s25;
	s0 =	sadd.s32 s9, s0;
	s25 =	simm.s32 $0xEC40  }
0x11: {  	[dreg:$0x5] =	wrdreg s3;
	s3 =	sadd.s32 s26, s2;
	s17 =	sadd.s32 s0, s17  }
0x12: {  	s26 =	simm.s32 $0xB040;
	s0 =	simm.s32 $0x4;
	s12 =	sadd.s32 $0x2000, s3  }
0x13: {  	v1 =	vimm.f32 $0.0e+00;
	v0 =	vmov s1;
	s13 =	sadd.s32 $0x4000, s3;
	s14 =	sadd.s32 $0x6000, s3;
	s15 =	sadd.s32 $0x8000, s3  }
.LBB2_1:
0x14: {  	s1 =	simm.s32 $0x0;
	s3 =	rddreg [dreg:$0x3]  }
0x15: {  	[tilespmem:s1], [sflag:$0x5] =	stream.linear.gather [hbm4b:s3+s1], $0x4E20, $0x38;
	[tilespmem:$0x1AC40] =	vst v63  }
0x16: {  	_ =	swait.ge [sflag:s18], $0x4E20  }
0x17: {  	[sflag:s18] =	ssyncset.done $0x0  }
0x18: {  	s8 =	simm.s32 $0x4E20;
	s24 =	rddreg [dreg:$0x4];
	[sflag:s18] =	ssyncadd.s32 $0xFFFFB1E0  }
0x19: {  	[tilespmem:s8], [sflag:$0x5] =	stream.linear.gather [hbm4b:s24+s1], $0x4E20, $0x38;
	[tilespmem:$0x1AC40] =	vst v63  }
0x1a: {  	_ =	swait.ge [sflag:s18], $0x4E20  }
0x1b: {  	[sflag:s18] =	ssyncset.done $0x0  }
0x1c: {  	s1 =	simm.s32 $0x0;
	[sflag:s18] =	ssyncadd.s32 $0xFFFFB1E0  }
0x1d: {  	v4 =	vld [tilespmem:s1+$0x0]  }
0x1e: {  	v5 =	vld [tilespmem:s1+$0x10]  }
0x1f: {  	v3 =	vld [tilespmem:s1+$0x20]  }
0x20: {  	s3 =	simm.s32 $0x140;
	v2 =	vld [tilespmem:s1+$0x30]  }
.LBB2_2:
0x21: {  	p0 =	sne.s32 s3, $0x13740;
	v6 =	vld [tilespmem:s1+$0x40]  }
0x22: {  	v4 =	vshll.u32 v4, $0x1  }
0x23: {  	v4 =	vor.u32 v0, v4;
	v5 =	vshll.u32 v5, $0x1  }
.Ltmp0:
0x24: {  	s8 =	sshra.s32 s3, $0x2;
	[tilespmem:s1+$0x0] =	vst v4;
	v5 =	vor.u32 v0, v5;
	v3 =	vshll.u32 v3, $0x1;
	(pc) =	sbr.rel @p0 .LBB2_2-.Ltmp0, $4  }
0x25: {  	v4 =	vld [tilespmem:s8+$0x0];
	[tilespmem:s1+$0x10] =	vst v5;
	v3 =	vor.u32 v0, v3;
	v2 =	vshll.u32 v2, $0x1  }
0x26: {  	v5 =	vld [tilespmem:s8+$0x10];
	[tilespmem:s1+$0x20] =	vst v3;
	v2 =	vor.u32 v0, v2;
	v6 =	vshll.u32 v6, $0x1  }
0x27: {  	v3 =	vld [tilespmem:s8+$0x20];
	[tilespmem:s1+$0x30] =	vst v2;
	v6 =	vor.u32 v0, v6  }
0x28: {  	s3 =	sadd.s32 $0x140, s3;
	v2 =	vld [tilespmem:s8+$0x30];
	[tilespmem:s1+$0x40] =	vst v6;
	s1 =	smov.u32 s8  }
0x29: {  	v6 =	vld [tilespmem:s1+$0x40]  }
0x2a: {  	v4 =	vshll.u32 v4, $0x1  }
0x2b: {  	v4 =	vor.u32 v0, v4;
	v5 =	vshll.u32 v5, $0x1  }
0x2c: {  	[tilespmem:s1+$0x0] =	vst v4;
	v63 =	vor.u32 v0, v5;
	v3 =	vshll.u32 v3, $0x1  }
0x2d: {  	[tilespmem:s1+$0x10] =	vst v63;
	v3 =	vor.u32 v0, v3;
	v2 =	vshll.u32 v2, $0x1  }
0x2e: {  	[tilespmem:s1+$0x20] =	vst v3;
	v2 =	vor.u32 v0, v2;
	v3 =	vshll.u32 v6, $0x1  }
0x2f: {  	[tilespmem:s1+$0x30] =	vst v2;
	v2 =	vor.u32 v0, v3  }
0x30: {  	s10 =	simm.s32 $0x0;
	[tilespmem:s1+$0x40] =	vst v2  }
0x31: {  	[tilespmem:s21], [sflag:$0x1] =	stream.indirect.gather [hbm4b:s5+s20], $0x40, s10, s20, $0xb8;
	[tilespmem:$0x1AC40] =	vst v63  }
0x32: {  	s24 =	rddreg [dreg:$0x5];
	s3 =	simm.s32 $0xC440  }
0x33: {  	[tilespmem:s3], [sflag:$0x3] =	stream.strided.gather [hbm4b:s24+s22], $0x1400, s23, s22, $0x38;
	[tilespmem:$0x1AC40] =	vst v63  }
0x34: {  	s1 =	simm.s32 $0x0;
	s3 =	simm.s32 $0x100  }
.LBB2_4:
0x35: {  	p0 =	sne.s32 s3, $0x7F00;
	[tilespmem:s1+$0xEC70] =	vst v1;
	s8 =	smov.u32 s3;
	s3 =	sadd.s32 $0x100, s3  }
.Ltmp1:
0x36: {  	[tilespmem:s1+$0xEC60] =	vst v1;
	(pc) =	sbr.rel @p0 .LBB2_4-.Ltmp1, $3  }
0x37: {  	[tilespmem:s1+$0xEC40] =	vst v1  }
0x38: {  	[tilespmem:s1+$0xEC50] =	vst v1;
	_ =	sdelay $0x1  }
0x39: {  	s1 =	sshra.s32 s8, $0x2  }
0x3a: {  	[tilespmem:s1+$0xEC70] =	vst v1  }
0x3b: {  	[tilespmem:s1+$0xEC60] =	vst v1  }
0x3c: {  	[tilespmem:s1+$0xEC40] =	vst v1  }
0x3d: {  	[tilespmem:s1+$0xEC50] =	vst v1  }
0x3e: {  	[spmem:s11] =	stream.linear.scatter [tilespmem:s25], [sflag:$0x5], $0x2000, $0x38;
	[tilespmem:$0x1AC40] =	vst v63  }
0x3f: {  	_ =	swait.ge [sflag:s18], $0x2000  }
0x40: {  	[sflag:s18] =	ssyncset.done $0x0  }
0x41: {  	[sflag:s18] =	ssyncadd.s32 $0xFFFFE000  }
0x42: {  	[spmem:s12] =	stream.linear.scatter [tilespmem:s25], [sflag:$0x5], $0x2000, $0x38;
	[tilespmem:$0x1AC40] =	vst v63  }
0x43: {  	_ =	swait.ge [sflag:s18], $0x2000  }
0x44: {  	[sflag:s18] =	ssyncset.done $0x0  }
0x45: {  	[sflag:s18] =	ssyncadd.s32 $0xFFFFE000  }
0x46: {  	[spmem:s13] =	stream.linear.scatter [tilespmem:s25], [sflag:$0x5], $0x2000, $0x38;
	[tilespmem:$0x1AC40] =	vst v63  }
0x47: {  	_ =	swait.ge [sflag:s18], $0x2000  }
0x48: {  	[sflag:s18] =	ssyncset.done $0x0  }
0x49: {  	[sflag:s18] =	ssyncadd.s32 $0xFFFFE000  }
0x4a: {  	[spmem:s14] =	stream.linear.scatter [tilespmem:s25], [sflag:$0x5], $0x2000, $0x38;
	[tilespmem:$0x1AC40] =	vst v63  }
0x4b: {  	_ =	swait.ge [sflag:s18], $0x2000  }
0x4c: {  	[sflag:s18] =	ssyncset.done $0x0  }
0x4d: {  	[sflag:s18] =	ssyncadd.s32 $0xFFFFE000  }
0x4e: {  	[spmem:s15] =	stream.linear.scatter [tilespmem:s25], [sflag:$0x5], $0x2000, $0x38;
	[tilespmem:$0x1AC40] =	vst v63  }
0x4f: {  	_ =	swait.ge [sflag:s18], $0x2000  }
0x50: {  	[sflag:s18] =	ssyncset.done $0x0  }
0x51: {  	[sflag:s18] =	ssyncadd.s32 $0xFFFFE000  }
0x52: {  	s24 =	simm.s32 $0x0;
	[bflag:$0x0] =	sbarrier.arrive $0xFFFF  }
.LBB2_6:
0x53: {  	s3 =	smul.u32 $0xA0, s24;
	_ =	sdelay $0x1  }
0x54: {  	s1 =	sadd.s32 $0x50, s3  }
0x55: {  	[tilespmem:s26], [sflag:$0x2] =	stream.indirect.gather [hbm4b:s5+s20], $0x40, s1, s20, $0xb8;
	[tilespmem:$0x1AC40] =	vst v63  }
0x56: {  	s8 =	sadd.s32 s4, s1  }
0x57: {  	s8 =	sshll.u32 s8, $0x7  }
0x58: {  	s8 =	sor.u32 s7, s8  }
0x59: {  	s8 =	sshrl.u32 s8, $0x3  }
0x5a: {  	s8 =	sadd.s32 s6, s8  }
0x5b: {  	[tilespmem:s28], [sflag:$0x4] =	stream.strided.gather [hbm4b:s8+s22], $0x1400, s23, s22, $0x38;
	[tilespmem:$0x1AC40] =	vst v63  }
0x5c: {  	_ =	swait.ge [sflag:s29], $0x1400  }
0x5d: {  	[sflag:s29] =	ssyncset.done $0x0  }
0x5e: {  	[sflag:s29] =	ssyncadd.s32 $0xFFFFEC00  }
0x5f: {  	_ =	swait.ge [sflag:s30], $0x1400  }
0x60: {  	[sflag:s30] =	ssyncset.done $0x0  }
0x61: {  	s8 =	simm.s32 $0x0;
	[sflag:s30] =	ssyncadd.s32 $0xFFFFEC00  }
0x62: {  	v7 =	vld [tilespmem:s8+$0xC440]  }
0x63: {  	v8 =	vld [tilespmem:s8+$0xC450]  }
0x64: {  	v3 =	vld [tilespmem:s8+$0xC460]  }
0x65: {  	v2 =	vld [tilespmem:s8+$0xC470]  }
0x66: {  	v4 =	vld [tilespmem:s8+$0x9C40]  }
0x67: {  	v6 =	vld [tilespmem:s8+$0x9C50]  }
0x68: {  	s9 =	simm.s32 $0x100;
	v5 =	vld [tilespmem:s8+$0x9C60]  }
.LBB2_7:
0x69: {  	s10 =	sshra.s32 s9, $0x2;
	p0 =	sne.s32 s9, $0x4F00;
	v9 =	vld [tilespmem:s8+$0x9C70];
	v10 =	vmov v3  }
0x6a: {  	v11 =	vld [tilespmem:s10+$0xC440];
	v12 =	vmov v2  }
0x6b: {  	v13 =	vld [tilespmem:s10+$0xC450];
	v4 =	vmul.f32 v7, v4  }
.Ltmp2:
0x6c: {  	v3 =	vld [tilespmem:s10+$0xC460];
	v6 =	vmul.f32 v8, v6;
	(pc) =	sbr.rel @p0 .LBB2_7-.Ltmp2, $4  }
0x6d: {  	v2 =	vld [tilespmem:s10+$0xC470];
	[tilespmem:s8+$0x9C40] =	vst v4;
	v5 =	vmul.f32 v10, v5  }
0x6e: {  	v4 =	vld [tilespmem:s10+$0x9C40];
	[tilespmem:s8+$0x9C50] =	vst v6;
	v9 =	vmul.f32 v12, v9  }
0x6f: {  	v6 =	vld [tilespmem:s10+$0x9C50];
	[tilespmem:s8+$0x9C60] =	vst v5;
	v7 =	vmov v11  }
0x70: {  	s9 =	sadd.s32 $0x100, s9;
	v5 =	vld [tilespmem:s10+$0x9C60];
	[tilespmem:s8+$0x9C70] =	vst v9;
	v8 =	vmov v13;
	s8 =	smov.u32 s10  }
0x71: {  	v9 =	vld [tilespmem:s8+$0x9C70];
	_ =	sdelay $0x1  }
0x72: {  	v4 =	vmul.f32 v7, v4  }
0x73: {  	v6 =	vmul.f32 v8, v6  }
0x74: {  	s9 =	smul.u32 $0x280, s24;
	[tilespmem:s8+$0x9C40] =	vst v4;
	v3 =	vmul.f32 v3, v5  }
0x75: {  	[tilespmem:s8+$0x9C50] =	vst v6;
	v2 =	vmul.f32 v2, v9  }
0x76: {  	s9 =	sshra.s32 s9, $0x2;
	[tilespmem:s8+$0x9C60] =	vst v3  }
0x77: {  	s10 =	sadd.s32 $0x4E20, s9;
	[tilespmem:s8+$0x9C70] =	vst v2  }
0x78: {  	[spmem:s2] =	stream.indirect.scatter.add.f32 [tilespmem:s21], [sflag:$0x5], $0x40, s10, s20, $0xb8;
	[tilespmem:$0x1AC40] =	vst v63  }
0x79: {  	p0 =	seq.s32 s24, $0x7C;
	_ =	swait.ge [sflag:s18], $0x1400  }
0x7a: {  	s3 =	sadd.s32 @!p0 $0xA0, s3;
	[sflag:s18] =	ssyncset.done $0x0  }
0x7b: {  	s9 =	simm.s32 @!p0 $0x9C40;
	s8 =	simm.s32 @!p0 $0x50;
	[sflag:s18] =	ssyncadd.s32 $0xFFFFEC00  }
0x7c: {  	[tilespmem:s9], [sflag:$0x1] =	stream.indirect.gather @!p0 [hbm4b:s5+s8], $0x40, s3, s8, $0xb8;
	[tilespmem:$0x1AC40] =	vst v63  }
0x7d: {  	s3 =	sadd.s32 @!p0 s4, s3  }
0x7e: {  	s3 =	sshll.u32 @!p0 s3, $0x7  }
0x7f: {  	s3 =	sor.u32 @!p0 s7, s3  }
0x80: {  	s10 =	simm.s32 @!p0 $0xC440;
	s3 =	sshrl.u32 @!p0 s3, $0x3  }
0x81: {  	s8 =	simm.s32 @!p0 $0x40;
	s9 =	simm.s32 @!p0 $0x80;
	s3 =	sadd.s32 @!p0 s6, s3  }
0x82: {  	[tilespmem:s10], [sflag:$0x3] =	stream.strided.gather @!p0 [hbm4b:s3+s8], $0x1400, s9, s8, $0x38;
	[tilespmem:$0x1AC40] =	vst v63  }
0x83: {  	_ =	swait.ge [sflag:s31], $0x1400  }
0x84: {  	[sflag:s31] =	ssyncset.done $0x0  }
0x85: {  	[sflag:s31] =	ssyncadd.s32 $0xFFFFEC00  }
0x86: {  	_ =	swait.ge [sflag:s0], $0x1400  }
0x87: {  	[sflag:s0] =	ssyncset.done $0x0  }
0x88: {  	s3 =	simm.s32 $0x0;
	[sflag:s0] =	ssyncadd.s32 $0xFFFFEC00  }
0x89: {  	v7 =	vld [tilespmem:s3+$0xD840]  }
0x8a: {  	v8 =	vld [tilespmem:s3+$0xD850]  }
0x8b: {  	v3 =	vld [tilespmem:s3+$0xD860]  }
0x8c: {  	v2 =	vld [tilespmem:s3+$0xD870]  }
0x8d: {  	v4 =	vld [tilespmem:s3+$0xB040]  }
0x8e: {  	v6 =	vld [tilespmem:s3+$0xB050]  }
0x8f: {  	s8 =	simm.s32 $0x100;
	v5 =	vld [tilespmem:s3+$0xB060]  }
.LBB2_9:
0x90: {  	s9 =	sshra.s32 s8, $0x2;
	p0 =	sne.s32 s8, $0x4F00;
	v9 =	vld [tilespmem:s3+$0xB070];
	v10 =	vmov v3  }
0x91: {  	v11 =	vld [tilespmem:s9+$0xD840];
	v12 =	vmov v2  }
0x92: {  	v13 =	vld [tilespmem:s9+$0xD850];
	v4 =	vmul.f32 v7, v4  }
.Ltmp3:
0x93: {  	v3 =	vld [tilespmem:s9+$0xD860];
	v6 =	vmul.f32 v8, v6;
	(pc) =	sbr.rel @p0 .LBB2_9-.Ltmp3, $4  }
0x94: {  	v2 =	vld [tilespmem:s9+$0xD870];
	[tilespmem:s3+$0xB040] =	vst v4;
	v5 =	vmul.f32 v10, v5  }
0x95: {  	v4 =	vld [tilespmem:s9+$0xB040];
	[tilespmem:s3+$0xB050] =	vst v6;
	v9 =	vmul.f32 v12, v9  }
0x96: {  	v6 =	vld [tilespmem:s9+$0xB050];
	[tilespmem:s3+$0xB060] =	vst v5;
	v7 =	vmov v11  }
0x97: {  	s8 =	sadd.s32 $0x100, s8;
	v5 =	vld [tilespmem:s9+$0xB060];
	[tilespmem:s3+$0xB070] =	vst v9;
	v8 =	vmov v13;
	s3 =	smov.u32 s9  }
0x98: {  	v9 =	vld [tilespmem:s3+$0xB070];
	_ =	sdelay $0x1  }
0x99: {  	v4 =	vmul.f32 v7, v4  }
0x9a: {  	v6 =	vmul.f32 v8, v6  }
0x9b: {  	[tilespmem:s3+$0xB040] =	vst v4;
	v3 =	vmul.f32 v3, v5  }
0x9c: {  	s24 =	sadd.s32 $0x1, s24;
	[tilespmem:s3+$0xB050] =	vst v6;
	v2 =	vmul.f32 v2, v9  }
0x9d: {  	p0 =	sne.s32 s24, $0x7D;
	[tilespmem:s3+$0xB060] =	vst v3  }
.Ltmp4:
0x9e: {  	s1 =	sadd.s32 $0x4E20, s1;
	[tilespmem:s3+$0xB070] =	vst v2;
	(pc) =	sbr.rel @p0 .LBB2_6-.Ltmp4, $4  }
0x9f: {  	[spmem:s2] =	stream.indirect.scatter.add.f32 [tilespmem:s26], [sflag:$0x5], $0x40, s1, s20, $0xb8;
	[tilespmem:$0x1AC40] =	vst v63  }
0xa0: {  	_ =	swait.ge [sflag:s18], $0x1400  }
0xa1: {  	[sflag:s18] =	ssyncset.done $0x0  }
0xa2: {  	[sflag:s18] =	ssyncadd.s32 $0xFFFFEC00  }
0xa3: {  	s1 =	stileid.u32;
	s19 =	sadd.s32 $0x1, s19  }
0xa4: {  	[bflag:$0x0] =	sbarrier.arrive $0xFFFF;
	s1 =	sshll.u32 s1, $0x6;
	p0 =	sne.s32 s19, s16  }
.Ltmp5:
0xa5: {  	s3 =	sshrl.u32 s11, $0x3;
	s1 =	sor.u32 $0x1C05, s1;
	(pc) =	sbr.rel @p0 .LBB2_1-.Ltmp5, $4  }
0xa6: {  	[hbm:s17], [sflag:s1] =	dma.local [spmem:s3], $0x1400  }
0xa7: {  	_ =	swait.ge [sflag:s18], $0x1400  }
0xa8: {  	[sflag:s18] =	ssyncset.done $0x0  }
0xa9: {  	[sflag:s18] =	ssyncadd.s32 $0xFFFFEC00  }
0xaa: {  	_ =	sfence.sel $0x180000  }
0xab: {  	[bflag:$0x0] =	sbarrier.arrive $0xFFFF  }
0xac: {  	_ =	strace $0x9000004A  }
0xad: {  	s0 =	stileid.u32;
	[bflag:$0x2] =	sbarrier.arrive $0xFFFF  }
0xae: {  	p0 =	sne.s32 s0, $0x0;
	s0 =	rddreg [dreg:$0x2]  }
0xaf: {  	s0 =	sadd.s32 @!p0 $0x100000, s0  }
0xb0: {  	[sflag:s0] =	ssyncadd.tile.s32 @!p0 $0x1;
	_ =	shalt  }
.Lfunc_end2:
_tile_overlayer_lowered:
.L_overlay_start_2:
0xb1: {  	(tag) =	ssettag $0x2  }
0xb2: {  	s0 =	rddreg [dreg:$0x0];
	s2 =	stileid.u32  }
0xb3: {  	s1 =	rddreg [dreg:$0x1];
	p0 =	sne.s32 s2, $0x0  }
0xb4: {  	s3 =	rddreg [dreg:$0x2];
	[bflag:$0x3] =	sbarrier.arrive $0xFFFF;
	s2 =	simm.s32 @!p0 $0x1C05  }
0xb5: {  	[timem:s3], [sflag:s2] =	dma.local @!p0 [hbm:s0], s1  }
0xb6: {  	s0 =	simm.s32 @!p0 $0x5  }
0xb7: {  	_ =	swait.ge @!p0 [sflag:s0], s1  }
0xb8: {  	s1 =	ssub.s32 @!p0 $0x0, s1;
	[sflag:s0] =	ssyncset.done @!p0 $0x0  }
0xb9: {  	[sflag:s0] =	ssyncadd.s32 @!p0 s1  }
0xba: {  	[bflag:$0x3] =	sbarrier.arrive $0xFFFF  }
0xbb: {  	_ =	shalt  }

// kernel: kernel.20.cloned.1.call-start
scs
__scs_entry_jumppad:
0x0: {  	(pc) =	sbr.rel $0x88, $3  }
0x1: {  	(tag) =	ssettag $0x0;
	lr =	simm.s32 $0x1  }
0x2: {  	[smem:$0x3F8E] =	sst lr;
	_ =	strace $0xD0000000  }
0x3: {  	_ = 	snop  }
0x4: {  	_ = 	snop  }
0x5: {  	_ = 	snop  }
0x6: {  	_ = 	snop  }
0x7: {  	_ = 	snop  }
__scs_overlays_trampoline_lowered:
0x8: {  	[smem:$0x3F9D] =	sst s0  }
0x9: {  	[smem:$0x3F9E] =	sst s1  }
0xa: {  	[smem:$0x3F9F] =	sst s2  }
0xb: {  	[smem:$0x3FA0] =	sst s3  }
0xc: {  	[smem:$0x3FA1] =	sst s4  }
0xd: {  	[smem:$0x3FA2] =	sst s5  }
0xe: {  	[smem:$0x3FA3] =	sst s6  }
0xf: {  	[smem:$0x3FA4] =	sst s7  }
0x10: {  	[smem:$0x3FA5] =	sst s8  }
0x11: {  	[smem:$0x3FA6] =	sst s9;
	s0 =	simm.s32 @!p0 $0x0  }
0x12: {  	s1 =	sld [smem:$0x3F8C];
	s0 =	simm.s32 @p0 $0x1  }
0x13: {  	[smem:$0x3FA7] =	sst s0;
	s0 =	simm.s32 @!p1 $0x0  }
0x14: {  	s2 =	sld [smem:$0x3F8B];
	s0 =	simm.s32 @p1 $0x1  }
0x15: {  	[smem:$0x3FA8] =	sst s0;
	s0 =	simm.s32 @!p2 $0x0  }
0x16: {  	s3 =	sld [smem:$0x3FDB];
	s0 =	simm.s32 @p2 $0x1  }
0x17: {  	s4 =	simm.s32 $0x1BF5;
	[smem:$0x3FAA] =	sst s0  }
0x18: {  	s0 =	sld [smem:$0x3F8D];
	_ =	swait.ge [sflag:s4], $0x0  }
0x19: {  	s7 =	sld [smem:$0x3F8E]  }
0x1a: {  	s8 =	sadd.s32 $0xFFFFE003, lr  }
0x1b: {  	s9 =	sadd.s32 $0xFFFFFEF7, lr;
	s5 =	simm.s32 $0xFFFFFFFF;
	p2 =	slt.u32 s8, $0xFFFFF086  }
0x1c: {  	p1 =	slt.u32 s9, $0xF7A;
	s5 =	simm.s32 @!p2 $0x0  }
0x1d: {  	s5 =	simm.s32 @p1 $0x1;
	p0 =	seq.s32 s7, s2  }
0x1e: {  	s7 =	smul.u32 @!p0 $0xF7A, s2;
	p2 =	seq.s32 @!p0 s5, $0x0  }
0x1f: {  	s9 =	smul.u32 $0xF7A, s1;
	s8 =	simm.s32 @!p0 $0x1BF5;
	p2 =	por !p2, p0  }
0x20: {  	[sflag:s8] =	ssyncset.s32 @!p0 $0xFFFFF086;
	s6 =	sadd.s32 @!p0 s3, s7;
	s7 =	simm.s32 @!p0 $0x108  }
0x21: {  	s3 =	sadd.s32 s3, s9;
	s6 =	sadd.s32 @!p0 $0x88, s6;
	s7 =	simm.s32 @p2 $0x1082  }
0x22: {  	[simem:s7], [sflag:s8] =	dma.local @!p0 [hbm:s6], $0xF7A  }
0x23: {  	s9 =	sor.u32 $0xD0000000, s2;
	s6 =	simm.s32 $0x108;
	_ =	swait.ge @!p0 [sflag:s8], $0x0  }
0x24: {  	s3 =	sadd.s32 $0x88, s3;
	s6 =	simm.s32 @!p1 $0x1082;
	[sflag:s4] =	ssyncset.s32 $0xFFFFF086  }
0x25: {  	[simem:s6], [sflag:s4] =	dma.local [hbm:s3], $0xF7A  }
0x26: {  	[smem:$0x3F8E] =	sst s1;
	(tag) =	ssettag s2;
	_ =	strace s9  }
0x27: {  	s1 =	sld [smem:$0x3F9E]  }
0x28: {  	s2 =	sld [smem:$0x3F9F]  }
0x29: {  	s4 =	sld [smem:$0x3FA1]  }
0x2a: {  	p0 =	seq.s32 s5, $0x0;
	s5 =	sld [smem:$0x3FA2]  }
0x2b: {  	s6 =	sld [smem:$0x3FA3]  }
0x2c: {  	s7 =	sld [smem:$0x3FA4]  }
0x2d: {  	s3 =	simm.s32 $0x108;
	s8 =	sld [smem:$0x3FA5]  }
0x2e: {  	s3 =	simm.s32 @!p0 $0x1082;
	s9 =	sld [smem:$0x3FA6]  }
0x2f: {  	lr =	sadd.s32 s0, s3;
	s0 =	sld [smem:$0x3F9D]  }
0x30: {  	s3 =	sld [smem:$0x3FA0]  }
0x31: {  	[smem:$0x3FA9] =	sst s10  }
0x32: {  	s10 =	sld [smem:$0x3FA7];
	_ =	sdelay $0x3  }
0x33: {  	p0 =	seq.s32 s10, $0x1;
	s10 =	sld [smem:$0x3FA9];
	_ =	sdelay $0x3  }
0x34: {  	[smem:$0x3FA9] =	sst s10  }
0x35: {  	s10 =	sld [smem:$0x3FA8];
	_ =	sdelay $0x3  }
0x36: {  	p1 =	seq.s32 s10, $0x1;
	s10 =	sld [smem:$0x3FA9];
	_ =	sdelay $0x3  }
0x37: {  	[smem:$0x3FA9] =	sst s10  }
0x38: {  	s10 =	sld [smem:$0x3FAA]  }
0x39: {  	_ = 	snop;
	(pc) =	sbr.ind lr, $3  }
0x3a: {  	_ = 	snop  }
0x3b: {  	_ = 	snop  }
0x3c: {  	p2 =	seq.s32 s10, $0x1;
	s10 =	sld [smem:$0x3FA9]  }
0x3d: {  	_ =	shalt  }
0x3e: {  	_ =	shalt  }
0x3f: {  	_ =	shalt  }
0x40: {  	_ =	shalt  }
0x41: {  	_ =	shalt  }
0x42: {  	_ =	shalt  }
0x43: {  	_ =	shalt  }
0x44: {  	_ =	shalt  }
0x45: {  	_ =	shalt  }
0x46: {  	_ =	shalt  }
0x47: {  	_ =	shalt  }
0x48: {  	_ =	shalt  }
0x49: {  	_ =	shalt  }
0x4a: {  	_ =	shalt  }
0x4b: {  	_ =	shalt  }
0x4c: {  	_ =	shalt  }
0x4d: {  	_ =	shalt  }
0x4e: {  	_ =	shalt  }
0x4f: {  	_ =	shalt  }
0x50: {  	_ =	shalt  }
0x51: {  	_ =	shalt  }
0x52: {  	_ =	shalt  }
0x53: {  	_ =	shalt  }
0x54: {  	_ =	shalt  }
0x55: {  	_ =	shalt  }
0x56: {  	_ =	shalt  }
0x57: {  	_ =	shalt  }
0x58: {  	_ =	shalt  }
0x59: {  	_ =	shalt  }
0x5a: {  	_ =	shalt  }
0x5b: {  	_ =	shalt  }
0x5c: {  	_ =	shalt  }
0x5d: {  	_ =	shalt  }
0x5e: {  	_ =	shalt  }
0x5f: {  	_ =	shalt  }
0x60: {  	_ =	shalt  }
0x61: {  	_ =	shalt  }
0x62: {  	_ =	shalt  }
0x63: {  	_ =	shalt  }
0x64: {  	_ =	shalt  }
0x65: {  	_ =	shalt  }
0x66: {  	_ =	shalt  }
0x67: {  	_ =	shalt  }
0x68: {  	_ =	shalt  }
0x69: {  	_ =	shalt  }
0x6a: {  	_ =	shalt  }
0x6b: {  	_ =	shalt  }
0x6c: {  	_ =	shalt  }
0x6d: {  	_ =	shalt  }
0x6e: {  	_ =	shalt  }
0x6f: {  	_ =	shalt  }
0x70: {  	_ =	shalt  }
0x71: {  	_ =	shalt  }
0x72: {  	_ =	shalt  }
0x73: {  	_ =	shalt  }
0x74: {  	_ =	shalt  }
0x75: {  	_ =	shalt  }
0x76: {  	_ =	shalt  }
0x77: {  	_ =	shalt  }
0x78: {  	_ =	shalt  }
0x79: {  	_ =	shalt  }
0x7a: {  	_ =	shalt  }
0x7b: {  	_ =	shalt  }
0x7c: {  	_ =	shalt  }
0x7d: {  	_ =	shalt  }
0x7e: {  	_ =	shalt  }
0x7f: {  	_ =	shalt  }
0x80: {  	_ =	shalt  }
0x81: {  	_ =	shalt  }
0x82: {  	_ =	shalt  }
0x83: {  	_ =	shalt  }
0x84: {  	_ =	shalt  }
0x85: {  	_ =	shalt  }
0x86: {  	_ =	shalt  }
0x87: {  	_ =	shalt  }
.Lfunc_end0:
.L_simem_size_0:
called_computation.2_lowered:
.L_overlay_start_0:
0x88: {  	s2 =	sld [smem:$0x3FD9]  }
0x89: {  	s3 =	sld [smem:$0x3FFE];
	_ =	sdelay $0x1  }
0x8a: {  	s1 =	srdreg.scid  }
0x8b: {  	s0 =	sand.u32 $0x1, s1  }
0x8c: {  	s16 =	sshll.u32 s0, $0xA;
	s2 =	sadd.s32 s3, s2  }
0x8d: {  	s2 =	sadd.s32 s2, s16  }
0x8e: {  	[smem:$0x3FB5] =	sst s2  }
0x8f: {  	_ = 	snop  }
0x90: {  	(tm) =	ssettm $0x1  }
0x91: {  	s17 =	sld [smem:$0x3FFB];
	_ =	sdelay $0x3  }
0x92: {  	_ =	strace s17  }
0x93: {  	s2 =	sld [smem:$0x3FFC];
	_ =	sdelay $0x3  }
0x94: {  	_ =	strace s2  }
0x95: {  	s2 =	sld [smem:$0x3FFD];
	_ =	sdelay $0x3  }
0x96: {  	_ =	strace s2  }
0x97: {  	_ =	strace $0x8FFFFFFF  }
0x98: {  	s18 =	sld [smem:$0x3FDB];
	_ =	sdelay $0x1  }
0x99: {  	s19 =	simm.s32 $_scs_section_size  }
0x9a: {  	s4 =	simm.s32 $_size__tile_overlayer_lowered;
	s5 =	simm.s32 $_tile_overlayer_lowered  }
0x9b: {  	s22 =	simm.s32 $0x1BFF;
	s21 =	sshll.u32 s5, $0x1;
	s2 =	sadd.s32 s19, s18  }
0x9c: {  	s6 =	simm.s32 $0x0;
	s20 =	sshll.u32 s4, $0x1;
	s4 =	sadd.s32 s21, s2  }
0x9d: {  	[timem:s6], [sflag:s22] =	dma.local [hbm:s4], s20  }
0x9e: {  	_ =	swait.ge [sflag:s22], s20  }
0x9f: {  	s3 =	ssub.s32 $0x0, s20;
	[sflag:s22] =	ssyncset.done $0x0  }
0xa0: {  	[sflag:s22] =	ssyncadd.s32 s3;
	_ =	sdelay $0x1  }
0xa1: {  	s23 =	simm.s32 $0x1B8B  }
0xa2: {  	_ =	swait.ge [sflag:s23], $0x1  }
0xa3: {  	[sflag:s23] =	ssyncset.done $0x0  }
0xa4: {  	s25 =	simm.s32 $0x1B8E;
	s24 =	sld [smem:$0x3FFE];
	[sflag:s23] =	ssyncadd.s32 $0xFFFFFFFF  }
0xa5: {  	s26 =	simm.s32 $execute0_lowered;
	[smem:$0x3FD2] =	sst s25  }
0xa6: {  	s4 =	sshll.u32 s26, $0x1;
	_ =	strace $0x8000004C;
	[dreg:$0x1] =	wrdreg $0xFFFFFFFF  }
0xa7: {  	s28 =	simm.s32 $_size_execute0_lowered;
	s2 =	sadd.s32 s2, s4;
	[dreg:$0x0] =	wrdreg $0x0  }
0xa8: {  	s4 =	sshll.u32 s28, $0x1;
	[dreg:$0x2] =	wrdreg s2  }
0xa9: {  	[dreg:$0x3] =	wrdreg s4  }
0xaa: {  	[dreg:$0x4] =	wrdreg $0xC0  }
0xab: {  	_ =	task [dreg:s6], $0x5FFFF  }
0xac: {  	[dreg:$0x1] =	wrdreg $0xFFFFFFFF  }
0xad: {  	[dreg:$0x0] =	wrdreg $0x60  }
0xae: {  	[dreg:$0x2] =	wrdreg s24  }
0xaf: {  	[dreg:$0x3] =	wrdreg $0x10C400  }
0xb0: {  	[dreg:$0x4] =	wrdreg $0x9  }
0xb1: {  	_ =	task.clear_ibuf [dreg:s6], $0x5FFFF;
	_ =	strace $0x9000004C  }
0xb2: {  	s29 =	simm.s32 $0x9;
	_ =	strace $0x8000004E  }
0xb3: {  	_ =	swait.ge [sflag:s29], $0x1  }
0xb4: {  	[sflag:s29] =	ssyncadd.s32 $0xFFFFFFFF  }
0xb5: {  	_ =	strace $0x9000004E  }
0xb6: {  	_ =	sfence  }
0xb7: {  	s30 =	sld [smem:$0x0];
	_ =	sdelay $0x2  }
0xb8: {  	s31 =	sshll.u32 s1, $0xD;
	s1 =	sshrl.u32 s1, $0x2  }
0xb9: {  	s3 =	sand.u32 $0x4000, s31;
	s1 =	sadd.s32 s1, s30  }
0xba: {  	s0 =	sor.u32 s3, s0;
	s1 =	sshll.u32 s1, $0x11  }
0xbb: {  	s0 =	sor.u32 s1, s0  }
0xbc: {  	s0 =	sadd.s32 $0x8F2B, s0  }
0xbd: {  	[sflag:s0] =	ssyncadd.remote.s32 $0x1  }
0xbe: {  	_ =	sfence.sel $0xFFFF  }
0xbf: {  	[dreg:$0x0] =	wrdreg $0xFFFFFFFF;
	(pc) =	sbr.abs _section_cstart, $3  }
0xc0: {  	[dreg:$0x1] =	wrdreg $0xFFFFFFFF  }
0xc1: {  	_ =	task.clear_ibuf [dreg:s6], $0x2FFFF;
	_ =	strace $0x9FFFFFFF  }
0xc2: {  	(tm) =	ssettm $0x7FFFFFFF  }
0xc3: {  	_ =	shalt  }
tec
execute0_lowered:
.L_overlay_start_1:
0x0: {  	(tag) =	ssettag $0x1  }
0x1: {  	s0 =	rddreg [dreg:$0x0]  }
0x2: {  	s2 =	rddreg [dreg:$0x1];
	s1 =	simm.s32 $0x0;
	s11 =	stileid.u32  }
0x3: {  	s23 =	srdreg.scid;
	s18 =	simm.s32 $0x5;
	s20 =	simm.s32 $0x50  }
0x4: {  	s21 =	simm.s32 $0x9C40;
	s22 =	simm.s32 $0x40;
	s28 =	simm.s32 $0xD840  }
0x5: {  	s29 =	simm.s32 $0x1;
	s30 =	simm.s32 $0x3;
	s4 =	smul.u32 $0x4E20, s11  }
0x6: {  	s31 =	simm.s32 $0x2;
	s19 =	simm.s32 $0x0;
	s9 =	smul.u32 $0x271000, s11  }
0x7: {  	[smem:$0x7FF] =	sst s1;
	s5 =	sadd.s32 $0x4DC00, s0;
	s15 =	smul.u32 $0xA000, s11  }
0x8: {  	s6 =	sadd.s32 $0x74E00, s0;
	s1 =	sand.u32 $0x1, s23;
	s12 =	smul.u32 $0x28000, s11  }
0x9: {  	s23 =	simm.s32 $0x80;
	_ =	strace $0x8000004D;
	s8 =	ssub.s32 $0x2, s1  }
0xa: {  	s7 =	sshll.u32 s1, $0x6;
	p0 =	seq.s32 s1, $0x1;
	s3 =	sshrl.u32 s4, $0x3  }
0xb: {  	s10 =	sshrl.u32 s8, $0x1;
	s9 =	sor.u32 s7, s9;
	s11 =	sadd.s32 s15, s2  }
0xc: {  	s26 =	sshrl.u32 s12, $0x2;
	s17 =	sshrl.u32 s15, $0x3;
	s3 =	sadd.s32 s3, s0  }
0xd: {  	s8 =	ssub.s32 s8, s10;
	s25 =	sshrl.u32 s9, $0x3;
	s24 =	sadd.s32 $0x10400, s3  }
0xe: {  	s9 =	simm.s32 $0x1A200;
	s3 =	sadd.s32 $0x6600, s3;
	[dreg:$0x3] =	wrdreg s24  }
0xf: {  	s9 =	simm.s32 @!p0 $0x2E200;
	s16 =	smax.u32 s8, $0x1;
	[dreg:$0x4] =	wrdreg s3  }
0x10: {  	s3 =	sadd.s32 s6, s25;
	s0 =	sadd.s32 s9, s0;
	s25 =	simm.s32 $0xEC40  }
0x11: {  	[dreg:$0x5] =	wrdreg s3;
	s3 =	sadd.s32 s26, s2;
	s17 =	sadd.s32 s0, s17  }
0x12: {  	s26 =	simm.s32 $0xB040;
	s0 =	simm.s32 $0x4;
	s12 =	sadd.s32 $0x2000, s3  }
0x13: {  	v1 =	vimm.f32 $0.0e+00;
	v0 =	vmov s1;
	s13 =	sadd.s32 $0x4000, s3;
	s14 =	sadd.s32 $0x6000, s3;
	s15 =	sadd.s32 $0x8000, s3  }
.LBB2_1:
0x14: {  	s1 =	simm.s32 $0x0;
	s3 =	rddreg [dreg:$0x3]  }
0x15: {  	[tilespmem:s1], [sflag:$0x5] =	stream.linear.gather [hbm4b:s3+s1], $0x4E20, $0x38;
	[tilespmem:$0x1AC40] =	vst v63  }
0x16: {  	_ =	swait.ge [sflag:s18], $0x4E20  }
0x17: {  	[sflag:s18] =	ssyncset.done $0x0  }
0x18: {  	s8 =	simm.s32 $0x4E20;
	s24 =	rddreg [dreg:$0x4];
	[sflag:s18] =	ssyncadd.s32 $0xFFFFB1E0  }
0x19: {  	[tilespmem:s8], [sflag:$0x5] =	stream.linear.gather [hbm4b:s24+s1], $0x4E20, $0x38;
	[tilespmem:$0x1AC40] =	vst v63  }
0x1a: {  	_ =	swait.ge [sflag:s18], $0x4E20  }
0x1b: {  	[sflag:s18] =	ssyncset.done $0x0  }
0x1c: {  	s1 =	simm.s32 $0x0;
	[sflag:s18] =	ssyncadd.s32 $0xFFFFB1E0  }
0x1d: {  	v4 =	vld [tilespmem:s1+$0x0]  }
0x1e: {  	v5 =	vld [tilespmem:s1+$0x10]  }
0x1f: {  	v3 =	vld [tilespmem:s1+$0x20]  }
0x20: {  	s3 =	simm.s32 $0x140;
	v2 =	vld [tilespmem:s1+$0x30]  }
.LBB2_2:
0x21: {  	p0 =	sne.s32 s3, $0x13740;
	v6 =	vld [tilespmem:s1+$0x40]  }
0x22: {  	v4 =	vshll.u32 v4, $0x1  }
0x23: {  	v4 =	vor.u32 v0, v4;
	v5 =	vshll.u32 v5, $0x1  }
.Ltmp0:
0x24: {  	s8 =	sshra.s32 s3, $0x2;
	[tilespmem:s1+$0x0] =	vst v4;
	v5 =	vor.u32 v0, v5;
	v3 =	vshll.u32 v3, $0x1;
	(pc) =	sbr.rel @p0 .LBB2_2-.Ltmp0, $4  }
0x25: {  	v4 =	vld [tilespmem:s8+$0x0];
	[tilespmem:s1+$0x10] =	vst v5;
	v3 =	vor.u32 v0, v3;
	v2 =	vshll.u32 v2, $0x1  }
0x26: {  	v5 =	vld [tilespmem:s8+$0x10];
	[tilespmem:s1+$0x20] =	vst v3;
	v2 =	vor.u32 v0, v2;
	v6 =	vshll.u32 v6, $0x1  }
0x27: {  	v3 =	vld [tilespmem:s8+$0x20];
	[tilespmem:s1+$0x30] =	vst v2;
	v6 =	vor.u32 v0, v6  }
0x28: {  	s3 =	sadd.s32 $0x140, s3;
	v2 =	vld [tilespmem:s8+$0x30];
	[tilespmem:s1+$0x40] =	vst v6;
	s1 =	smov.u32 s8  }
0x29: {  	v6 =	vld [tilespmem:s1+$0x40]  }
0x2a: {  	v4 =	vshll.u32 v4, $0x1  }
0x2b: {  	v4 =	vor.u32 v0, v4;
	v5 =	vshll.u32 v5, $0x1  }
0x2c: {  	[tilespmem:s1+$0x0] =	vst v4;
	v63 =	vor.u32 v0, v5;
	v3 =	vshll.u32 v3, $0x1  }
0x2d: {  	[tilespmem:s1+$0x10] =	vst v63;
	v3 =	vor.u32 v0, v3;
	v2 =	vshll.u32 v2, $0x1  }
0x2e: {  	[tilespmem:s1+$0x20] =	vst v3;
	v2 =	vor.u32 v0, v2;
	v3 =	vshll.u32 v6, $0x1  }
0x2f: {  	[tilespmem:s1+$0x30] =	vst v2;
	v2 =	vor.u32 v0, v3  }
0x30: {  	s10 =	simm.s32 $0x0;
	[tilespmem:s1+$0x40] =	vst v2  }
0x31: {  	[tilespmem:s21], [sflag:$0x1] =	stream.indirect.gather [hbm4b:s5+s20], $0x40, s10, s20, $0xb8;
	[tilespmem:$0x1AC40] =	vst v63  }
0x32: {  	s24 =	rddreg [dreg:$0x5];
	s3 =	simm.s32 $0xC440  }
0x33: {  	[tilespmem:s3], [sflag:$0x3] =	stream.strided.gather [hbm4b:s24+s22], $0x1400, s23, s22, $0x38;
	[tilespmem:$0x1AC40] =	vst v63  }
0x34: {  	s1 =	simm.s32 $0x0;
	s3 =	simm.s32 $0x100  }
.LBB2_4:
0x35: {  	p0 =	sne.s32 s3, $0x7F00;
	[tilespmem:s1+$0xEC70] =	vst v1;
	s8 =	smov.u32 s3;
	s3 =	sadd.s32 $0x100, s3  }
.Ltmp1:
0x36: {  	[tilespmem:s1+$0xEC60] =	vst v1;
	(pc) =	sbr.rel @p0 .LBB2_4-.Ltmp1, $3  }
0x37: {  	[tilespmem:s1+$0xEC40] =	vst v1  }
0x38: {  	[tilespmem:s1+$0xEC50] =	vst v1;
	_ =	sdelay $0x1  }
0x39: {  	s1 =	sshra.s32 s8, $0x2  }
0x3a: {  	[tilespmem:s1+$0xEC70] =	vst v1  }
0x3b: {  	[tilespmem:s1+$0xEC60] =	vst v1  }
0x3c: {  	[tilespmem:s1+$0xEC40] =	vst v1  }
0x3d: {  	[tilespmem:s1+$0xEC50] =	vst v1  }
0x3e: {  	[spmem:s11] =	stream.linear.scatter [tilespmem:s25], [sflag:$0x5], $0x2000, $0x38;
	[tilespmem:$0x1AC40] =	vst v63  }
0x3f: {  	_ =	swait.ge [sflag:s18], $0x2000  }
0x40: {  	[sflag:s18] =	ssyncset.done $0x0  }
0x41: {  	[sflag:s18] =	ssyncadd.s32 $0xFFFFE000  }
0x42: {  	[spmem:s12] =	stream.linear.scatter [tilespmem:s25], [sflag:$0x5], $0x2000, $0x38;
	[tilespmem:$0x1AC40] =	vst v63  }
0x43: {  	_ =	swait.ge [sflag:s18], $0x2000  }
0x44: {  	[sflag:s18] =	ssyncset.done $0x0  }
0x45: {  	[sflag:s18] =	ssyncadd.s32 $0xFFFFE000  }
0x46: {  	[spmem:s13] =	stream.linear.scatter [tilespmem:s25], [sflag:$0x5], $0x2000, $0x38;
	[tilespmem:$0x1AC40] =	vst v63  }
0x47: {  	_ =	swait.ge [sflag:s18], $0x2000  }
0x48: {  	[sflag:s18] =	ssyncset.done $0x0  }
0x49: {  	[sflag:s18] =	ssyncadd.s32 $0xFFFFE000  }
0x4a: {  	[spmem:s14] =	stream.linear.scatter [tilespmem:s25], [sflag:$0x5], $0x2000, $0x38;
	[tilespmem:$0x1AC40] =	vst v63  }
0x4b: {  	_ =	swait.ge [sflag:s18], $0x2000  }
0x4c: {  	[sflag:s18] =	ssyncset.done $0x0  }
0x4d: {  	[sflag:s18] =	ssyncadd.s32 $0xFFFFE000  }
0x4e: {  	[spmem:s15] =	stream.linear.scatter [tilespmem:s25], [sflag:$0x5], $0x2000, $0x38;
	[tilespmem:$0x1AC40] =	vst v63  }
0x4f: {  	_ =	swait.ge [sflag:s18], $0x2000  }
0x50: {  	[sflag:s18] =	ssyncset.done $0x0  }
0x51: {  	[sflag:s18] =	ssyncadd.s32 $0xFFFFE000  }
0x52: {  	s24 =	simm.s32 $0x0;
	[bflag:$0x0] =	sbarrier.arrive $0xFFFF  }
.LBB2_6:
0x53: {  	s3 =	smul.u32 $0xA0, s24;
	_ =	sdelay $0x1  }
0x54: {  	s1 =	sadd.s32 $0x50, s3  }
0x55: {  	[tilespmem:s26], [sflag:$0x2] =	stream.indirect.gather [hbm4b:s5+s20], $0x40, s1, s20, $0xb8;
	[tilespmem:$0x1AC40] =	vst v63  }
0x56: {  	s8 =	sadd.s32 s4, s1  }
0x57: {  	s8 =	sshll.u32 s8, $0x7  }
0x58: {  	s8 =	sor.u32 s7, s8  }
0x59: {  	s8 =	sshrl.u32 s8, $0x3  }
0x5a: {  	s8 =	sadd.s32 s6, s8  }
0x5b: {  	[tilespmem:s28], [sflag:$0x4] =	stream.strided.gather [hbm4b:s8+s22], $0x1400, s23, s22, $0x38;
	[tilespmem:$0x1AC40] =	vst v63  }
0x5c: {  	_ =	swait.ge [sflag:s29], $0x1400  }
0x5d: {  	[sflag:s29] =	ssyncset.done $0x0  }
0x5e: {  	[sflag:s29] =	ssyncadd.s32 $0xFFFFEC00  }
0x5f: {  	_ =	swait.ge [sflag:s30], $0x1400  }
0x60: {  	[sflag:s30] =	ssyncset.done $0x0  }
0x61: {  	s8 =	simm.s32 $0x0;
	[sflag:s30] =	ssyncadd.s32 $0xFFFFEC00  }
0x62: {  	v7 =	vld [tilespmem:s8+$0xC440]  }
0x63: {  	v8 =	vld [tilespmem:s8+$0xC450]  }
0x64: {  	v3 =	vld [tilespmem:s8+$0xC460]  }
0x65: {  	v2 =	vld [tilespmem:s8+$0xC470]  }
0x66: {  	v4 =	vld [tilespmem:s8+$0x9C40]  }
0x67: {  	v6 =	vld [tilespmem:s8+$0x9C50]  }
0x68: {  	s9 =	simm.s32 $0x100;
	v5 =	vld [tilespmem:s8+$0x9C60]  }
.LBB2_7:
0x69: {  	s10 =	sshra.s32 s9, $0x2;
	p0 =	sne.s32 s9, $0x4F00;
	v9 =	vld [tilespmem:s8+$0x9C70];
	v10 =	vmov v3  }
0x6a: {  	v11 =	vld [tilespmem:s10+$0xC440];
	v12 =	vmov v2  }
0x6b: {  	v13 =	vld [tilespmem:s10+$0xC450];
	v4 =	vmul.f32 v7, v4  }
.Ltmp2:
0x6c: {  	v3 =	vld [tilespmem:s10+$0xC460];
	v6 =	vmul.f32 v8, v6;
	(pc) =	sbr.rel @p0 .LBB2_7-.Ltmp2, $4  }
0x6d: {  	v2 =	vld [tilespmem:s10+$0xC470];
	[tilespmem:s8+$0x9C40] =	vst v4;
	v5 =	vmul.f32 v10, v5  }
0x6e: {  	v4 =	vld [tilespmem:s10+$0x9C40];
	[tilespmem:s8+$0x9C50] =	vst v6;
	v9 =	vmul.f32 v12, v9  }
0x6f: {  	v6 =	vld [tilespmem:s10+$0x9C50];
	[tilespmem:s8+$0x9C60] =	vst v5;
	v7 =	vmov v11  }
0x70: {  	s9 =	sadd.s32 $0x100, s9;
	v5 =	vld [tilespmem:s10+$0x9C60];
	[tilespmem:s8+$0x9C70] =	vst v9;
	v8 =	vmov v13;
	s8 =	smov.u32 s10  }
0x71: {  	v9 =	vld [tilespmem:s8+$0x9C70];
	_ =	sdelay $0x1  }
0x72: {  	v4 =	vmul.f32 v7, v4  }
0x73: {  	v6 =	vmul.f32 v8, v6  }
0x74: {  	s9 =	smul.u32 $0x280, s24;
	[tilespmem:s8+$0x9C40] =	vst v4;
	v3 =	vmul.f32 v3, v5  }
0x75: {  	[tilespmem:s8+$0x9C50] =	vst v6;
	v2 =	vmul.f32 v2, v9  }
0x76: {  	s9 =	sshra.s32 s9, $0x2;
	[tilespmem:s8+$0x9C60] =	vst v3  }
0x77: {  	s10 =	sadd.s32 $0x4E20, s9;
	[tilespmem:s8+$0x9C70] =	vst v2  }
0x78: {  	[spmem:s2] =	stream.indirect.scatter.add.f32 [tilespmem:s21], [sflag:$0x5], $0x40, s10, s20, $0xb8;
	[tilespmem:$0x1AC40] =	vst v63  }
0x79: {  	p0 =	seq.s32 s24, $0x7C;
	_ =	swait.ge [sflag:s18], $0x1400  }
0x7a: {  	s3 =	sadd.s32 @!p0 $0xA0, s3;
	[sflag:s18] =	ssyncset.done $0x0  }
0x7b: {  	s9 =	simm.s32 @!p0 $0x9C40;
	s8 =	simm.s32 @!p0 $0x50;
	[sflag:s18] =	ssyncadd.s32 $0xFFFFEC00  }
0x7c: {  	[tilespmem:s9], [sflag:$0x1] =	stream.indirect.gather @!p0 [hbm4b:s5+s8], $0x40, s3, s8, $0xb8;
	[tilespmem:$0x1AC40] =	vst v63  }
0x7d: {  	s3 =	sadd.s32 @!p0 s4, s3  }
0x7e: {  	s3 =	sshll.u32 @!p0 s3, $0x7  }
0x7f: {  	s3 =	sor.u32 @!p0 s7, s3  }
0x80: {  	s10 =	simm.s32 @!p0 $0xC440;
	s3 =	sshrl.u32 @!p0 s3, $0x3  }
0x81: {  	s8 =	simm.s32 @!p0 $0x40;
	s9 =	simm.s32 @!p0 $0x80;
	s3 =	sadd.s32 @!p0 s6, s3  }
0x82: {  	[tilespmem:s10], [sflag:$0x3] =	stream.strided.gather @!p0 [hbm4b:s3+s8], $0x1400, s9, s8, $0x38;
	[tilespmem:$0x1AC40] =	vst v63  }
0x83: {  	_ =	swait.ge [sflag:s31], $0x1400  }
0x84: {  	[sflag:s31] =	ssyncset.done $0x0  }
0x85: {  	[sflag:s31] =	ssyncadd.s32 $0xFFFFEC00  }
0x86: {  	_ =	swait.ge [sflag:s0], $0x1400  }
0x87: {  	[sflag:s0] =	ssyncset.done $0x0  }
0x88: {  	s3 =	simm.s32 $0x0;
	[sflag:s0] =	ssyncadd.s32 $0xFFFFEC00  }
0x89: {  	v7 =	vld [tilespmem:s3+$0xD840]  }
0x8a: {  	v8 =	vld [tilespmem:s3+$0xD850]  }
0x8b: {  	v3 =	vld [tilespmem:s3+$0xD860]  }
0x8c: {  	v2 =	vld [tilespmem:s3+$0xD870]  }
0x8d: {  	v4 =	vld [tilespmem:s3+$0xB040]  }
0x8e: {  	v6 =	vld [tilespmem:s3+$0xB050]  }
0x8f: {  	s8 =	simm.s32 $0x100;
	v5 =	vld [tilespmem:s3+$0xB060]  }
.LBB2_9:
0x90: {  	s9 =	sshra.s32 s8, $0x2;
	p0 =	sne.s32 s8, $0x4F00;
	v9 =	vld [tilespmem:s3+$0xB070];
	v10 =	vmov v3  }
0x91: {  	v11 =	vld [tilespmem:s9+$0xD840];
	v12 =	vmov v2  }
0x92: {  	v13 =	vld [tilespmem:s9+$0xD850];
	v4 =	vmul.f32 v7, v4  }
.Ltmp3:
0x93: {  	v3 =	vld [tilespmem:s9+$0xD860];
	v6 =	vmul.f32 v8, v6;
	(pc) =	sbr.rel @p0 .LBB2_9-.Ltmp3, $4  }
0x94: {  	v2 =	vld [tilespmem:s9+$0xD870];
	[tilespmem:s3+$0xB040] =	vst v4;
	v5 =	vmul.f32 v10, v5  }
0x95: {  	v4 =	vld [tilespmem:s9+$0xB040];
	[tilespmem:s3+$0xB050] =	vst v6;
	v9 =	vmul.f32 v12, v9  }
0x96: {  	v6 =	vld [tilespmem:s9+$0xB050];
	[tilespmem:s3+$0xB060] =	vst v5;
	v7 =	vmov v11  }
0x97: {  	s8 =	sadd.s32 $0x100, s8;
	v5 =	vld [tilespmem:s9+$0xB060];
	[tilespmem:s3+$0xB070] =	vst v9;
	v8 =	vmov v13;
	s3 =	smov.u32 s9  }
0x98: {  	v9 =	vld [tilespmem:s3+$0xB070];
	_ =	sdelay $0x1  }
0x99: {  	v4 =	vmul.f32 v7, v4  }
0x9a: {  	v6 =	vmul.f32 v8, v6  }
0x9b: {  	[tilespmem:s3+$0xB040] =	vst v4;
	v3 =	vmul.f32 v3, v5  }
0x9c: {  	s24 =	sadd.s32 $0x1, s24;
	[tilespmem:s3+$0xB050] =	vst v6;
	v2 =	vmul.f32 v2, v9  }
0x9d: {  	p0 =	sne.s32 s24, $0x7D;
	[tilespmem:s3+$0xB060] =	vst v3  }
.Ltmp4:
0x9e: {  	s1 =	sadd.s32 $0x4E20, s1;
	[tilespmem:s3+$0xB070] =	vst v2;
	(pc) =	sbr.rel @p0 .LBB2_6-.Ltmp4, $4  }
0x9f: {  	[spmem:s2] =	stream.indirect.scatter.add.f32 [tilespmem:s26], [sflag:$0x5], $0x40, s1, s20, $0xb8;
	[tilespmem:$0x1AC40] =	vst v63  }
0xa0: {  	_ =	swait.ge [sflag:s18], $0x1400  }
0xa1: {  	[sflag:s18] =	ssyncset.done $0x0  }
0xa2: {  	[sflag:s18] =	ssyncadd.s32 $0xFFFFEC00  }
0xa3: {  	s1 =	stileid.u32;
	s19 =	sadd.s32 $0x1, s19  }
0xa4: {  	[bflag:$0x0] =	sbarrier.arrive $0xFFFF;
	s1 =	sshll.u32 s1, $0x6;
	p0 =	sne.s32 s19, s16  }
.Ltmp5:
0xa5: {  	s3 =	sshrl.u32 s11, $0x3;
	s1 =	sor.u32 $0x1C05, s1;
	(pc) =	sbr.rel @p0 .LBB2_1-.Ltmp5, $4  }
0xa6: {  	[hbm:s17], [sflag:s1] =	dma.local [spmem:s3], $0x1400  }
0xa7: {  	_ =	swait.ge [sflag:s18], $0x1400  }
0xa8: {  	[sflag:s18] =	ssyncset.done $0x0  }
0xa9: {  	[sflag:s18] =	ssyncadd.s32 $0xFFFFEC00  }
0xaa: {  	_ =	sfence.sel $0x180000  }
0xab: {  	[bflag:$0x0] =	sbarrier.arrive $0xFFFF  }
0xac: {  	_ =	strace $0x9000004D  }
0xad: {  	s0 =	stileid.u32;
	[bflag:$0x2] =	sbarrier.arrive $0xFFFF  }
0xae: {  	p0 =	sne.s32 s0, $0x0;
	s0 =	rddreg [dreg:$0x2]  }
0xaf: {  	s0 =	sadd.s32 @!p0 $0x100000, s0  }
0xb0: {  	[sflag:s0] =	ssyncadd.tile.s32 @!p0 $0x1;
	_ =	shalt  }
.Lfunc_end2:
_tile_overlayer_lowered:
.L_overlay_start_2:
0xb1: {  	(tag) =	ssettag $0x2  }
0xb2: {  	s0 =	rddreg [dreg:$0x0];
	s2 =	stileid.u32  }
0xb3: {  	s1 =	rddreg [dreg:$0x1];
	p0 =	sne.s32 s2, $0x0  }
0xb4: {  	s3 =	rddreg [dreg:$0x2];
	[bflag:$0x3] =	sbarrier.arrive $0xFFFF;
	s2 =	simm.s32 @!p0 $0x1C05  }
0xb5: {  	[timem:s3], [sflag:s2] =	dma.local @!p0 [hbm:s0], s1  }
0xb6: {  	s0 =	simm.s32 @!p0 $0x5  }
0xb7: {  	_ =	swait.ge @!p0 [sflag:s0], s1  }
0xb8: {  	s1 =	ssub.s32 @!p0 $0x0, s1;
	[sflag:s0] =	ssyncset.done @!p0 $0x0  }
0xb9: {  	[sflag:s0] =	ssyncadd.s32 @!p0 s1  }
0xba: {  	[bflag:$0x3] =	sbarrier.arrive $0xFFFF  }
0xbb: {  	_ =	shalt  }

// kernel: kernel.23.cloned.1.call-start
scs
__scs_entry_jumppad:
0x0: {  	(pc) =	sbr.rel $0x88, $3  }
0x1: {  	(tag) =	ssettag $0x0;
	lr =	simm.s32 $0x1  }
0x2: {  	[smem:$0x3F8E] =	sst lr;
	_ =	strace $0xD0000000  }
0x3: {  	_ = 	snop  }
0x4: {  	_ = 	snop  }
0x5: {  	_ = 	snop  }
0x6: {  	_ = 	snop  }
0x7: {  	_ = 	snop  }
__scs_overlays_trampoline_lowered:
0x8: {  	[smem:$0x3F9D] =	sst s0  }
0x9: {  	[smem:$0x3F9E] =	sst s1  }
0xa: {  	[smem:$0x3F9F] =	sst s2  }
0xb: {  	[smem:$0x3FA0] =	sst s3  }
0xc: {  	[smem:$0x3FA1] =	sst s4  }
0xd: {  	[smem:$0x3FA2] =	sst s5  }
0xe: {  	[smem:$0x3FA3] =	sst s6  }
0xf: {  	[smem:$0x3FA4] =	sst s7  }
0x10: {  	[smem:$0x3FA5] =	sst s8  }
0x11: {  	[smem:$0x3FA6] =	sst s9;
	s0 =	simm.s32 @!p0 $0x0  }
0x12: {  	s1 =	sld [smem:$0x3F8C];
	s0 =	simm.s32 @p0 $0x1  }
0x13: {  	[smem:$0x3FA7] =	sst s0;
	s0 =	simm.s32 @!p1 $0x0  }
0x14: {  	s2 =	sld [smem:$0x3F8B];
	s0 =	simm.s32 @p1 $0x1  }
0x15: {  	[smem:$0x3FA8] =	sst s0;
	s0 =	simm.s32 @!p2 $0x0  }
0x16: {  	s3 =	sld [smem:$0x3FDB];
	s0 =	simm.s32 @p2 $0x1  }
0x17: {  	s4 =	simm.s32 $0x1BF5;
	[smem:$0x3FAA] =	sst s0  }
0x18: {  	s0 =	sld [smem:$0x3F8D];
	_ =	swait.ge [sflag:s4], $0x0  }
0x19: {  	s7 =	sld [smem:$0x3F8E]  }
0x1a: {  	s8 =	sadd.s32 $0xFFFFE003, lr  }
0x1b: {  	s9 =	sadd.s32 $0xFFFFFEF7, lr;
	s5 =	simm.s32 $0xFFFFFFFF;
	p2 =	slt.u32 s8, $0xFFFFF086  }
0x1c: {  	p1 =	slt.u32 s9, $0xF7A;
	s5 =	simm.s32 @!p2 $0x0  }
0x1d: {  	s5 =	simm.s32 @p1 $0x1;
	p0 =	seq.s32 s7, s2  }
0x1e: {  	s7 =	smul.u32 @!p0 $0xF7A, s2;
	p2 =	seq.s32 @!p0 s5, $0x0  }
0x1f: {  	s9 =	smul.u32 $0xF7A, s1;
	s8 =	simm.s32 @!p0 $0x1BF5;
	p2 =	por !p2, p0  }
0x20: {  	[sflag:s8] =	ssyncset.s32 @!p0 $0xFFFFF086;
	s6 =	sadd.s32 @!p0 s3, s7;
	s7 =	simm.s32 @!p0 $0x108  }
0x21: {  	s3 =	sadd.s32 s3, s9;
	s6 =	sadd.s32 @!p0 $0x88, s6;
	s7 =	simm.s32 @p2 $0x1082  }
0x22: {  	[simem:s7], [sflag:s8] =	dma.local @!p0 [hbm:s6], $0xF7A  }
0x23: {  	s9 =	sor.u32 $0xD0000000, s2;
	s6 =	simm.s32 $0x108;
	_ =	swait.ge @!p0 [sflag:s8], $0x0  }
0x24: {  	s3 =	sadd.s32 $0x88, s3;
	s6 =	simm.s32 @!p1 $0x1082;
	[sflag:s4] =	ssyncset.s32 $0xFFFFF086  }
0x25: {  	[simem:s6], [sflag:s4] =	dma.local [hbm:s3], $0xF7A  }
0x26: {  	[smem:$0x3F8E] =	sst s1;
	(tag) =	ssettag s2;
	_ =	strace s9  }
0x27: {  	s1 =	sld [smem:$0x3F9E]  }
0x28: {  	s2 =	sld [smem:$0x3F9F]  }
0x29: {  	s4 =	sld [smem:$0x3FA1]  }
0x2a: {  	p0 =	seq.s32 s5, $0x0;
	s5 =	sld [smem:$0x3FA2]  }
0x2b: {  	s6 =	sld [smem:$0x3FA3]  }
0x2c: {  	s7 =	sld [smem:$0x3FA4]  }
0x2d: {  	s3 =	simm.s32 $0x108;
	s8 =	sld [smem:$0x3FA5]  }
0x2e: {  	s3 =	simm.s32 @!p0 $0x1082;
	s9 =	sld [smem:$0x3FA6]  }
0x2f: {  	lr =	sadd.s32 s0, s3;
	s0 =	sld [smem:$0x3F9D]  }
0x30: {  	s3 =	sld [smem:$0x3FA0]  }
0x31: {  	[smem:$0x3FA9] =	sst s10  }
0x32: {  	s10 =	sld [smem:$0x3FA7];
	_ =	sdelay $0x3  }
0x33: {  	p0 =	seq.s32 s10, $0x1;
	s10 =	sld [smem:$0x3FA9];
	_ =	sdelay $0x3  }
0x34: {  	[smem:$0x3FA9] =	sst s10  }
0x35: {  	s10 =	sld [smem:$0x3FA8];
	_ =	sdelay $0x3  }
0x36: {  	p1 =	seq.s32 s10, $0x1;
	s10 =	sld [smem:$0x3FA9];
	_ =	sdelay $0x3  }
0x37: {  	[smem:$0x3FA9] =	sst s10  }
0x38: {  	s10 =	sld [smem:$0x3FAA]  }
0x39: {  	_ = 	snop;
	(pc) =	sbr.ind lr, $3  }
0x3a: {  	_ = 	snop  }
0x3b: {  	_ = 	snop  }
0x3c: {  	p2 =	seq.s32 s10, $0x1;
	s10 =	sld [smem:$0x3FA9]  }
0x3d: {  	_ =	shalt  }
0x3e: {  	_ =	shalt  }
0x3f: {  	_ =	shalt  }
0x40: {  	_ =	shalt  }
0x41: {  	_ =	shalt  }
0x42: {  	_ =	shalt  }
0x43: {  	_ =	shalt  }
0x44: {  	_ =	shalt  }
0x45: {  	_ =	shalt  }
0x46: {  	_ =	shalt  }
0x47: {  	_ =	shalt  }
0x48: {  	_ =	shalt  }
0x49: {  	_ =	shalt  }
0x4a: {  	_ =	shalt  }
0x4b: {  	_ =	shalt  }
0x4c: {  	_ =	shalt  }
0x4d: {  	_ =	shalt  }
0x4e: {  	_ =	shalt  }
0x4f: {  	_ =	shalt  }
0x50: {  	_ =	shalt  }
0x51: {  	_ =	shalt  }
0x52: {  	_ =	shalt  }
0x53: {  	_ =	shalt  }
0x54: {  	_ =	shalt  }
0x55: {  	_ =	shalt  }
0x56: {  	_ =	shalt  }
0x57: {  	_ =	shalt  }
0x58: {  	_ =	shalt  }
0x59: {  	_ =	shalt  }
0x5a: {  	_ =	shalt  }
0x5b: {  	_ =	shalt  }
0x5c: {  	_ =	shalt  }
0x5d: {  	_ =	shalt  }
0x5e: {  	_ =	shalt  }
0x5f: {  	_ =	shalt  }
0x60: {  	_ =	shalt  }
0x61: {  	_ =	shalt  }
0x62: {  	_ =	shalt  }
0x63: {  	_ =	shalt  }
0x64: {  	_ =	shalt  }
0x65: {  	_ =	shalt  }
0x66: {  	_ =	shalt  }
0x67: {  	_ =	shalt  }
0x68: {  	_ =	shalt  }
0x69: {  	_ =	shalt  }
0x6a: {  	_ =	shalt  }
0x6b: {  	_ =	shalt  }
0x6c: {  	_ =	shalt  }
0x6d: {  	_ =	shalt  }
0x6e: {  	_ =	shalt  }
0x6f: {  	_ =	shalt  }
0x70: {  	_ =	shalt  }
0x71: {  	_ =	shalt  }
0x72: {  	_ =	shalt  }
0x73: {  	_ =	shalt  }
0x74: {  	_ =	shalt  }
0x75: {  	_ =	shalt  }
0x76: {  	_ =	shalt  }
0x77: {  	_ =	shalt  }
0x78: {  	_ =	shalt  }
0x79: {  	_ =	shalt  }
0x7a: {  	_ =	shalt  }
0x7b: {  	_ =	shalt  }
0x7c: {  	_ =	shalt  }
0x7d: {  	_ =	shalt  }
0x7e: {  	_ =	shalt  }
0x7f: {  	_ =	shalt  }
0x80: {  	_ =	shalt  }
0x81: {  	_ =	shalt  }
0x82: {  	_ =	shalt  }
0x83: {  	_ =	shalt  }
0x84: {  	_ =	shalt  }
0x85: {  	_ =	shalt  }
0x86: {  	_ =	shalt  }
0x87: {  	_ =	shalt  }
.Lfunc_end0:
.L_simem_size_0:
called_computation.3_lowered:
.L_overlay_start_0:
0x88: {  	s2 =	sld [smem:$0x3FD9]  }
0x89: {  	s3 =	sld [smem:$0x3FFE];
	_ =	sdelay $0x1  }
0x8a: {  	s1 =	srdreg.scid  }
0x8b: {  	s0 =	sand.u32 $0x1, s1  }
0x8c: {  	s16 =	sshll.u32 s0, $0xA;
	s2 =	sadd.s32 s3, s2  }
0x8d: {  	s2 =	sadd.s32 s2, s16  }
0x8e: {  	[smem:$0x3FB5] =	sst s2  }
0x8f: {  	_ = 	snop  }
0x90: {  	(tm) =	ssettm $0x1  }
0x91: {  	s17 =	sld [smem:$0x3FFB];
	_ =	sdelay $0x3  }
0x92: {  	_ =	strace s17  }
0x93: {  	s2 =	sld [smem:$0x3FFC];
	_ =	sdelay $0x3  }
0x94: {  	_ =	strace s2  }
0x95: {  	s2 =	sld [smem:$0x3FFD];
	_ =	sdelay $0x3  }
0x96: {  	_ =	strace s2  }
0x97: {  	_ =	strace $0x8FFFFFFF  }
0x98: {  	s18 =	sld [smem:$0x3FDB];
	_ =	sdelay $0x1  }
0x99: {  	s19 =	simm.s32 $_scs_section_size  }
0x9a: {  	s4 =	simm.s32 $_size__tile_overlayer_lowered;
	s5 =	simm.s32 $_tile_overlayer_lowered  }
0x9b: {  	s22 =	simm.s32 $0x1BFF;
	s21 =	sshll.u32 s5, $0x1;
	s2 =	sadd.s32 s19, s18  }
0x9c: {  	s6 =	simm.s32 $0x0;
	s20 =	sshll.u32 s4, $0x1;
	s4 =	sadd.s32 s21, s2  }
0x9d: {  	[timem:s6], [sflag:s22] =	dma.local [hbm:s4], s20  }
0x9e: {  	_ =	swait.ge [sflag:s22], s20  }
0x9f: {  	s3 =	ssub.s32 $0x0, s20;
	[sflag:s22] =	ssyncset.done $0x0  }
0xa0: {  	[sflag:s22] =	ssyncadd.s32 s3;
	_ =	sdelay $0x1  }
0xa1: {  	s23 =	simm.s32 $0x1B8B  }
0xa2: {  	_ =	swait.ge [sflag:s23], $0x1  }
0xa3: {  	[sflag:s23] =	ssyncset.done $0x0  }
0xa4: {  	s25 =	simm.s32 $0x1B8E;
	s24 =	sld [smem:$0x3FFE];
	[sflag:s23] =	ssyncadd.s32 $0xFFFFFFFF  }
0xa5: {  	s26 =	simm.s32 $execute0_lowered;
	[smem:$0x3FD2] =	sst s25  }
0xa6: {  	s4 =	sshll.u32 s26, $0x1;
	_ =	strace $0x8000004F;
	[dreg:$0x1] =	wrdreg $0xFFFFFFFF  }
0xa7: {  	s28 =	simm.s32 $_size_execute0_lowered;
	s2 =	sadd.s32 s2, s4;
	[dreg:$0x0] =	wrdreg $0x0  }
0xa8: {  	s4 =	sshll.u32 s28, $0x1;
	[dreg:$0x2] =	wrdreg s2  }
0xa9: {  	[dreg:$0x3] =	wrdreg s4  }
0xaa: {  	[dreg:$0x4] =	wrdreg $0xC0  }
0xab: {  	_ =	task [dreg:s6], $0x5FFFF  }
0xac: {  	[dreg:$0x1] =	wrdreg $0xFFFFFFFF  }
0xad: {  	[dreg:$0x0] =	wrdreg $0x60  }
0xae: {  	[dreg:$0x2] =	wrdreg s24  }
0xaf: {  	[dreg:$0x3] =	wrdreg $0x10C400  }
0xb0: {  	[dreg:$0x4] =	wrdreg $0x9  }
0xb1: {  	_ =	task.clear_ibuf [dreg:s6], $0x5FFFF;
	_ =	strace $0x9000004F  }
0xb2: {  	s29 =	simm.s32 $0x9;
	_ =	strace $0x80000051  }
0xb3: {  	_ =	swait.ge [sflag:s29], $0x1  }
0xb4: {  	[sflag:s29] =	ssyncadd.s32 $0xFFFFFFFF  }
0xb5: {  	_ =	strace $0x90000051  }
0xb6: {  	_ =	sfence  }
0xb7: {  	s30 =	sld [smem:$0x0];
	_ =	sdelay $0x2  }
0xb8: {  	s31 =	sshll.u32 s1, $0xD;
	s1 =	sshrl.u32 s1, $0x2  }
0xb9: {  	s3 =	sand.u32 $0x4000, s31;
	s1 =	sadd.s32 s1, s30  }
0xba: {  	s0 =	sor.u32 s3, s0;
	s1 =	sshll.u32 s1, $0x11  }
0xbb: {  	s0 =	sor.u32 s1, s0  }
0xbc: {  	s0 =	sadd.s32 $0x8F2B, s0  }
0xbd: {  	[sflag:s0] =	ssyncadd.remote.s32 $0x1  }
0xbe: {  	_ =	sfence.sel $0xFFFF  }
0xbf: {  	[dreg:$0x0] =	wrdreg $0xFFFFFFFF;
	(pc) =	sbr.abs _section_cstart, $3  }
0xc0: {  	[dreg:$0x1] =	wrdreg $0xFFFFFFFF  }
0xc1: {  	_ =	task.clear_ibuf [dreg:s6], $0x2FFFF;
	_ =	strace $0x9FFFFFFF  }
0xc2: {  	(tm) =	ssettm $0x7FFFFFFF  }
0xc3: {  	_ =	shalt  }
tec
execute0_lowered:
.L_overlay_start_1:
0x0: {  	(tag) =	ssettag $0x1  }
0x1: {  	s0 =	rddreg [dreg:$0x0]  }
0x2: {  	s2 =	rddreg [dreg:$0x1];
	s1 =	simm.s32 $0x0;
	s11 =	stileid.u32  }
0x3: {  	s23 =	srdreg.scid;
	s18 =	simm.s32 $0x5;
	s20 =	simm.s32 $0x50  }
0x4: {  	s21 =	simm.s32 $0x9C40;
	s22 =	simm.s32 $0x40;
	s28 =	simm.s32 $0xD840  }
0x5: {  	s29 =	simm.s32 $0x1;
	s30 =	simm.s32 $0x3;
	s4 =	smul.u32 $0x4E20, s11  }
0x6: {  	s31 =	simm.s32 $0x2;
	s19 =	simm.s32 $0x0;
	s9 =	smul.u32 $0x271000, s11  }
0x7: {  	[smem:$0x7FF] =	sst s1;
	s5 =	sadd.s32 $0x1A200, s0;
	s15 =	smul.u32 $0xA000, s11  }
0x8: {  	s6 =	sadd.s32 $0x74E00, s0;
	s1 =	sand.u32 $0x1, s23;
	s12 =	smul.u32 $0x28000, s11  }
0x9: {  	s23 =	simm.s32 $0x80;
	_ =	strace $0x80000050;
	s8 =	ssub.s32 $0x2, s1  }
0xa: {  	s7 =	sshll.u32 s1, $0x6;
	p0 =	seq.s32 s1, $0x1;
	s3 =	sshrl.u32 s4, $0x3  }
0xb: {  	s10 =	sshrl.u32 s8, $0x1;
	s9 =	sor.u32 s7, s9;
	s11 =	sadd.s32 s15, s2  }
0xc: {  	s26 =	sshrl.u32 s12, $0x2;
	s17 =	sshrl.u32 s15, $0x3;
	s3 =	sadd.s32 s3, s0  }
0xd: {  	s8 =	ssub.s32 s8, s10;
	s25 =	sshrl.u32 s9, $0x3;
	s24 =	sadd.s32 $0x10400, s3  }
0xe: {  	s9 =	simm.s32 $0x41400;
	s3 =	sadd.s32 $0x6600, s3;
	[dreg:$0x3] =	wrdreg s24  }
0xf: {  	s9 =	simm.s32 @!p0 $0x55400;
	s16 =	smax.u32 s8, $0x1;
	[dreg:$0x4] =	wrdreg s3  }
0x10: {  	s3 =	sadd.s32 s6, s25;
	s0 =	sadd.s32 s9, s0;
	s25 =	simm.s32 $0xEC40  }
0x11: {  	[dreg:$0x5] =	wrdreg s3;
	s3 =	sadd.s32 s26, s2;
	s17 =	sadd.s32 s0, s17  }
0x12: {  	s26 =	simm.s32 $0xB040;
	s0 =	simm.s32 $0x4;
	s12 =	sadd.s32 $0x2000, s3  }
0x13: {  	v1 =	vimm.f32 $0.0e+00;
	v0 =	vmov s1;
	s13 =	sadd.s32 $0x4000, s3;
	s14 =	sadd.s32 $0x6000, s3;
	s15 =	sadd.s32 $0x8000, s3  }
.LBB2_1:
0x14: {  	s1 =	simm.s32 $0x0;
	s3 =	rddreg [dreg:$0x3]  }
0x15: {  	[tilespmem:s1], [sflag:$0x5] =	stream.linear.gather [hbm4b:s3+s1], $0x4E20, $0x38;
	[tilespmem:$0x1AC40] =	vst v63  }
0x16: {  	_ =	swait.ge [sflag:s18], $0x4E20  }
0x17: {  	[sflag:s18] =	ssyncset.done $0x0  }
0x18: {  	s8 =	simm.s32 $0x4E20;
	s24 =	rddreg [dreg:$0x4];
	[sflag:s18] =	ssyncadd.s32 $0xFFFFB1E0  }
0x19: {  	[tilespmem:s8], [sflag:$0x5] =	stream.linear.gather [hbm4b:s24+s1], $0x4E20, $0x38;
	[tilespmem:$0x1AC40] =	vst v63  }
0x1a: {  	_ =	swait.ge [sflag:s18], $0x4E20  }
0x1b: {  	[sflag:s18] =	ssyncset.done $0x0  }
0x1c: {  	s1 =	simm.s32 $0x0;
	[sflag:s18] =	ssyncadd.s32 $0xFFFFB1E0  }
0x1d: {  	v4 =	vld [tilespmem:s1+$0x0]  }
0x1e: {  	v5 =	vld [tilespmem:s1+$0x10]  }
0x1f: {  	v3 =	vld [tilespmem:s1+$0x20]  }
0x20: {  	s3 =	simm.s32 $0x140;
	v2 =	vld [tilespmem:s1+$0x30]  }
.LBB2_2:
0x21: {  	p0 =	sne.s32 s3, $0x13740;
	v6 =	vld [tilespmem:s1+$0x40]  }
0x22: {  	v4 =	vshll.u32 v4, $0x1  }
0x23: {  	v4 =	vor.u32 v0, v4;
	v5 =	vshll.u32 v5, $0x1  }
.Ltmp0:
0x24: {  	s8 =	sshra.s32 s3, $0x2;
	[tilespmem:s1+$0x0] =	vst v4;
	v5 =	vor.u32 v0, v5;
	v3 =	vshll.u32 v3, $0x1;
	(pc) =	sbr.rel @p0 .LBB2_2-.Ltmp0, $4  }
0x25: {  	v4 =	vld [tilespmem:s8+$0x0];
	[tilespmem:s1+$0x10] =	vst v5;
	v3 =	vor.u32 v0, v3;
	v2 =	vshll.u32 v2, $0x1  }
0x26: {  	v5 =	vld [tilespmem:s8+$0x10];
	[tilespmem:s1+$0x20] =	vst v3;
	v2 =	vor.u32 v0, v2;
	v6 =	vshll.u32 v6, $0x1  }
0x27: {  	v3 =	vld [tilespmem:s8+$0x20];
	[tilespmem:s1+$0x30] =	vst v2;
	v6 =	vor.u32 v0, v6  }
0x28: {  	s3 =	sadd.s32 $0x140, s3;
	v2 =	vld [tilespmem:s8+$0x30];
	[tilespmem:s1+$0x40] =	vst v6;
	s1 =	smov.u32 s8  }
0x29: {  	v6 =	vld [tilespmem:s1+$0x40]  }
0x2a: {  	v4 =	vshll.u32 v4, $0x1  }
0x2b: {  	v4 =	vor.u32 v0, v4;
	v5 =	vshll.u32 v5, $0x1  }
0x2c: {  	[tilespmem:s1+$0x0] =	vst v4;
	v63 =	vor.u32 v0, v5;
	v3 =	vshll.u32 v3, $0x1  }
0x2d: {  	[tilespmem:s1+$0x10] =	vst v63;
	v3 =	vor.u32 v0, v3;
	v2 =	vshll.u32 v2, $0x1  }
0x2e: {  	[tilespmem:s1+$0x20] =	vst v3;
	v2 =	vor.u32 v0, v2;
	v3 =	vshll.u32 v6, $0x1  }
0x2f: {  	[tilespmem:s1+$0x30] =	vst v2;
	v2 =	vor.u32 v0, v3  }
0x30: {  	s10 =	simm.s32 $0x0;
	[tilespmem:s1+$0x40] =	vst v2  }
0x31: {  	[tilespmem:s21], [sflag:$0x1] =	stream.indirect.gather [hbm4b:s5+s20], $0x40, s10, s20, $0xb8;
	[tilespmem:$0x1AC40] =	vst v63  }
0x32: {  	s24 =	rddreg [dreg:$0x5];
	s3 =	simm.s32 $0xC440  }
0x33: {  	[tilespmem:s3], [sflag:$0x3] =	stream.strided.gather [hbm4b:s24+s22], $0x1400, s23, s22, $0x38;
	[tilespmem:$0x1AC40] =	vst v63  }
0x34: {  	s1 =	simm.s32 $0x0;
	s3 =	simm.s32 $0x100  }
.LBB2_4:
0x35: {  	p0 =	sne.s32 s3, $0x7F00;
	[tilespmem:s1+$0xEC70] =	vst v1;
	s8 =	smov.u32 s3;
	s3 =	sadd.s32 $0x100, s3  }
.Ltmp1:
0x36: {  	[tilespmem:s1+$0xEC60] =	vst v1;
	(pc) =	sbr.rel @p0 .LBB2_4-.Ltmp1, $3  }
0x37: {  	[tilespmem:s1+$0xEC40] =	vst v1  }
0x38: {  	[tilespmem:s1+$0xEC50] =	vst v1;
	_ =	sdelay $0x1  }
0x39: {  	s1 =	sshra.s32 s8, $0x2  }
0x3a: {  	[tilespmem:s1+$0xEC70] =	vst v1  }
0x3b: {  	[tilespmem:s1+$0xEC60] =	vst v1  }
0x3c: {  	[tilespmem:s1+$0xEC40] =	vst v1  }
0x3d: {  	[tilespmem:s1+$0xEC50] =	vst v1  }
0x3e: {  	[spmem:s11] =	stream.linear.scatter [tilespmem:s25], [sflag:$0x5], $0x2000, $0x38;
	[tilespmem:$0x1AC40] =	vst v63  }
0x3f: {  	_ =	swait.ge [sflag:s18], $0x2000  }
0x40: {  	[sflag:s18] =	ssyncset.done $0x0  }
0x41: {  	[sflag:s18] =	ssyncadd.s32 $0xFFFFE000  }
0x42: {  	[spmem:s12] =	stream.linear.scatter [tilespmem:s25], [sflag:$0x5], $0x2000, $0x38;
	[tilespmem:$0x1AC40] =	vst v63  }
0x43: {  	_ =	swait.ge [sflag:s18], $0x2000  }
0x44: {  	[sflag:s18] =	ssyncset.done $0x0  }
0x45: {  	[sflag:s18] =	ssyncadd.s32 $0xFFFFE000  }
0x46: {  	[spmem:s13] =	stream.linear.scatter [tilespmem:s25], [sflag:$0x5], $0x2000, $0x38;
	[tilespmem:$0x1AC40] =	vst v63  }
0x47: {  	_ =	swait.ge [sflag:s18], $0x2000  }
0x48: {  	[sflag:s18] =	ssyncset.done $0x0  }
0x49: {  	[sflag:s18] =	ssyncadd.s32 $0xFFFFE000  }
0x4a: {  	[spmem:s14] =	stream.linear.scatter [tilespmem:s25], [sflag:$0x5], $0x2000, $0x38;
	[tilespmem:$0x1AC40] =	vst v63  }
0x4b: {  	_ =	swait.ge [sflag:s18], $0x2000  }
0x4c: {  	[sflag:s18] =	ssyncset.done $0x0  }
0x4d: {  	[sflag:s18] =	ssyncadd.s32 $0xFFFFE000  }
0x4e: {  	[spmem:s15] =	stream.linear.scatter [tilespmem:s25], [sflag:$0x5], $0x2000, $0x38;
	[tilespmem:$0x1AC40] =	vst v63  }
0x4f: {  	_ =	swait.ge [sflag:s18], $0x2000  }
0x50: {  	[sflag:s18] =	ssyncset.done $0x0  }
0x51: {  	[sflag:s18] =	ssyncadd.s32 $0xFFFFE000  }
0x52: {  	s24 =	simm.s32 $0x0;
	[bflag:$0x0] =	sbarrier.arrive $0xFFFF  }
.LBB2_6:
0x53: {  	s3 =	smul.u32 $0xA0, s24;
	_ =	sdelay $0x1  }
0x54: {  	s1 =	sadd.s32 $0x50, s3  }
0x55: {  	[tilespmem:s26], [sflag:$0x2] =	stream.indirect.gather [hbm4b:s5+s20], $0x40, s1, s20, $0xb8;
	[tilespmem:$0x1AC40] =	vst v63  }
0x56: {  	s8 =	sadd.s32 s4, s1  }
0x57: {  	s8 =	sshll.u32 s8, $0x7  }
0x58: {  	s8 =	sor.u32 s7, s8  }
0x59: {  	s8 =	sshrl.u32 s8, $0x3  }
0x5a: {  	s8 =	sadd.s32 s6, s8  }
0x5b: {  	[tilespmem:s28], [sflag:$0x4] =	stream.strided.gather [hbm4b:s8+s22], $0x1400, s23, s22, $0x38;
	[tilespmem:$0x1AC40] =	vst v63  }
0x5c: {  	_ =	swait.ge [sflag:s29], $0x1400  }
0x5d: {  	[sflag:s29] =	ssyncset.done $0x0  }
0x5e: {  	[sflag:s29] =	ssyncadd.s32 $0xFFFFEC00  }
0x5f: {  	_ =	swait.ge [sflag:s30], $0x1400  }
0x60: {  	[sflag:s30] =	ssyncset.done $0x0  }
0x61: {  	s8 =	simm.s32 $0x0;
	[sflag:s30] =	ssyncadd.s32 $0xFFFFEC00  }
0x62: {  	v7 =	vld [tilespmem:s8+$0xC440]  }
0x63: {  	v8 =	vld [tilespmem:s8+$0xC450]  }
0x64: {  	v3 =	vld [tilespmem:s8+$0xC460]  }
0x65: {  	v2 =	vld [tilespmem:s8+$0xC470]  }
0x66: {  	v4 =	vld [tilespmem:s8+$0x9C40]  }
0x67: {  	v6 =	vld [tilespmem:s8+$0x9C50]  }
0x68: {  	s9 =	simm.s32 $0x100;
	v5 =	vld [tilespmem:s8+$0x9C60]  }
.LBB2_7:
0x69: {  	s10 =	sshra.s32 s9, $0x2;
	p0 =	sne.s32 s9, $0x4F00;
	v9 =	vld [tilespmem:s8+$0x9C70];
	v10 =	vmov v3  }
0x6a: {  	v11 =	vld [tilespmem:s10+$0xC440];
	v12 =	vmov v2  }
0x6b: {  	v13 =	vld [tilespmem:s10+$0xC450];
	v4 =	vmul.f32 v7, v4  }
.Ltmp2:
0x6c: {  	v3 =	vld [tilespmem:s10+$0xC460];
	v6 =	vmul.f32 v8, v6;
	(pc) =	sbr.rel @p0 .LBB2_7-.Ltmp2, $4  }
0x6d: {  	v2 =	vld [tilespmem:s10+$0xC470];
	[tilespmem:s8+$0x9C40] =	vst v4;
	v5 =	vmul.f32 v10, v5  }
0x6e: {  	v4 =	vld [tilespmem:s10+$0x9C40];
	[tilespmem:s8+$0x9C50] =	vst v6;
	v9 =	vmul.f32 v12, v9  }
0x6f: {  	v6 =	vld [tilespmem:s10+$0x9C50];
	[tilespmem:s8+$0x9C60] =	vst v5;
	v7 =	vmov v11  }
0x70: {  	s9 =	sadd.s32 $0x100, s9;
	v5 =	vld [tilespmem:s10+$0x9C60];
	[tilespmem:s8+$0x9C70] =	vst v9;
	v8 =	vmov v13;
	s8 =	smov.u32 s10  }
0x71: {  	v9 =	vld [tilespmem:s8+$0x9C70];
	_ =	sdelay $0x1  }
0x72: {  	v4 =	vmul.f32 v7, v4  }
0x73: {  	v6 =	vmul.f32 v8, v6  }
0x74: {  	s9 =	smul.u32 $0x280, s24;
	[tilespmem:s8+$0x9C40] =	vst v4;
	v3 =	vmul.f32 v3, v5  }
0x75: {  	[tilespmem:s8+$0x9C50] =	vst v6;
	v2 =	vmul.f32 v2, v9  }
0x76: {  	s9 =	sshra.s32 s9, $0x2;
	[tilespmem:s8+$0x9C60] =	vst v3  }
0x77: {  	s10 =	sadd.s32 $0x4E20, s9;
	[tilespmem:s8+$0x9C70] =	vst v2  }
0x78: {  	[spmem:s2] =	stream.indirect.scatter.add.f32 [tilespmem:s21], [sflag:$0x5], $0x40, s10, s20, $0xb8;
	[tilespmem:$0x1AC40] =	vst v63  }
0x79: {  	p0 =	seq.s32 s24, $0x7C;
	_ =	swait.ge [sflag:s18], $0x1400  }
0x7a: {  	s3 =	sadd.s32 @!p0 $0xA0, s3;
	[sflag:s18] =	ssyncset.done $0x0  }
0x7b: {  	s9 =	simm.s32 @!p0 $0x9C40;
	s8 =	simm.s32 @!p0 $0x50;
	[sflag:s18] =	ssyncadd.s32 $0xFFFFEC00  }
0x7c: {  	[tilespmem:s9], [sflag:$0x1] =	stream.indirect.gather @!p0 [hbm4b:s5+s8], $0x40, s3, s8, $0xb8;
	[tilespmem:$0x1AC40] =	vst v63  }
0x7d: {  	s3 =	sadd.s32 @!p0 s4, s3  }
0x7e: {  	s3 =	sshll.u32 @!p0 s3, $0x7  }
0x7f: {  	s3 =	sor.u32 @!p0 s7, s3  }
0x80: {  	s10 =	simm.s32 @!p0 $0xC440;
	s3 =	sshrl.u32 @!p0 s3, $0x3  }
0x81: {  	s8 =	simm.s32 @!p0 $0x40;
	s9 =	simm.s32 @!p0 $0x80;
	s3 =	sadd.s32 @!p0 s6, s3  }
0x82: {  	[tilespmem:s10], [sflag:$0x3] =	stream.strided.gather @!p0 [hbm4b:s3+s8], $0x1400, s9, s8, $0x38;
	[tilespmem:$0x1AC40] =	vst v63  }
0x83: {  	_ =	swait.ge [sflag:s31], $0x1400  }
0x84: {  	[sflag:s31] =	ssyncset.done $0x0  }
0x85: {  	[sflag:s31] =	ssyncadd.s32 $0xFFFFEC00  }
0x86: {  	_ =	swait.ge [sflag:s0], $0x1400  }
0x87: {  	[sflag:s0] =	ssyncset.done $0x0  }
0x88: {  	s3 =	simm.s32 $0x0;
	[sflag:s0] =	ssyncadd.s32 $0xFFFFEC00  }
0x89: {  	v7 =	vld [tilespmem:s3+$0xD840]  }
0x8a: {  	v8 =	vld [tilespmem:s3+$0xD850]  }
0x8b: {  	v3 =	vld [tilespmem:s3+$0xD860]  }
0x8c: {  	v2 =	vld [tilespmem:s3+$0xD870]  }
0x8d: {  	v4 =	vld [tilespmem:s3+$0xB040]  }
0x8e: {  	v6 =	vld [tilespmem:s3+$0xB050]  }
0x8f: {  	s8 =	simm.s32 $0x100;
	v5 =	vld [tilespmem:s3+$0xB060]  }
.LBB2_9:
0x90: {  	s9 =	sshra.s32 s8, $0x2;
	p0 =	sne.s32 s8, $0x4F00;
	v9 =	vld [tilespmem:s3+$0xB070];
	v10 =	vmov v3  }
0x91: {  	v11 =	vld [tilespmem:s9+$0xD840];
	v12 =	vmov v2  }
0x92: {  	v13 =	vld [tilespmem:s9+$0xD850];
	v4 =	vmul.f32 v7, v4  }
.Ltmp3:
0x93: {  	v3 =	vld [tilespmem:s9+$0xD860];
	v6 =	vmul.f32 v8, v6;
	(pc) =	sbr.rel @p0 .LBB2_9-.Ltmp3, $4  }
0x94: {  	v2 =	vld [tilespmem:s9+$0xD870];
	[tilespmem:s3+$0xB040] =	vst v4;
	v5 =	vmul.f32 v10, v5  }
0x95: {  	v4 =	vld [tilespmem:s9+$0xB040];
	[tilespmem:s3+$0xB050] =	vst v6;
	v9 =	vmul.f32 v12, v9  }
0x96: {  	v6 =	vld [tilespmem:s9+$0xB050];
	[tilespmem:s3+$0xB060] =	vst v5;
	v7 =	vmov v11  }
0x97: {  	s8 =	sadd.s32 $0x100, s8;
	v5 =	vld [tilespmem:s9+$0xB060];
	[tilespmem:s3+$0xB070] =	vst v9;
	v8 =	vmov v13;
	s3 =	smov.u32 s9  }
0x98: {  	v9 =	vld [tilespmem:s3+$0xB070];
	_ =	sdelay $0x1  }
0x99: {  	v4 =	vmul.f32 v7, v4  }
0x9a: {  	v6 =	vmul.f32 v8, v6  }
0x9b: {  	[tilespmem:s3+$0xB040] =	vst v4;
	v3 =	vmul.f32 v3, v5  }
0x9c: {  	s24 =	sadd.s32 $0x1, s24;
	[tilespmem:s3+$0xB050] =	vst v6;
	v2 =	vmul.f32 v2, v9  }
0x9d: {  	p0 =	sne.s32 s24, $0x7D;
	[tilespmem:s3+$0xB060] =	vst v3  }
.Ltmp4:
0x9e: {  	s1 =	sadd.s32 $0x4E20, s1;
	[tilespmem:s3+$0xB070] =	vst v2;
	(pc) =	sbr.rel @p0 .LBB2_6-.Ltmp4, $4  }
0x9f: {  	[spmem:s2] =	stream.indirect.scatter.add.f32 [tilespmem:s26], [sflag:$0x5], $0x40, s1, s20, $0xb8;
	[tilespmem:$0x1AC40] =	vst v63  }
0xa0: {  	_ =	swait.ge [sflag:s18], $0x1400  }
0xa1: {  	[sflag:s18] =	ssyncset.done $0x0  }
0xa2: {  	[sflag:s18] =	ssyncadd.s32 $0xFFFFEC00  }
0xa3: {  	s1 =	stileid.u32;
	s19 =	sadd.s32 $0x1, s19  }
0xa4: {  	[bflag:$0x0] =	sbarrier.arrive $0xFFFF;
	s1 =	sshll.u32 s1, $0x6;
	p0 =	sne.s32 s19, s16  }
.Ltmp5:
0xa5: {  	s3 =	sshrl.u32 s11, $0x3;
	s1 =	sor.u32 $0x1C05, s1;
	(pc) =	sbr.rel @p0 .LBB2_1-.Ltmp5, $4  }
0xa6: {  	[hbm:s17], [sflag:s1] =	dma.local [spmem:s3], $0x1400  }
0xa7: {  	_ =	swait.ge [sflag:s18], $0x1400  }
0xa8: {  	[sflag:s18] =	ssyncset.done $0x0  }
0xa9: {  	[sflag:s18] =	ssyncadd.s32 $0xFFFFEC00  }
0xaa: {  	_ =	sfence.sel $0x180000  }
0xab: {  	[bflag:$0x0] =	sbarrier.arrive $0xFFFF  }
0xac: {  	_ =	strace $0x90000050  }
0xad: {  	s0 =	stileid.u32;
	[bflag:$0x2] =	sbarrier.arrive $0xFFFF  }
0xae: {  	p0 =	sne.s32 s0, $0x0;
	s0 =	rddreg [dreg:$0x2]  }
0xaf: {  	s0 =	sadd.s32 @!p0 $0x100000, s0  }
0xb0: {  	[sflag:s0] =	ssyncadd.tile.s32 @!p0 $0x1;
	_ =	shalt  }
.Lfunc_end2:
_tile_overlayer_lowered:
.L_overlay_start_2:
0xb1: {  	(tag) =	ssettag $0x2  }
0xb2: {  	s0 =	rddreg [dreg:$0x0];
	s2 =	stileid.u32  }
0xb3: {  	s1 =	rddreg [dreg:$0x1];
	p0 =	sne.s32 s2, $0x0  }
0xb4: {  	s3 =	rddreg [dreg:$0x2];
	[bflag:$0x3] =	sbarrier.arrive $0xFFFF;
	s2 =	simm.s32 @!p0 $0x1C05  }
0xb5: {  	[timem:s3], [sflag:s2] =	dma.local @!p0 [hbm:s0], s1  }
0xb6: {  	s0 =	simm.s32 @!p0 $0x5  }
0xb7: {  	_ =	swait.ge @!p0 [sflag:s0], s1  }
0xb8: {  	s1 =	ssub.s32 @!p0 $0x0, s1;
	[sflag:s0] =	ssyncset.done @!p0 $0x0  }
0xb9: {  	[sflag:s0] =	ssyncadd.s32 @!p0 s1  }
0xba: {  	[bflag:$0x3] =	sbarrier.arrive $0xFFFF  }
0xbb: {  	_ =	shalt  }

// kernel: kernel.26.cloned.1.call-start
scs
__scs_entry_jumppad:
0x0: {  	(pc) =	sbr.rel $0x88, $3  }
0x1: {  	(tag) =	ssettag $0x0;
	lr =	simm.s32 $0x1  }
0x2: {  	[smem:$0x3F8E] =	sst lr;
	_ =	strace $0xD0000000  }
0x3: {  	_ = 	snop  }
0x4: {  	_ = 	snop  }
0x5: {  	_ = 	snop  }
0x6: {  	_ = 	snop  }
0x7: {  	_ = 	snop  }
__scs_overlays_trampoline_lowered:
0x8: {  	[smem:$0x3F9D] =	sst s0  }
0x9: {  	[smem:$0x3F9E] =	sst s1  }
0xa: {  	[smem:$0x3F9F] =	sst s2  }
0xb: {  	[smem:$0x3FA0] =	sst s3  }
0xc: {  	[smem:$0x3FA1] =	sst s4  }
0xd: {  	[smem:$0x3FA2] =	sst s5  }
0xe: {  	[smem:$0x3FA3] =	sst s6  }
0xf: {  	[smem:$0x3FA4] =	sst s7  }
0x10: {  	[smem:$0x3FA5] =	sst s8  }
0x11: {  	[smem:$0x3FA6] =	sst s9;
	s0 =	simm.s32 @!p0 $0x0  }
0x12: {  	s1 =	sld [smem:$0x3F8C];
	s0 =	simm.s32 @p0 $0x1  }
0x13: {  	[smem:$0x3FA7] =	sst s0;
	s0 =	simm.s32 @!p1 $0x0  }
0x14: {  	s2 =	sld [smem:$0x3F8B];
	s0 =	simm.s32 @p1 $0x1  }
0x15: {  	[smem:$0x3FA8] =	sst s0;
	s0 =	simm.s32 @!p2 $0x0  }
0x16: {  	s3 =	sld [smem:$0x3FDB];
	s0 =	simm.s32 @p2 $0x1  }
0x17: {  	s4 =	simm.s32 $0x1BF5;
	[smem:$0x3FAA] =	sst s0  }
0x18: {  	s0 =	sld [smem:$0x3F8D];
	_ =	swait.ge [sflag:s4], $0x0  }
0x19: {  	s7 =	sld [smem:$0x3F8E]  }
0x1a: {  	s8 =	sadd.s32 $0xFFFFE003, lr  }
0x1b: {  	s9 =	sadd.s32 $0xFFFFFEF7, lr;
	s5 =	simm.s32 $0xFFFFFFFF;
	p2 =	slt.u32 s8, $0xFFFFF086  }
0x1c: {  	p1 =	slt.u32 s9, $0xF7A;
	s5 =	simm.s32 @!p2 $0x0  }
0x1d: {  	s5 =	simm.s32 @p1 $0x1;
	p0 =	seq.s32 s7, s2  }
0x1e: {  	s7 =	smul.u32 @!p0 $0xF7A, s2;
	p2 =	seq.s32 @!p0 s5, $0x0  }
0x1f: {  	s9 =	smul.u32 $0xF7A, s1;
	s8 =	simm.s32 @!p0 $0x1BF5;
	p2 =	por !p2, p0  }
0x20: {  	[sflag:s8] =	ssyncset.s32 @!p0 $0xFFFFF086;
	s6 =	sadd.s32 @!p0 s3, s7;
	s7 =	simm.s32 @!p0 $0x108  }
0x21: {  	s3 =	sadd.s32 s3, s9;
	s6 =	sadd.s32 @!p0 $0x88, s6;
	s7 =	simm.s32 @p2 $0x1082  }
0x22: {  	[simem:s7], [sflag:s8] =	dma.local @!p0 [hbm:s6], $0xF7A  }
0x23: {  	s9 =	sor.u32 $0xD0000000, s2;
	s6 =	simm.s32 $0x108;
	_ =	swait.ge @!p0 [sflag:s8], $0x0  }
0x24: {  	s3 =	sadd.s32 $0x88, s3;
	s6 =	simm.s32 @!p1 $0x1082;
	[sflag:s4] =	ssyncset.s32 $0xFFFFF086  }
0x25: {  	[simem:s6], [sflag:s4] =	dma.local [hbm:s3], $0xF7A  }
0x26: {  	[smem:$0x3F8E] =	sst s1;
	(tag) =	ssettag s2;
	_ =	strace s9  }
0x27: {  	s1 =	sld [smem:$0x3F9E]  }
0x28: {  	s2 =	sld [smem:$0x3F9F]  }
0x29: {  	s4 =	sld [smem:$0x3FA1]  }
0x2a: {  	p0 =	seq.s32 s5, $0x0;
	s5 =	sld [smem:$0x3FA2]  }
0x2b: {  	s6 =	sld [smem:$0x3FA3]  }
0x2c: {  	s7 =	sld [smem:$0x3FA4]  }
0x2d: {  	s3 =	simm.s32 $0x108;
	s8 =	sld [smem:$0x3FA5]  }
0x2e: {  	s3 =	simm.s32 @!p0 $0x1082;
	s9 =	sld [smem:$0x3FA6]  }
0x2f: {  	lr =	sadd.s32 s0, s3;
	s0 =	sld [smem:$0x3F9D]  }
0x30: {  	s3 =	sld [smem:$0x3FA0]  }
0x31: {  	[smem:$0x3FA9] =	sst s10  }
0x32: {  	s10 =	sld [smem:$0x3FA7];
	_ =	sdelay $0x3  }
0x33: {  	p0 =	seq.s32 s10, $0x1;
	s10 =	sld [smem:$0x3FA9];
	_ =	sdelay $0x3  }
0x34: {  	[smem:$0x3FA9] =	sst s10  }
0x35: {  	s10 =	sld [smem:$0x3FA8];
	_ =	sdelay $0x3  }
0x36: {  	p1 =	seq.s32 s10, $0x1;
	s10 =	sld [smem:$0x3FA9];
	_ =	sdelay $0x3  }
0x37: {  	[smem:$0x3FA9] =	sst s10  }
0x38: {  	s10 =	sld [smem:$0x3FAA]  }
0x39: {  	_ = 	snop;
	(pc) =	sbr.ind lr, $3  }
0x3a: {  	_ = 	snop  }
0x3b: {  	_ = 	snop  }
0x3c: {  	p2 =	seq.s32 s10, $0x1;
	s10 =	sld [smem:$0x3FA9]  }
0x3d: {  	_ =	shalt  }
0x3e: {  	_ =	shalt  }
0x3f: {  	_ =	shalt  }
0x40: {  	_ =	shalt  }
0x41: {  	_ =	shalt  }
0x42: {  	_ =	shalt  }
0x43: {  	_ =	shalt  }
0x44: {  	_ =	shalt  }
0x45: {  	_ =	shalt  }
0x46: {  	_ =	shalt  }
0x47: {  	_ =	shalt  }
0x48: {  	_ =	shalt  }
0x49: {  	_ =	shalt  }
0x4a: {  	_ =	shalt  }
0x4b: {  	_ =	shalt  }
0x4c: {  	_ =	shalt  }
0x4d: {  	_ =	shalt  }
0x4e: {  	_ =	shalt  }
0x4f: {  	_ =	shalt  }
0x50: {  	_ =	shalt  }
0x51: {  	_ =	shalt  }
0x52: {  	_ =	shalt  }
0x53: {  	_ =	shalt  }
0x54: {  	_ =	shalt  }
0x55: {  	_ =	shalt  }
0x56: {  	_ =	shalt  }
0x57: {  	_ =	shalt  }
0x58: {  	_ =	shalt  }
0x59: {  	_ =	shalt  }
0x5a: {  	_ =	shalt  }
0x5b: {  	_ =	shalt  }
0x5c: {  	_ =	shalt  }
0x5d: {  	_ =	shalt  }
0x5e: {  	_ =	shalt  }
0x5f: {  	_ =	shalt  }
0x60: {  	_ =	shalt  }
0x61: {  	_ =	shalt  }
0x62: {  	_ =	shalt  }
0x63: {  	_ =	shalt  }
0x64: {  	_ =	shalt  }
0x65: {  	_ =	shalt  }
0x66: {  	_ =	shalt  }
0x67: {  	_ =	shalt  }
0x68: {  	_ =	shalt  }
0x69: {  	_ =	shalt  }
0x6a: {  	_ =	shalt  }
0x6b: {  	_ =	shalt  }
0x6c: {  	_ =	shalt  }
0x6d: {  	_ =	shalt  }
0x6e: {  	_ =	shalt  }
0x6f: {  	_ =	shalt  }
0x70: {  	_ =	shalt  }
0x71: {  	_ =	shalt  }
0x72: {  	_ =	shalt  }
0x73: {  	_ =	shalt  }
0x74: {  	_ =	shalt  }
0x75: {  	_ =	shalt  }
0x76: {  	_ =	shalt  }
0x77: {  	_ =	shalt  }
0x78: {  	_ =	shalt  }
0x79: {  	_ =	shalt  }
0x7a: {  	_ =	shalt  }
0x7b: {  	_ =	shalt  }
0x7c: {  	_ =	shalt  }
0x7d: {  	_ =	shalt  }
0x7e: {  	_ =	shalt  }
0x7f: {  	_ =	shalt  }
0x80: {  	_ =	shalt  }
0x81: {  	_ =	shalt  }
0x82: {  	_ =	shalt  }
0x83: {  	_ =	shalt  }
0x84: {  	_ =	shalt  }
0x85: {  	_ =	shalt  }
0x86: {  	_ =	shalt  }
0x87: {  	_ =	shalt  }
.Lfunc_end0:
.L_simem_size_0:
called_computation.4_lowered:
.L_overlay_start_0:
0x88: {  	s2 =	sld [smem:$0x3FD9]  }
0x89: {  	s3 =	sld [smem:$0x3FFE];
	_ =	sdelay $0x1  }
0x8a: {  	s1 =	srdreg.scid  }
0x8b: {  	s0 =	sand.u32 $0x1, s1  }
0x8c: {  	s16 =	sshll.u32 s0, $0xA;
	s2 =	sadd.s32 s3, s2  }
0x8d: {  	s2 =	sadd.s32 s2, s16  }
0x8e: {  	[smem:$0x3FB5] =	sst s2  }
0x8f: {  	_ = 	snop  }
0x90: {  	(tm) =	ssettm $0x1  }
0x91: {  	s17 =	sld [smem:$0x3FFB];
	_ =	sdelay $0x3  }
0x92: {  	_ =	strace s17  }
0x93: {  	s2 =	sld [smem:$0x3FFC];
	_ =	sdelay $0x3  }
0x94: {  	_ =	strace s2  }
0x95: {  	s2 =	sld [smem:$0x3FFD];
	_ =	sdelay $0x3  }
0x96: {  	_ =	strace s2  }
0x97: {  	_ =	strace $0x8FFFFFFF  }
0x98: {  	s18 =	sld [smem:$0x3FDB];
	_ =	sdelay $0x1  }
0x99: {  	s19 =	simm.s32 $_scs_section_size  }
0x9a: {  	s4 =	simm.s32 $_size__tile_overlayer_lowered;
	s5 =	simm.s32 $_tile_overlayer_lowered  }
0x9b: {  	s22 =	simm.s32 $0x1BFF;
	s21 =	sshll.u32 s5, $0x1;
	s2 =	sadd.s32 s19, s18  }
0x9c: {  	s6 =	simm.s32 $0x0;
	s20 =	sshll.u32 s4, $0x1;
	s4 =	sadd.s32 s21, s2  }
0x9d: {  	[timem:s6], [sflag:s22] =	dma.local [hbm:s4], s20  }
0x9e: {  	_ =	swait.ge [sflag:s22], s20  }
0x9f: {  	s3 =	ssub.s32 $0x0, s20;
	[sflag:s22] =	ssyncset.done $0x0  }
0xa0: {  	[sflag:s22] =	ssyncadd.s32 s3;
	_ =	sdelay $0x1  }
0xa1: {  	s23 =	simm.s32 $0x1B8B  }
0xa2: {  	_ =	swait.ge [sflag:s23], $0x1  }
0xa3: {  	[sflag:s23] =	ssyncset.done $0x0  }
0xa4: {  	s25 =	simm.s32 $0x1B8E;
	s24 =	sld [smem:$0x3FFE];
	[sflag:s23] =	ssyncadd.s32 $0xFFFFFFFF  }
0xa5: {  	s26 =	simm.s32 $execute0_lowered;
	[smem:$0x3FD2] =	sst s25  }
0xa6: {  	s4 =	sshll.u32 s26, $0x1;
	_ =	strace $0x80000052;
	[dreg:$0x1] =	wrdreg $0xFFFFFFFF  }
0xa7: {  	s28 =	simm.s32 $_size_execute0_lowered;
	s2 =	sadd.s32 s2, s4;
	[dreg:$0x0] =	wrdreg $0x0  }
0xa8: {  	s4 =	sshll.u32 s28, $0x1;
	[dreg:$0x2] =	wrdreg s2  }
0xa9: {  	[dreg:$0x3] =	wrdreg s4  }
0xaa: {  	[dreg:$0x4] =	wrdreg $0xC0  }
0xab: {  	_ =	task [dreg:s6], $0x5FFFF  }
0xac: {  	[dreg:$0x1] =	wrdreg $0xFFFFFFFF  }
0xad: {  	[dreg:$0x0] =	wrdreg $0x60  }
0xae: {  	[dreg:$0x2] =	wrdreg s24  }
0xaf: {  	[dreg:$0x3] =	wrdreg $0x10C400  }
0xb0: {  	[dreg:$0x4] =	wrdreg $0x9  }
0xb1: {  	_ =	task.clear_ibuf [dreg:s6], $0x5FFFF;
	_ =	strace $0x90000052  }
0xb2: {  	s29 =	simm.s32 $0x9;
	_ =	strace $0x80000054  }
0xb3: {  	_ =	swait.ge [sflag:s29], $0x1  }
0xb4: {  	[sflag:s29] =	ssyncadd.s32 $0xFFFFFFFF  }
0xb5: {  	_ =	strace $0x90000054  }
0xb6: {  	_ =	sfence  }
0xb7: {  	s30 =	sld [smem:$0x0];
	_ =	sdelay $0x2  }
0xb8: {  	s31 =	sshll.u32 s1, $0xD;
	s1 =	sshrl.u32 s1, $0x2  }
0xb9: {  	s3 =	sand.u32 $0x4000, s31;
	s1 =	sadd.s32 s1, s30  }
0xba: {  	s0 =	sor.u32 s3, s0;
	s1 =	sshll.u32 s1, $0x11  }
0xbb: {  	s0 =	sor.u32 s1, s0  }
0xbc: {  	s0 =	sadd.s32 $0x8F2B, s0  }
0xbd: {  	[sflag:s0] =	ssyncadd.remote.s32 $0x1  }
0xbe: {  	_ =	sfence.sel $0xFFFF  }
0xbf: {  	[dreg:$0x0] =	wrdreg $0xFFFFFFFF;
	(pc) =	sbr.abs _section_cstart, $3  }
0xc0: {  	[dreg:$0x1] =	wrdreg $0xFFFFFFFF  }
0xc1: {  	_ =	task.clear_ibuf [dreg:s6], $0x2FFFF;
	_ =	strace $0x9FFFFFFF  }
0xc2: {  	(tm) =	ssettm $0x7FFFFFFF  }
0xc3: {  	_ =	shalt  }
tec
execute0_lowered:
.L_overlay_start_1:
0x0: {  	(tag) =	ssettag $0x1  }
0x1: {  	s0 =	rddreg [dreg:$0x0]  }
0x2: {  	s2 =	rddreg [dreg:$0x1];
	s1 =	simm.s32 $0x0;
	s11 =	stileid.u32  }
0x3: {  	s23 =	srdreg.scid;
	s18 =	simm.s32 $0x5;
	s20 =	simm.s32 $0x50  }
0x4: {  	s21 =	simm.s32 $0x9C40;
	s22 =	simm.s32 $0x40;
	s28 =	simm.s32 $0xD840  }
0x5: {  	s29 =	simm.s32 $0x1;
	s30 =	simm.s32 $0x3;
	s4 =	smul.u32 $0x4E20, s11  }
0x6: {  	s31 =	simm.s32 $0x2;
	s19 =	simm.s32 $0x0;
	s9 =	smul.u32 $0x271000, s11  }
0x7: {  	[smem:$0x7FF] =	sst s1;
	s5 =	sadd.s32 $0x1A200, s0;
	s15 =	smul.u32 $0xA000, s11  }
0x8: {  	s6 =	sadd.s32 $0x74E00, s0;
	s1 =	sand.u32 $0x1, s23;
	s12 =	smul.u32 $0x28000, s11  }
0x9: {  	s23 =	simm.s32 $0x80;
	_ =	strace $0x80000053;
	s8 =	ssub.s32 $0x2, s1  }
0xa: {  	s7 =	sshll.u32 s1, $0x6;
	p0 =	seq.s32 s1, $0x1;
	s3 =	sshrl.u32 s4, $0x3  }
0xb: {  	s10 =	sshrl.u32 s8, $0x1;
	s9 =	sor.u32 s7, s9;
	s11 =	sadd.s32 s15, s2  }
0xc: {  	s26 =	sshrl.u32 s12, $0x2;
	s17 =	sshrl.u32 s15, $0x3;
	s3 =	sadd.s32 s3, s0  }
0xd: {  	s8 =	ssub.s32 s8, s10;
	s25 =	sshrl.u32 s9, $0x3;
	s24 =	sadd.s32 $0x10400, s3  }
0xe: {  	s9 =	simm.s32 $0x41400;
	s3 =	sadd.s32 $0x6600, s3;
	[dreg:$0x3] =	wrdreg s24  }
0xf: {  	s9 =	simm.s32 @!p0 $0x55400;
	s16 =	smax.u32 s8, $0x1;
	[dreg:$0x4] =	wrdreg s3  }
0x10: {  	s3 =	sadd.s32 s6, s25;
	s0 =	sadd.s32 s9, s0;
	s25 =	simm.s32 $0xEC40  }
0x11: {  	[dreg:$0x5] =	wrdreg s3;
	s3 =	sadd.s32 s26, s2;
	s17 =	sadd.s32 s0, s17  }
0x12: {  	s26 =	simm.s32 $0xB040;
	s0 =	simm.s32 $0x4;
	s12 =	sadd.s32 $0x2000, s3  }
0x13: {  	v1 =	vimm.f32 $0.0e+00;
	v0 =	vmov s1;
	s13 =	sadd.s32 $0x4000, s3;
	s14 =	sadd.s32 $0x6000, s3;
	s15 =	sadd.s32 $0x8000, s3  }
.LBB2_1:
0x14: {  	s1 =	simm.s32 $0x0;
	s3 =	rddreg [dreg:$0x3]  }
0x15: {  	[tilespmem:s1], [sflag:$0x5] =	stream.linear.gather [hbm4b:s3+s1], $0x4E20, $0x38;
	[tilespmem:$0x1AC40] =	vst v63  }
0x16: {  	_ =	swait.ge [sflag:s18], $0x4E20  }
0x17: {  	[sflag:s18] =	ssyncset.done $0x0  }
0x18: {  	s8 =	simm.s32 $0x4E20;
	s24 =	rddreg [dreg:$0x4];
	[sflag:s18] =	ssyncadd.s32 $0xFFFFB1E0  }
0x19: {  	[tilespmem:s8], [sflag:$0x5] =	stream.linear.gather [hbm4b:s24+s1], $0x4E20, $0x38;
	[tilespmem:$0x1AC40] =	vst v63  }
0x1a: {  	_ =	swait.ge [sflag:s18], $0x4E20  }
0x1b: {  	[sflag:s18] =	ssyncset.done $0x0  }
0x1c: {  	s1 =	simm.s32 $0x0;
	[sflag:s18] =	ssyncadd.s32 $0xFFFFB1E0  }
0x1d: {  	v4 =	vld [tilespmem:s1+$0x0]  }
0x1e: {  	v5 =	vld [tilespmem:s1+$0x10]  }
0x1f: {  	v3 =	vld [tilespmem:s1+$0x20]  }
0x20: {  	s3 =	simm.s32 $0x140;
	v2 =	vld [tilespmem:s1+$0x30]  }
.LBB2_2:
0x21: {  	p0 =	sne.s32 s3, $0x13740;
	v6 =	vld [tilespmem:s1+$0x40]  }
0x22: {  	v4 =	vshll.u32 v4, $0x1  }
0x23: {  	v4 =	vor.u32 v0, v4;
	v5 =	vshll.u32 v5, $0x1  }
.Ltmp0:
0x24: {  	s8 =	sshra.s32 s3, $0x2;
	[tilespmem:s1+$0x0] =	vst v4;
	v5 =	vor.u32 v0, v5;
	v3 =	vshll.u32 v3, $0x1;
	(pc) =	sbr.rel @p0 .LBB2_2-.Ltmp0, $4  }
0x25: {  	v4 =	vld [tilespmem:s8+$0x0];
	[tilespmem:s1+$0x10] =	vst v5;
	v3 =	vor.u32 v0, v3;
	v2 =	vshll.u32 v2, $0x1  }
0x26: {  	v5 =	vld [tilespmem:s8+$0x10];
	[tilespmem:s1+$0x20] =	vst v3;
	v2 =	vor.u32 v0, v2;
	v6 =	vshll.u32 v6, $0x1  }
0x27: {  	v3 =	vld [tilespmem:s8+$0x20];
	[tilespmem:s1+$0x30] =	vst v2;
	v6 =	vor.u32 v0, v6  }
0x28: {  	s3 =	sadd.s32 $0x140, s3;
	v2 =	vld [tilespmem:s8+$0x30];
	[tilespmem:s1+$0x40] =	vst v6;
	s1 =	smov.u32 s8  }
0x29: {  	v6 =	vld [tilespmem:s1+$0x40]  }
0x2a: {  	v4 =	vshll.u32 v4, $0x1  }
0x2b: {  	v4 =	vor.u32 v0, v4;
	v5 =	vshll.u32 v5, $0x1  }
0x2c: {  	[tilespmem:s1+$0x0] =	vst v4;
	v63 =	vor.u32 v0, v5;
	v3 =	vshll.u32 v3, $0x1  }
0x2d: {  	[tilespmem:s1+$0x10] =	vst v63;
	v3 =	vor.u32 v0, v3;
	v2 =	vshll.u32 v2, $0x1  }
0x2e: {  	[tilespmem:s1+$0x20] =	vst v3;
	v2 =	vor.u32 v0, v2;
	v3 =	vshll.u32 v6, $0x1  }
0x2f: {  	[tilespmem:s1+$0x30] =	vst v2;
	v2 =	vor.u32 v0, v3  }
0x30: {  	s10 =	simm.s32 $0x0;
	[tilespmem:s1+$0x40] =	vst v2  }
0x31: {  	[tilespmem:s21], [sflag:$0x1] =	stream.indirect.gather [hbm4b:s5+s20], $0x40, s10, s20, $0xb8;
	[tilespmem:$0x1AC40] =	vst v63  }
0x32: {  	s24 =	rddreg [dreg:$0x5];
	s3 =	simm.s32 $0xC440  }
0x33: {  	[tilespmem:s3], [sflag:$0x3] =	stream.strided.gather [hbm4b:s24+s22], $0x1400, s23, s22, $0x38;
	[tilespmem:$0x1AC40] =	vst v63  }
0x34: {  	s1 =	simm.s32 $0x0;
	s3 =	simm.s32 $0x100  }
.LBB2_4:
0x35: {  	p0 =	sne.s32 s3, $0x7F00;
	[tilespmem:s1+$0xEC70] =	vst v1;
	s8 =	smov.u32 s3;
	s3 =	sadd.s32 $0x100, s3  }
.Ltmp1:
0x36: {  	[tilespmem:s1+$0xEC60] =	vst v1;
	(pc) =	sbr.rel @p0 .LBB2_4-.Ltmp1, $3  }
0x37: {  	[tilespmem:s1+$0xEC40] =	vst v1  }
0x38: {  	[tilespmem:s1+$0xEC50] =	vst v1;
	_ =	sdelay $0x1  }
0x39: {  	s1 =	sshra.s32 s8, $0x2  }
0x3a: {  	[tilespmem:s1+$0xEC70] =	vst v1  }
0x3b: {  	[tilespmem:s1+$0xEC60] =	vst v1  }
0x3c: {  	[tilespmem:s1+$0xEC40] =	vst v1  }
0x3d: {  	[tilespmem:s1+$0xEC50] =	vst v1  }
0x3e: {  	[spmem:s11] =	stream.linear.scatter [tilespmem:s25], [sflag:$0x5], $0x2000, $0x38;
	[tilespmem:$0x1AC40] =	vst v63  }
0x3f: {  	_ =	swait.ge [sflag:s18], $0x2000  }
0x40: {  	[sflag:s18] =	ssyncset.done $0x0  }
0x41: {  	[sflag:s18] =	ssyncadd.s32 $0xFFFFE000  }
0x42: {  	[spmem:s12] =	stream.linear.scatter [tilespmem:s25], [sflag:$0x5], $0x2000, $0x38;
	[tilespmem:$0x1AC40] =	vst v63  }
0x43: {  	_ =	swait.ge [sflag:s18], $0x2000  }
0x44: {  	[sflag:s18] =	ssyncset.done $0x0  }
0x45: {  	[sflag:s18] =	ssyncadd.s32 $0xFFFFE000  }
0x46: {  	[spmem:s13] =	stream.linear.scatter [tilespmem:s25], [sflag:$0x5], $0x2000, $0x38;
	[tilespmem:$0x1AC40] =	vst v63  }
0x47: {  	_ =	swait.ge [sflag:s18], $0x2000  }
0x48: {  	[sflag:s18] =	ssyncset.done $0x0  }
0x49: {  	[sflag:s18] =	ssyncadd.s32 $0xFFFFE000  }
0x4a: {  	[spmem:s14] =	stream.linear.scatter [tilespmem:s25], [sflag:$0x5], $0x2000, $0x38;
	[tilespmem:$0x1AC40] =	vst v63  }
0x4b: {  	_ =	swait.ge [sflag:s18], $0x2000  }
0x4c: {  	[sflag:s18] =	ssyncset.done $0x0  }
0x4d: {  	[sflag:s18] =	ssyncadd.s32 $0xFFFFE000  }
0x4e: {  	[spmem:s15] =	stream.linear.scatter [tilespmem:s25], [sflag:$0x5], $0x2000, $0x38;
	[tilespmem:$0x1AC40] =	vst v63  }
0x4f: {  	_ =	swait.ge [sflag:s18], $0x2000  }
0x50: {  	[sflag:s18] =	ssyncset.done $0x0  }
0x51: {  	[sflag:s18] =	ssyncadd.s32 $0xFFFFE000  }
0x52: {  	s24 =	simm.s32 $0x0;
	[bflag:$0x0] =	sbarrier.arrive $0xFFFF  }
.LBB2_6:
0x53: {  	s3 =	smul.u32 $0xA0, s24;
	_ =	sdelay $0x1  }
0x54: {  	s1 =	sadd.s32 $0x50, s3  }
0x55: {  	[tilespmem:s26], [sflag:$0x2] =	stream.indirect.gather [hbm4b:s5+s20], $0x40, s1, s20, $0xb8;
	[tilespmem:$0x1AC40] =	vst v63  }
0x56: {  	s8 =	sadd.s32 s4, s1  }
0x57: {  	s8 =	sshll.u32 s8, $0x7  }
0x58: {  	s8 =	sor.u32 s7, s8  }
0x59: {  	s8 =	sshrl.u32 s8, $0x3  }
0x5a: {  	s8 =	sadd.s32 s6, s8  }
0x5b: {  	[tilespmem:s28], [sflag:$0x4] =	stream.strided.gather [hbm4b:s8+s22], $0x1400, s23, s22, $0x38;
	[tilespmem:$0x1AC40] =	vst v63  }
0x5c: {  	_ =	swait.ge [sflag:s29], $0x1400  }
0x5d: {  	[sflag:s29] =	ssyncset.done $0x0  }
0x5e: {  	[sflag:s29] =	ssyncadd.s32 $0xFFFFEC00  }
0x5f: {  	_ =	swait.ge [sflag:s30], $0x1400  }
0x60: {  	[sflag:s30] =	ssyncset.done $0x0  }
0x61: {  	s8 =	simm.s32 $0x0;
	[sflag:s30] =	ssyncadd.s32 $0xFFFFEC00  }
0x62: {  	v7 =	vld [tilespmem:s8+$0xC440]  }
0x63: {  	v8 =	vld [tilespmem:s8+$0xC450]  }
0x64: {  	v3 =	vld [tilespmem:s8+$0xC460]  }
0x65: {  	v2 =	vld [tilespmem:s8+$0xC470]  }
0x66: {  	v4 =	vld [tilespmem:s8+$0x9C40]  }
0x67: {  	v6 =	vld [tilespmem:s8+$0x9C50]  }
0x68: {  	s9 =	simm.s32 $0x100;
	v5 =	vld [tilespmem:s8+$0x9C60]  }
.LBB2_7:
0x69: {  	s10 =	sshra.s32 s9, $0x2;
	p0 =	sne.s32 s9, $0x4F00;
	v9 =	vld [tilespmem:s8+$0x9C70];
	v10 =	vmov v3  }
0x6a: {  	v11 =	vld [tilespmem:s10+$0xC440];
	v12 =	vmov v2  }
0x6b: {  	v13 =	vld [tilespmem:s10+$0xC450];
	v4 =	vmul.f32 v7, v4  }
.Ltmp2:
0x6c: {  	v3 =	vld [tilespmem:s10+$0xC460];
	v6 =	vmul.f32 v8, v6;
	(pc) =	sbr.rel @p0 .LBB2_7-.Ltmp2, $4  }
0x6d: {  	v2 =	vld [tilespmem:s10+$0xC470];
	[tilespmem:s8+$0x9C40] =	vst v4;
	v5 =	vmul.f32 v10, v5  }
0x6e: {  	v4 =	vld [tilespmem:s10+$0x9C40];
	[tilespmem:s8+$0x9C50] =	vst v6;
	v9 =	vmul.f32 v12, v9  }
0x6f: {  	v6 =	vld [tilespmem:s10+$0x9C50];
	[tilespmem:s8+$0x9C60] =	vst v5;
	v7 =	vmov v11  }
0x70: {  	s9 =	sadd.s32 $0x100, s9;
	v5 =	vld [tilespmem:s10+$0x9C60];
	[tilespmem:s8+$0x9C70] =	vst v9;
	v8 =	vmov v13;
	s8 =	smov.u32 s10  }
0x71: {  	v9 =	vld [tilespmem:s8+$0x9C70];
	_ =	sdelay $0x1  }
0x72: {  	v4 =	vmul.f32 v7, v4  }
0x73: {  	v6 =	vmul.f32 v8, v6  }
0x74: {  	s9 =	smul.u32 $0x280, s24;
	[tilespmem:s8+$0x9C40] =	vst v4;
	v3 =	vmul.f32 v3, v5  }
0x75: {  	[tilespmem:s8+$0x9C50] =	vst v6;
	v2 =	vmul.f32 v2, v9  }
0x76: {  	s9 =	sshra.s32 s9, $0x2;
	[tilespmem:s8+$0x9C60] =	vst v3  }
0x77: {  	s10 =	sadd.s32 $0x4E20, s9;
	[tilespmem:s8+$0x9C70] =	vst v2  }
0x78: {  	[spmem:s2] =	stream.indirect.scatter.add.f32 [tilespmem:s21], [sflag:$0x5], $0x40, s10, s20, $0xb8;
	[tilespmem:$0x1AC40] =	vst v63  }
0x79: {  	p0 =	seq.s32 s24, $0x7C;
	_ =	swait.ge [sflag:s18], $0x1400  }
0x7a: {  	s3 =	sadd.s32 @!p0 $0xA0, s3;
	[sflag:s18] =	ssyncset.done $0x0  }
0x7b: {  	s9 =	simm.s32 @!p0 $0x9C40;
	s8 =	simm.s32 @!p0 $0x50;
	[sflag:s18] =	ssyncadd.s32 $0xFFFFEC00  }
0x7c: {  	[tilespmem:s9], [sflag:$0x1] =	stream.indirect.gather @!p0 [hbm4b:s5+s8], $0x40, s3, s8, $0xb8;
	[tilespmem:$0x1AC40] =	vst v63  }
0x7d: {  	s3 =	sadd.s32 @!p0 s4, s3  }
0x7e: {  	s3 =	sshll.u32 @!p0 s3, $0x7  }
0x7f: {  	s3 =	sor.u32 @!p0 s7, s3  }
0x80: {  	s10 =	simm.s32 @!p0 $0xC440;
	s3 =	sshrl.u32 @!p0 s3, $0x3  }
0x81: {  	s8 =	simm.s32 @!p0 $0x40;
	s9 =	simm.s32 @!p0 $0x80;
	s3 =	sadd.s32 @!p0 s6, s3  }
0x82: {  	[tilespmem:s10], [sflag:$0x3] =	stream.strided.gather @!p0 [hbm4b:s3+s8], $0x1400, s9, s8, $0x38;
	[tilespmem:$0x1AC40] =	vst v63  }
0x83: {  	_ =	swait.ge [sflag:s31], $0x1400  }
0x84: {  	[sflag:s31] =	ssyncset.done $0x0  }
0x85: {  	[sflag:s31] =	ssyncadd.s32 $0xFFFFEC00  }
0x86: {  	_ =	swait.ge [sflag:s0], $0x1400  }
0x87: {  	[sflag:s0] =	ssyncset.done $0x0  }
0x88: {  	s3 =	simm.s32 $0x0;
	[sflag:s0] =	ssyncadd.s32 $0xFFFFEC00  }
0x89: {  	v7 =	vld [tilespmem:s3+$0xD840]  }
0x8a: {  	v8 =	vld [tilespmem:s3+$0xD850]  }
0x8b: {  	v3 =	vld [tilespmem:s3+$0xD860]  }
0x8c: {  	v2 =	vld [tilespmem:s3+$0xD870]  }
0x8d: {  	v4 =	vld [tilespmem:s3+$0xB040]  }
0x8e: {  	v6 =	vld [tilespmem:s3+$0xB050]  }
0x8f: {  	s8 =	simm.s32 $0x100;
	v5 =	vld [tilespmem:s3+$0xB060]  }
.LBB2_9:
0x90: {  	s9 =	sshra.s32 s8, $0x2;
	p0 =	sne.s32 s8, $0x4F00;
	v9 =	vld [tilespmem:s3+$0xB070];
	v10 =	vmov v3  }
0x91: {  	v11 =	vld [tilespmem:s9+$0xD840];
	v12 =	vmov v2  }
0x92: {  	v13 =	vld [tilespmem:s9+$0xD850];
	v4 =	vmul.f32 v7, v4  }
.Ltmp3:
0x93: {  	v3 =	vld [tilespmem:s9+$0xD860];
	v6 =	vmul.f32 v8, v6;
	(pc) =	sbr.rel @p0 .LBB2_9-.Ltmp3, $4  }
0x94: {  	v2 =	vld [tilespmem:s9+$0xD870];
	[tilespmem:s3+$0xB040] =	vst v4;
	v5 =	vmul.f32 v10, v5  }
0x95: {  	v4 =	vld [tilespmem:s9+$0xB040];
	[tilespmem:s3+$0xB050] =	vst v6;
	v9 =	vmul.f32 v12, v9  }
0x96: {  	v6 =	vld [tilespmem:s9+$0xB050];
	[tilespmem:s3+$0xB060] =	vst v5;
	v7 =	vmov v11  }
0x97: {  	s8 =	sadd.s32 $0x100, s8;
	v5 =	vld [tilespmem:s9+$0xB060];
	[tilespmem:s3+$0xB070] =	vst v9;
	v8 =	vmov v13;
	s3 =	smov.u32 s9  }
0x98: {  	v9 =	vld [tilespmem:s3+$0xB070];
	_ =	sdelay $0x1  }
0x99: {  	v4 =	vmul.f32 v7, v4  }
0x9a: {  	v6 =	vmul.f32 v8, v6  }
0x9b: {  	[tilespmem:s3+$0xB040] =	vst v4;
	v3 =	vmul.f32 v3, v5  }
0x9c: {  	s24 =	sadd.s32 $0x1, s24;
	[tilespmem:s3+$0xB050] =	vst v6;
	v2 =	vmul.f32 v2, v9  }
0x9d: {  	p0 =	sne.s32 s24, $0x7D;
	[tilespmem:s3+$0xB060] =	vst v3  }
.Ltmp4:
0x9e: {  	s1 =	sadd.s32 $0x4E20, s1;
	[tilespmem:s3+$0xB070] =	vst v2;
	(pc) =	sbr.rel @p0 .LBB2_6-.Ltmp4, $4  }
0x9f: {  	[spmem:s2] =	stream.indirect.scatter.add.f32 [tilespmem:s26], [sflag:$0x5], $0x40, s1, s20, $0xb8;
	[tilespmem:$0x1AC40] =	vst v63  }
0xa0: {  	_ =	swait.ge [sflag:s18], $0x1400  }
0xa1: {  	[sflag:s18] =	ssyncset.done $0x0  }
0xa2: {  	[sflag:s18] =	ssyncadd.s32 $0xFFFFEC00  }
0xa3: {  	s1 =	stileid.u32;
	s19 =	sadd.s32 $0x1, s19  }
0xa4: {  	[bflag:$0x0] =	sbarrier.arrive $0xFFFF;
	s1 =	sshll.u32 s1, $0x6;
	p0 =	sne.s32 s19, s16  }
.Ltmp5:
0xa5: {  	s3 =	sshrl.u32 s11, $0x3;
	s1 =	sor.u32 $0x1C05, s1;
	(pc) =	sbr.rel @p0 .LBB2_1-.Ltmp5, $4  }
0xa6: {  	[hbm:s17], [sflag:s1] =	dma.local [spmem:s3], $0x1400  }
0xa7: {  	_ =	swait.ge [sflag:s18], $0x1400  }
0xa8: {  	[sflag:s18] =	ssyncset.done $0x0  }
0xa9: {  	[sflag:s18] =	ssyncadd.s32 $0xFFFFEC00  }
0xaa: {  	_ =	sfence.sel $0x180000  }
0xab: {  	[bflag:$0x0] =	sbarrier.arrive $0xFFFF  }
0xac: {  	_ =	strace $0x90000053  }
0xad: {  	s0 =	stileid.u32;
	[bflag:$0x2] =	sbarrier.arrive $0xFFFF  }
0xae: {  	p0 =	sne.s32 s0, $0x0;
	s0 =	rddreg [dreg:$0x2]  }
0xaf: {  	s0 =	sadd.s32 @!p0 $0x100000, s0  }
0xb0: {  	[sflag:s0] =	ssyncadd.tile.s32 @!p0 $0x1;
	_ =	shalt  }
.Lfunc_end2:
_tile_overlayer_lowered:
.L_overlay_start_2:
0xb1: {  	(tag) =	ssettag $0x2  }
0xb2: {  	s0 =	rddreg [dreg:$0x0];
	s2 =	stileid.u32  }
0xb3: {  	s1 =	rddreg [dreg:$0x1];
	p0 =	sne.s32 s2, $0x0  }
0xb4: {  	s3 =	rddreg [dreg:$0x2];
	[bflag:$0x3] =	sbarrier.arrive $0xFFFF;
	s2 =	simm.s32 @!p0 $0x1C05  }
0xb5: {  	[timem:s3], [sflag:s2] =	dma.local @!p0 [hbm:s0], s1  }
0xb6: {  	s0 =	simm.s32 @!p0 $0x5  }
0xb7: {  	_ =	swait.ge @!p0 [sflag:s0], s1  }
0xb8: {  	s1 =	ssub.s32 @!p0 $0x0, s1;
	[sflag:s0] =	ssyncset.done @!p0 $0x0  }
0xb9: {  	[sflag:s0] =	ssyncadd.s32 @!p0 s1  }
0xba: {  	[bflag:$0x3] =	sbarrier.arrive $0xFFFF  }
0xbb: {  	_ =	shalt  }

</sc_bundles>
